<compile_context>
chip_gen: v7x
topology: tpu7x:2x2x1
jax: 0.10.2.dev20260603
libtpu: 0.0.44.dev20260713+nightly
codegen_flags: <defaults>
</compile_context>

<pallas_src>
import functools

import jax
import jax.numpy as jnp
from jax import lax
from jax.experimental import pallas as pl
from jax.experimental.pallas import tpu as pltpu
from jax.experimental.pallas import tpu_sc as plsc

N = 10000
NC, NS = 2, 16
CHUNK = 128
C = 128

ROWS_MAIN = (N // NS) // 8 * 8
ROWS_LAST_EXTRA = N - NS * ROWS_MAIN


def _sc_agg(e_per_core, init_stride, n_tab_rows, k, chunk=CHUNK, gather_rows=True):
  T = e_per_core // NS
  F = T // chunk
  TAIL = T - F * chunk
  assert F % k == 0
  SUPER = F // k

  mesh = plsc.VectorSubcoreMesh(core_axis_name="c", subcore_axis_name="s",
                                num_cores=NC, num_subcores=NS)

  n_rows_buf = k if gather_rows else 1
  scratch = [pltpu.VMEM_SHARED((N, C), jnp.float32)]
  if gather_rows:
    scratch += [pltpu.VMEM((chunk,), jnp.int32)] * k
  scratch += [pltpu.VMEM((chunk,), jnp.int32)] * k
  scratch += [pltpu.VMEM((chunk, C), jnp.float32)] * n_rows_buf
  n_sem = 3 * k if gather_rows else 2 * k
  scratch += [pltpu.SemaphoreType.DMA] * n_sem
  if TAIL:
    if gather_rows:
      scratch += [pltpu.VMEM((TAIL,), jnp.int32)]
    scratch += [pltpu.VMEM((TAIL,), jnp.int32)]

  @functools.partial(
      pl.kernel,
      out_type=jax.ShapeDtypeStruct((2 * N, C), jnp.float32),
      mesh=mesh,
      scratch_types=scratch,
  )
  def kfn(tab, gat, sct, out, *scr):
    pos = 1
    acc = scr[0]
    if gather_rows:
      gidx = scr[pos:pos + k]
      pos += k
    sidx = scr[pos:pos + k]
    pos += k
    rows = scr[pos:pos + n_rows_buf]
    pos += n_rows_buf
    idx_sem = scr[pos:pos + k]
    pos += k
    if gather_rows:
      gat_sem = scr[pos:pos + k]
      pos += k
    sct_sem = scr[pos:pos + k]
    pos += k
    if TAIL:
      if gather_rows:
        gidx_t = scr[pos]
        pos += 1
      sidx_t = scr[pos]
      rows_t = rows[0].at[pl.ds(0, TAIL)]

    c = lax.axis_index("c")
    s = lax.axis_index("s")

    istart = pl.multiple_of(c * init_stride + s * ROWS_MAIN, 8)
    pltpu.sync_copy(tab.at[pl.ds(istart, ROWS_MAIN)],
                    acc.at[pl.ds(s * ROWS_MAIN, ROWS_MAIN)])

    @pl.when(s == NS - 1)
    def _():
      ib = pl.multiple_of(c * init_stride + NS * ROWS_MAIN, 8)
      pltpu.sync_copy(tab.at[pl.ds(ib, ROWS_LAST_EXTRA)],
                      acc.at[pl.ds(NS * ROWS_MAIN, ROWS_LAST_EXTRA)])

    if not gather_rows:
      pltpu.sync_copy(tab.at[pl.ds(0, chunk)], rows[0])

    plsc.subcore_barrier()

    base0 = c * e_per_core + s * T

    def issue_idx(off, b):
      if gather_rows:
        pltpu.async_copy(gat.at[pl.ds(off, chunk)], gidx[b], idx_sem[b])
      pltpu.async_copy(sct.at[pl.ds(off, chunk)], sidx[b], idx_sem[b])

    def wait_idx(b):
      if gather_rows:
        pltpu.make_async_copy(gat.at[pl.ds(0, chunk)], gidx[b],
                              idx_sem[b]).wait()
      pltpu.make_async_copy(sct.at[pl.ds(0, chunk)], sidx[b],
                            idx_sem[b]).wait()

    def issue_gat(b):
      pltpu.async_copy(tab.at[gidx[b]], rows[b], gat_sem[b])

    def wait_gat(b):
      pltpu.make_async_copy(tab.at[gidx[b]], rows[b], gat_sem[b]).wait()

    def issue_sct(b):
      pltpu.async_copy(rows[b if gather_rows else 0], acc.at[sidx[b]],
                       sct_sem[b], add=True)

    def wait_sct(b):
      pltpu.make_async_copy(rows[b if gather_rows else 0], acc.at[sidx[b]],
                            sct_sem[b]).wait()

    for b in range(k):
      issue_idx(pl.multiple_of(base0 + b * chunk, 8), b)
      if gather_rows:
        if b >= 1:
          wait_idx(b - 1)
          issue_gat(b - 1)
        if b >= 2:
          wait_gat(b - 2)
          issue_sct(b - 2)
      elif b >= 1:
        wait_idx(b - 1)
        issue_sct(b - 1)

    def body(i, carry):
      cb = base0 + i * (k * chunk)
      for b in range(k):
        wait_sct(b)
        issue_idx(pl.multiple_of(cb + b * chunk, 8), b)
        if gather_rows:
          wait_idx((b - 1) % k)
          issue_gat((b - 1) % k)
          wait_gat((b - 2) % k)
          issue_sct((b - 2) % k)
        else:
          wait_idx((b - 1) % k)
          issue_sct((b - 1) % k)
      return carry

    lax.fori_loop(1, SUPER, body, 0)

    wait_idx((F - 1) % k)
    if gather_rows:
      issue_gat((F - 1) % k)
      wait_gat((F - 2) % k)
      issue_sct((F - 2) % k)
      wait_gat((F - 1) % k)
      issue_sct((F - 1) % k)
    else:
      issue_sct((F - 1) % k)
    for b in range(k):
      wait_sct(b)

    if TAIL:
      off = pl.multiple_of(base0 + F * chunk, 8)
      pltpu.sync_copy(sct.at[pl.ds(off, TAIL)], sidx_t)
      if gather_rows:
        pltpu.sync_copy(gat.at[pl.ds(off, TAIL)], gidx_t)
        pltpu.async_copy(tab.at[gidx_t], rows_t, gat_sem[0]).wait()
      pltpu.sync_copy(rows_t, acc.at[sidx_t], add=True)

    plsc.subcore_barrier()

    ostart = pl.multiple_of(c * N + s * ROWS_MAIN, 8)
    pltpu.sync_copy(acc.at[pl.ds(s * ROWS_MAIN, ROWS_MAIN)],
                    out.at[pl.ds(ostart, ROWS_MAIN)])

    @pl.when(s == NS - 1)
    def _():
      ob = pl.multiple_of(c * N + NS * ROWS_MAIN, 8)
      pltpu.sync_copy(acc.at[pl.ds(NS * ROWS_MAIN, ROWS_LAST_EXTRA)],
                      out.at[pl.ds(ob, ROWS_LAST_EXTRA)])

  return kfn


def _sc_deg(e_total):
  NW = NC * NS
  EW = e_total // NW
  F = EW // CHUNK
  TAIL = EW - F * CHUNK
  NB = 3
  assert F % NB == 0
  SUP = F // NB

  mesh = plsc.VectorSubcoreMesh(core_axis_name="c", subcore_axis_name="s",
                                num_cores=NC, num_subcores=NS)
  scratch = ([pltpu.VMEM((N,), jnp.float32)]
             + [pltpu.VMEM((CHUNK,), jnp.int32)] * NB
             + [pltpu.VMEM((16,), jnp.int32)]
             + [pltpu.SemaphoreType.DMA] * NB)

  @functools.partial(
      pl.kernel,
      out_type=jax.ShapeDtypeStruct((NW * N,), jnp.float32),
      mesh=mesh,
      scratch_types=scratch,
      compiler_params=pltpu.CompilerParams(needs_layout_passes=False),
  )
  def kfn(sct, out, hist, *scr):
    sidx = scr[0:NB]
    sidx_t = scr[NB]
    sems = scr[NB + 1:NB + 1 + NB]

    c = lax.axis_index("c")
    s = lax.axis_index("s")
    w = c * NS + s
    base = w * EW

    ones16 = jnp.ones((16,), jnp.float32)
    zeros16f = jnp.zeros((16,), jnp.float32)
    lane = lax.broadcasted_iota(jnp.int32, (16,), 0)

    def zbody(i, carry):
      plsc.store_scatter(hist, [lane + i * 16], zeros16f)
      return carry

    lax.fori_loop(0, N // 16, zbody, 0)

    for b in range(NB):
      off = pl.multiple_of(base + b * CHUNK, 8)
      pltpu.async_copy(sct.at[pl.ds(off, CHUNK)], sidx[b], sems[b])

    def body(i, carry):
      cb = base + i * (NB * CHUNK)
      for b in range(NB):
        pltpu.make_async_copy(sct.at[pl.ds(0, CHUNK)], sidx[b],
                              sems[b]).wait()
        for j in range(CHUNK // 16):
          idxv = sidx[b][pl.ds(j * 16, 16)]
          plsc.addupdate_scatter(hist, [idxv], ones16)

        @pl.when(i < SUP - 1)
        def _():
          off = pl.multiple_of(cb + (b + NB) * CHUNK, 8)
          pltpu.async_copy(sct.at[pl.ds(off, CHUNK)], sidx[b], sems[b])
      return carry

    lax.fori_loop(0, SUP, body, 0)

    if TAIL:
      sidx_t[...] = jnp.zeros((16,), jnp.int32)
      off = pl.multiple_of(base + F * CHUNK, 8)
      pltpu.sync_copy(sct.at[pl.ds(off, TAIL)], sidx_t.at[pl.ds(0, TAIL)])
      mask = lax.broadcasted_iota(jnp.int32, (16,), 0) < TAIL
      plsc.addupdate_scatter(hist, [sidx_t[...]], ones16, mask=mask)

    pltpu.sync_copy(hist, out.at[pl.ds(w * N, N)])

  return kfn



_R = 2000


def _tc_pre(x, w1, degp):
  def body(x_ref, w_ref, deg_ref, out_ref, dis_ref):
    deg = jnp.sum(deg_ref[...], axis=1, keepdims=True) + 1.0
    dis = lax.rsqrt(deg)
    dis_ref[...] = dis
    h = jnp.dot(x_ref[...], w_ref[...], preferred_element_type=jnp.float32)
    h = h * dis
    out_ref[0] = h[:, :128]
    out_ref[1] = h[:, 128:]

  return pl.pallas_call(
      body,
      grid=(N // _R,),
      in_specs=[
          pl.BlockSpec((_R, 256), lambda i: (i, 0)),
          pl.BlockSpec((256, 256), lambda i: (0, 0)),
          pl.BlockSpec((_R, NC * NS), lambda i: (i, 0)),
      ],
      out_specs=[
          pl.BlockSpec((2, _R, 128), lambda i: (0, i, 0)),
          pl.BlockSpec((_R, 1), lambda i: (i, 0)),
      ],
      out_shape=[
          jax.ShapeDtypeStruct((2, N, 128), jnp.float32),
          jax.ShapeDtypeStruct((N, 1), jnp.float32),
      ],
  )(x, w1, degp)


def _tc_mid2(aggp, dis_col, b1, w2):
  def body(a_ref, dis_ref, b_ref, w_ref, out_ref):
    dis = dis_ref[...]
    xa = jnp.maximum(a_ref[0] * dis + b_ref[0:1, :], 0.0)
    xb = jnp.maximum(a_ref[1] * dis + b_ref[1:2, :], 0.0)
    h = (jnp.dot(xa, w_ref[0], preferred_element_type=jnp.float32)
         + jnp.dot(xb, w_ref[1], preferred_element_type=jnp.float32))
    h = h * dis
    out_ref[0] = h[:, :128]
    out_ref[1] = h[:, 128:]

  return pl.pallas_call(
      body,
      grid=(N // _R,),
      in_specs=[
          pl.BlockSpec((2, _R, 128), lambda i: (0, i, 0)),
          pl.BlockSpec((_R, 1), lambda i: (i, 0)),
          pl.BlockSpec((2, 128), lambda i: (0, 0)),
          pl.BlockSpec((2, 128, 256), lambda i: (0, 0, 0)),
      ],
      out_specs=pl.BlockSpec((2, _R, 128), lambda i: (0, i, 0)),
      out_shape=jax.ShapeDtypeStruct((2, N, 128), jnp.float32),
  )(aggp, dis_col, b1, w2)


def _tc_mid3(aggp, dis_col, b2, w3):
  def body(a_ref, dis_ref, b_ref, w_ref, out_ref):
    dis = dis_ref[...]
    xa = jnp.maximum(a_ref[0] * dis + b_ref[0:1, :], 0.0)
    xb = jnp.maximum(a_ref[1] * dis + b_ref[1:2, :], 0.0)
    h = (jnp.dot(xa, w_ref[0], preferred_element_type=jnp.float32)
         + jnp.dot(xb, w_ref[1], preferred_element_type=jnp.float32))
    out_ref[...] = h * dis

  return pl.pallas_call(
      body,
      grid=(N // _R,),
      in_specs=[
          pl.BlockSpec((2, _R, 128), lambda i: (0, i, 0)),
          pl.BlockSpec((_R, 1), lambda i: (i, 0)),
          pl.BlockSpec((2, 128), lambda i: (0, 0)),
          pl.BlockSpec((2, 128, 128), lambda i: (0, 0, 0)),
      ],
      out_specs=pl.BlockSpec((_R, 128), lambda i: (i, 0)),
      out_shape=jax.ShapeDtypeStruct((N, 128), jnp.float32),
  )(aggp, dis_col, b2, w3)


def _tc_post(aggp, h3, dis_col, b3):
  def body(a_ref, h_ref, dis_ref, b_ref, out_ref):
    out_ref[...] = ((a_ref[0] + a_ref[1] - h_ref[...]) * dis_ref[...]
                    + b_ref[0:1, :])

  return pl.pallas_call(
      body,
      grid=(N // _R,),
      in_specs=[
          pl.BlockSpec((2, _R, 128), lambda i: (0, i, 0)),
          pl.BlockSpec((_R, 128), lambda i: (i, 0)),
          pl.BlockSpec((_R, 1), lambda i: (i, 0)),
          pl.BlockSpec((1, 128), lambda i: (0, 0)),
      ],
      out_specs=pl.BlockSpec((_R, 128), lambda i: (i, 0)),
      out_shape=jax.ShapeDtypeStruct((N, 128), jnp.float32),
  )(aggp, h3, dis_col, b3)



@jax.jit
def _run(x, src, dst, w1, b1, w2, b2, w3, b3):
  e = src.shape[0]

  degp = _sc_deg(e)(dst).reshape(NC * NS, N).T

  gat2 = jnp.concatenate([src, src + N])
  sct2 = jnp.concatenate([dst, dst])
  agg12 = _sc_agg(e, N, 2 * N, k=4, chunk=96)
  agg3 = _sc_agg(e // 2, 0, N, k=4, chunk=96)

  h1, dis_col = _tc_pre(x, w1, degp)
  a1 = agg12(h1.reshape(2 * N, 128), gat2, sct2).reshape(2, N, 128)
  h2 = _tc_mid2(a1, dis_col, b1.reshape(2, 128), w2.reshape(2, 128, 256))
  a2 = agg12(h2.reshape(2 * N, 128), gat2, sct2).reshape(2, N, 128)
  h3 = _tc_mid3(a2, dis_col, b2.reshape(2, 128), w3.reshape(2, 128, 128))
  a3 = agg3(h3, src, dst).reshape(2, N, 128)
  return _tc_post(a3, h3, dis_col, b3.reshape(1, 128))


def kernel(x, edge_index, W1, b1, W2, b2, W3, b3):
  src = edge_index[0].astype(jnp.int32)
  dst = edge_index[1].astype(jnp.int32)
  return _run(x, src, dst, W1, b1, W2, b2, W3, b3)

# --- scband reference (transcript-rebuilt; emitter-appended) ---
"""Pipeline reference for scband-gcnencoder-75883482185919 (READ-ONLY COPY).

The authoritative reference and input builder live on the scoring server;
editing this copy changes nothing except your own understanding.
"""

import jax, jax.numpy as jnp
import numpy as np

N_NODES = 10000
IN_CH = 256
MID_CH = 256
OUT_CH = 128
N_EDGES = 160000


def gcn_conv(x, src, dst, W, b, n_nodes):
    # symmetric-normalized GCN layer: D^{-1/2} (A+I) D^{-1/2} (x W) + b
    deg = jnp.zeros((n_nodes,), dtype=x.dtype).at[dst].add(1.0)
    deg_inv_sqrt = jnp.where(deg > 0, 1.0 / jnp.sqrt(deg), 0.0)
    norm = deg_inv_sqrt[src] * deg_inv_sqrt[dst]
    h = x @ W
    msg = h[src] * norm[:, None]
    out = jax.ops.segment_sum(msg, dst, num_segments=n_nodes)
    return out + b


def setup_inputs(seed: int = 0) -> dict:
    key = jax.random.key(seed)
    k_x, k_e, k1, k2, k3 = jax.random.split(key, 5)
    x = jax.random.normal(k_x, (N_NODES, IN_CH), dtype=jnp.float32)
    edge_index = jax.random.randint(k_e, (2, N_EDGES), 0, N_NODES, dtype=jnp.int64)
    # glorot-ish init for the three GCNConv weights
    W1 = jax.random.normal(k1, (IN_CH, MID_CH), dtype=jnp.float32) * (1.0 / np.sqrt(IN_CH))
    b1 = jnp.zeros((MID_CH,), dtype=jnp.float32)
    W2 = jax.random.normal(k2, (MID_CH, 2 * OUT_CH), dtype=jnp.float32) * (1.0 / np.sqrt(MID_CH))
    b2 = jnp.zeros((2 * OUT_CH,), dtype=jnp.float32)
    W3 = jax.random.normal(k3, (2 * OUT_CH, OUT_CH), dtype=jnp.float32) * (1.0 / np.sqrt(2 * OUT_CH))
    b3 = jnp.zeros((OUT_CH,), dtype=jnp.float32)
    return {"x": x, "edge_index": edge_index, "W1": W1, "b1": b1, "W2": W2, "b2": b2, "W3": W3, "b3": b3}


def reference(x, edge_index, W1, b1, W2, b2, W3, b3):
    n_nodes = x.shape[0]
    loop = jnp.arange(n_nodes, dtype=edge_index.dtype)
    src = jnp.concatenate([edge_index[0], loop])
    dst = jnp.concatenate([edge_index[1], loop])
    h = gcn_conv(x, src, dst, W1, b1, n_nodes)
    h = jax.nn.relu(h)
    h = gcn_conv(h, src, dst, W2, b2, n_nodes)
    h = jax.nn.relu(h)
    out = gcn_conv(h, src, dst, W3, b3, n_nodes)
    return out

if __name__ == "__main__":
    import jax
    _d = setup_inputs()
    print(jax.jit(kernel)(*tuple(_d.values())))

</pallas_src>

<mosaic_0001>
#map = affine_map<(d0, d1) -> (0)>
module attributes {stable_mosaic.version = 14 : i64} {
  func.func @kfn(%arg0: i32, %arg1: i32, %arg2: memref<160000xi32, #tpu.memory_space<hbm>>, %arg3: memref<320000xf32, #tpu.memory_space<hbm>>, %arg4: memref<10000xf32, #tpu.memory_space<vmem>>, %arg5: memref<128xi32, #tpu.memory_space<vmem>>, %arg6: memref<128xi32, #tpu.memory_space<vmem>>, %arg7: memref<128xi32, #tpu.memory_space<vmem>>, %arg8: memref<16xi32, #tpu.memory_space<vmem>>, %arg9: memref<!tpu.dma_semaphore, #tpu.memory_space<semaphore_mem>>, %arg10: memref<!tpu.dma_semaphore, #tpu.memory_space<semaphore_mem>>, %arg11: memref<!tpu.dma_semaphore, #tpu.memory_space<semaphore_mem>>) attributes {dimension_semantics = [#tpu.dimension_semantics<core_parallel>, #tpu.dimension_semantics<subcore_parallel>], iteration_bounds = array<i64: 2, 16>, scalar_prefetch = 0 : i64, scratch_operands = 8 : i64, tpu.core_type = #tpu.core_type<sc_vector_subcore>, window_params = [{transform_indices = #map}, {transform_indices = #map}]} {
    %mul3A = arith.constant 16 : i32
    %mul3A_0 = arith.muli %arg0, %mul3A : i32
    %add3A = arith.addi %mul3A_0, %arg1 : i32
    %mul3A_1 = arith.constant 5000 : i32
    %mul3A_2 = arith.muli %add3A, %mul3A_1 : i32
    %broadcast_in_dim3A = arith.constant 1.000000e+00 : f32
    %broadcast_in_dim3A_3 = vector.broadcast %broadcast_in_dim3A : f32 to vector<16xf32>
    %broadcast_in_dim3A_4 = arith.constant 0.000000e+00 : f32
    %broadcast_in_dim3A_5 = vector.broadcast %broadcast_in_dim3A_4 : f32 to vector<16xf32>
    %iota3A = tpu.iota {dimensions = array<i32: 0>} : vector<16xi32>
    %scan3A = arith.constant 0 : i32
    %scan3A_6 = arith.constant 0 : i32
    %scan3A_7 = arith.constant 625 : i32
    %scan3A_8 = arith.addi %scan3A_6, %scan3A_7 : i32
    %scan3A_9 = arith.constant 1 : i32
    scf.for %scan3A_42 = %scan3A_6 to %scan3A_8 step %scan3A_9  : i32 {
      %mul3A_43 = arith.constant 16 : i32
      %mul3A_44 = arith.muli %scan3A_42, %mul3A_43 : i32
      %add3A_45 = vector.broadcast %mul3A_44 : i32 to vector<16xi32>
      %add3A_46 = arith.addi %iota3A, %add3A_45 : vector<16xi32>
      tpu.vector_store_idx %arg4[%add3A_46], %broadcast_in_dim3A_5 : memref<10000xf32, #tpu.memory_space<vmem>>[vector<16xi32>], vector<16xf32>,
    }
    %scan3A_10 = arith.constant 625 : i32
    %add3A_11 = arith.constant 0 : i32
    %add3A_12 = arith.addi %mul3A_2, %add3A_11 : i32
    %multiple_of3A = tpu.assume_multiple %add3A_12, 8 : i32
    %dma_start3A = tpu.memref_slice %arg2[%multiple_of3A] : memref<160000xi32, #tpu.memory_space<hbm>> -> memref<128xi32, #tpu.memory_space<hbm>>
    %dma_start3A_13 = tpu.memref_slice %arg2[%multiple_of3A] : memref<160000xi32, #tpu.memory_space<hbm>> -> memref<128xi32, #tpu.memory_space<hbm>>
    tpu.enqueue_dma source(%dma_start3A_13 : memref<128xi32, #tpu.memory_space<hbm>>) target(%arg5 : memref<128xi32, #tpu.memory_space<vmem>>) target_semaphore(%arg9 : memref<!tpu.dma_semaphore, #tpu.memory_space<semaphore_mem>>)
    %add3A_14 = arith.constant 128 : i32
    %add3A_15 = arith.addi %mul3A_2, %add3A_14 : i32
    %multiple_of3A_16 = tpu.assume_multiple %add3A_15, 8 : i32
    %dma_start3A_17 = tpu.memref_slice %arg2[%multiple_of3A_16] : memref<160000xi32, #tpu.memory_space<hbm>> -> memref<128xi32, #tpu.memory_space<hbm>>
    %dma_start3A_18 = tpu.memref_slice %arg2[%multiple_of3A_16] : memref<160000xi32, #tpu.memory_space<hbm>> -> memref<128xi32, #tpu.memory_space<hbm>>
    tpu.enqueue_dma source(%dma_start3A_18 : memref<128xi32, #tpu.memory_space<hbm>>) target(%arg6 : memref<128xi32, #tpu.memory_space<vmem>>) target_semaphore(%arg10 : memref<!tpu.dma_semaphore, #tpu.memory_space<semaphore_mem>>)
    %add3A_19 = arith.constant 256 : i32
    %add3A_20 = arith.addi %mul3A_2, %add3A_19 : i32
    %multiple_of3A_21 = tpu.assume_multiple %add3A_20, 8 : i32
    %dma_start3A_22 = tpu.memref_slice %arg2[%multiple_of3A_21] : memref<160000xi32, #tpu.memory_space<hbm>> -> memref<128xi32, #tpu.memory_space<hbm>>
    %dma_start3A_23 = tpu.memref_slice %arg2[%multiple_of3A_21] : memref<160000xi32, #tpu.memory_space<hbm>> -> memref<128xi32, #tpu.memory_space<hbm>>
    tpu.enqueue_dma source(%dma_start3A_23 : memref<128xi32, #tpu.memory_space<hbm>>) target(%arg7 : memref<128xi32, #tpu.memory_space<vmem>>) target_semaphore(%arg11 : memref<!tpu.dma_semaphore, #tpu.memory_space<semaphore_mem>>)
    %scan3A_24 = arith.constant 0 : i32
    %scan3A_25 = arith.constant 0 : i32
    %scan3A_26 = arith.constant 13 : i32
    %scan3A_27 = arith.addi %scan3A_25, %scan3A_26 : i32
    %scan3A_28 = arith.constant 1 : i32
    scf.for %scan3A_42 = %scan3A_25 to %scan3A_27 step %scan3A_28  : i32 {
      %mul3A_43 = arith.constant 384 : i32
      %mul3A_44 = arith.muli %scan3A_42, %mul3A_43 : i32
      %add3A_45 = arith.addi %mul3A_2, %mul3A_44 : i32
      %dma_wait3A = arith.constant 0 : i32
      %dma_wait3A_46 = tpu.memref_slice %arg2[%dma_wait3A] : memref<160000xi32, #tpu.memory_space<hbm>> -> memref<128xi32, #tpu.memory_space<hbm>>
      %dma_wait3A_47 = arith.constant 0 : i32
      %dma_wait3A_48 = tpu.memref_slice %arg2[%dma_wait3A_47] : memref<160000xi32, #tpu.memory_space<hbm>> -> memref<128xi32, #tpu.memory_space<hbm>>
      tpu.wait_dma2 semaphore(%arg9 : memref<!tpu.dma_semaphore, #tpu.memory_space<semaphore_mem>>) src(%dma_wait3A_48 : memref<128xi32, #tpu.memory_space<hbm>>) dst(%arg5 : memref<128xi32, #tpu.memory_space<vmem>>)
      %get3A_49 = arith.constant 0 : index
      %get3A_50 = tpu.vector_load %arg5[%get3A_49] {strides = array<i32>} : memref<128xi32, #tpu.memory_space<vmem>>, vector<16xi32>,
      tpu.vector_store_idx %arg4[%get3A_50], %broadcast_in_dim3A_3 {add = true} : memref<10000xf32, #tpu.memory_space<vmem>>[vector<16xi32>], vector<16xf32>,
      %get3A_51 = arith.constant 16 : index
      %get3A_52 = tpu.vector_load %arg5[%get3A_51] {strides = array<i32>} : memref<128xi32, #tpu.memory_space<vmem>>, vector<16xi32>,
      tpu.vector_store_idx %arg4[%get3A_52], %broadcast_in_dim3A_3 {add = true} : memref<10000xf32, #tpu.memory_space<vmem>>[vector<16xi32>], vector<16xf32>,
      %get3A_53 = arith.constant 32 : index
      %get3A_54 = tpu.vector_load %arg5[%get3A_53] {strides = array<i32>} : memref<128xi32, #tpu.memory_space<vmem>>, vector<16xi32>,
      tpu.vector_store_idx %arg4[%get3A_54], %broadcast_in_dim3A_3 {add = true} : memref<10000xf32, #tpu.memory_space<vmem>>[vector<16xi32>], vector<16xf32>,
      %get3A_55 = arith.constant 48 : index
      %get3A_56 = tpu.vector_load %arg5[%get3A_55] {strides = array<i32>} : memref<128xi32, #tpu.memory_space<vmem>>, vector<16xi32>,
      tpu.vector_store_idx %arg4[%get3A_56], %broadcast_in_dim3A_3 {add = true} : memref<10000xf32, #tpu.memory_space<vmem>>[vector<16xi32>], vector<16xf32>,
      %get3A_57 = arith.constant 64 : index
      %get3A_58 = tpu.vector_load %arg5[%get3A_57] {strides = array<i32>} : memref<128xi32, #tpu.memory_space<vmem>>, vector<16xi32>,
      tpu.vector_store_idx %arg4[%get3A_58], %broadcast_in_dim3A_3 {add = true} : memref<10000xf32, #tpu.memory_space<vmem>>[vector<16xi32>], vector<16xf32>,
      %get3A_59 = arith.constant 80 : index
      %get3A_60 = tpu.vector_load %arg5[%get3A_59] {strides = array<i32>} : memref<128xi32, #tpu.memory_space<vmem>>, vector<16xi32>,
      tpu.vector_store_idx %arg4[%get3A_60], %broadcast_in_dim3A_3 {add = true} : memref<10000xf32, #tpu.memory_space<vmem>>[vector<16xi32>], vector<16xf32>,
      %get3A_61 = arith.constant 96 : index
      %get3A_62 = tpu.vector_load %arg5[%get3A_61] {strides = array<i32>} : memref<128xi32, #tpu.memory_space<vmem>>, vector<16xi32>,
      tpu.vector_store_idx %arg4[%get3A_62], %broadcast_in_dim3A_3 {add = true} : memref<10000xf32, #tpu.memory_space<vmem>>[vector<16xi32>], vector<16xf32>,
      %get3A_63 = arith.constant 112 : index
      %get3A_64 = tpu.vector_load %arg5[%get3A_63] {strides = array<i32>} : memref<128xi32, #tpu.memory_space<vmem>>, vector<16xi32>,
      tpu.vector_store_idx %arg4[%get3A_64], %broadcast_in_dim3A_3 {add = true} : memref<10000xf32, #tpu.memory_space<vmem>>[vector<16xi32>], vector<16xf32>,
      %lt3A_65 = arith.constant 12 : i32
      %lt3A_66 = arith.cmpi slt, %scan3A_42, %lt3A_65 : i32
      %convert_element_type3A = arith.extui %lt3A_66 : i1 to i32
      %cond3A = arith.constant 0 : i32
      %cond3A_67 = arith.cmpi ne, %convert_element_type3A, %cond3A : i32
      scf.if %cond3A_67 {
        %add3A_118 = arith.constant 384 : i32
        %add3A_119 = arith.addi %add3A_45, %add3A_118 : i32
        %multiple_of3A_120 = tpu.assume_multiple %add3A_119, 8 : i32
        %dma_start3A_121 = tpu.memref_slice %arg2[%multiple_of3A_120] : memref<160000xi32, #tpu.memory_space<hbm>> -> memref<128xi32, #tpu.memory_space<hbm>>
        %dma_start3A_122 = tpu.memref_slice %arg2[%multiple_of3A_120] : memref<160000xi32, #tpu.memory_space<hbm>> -> memref<128xi32, #tpu.memory_space<hbm>>
        tpu.enqueue_dma source(%dma_start3A_122 : memref<128xi32, #tpu.memory_space<hbm>>) target(%arg5 : memref<128xi32, #tpu.memory_space<vmem>>) target_semaphore(%arg9 : memref<!tpu.dma_semaphore, #tpu.memory_space<semaphore_mem>>)
      } else {
      }
      %dma_wait3A_68 = arith.constant 0 : i32
      %dma_wait3A_69 = tpu.memref_slice %arg2[%dma_wait3A_68] : memref<160000xi32, #tpu.memory_space<hbm>> -> memref<128xi32, #tpu.memory_space<hbm>>
      %dma_wait3A_70 = arith.constant 0 : i32
      %dma_wait3A_71 = tpu.memref_slice %arg2[%dma_wait3A_70] : memref<160000xi32, #tpu.memory_space<hbm>> -> memref<128xi32, #tpu.memory_space<hbm>>
      tpu.wait_dma2 semaphore(%arg10 : memref<!tpu.dma_semaphore, #tpu.memory_space<semaphore_mem>>) src(%dma_wait3A_71 : memref<128xi32, #tpu.memory_space<hbm>>) dst(%arg6 : memref<128xi32, #tpu.memory_space<vmem>>)
      %get3A_72 = arith.constant 0 : index
      %get3A_73 = tpu.vector_load %arg6[%get3A_72] {strides = array<i32>} : memref<128xi32, #tpu.memory_space<vmem>>, vector<16xi32>,
      tpu.vector_store_idx %arg4[%get3A_73], %broadcast_in_dim3A_3 {add = true} : memref<10000xf32, #tpu.memory_space<vmem>>[vector<16xi32>], vector<16xf32>,
      %get3A_74 = arith.constant 16 : index
      %get3A_75 = tpu.vector_load %arg6[%get3A_74] {strides = array<i32>} : memref<128xi32, #tpu.memory_space<vmem>>, vector<16xi32>,
      tpu.vector_store_idx %arg4[%get3A_75], %broadcast_in_dim3A_3 {add = true} : memref<10000xf32, #tpu.memory_space<vmem>>[vector<16xi32>], vector<16xf32>,
      %get3A_76 = arith.constant 32 : index
      %get3A_77 = tpu.vector_load %arg6[%get3A_76] {strides = array<i32>} : memref<128xi32, #tpu.memory_space<vmem>>, vector<16xi32>,
      tpu.vector_store_idx %arg4[%get3A_77], %broadcast_in_dim3A_3 {add = true} : memref<10000xf32, #tpu.memory_space<vmem>>[vector<16xi32>], vector<16xf32>,
      %get3A_78 = arith.constant 48 : index
      %get3A_79 = tpu.vector_load %arg6[%get3A_78] {strides = array<i32>} : memref<128xi32, #tpu.memory_space<vmem>>, vector<16xi32>,
      tpu.vector_store_idx %arg4[%get3A_79], %broadcast_in_dim3A_3 {add = true} : memref<10000xf32, #tpu.memory_space<vmem>>[vector<16xi32>], vector<16xf32>,
      %get3A_80 = arith.constant 64 : index
      %get3A_81 = tpu.vector_load %arg6[%get3A_80] {strides = array<i32>} : memref<128xi32, #tpu.memory_space<vmem>>, vector<16xi32>,
      tpu.vector_store_idx %arg4[%get3A_81], %broadcast_in_dim3A_3 {add = true} : memref<10000xf32, #tpu.memory_space<vmem>>[vector<16xi32>], vector<16xf32>,
      %get3A_82 = arith.constant 80 : index
      %get3A_83 = tpu.vector_load %arg6[%get3A_82] {strides = array<i32>} : memref<128xi32, #tpu.memory_space<vmem>>, vector<16xi32>,
      tpu.vector_store_idx %arg4[%get3A_83], %broadcast_in_dim3A_3 {add = true} : memref<10000xf32, #tpu.memory_space<vmem>>[vector<16xi32>], vector<16xf32>,
      %get3A_84 = arith.constant 96 : index
      %get3A_85 = tpu.vector_load %arg6[%get3A_84] {strides = array<i32>} : memref<128xi32, #tpu.memory_space<vmem>>, vector<16xi32>,
      tpu.vector_store_idx %arg4[%get3A_85], %broadcast_in_dim3A_3 {add = true} : memref<10000xf32, #tpu.memory_space<vmem>>[vector<16xi32>], vector<16xf32>,
      %get3A_86 = arith.constant 112 : index
      %get3A_87 = tpu.vector_load %arg6[%get3A_86] {strides = array<i32>} : memref<128xi32, #tpu.memory_space<vmem>>, vector<16xi32>,
      tpu.vector_store_idx %arg4[%get3A_87], %broadcast_in_dim3A_3 {add = true} : memref<10000xf32, #tpu.memory_space<vmem>>[vector<16xi32>], vector<16xf32>,
      %lt3A_88 = arith.constant 12 : i32
      %lt3A_89 = arith.cmpi slt, %scan3A_42, %lt3A_88 : i32
      %convert_element_type3A_90 = arith.extui %lt3A_89 : i1 to i32
      %cond3A_91 = arith.constant 0 : i32
      %cond3A_92 = arith.cmpi ne, %convert_element_type3A_90, %cond3A_91 : i32
      scf.if %cond3A_92 {
        %add3A_118 = arith.constant 512 : i32
        %add3A_119 = arith.addi %add3A_45, %add3A_118 : i32
        %multiple_of3A_120 = tpu.assume_multiple %add3A_119, 8 : i32
        %dma_start3A_121 = tpu.memref_slice %arg2[%multiple_of3A_120] : memref<160000xi32, #tpu.memory_space<hbm>> -> memref<128xi32, #tpu.memory_space<hbm>>
        %dma_start3A_122 = tpu.memref_slice %arg2[%multiple_of3A_120] : memref<160000xi32, #tpu.memory_space<hbm>> -> memref<128xi32, #tpu.memory_space<hbm>>
        tpu.enqueue_dma source(%dma_start3A_122 : memref<128xi32, #tpu.memory_space<hbm>>) target(%arg6 : memref<128xi32, #tpu.memory_space<vmem>>) target_semaphore(%arg10 : memref<!tpu.dma_semaphore, #tpu.memory_space<semaphore_mem>>)
      } else {
      }
      %dma_wait3A_93 = arith.constant 0 : i32
      %dma_wait3A_94 = tpu.memref_slice %arg2[%dma_wait3A_93] : memref<160000xi32, #tpu.memory_space<hbm>> -> memref<128xi32, #tpu.memory_space<hbm>>
      %dma_wait3A_95 = arith.constant 0 : i32
      %dma_wait3A_96 = tpu.memref_slice %arg2[%dma_wait3A_95] : memref<160000xi32, #tpu.memory_space<hbm>> -> memref<128xi32, #tpu.memory_space<hbm>>
      tpu.wait_dma2 semaphore(%arg11 : memref<!tpu.dma_semaphore, #tpu.memory_space<semaphore_mem>>) src(%dma_wait3A_96 : memref<128xi32, #tpu.memory_space<hbm>>) dst(%arg7 : memref<128xi32, #tpu.memory_space<vmem>>)
      %get3A_97 = arith.constant 0 : index
      %get3A_98 = tpu.vector_load %arg7[%get3A_97] {strides = array<i32>} : memref<128xi32, #tpu.memory_space<vmem>>, vector<16xi32>,
      tpu.vector_store_idx %arg4[%get3A_98], %broadcast_in_dim3A_3 {add = true} : memref<10000xf32, #tpu.memory_space<vmem>>[vector<16xi32>], vector<16xf32>,
      %get3A_99 = arith.constant 16 : index
      %get3A_100 = tpu.vector_load %arg7[%get3A_99] {strides = array<i32>} : memref<128xi32, #tpu.memory_space<vmem>>, vector<16xi32>,
      tpu.vector_store_idx %arg4[%get3A_100], %broadcast_in_dim3A_3 {add = true} : memref<10000xf32, #tpu.memory_space<vmem>>[vector<16xi32>], vector<16xf32>,
      %get3A_101 = arith.constant 32 : index
      %get3A_102 = tpu.vector_load %arg7[%get3A_101] {strides = array<i32>} : memref<128xi32, #tpu.memory_space<vmem>>, vector<16xi32>,
      tpu.vector_store_idx %arg4[%get3A_102], %broadcast_in_dim3A_3 {add = true} : memref<10000xf32, #tpu.memory_space<vmem>>[vector<16xi32>], vector<16xf32>,
      %get3A_103 = arith.constant 48 : index
      %get3A_104 = tpu.vector_load %arg7[%get3A_103] {strides = array<i32>} : memref<128xi32, #tpu.memory_space<vmem>>, vector<16xi32>,
      tpu.vector_store_idx %arg4[%get3A_104], %broadcast_in_dim3A_3 {add = true} : memref<10000xf32, #tpu.memory_space<vmem>>[vector<16xi32>], vector<16xf32>,
      %get3A_105 = arith.constant 64 : index
      %get3A_106 = tpu.vector_load %arg7[%get3A_105] {strides = array<i32>} : memref<128xi32, #tpu.memory_space<vmem>>, vector<16xi32>,
      tpu.vector_store_idx %arg4[%get3A_106], %broadcast_in_dim3A_3 {add = true} : memref<10000xf32, #tpu.memory_space<vmem>>[vector<16xi32>], vector<16xf32>,
      %get3A_107 = arith.constant 80 : index
      %get3A_108 = tpu.vector_load %arg7[%get3A_107] {strides = array<i32>} : memref<128xi32, #tpu.memory_space<vmem>>, vector<16xi32>,
      tpu.vector_store_idx %arg4[%get3A_108], %broadcast_in_dim3A_3 {add = true} : memref<10000xf32, #tpu.memory_space<vmem>>[vector<16xi32>], vector<16xf32>,
      %get3A_109 = arith.constant 96 : index
      %get3A_110 = tpu.vector_load %arg7[%get3A_109] {strides = array<i32>} : memref<128xi32, #tpu.memory_space<vmem>>, vector<16xi32>,
      tpu.vector_store_idx %arg4[%get3A_110], %broadcast_in_dim3A_3 {add = true} : memref<10000xf32, #tpu.memory_space<vmem>>[vector<16xi32>], vector<16xf32>,
      %get3A_111 = arith.constant 112 : index
      %get3A_112 = tpu.vector_load %arg7[%get3A_111] {strides = array<i32>} : memref<128xi32, #tpu.memory_space<vmem>>, vector<16xi32>,
      tpu.vector_store_idx %arg4[%get3A_112], %broadcast_in_dim3A_3 {add = true} : memref<10000xf32, #tpu.memory_space<vmem>>[vector<16xi32>], vector<16xf32>,
      %lt3A_113 = arith.constant 12 : i32
      %lt3A_114 = arith.cmpi slt, %scan3A_42, %lt3A_113 : i32
      %convert_element_type3A_115 = arith.extui %lt3A_114 : i1 to i32
      %cond3A_116 = arith.constant 0 : i32
      %cond3A_117 = arith.cmpi ne, %convert_element_type3A_115, %cond3A_116 : i32
      scf.if %cond3A_117 {
        %add3A_118 = arith.constant 640 : i32
        %add3A_119 = arith.addi %add3A_45, %add3A_118 : i32
        %multiple_of3A_120 = tpu.assume_multiple %add3A_119, 8 : i32
        %dma_start3A_121 = tpu.memref_slice %arg2[%multiple_of3A_120] : memref<160000xi32, #tpu.memory_space<hbm>> -> memref<128xi32, #tpu.memory_space<hbm>>
        %dma_start3A_122 = tpu.memref_slice %arg2[%multiple_of3A_120] : memref<160000xi32, #tpu.memory_space<hbm>> -> memref<128xi32, #tpu.memory_space<hbm>>
        tpu.enqueue_dma source(%dma_start3A_122 : memref<128xi32, #tpu.memory_space<hbm>>) target(%arg7 : memref<128xi32, #tpu.memory_space<vmem>>) target_semaphore(%arg11 : memref<!tpu.dma_semaphore, #tpu.memory_space<semaphore_mem>>)
      } else {
      }
    }
    %scan3A_29 = arith.constant 13 : i32
    %broadcast_in_dim3A_30 = arith.constant 0 : i32
    %broadcast_in_dim3A_31 = vector.broadcast %broadcast_in_dim3A_30 : i32 to vector<16xi32>
    %swap3A = arith.constant 0 : index
    %swap3A_32 = tpu.vector_load %arg8[%swap3A] {strides = array<i32>} : memref<16xi32, #tpu.memory_space<vmem>>, vector<16xi32>,
    tpu.vector_store %arg8[%swap3A], %broadcast_in_dim3A_31 {strides = array<i32>} : memref<16xi32, #tpu.memory_space<vmem>>, vector<16xi32>,
    %add3A_33 = arith.constant 4992 : i32
    %add3A_34 = arith.addi %mul3A_2, %add3A_33 : i32
    %multiple_of3A_35 = tpu.assume_multiple %add3A_34, 8 : i32
    "tpu.region"() ({
      %run_scoped3A = tpu.sem_alloc : memref<!tpu.dma_semaphore, #tpu.memory_space<semaphore_mem>>
      %dma_start3A_42 = arith.constant 0 : i32
      %dma_start3A_43 = tpu.memref_slice %arg8[%dma_start3A_42] : memref<16xi32, #tpu.memory_space<vmem>> -> memref<8xi32, #tpu.memory_space<vmem>>
      %dma_start3A_44 = tpu.memref_slice %arg2[%multiple_of3A_35] : memref<160000xi32, #tpu.memory_space<hbm>> -> memref<8xi32, #tpu.memory_space<hbm>>
      %dma_start3A_45 = arith.constant 0 : i32
      %dma_start3A_46 = tpu.memref_slice %arg8[%dma_start3A_45] : memref<16xi32, #tpu.memory_space<vmem>> -> memref<8xi32, #tpu.memory_space<vmem>>
      %dma_start3A_47 = tpu.memref_slice %arg2[%multiple_of3A_35] : memref<160000xi32, #tpu.memory_space<hbm>> -> memref<8xi32, #tpu.memory_space<hbm>>
      tpu.enqueue_dma source(%dma_start3A_47 : memref<8xi32, #tpu.memory_space<hbm>>) target(%dma_start3A_46 : memref<8xi32, #tpu.memory_space<vmem>>) target_semaphore(%run_scoped3A : memref<!tpu.dma_semaphore, #tpu.memory_space<semaphore_mem>>)
      %dma_wait3A = arith.constant 0 : i32
      %dma_wait3A_48 = tpu.memref_slice %arg8[%dma_wait3A] : memref<16xi32, #tpu.memory_space<vmem>> -> memref<8xi32, #tpu.memory_space<vmem>>
      %dma_wait3A_49 = tpu.memref_slice %arg2[%multiple_of3A_35] : memref<160000xi32, #tpu.memory_space<hbm>> -> memref<8xi32, #tpu.memory_space<hbm>>
      %dma_wait3A_50 = arith.constant 0 : i32
      %dma_wait3A_51 = tpu.memref_slice %arg8[%dma_wait3A_50] : memref<16xi32, #tpu.memory_space<vmem>> -> memref<8xi32, #tpu.memory_space<vmem>>
      %dma_wait3A_52 = tpu.memref_slice %arg2[%multiple_of3A_35] : memref<160000xi32, #tpu.memory_space<hbm>> -> memref<8xi32, #tpu.memory_space<hbm>>
      tpu.wait_dma2 semaphore(%run_scoped3A : memref<!tpu.dma_semaphore, #tpu.memory_space<semaphore_mem>>) src(%dma_wait3A_52 : memref<8xi32, #tpu.memory_space<hbm>>) dst(%dma_wait3A_51 : memref<8xi32, #tpu.memory_space<vmem>>)
      tpu.yield
    }) : () -> ()
    %iota3A_36 = tpu.iota {dimensions = array<i32: 0>} : vector<16xi32>
    %lt3A = arith.constant 8 : i32
    %lt3A_37 = vector.broadcast %lt3A : i32 to vector<16xi32>
    %lt3A_38 = arith.cmpi slt, %iota3A_36, %lt3A_37 : vector<16xi32>
    %get3A = arith.constant 0 : index
    %get3A_39 = tpu.vector_load %arg8[%get3A] {strides = array<i32>} : memref<16xi32, #tpu.memory_space<vmem>>, vector<16xi32>,
    tpu.vector_store_idx %arg4[%get3A_39], %broadcast_in_dim3A_3 masked %lt3A_38 {add = true} : memref<10000xf32, #tpu.memory_space<vmem>>[vector<16xi32>], vector<16xf32>, vector<16xi1>
    %mul3A_40 = arith.constant 10000 : i32
    %mul3A_41 = arith.muli %add3A, %mul3A_40 : i32
    "tpu.region"() ({
      %run_scoped3A = tpu.sem_alloc : memref<!tpu.dma_semaphore, #tpu.memory_space<semaphore_mem>>
      %dma_start3A_42 = tpu.memref_slice %arg3[%mul3A_41] : memref<320000xf32, #tpu.memory_space<hbm>> -> memref<10000xf32, #tpu.memory_space<hbm>>
      %dma_start3A_43 = tpu.memref_slice %arg3[%mul3A_41] : memref<320000xf32, #tpu.memory_space<hbm>> -> memref<10000xf32, #tpu.memory_space<hbm>>
      tpu.enqueue_dma source(%arg4 : memref<10000xf32, #tpu.memory_space<vmem>>) target(%dma_start3A_43 : memref<10000xf32, #tpu.memory_space<hbm>>) target_semaphore(%run_scoped3A : memref<!tpu.dma_semaphore, #tpu.memory_space<semaphore_mem>>)
      %dma_wait3A = tpu.memref_slice %arg3[%mul3A_41] : memref<320000xf32, #tpu.memory_space<hbm>> -> memref<10000xf32, #tpu.memory_space<hbm>>
      %dma_wait3A_44 = tpu.memref_slice %arg3[%mul3A_41] : memref<320000xf32, #tpu.memory_space<hbm>> -> memref<10000xf32, #tpu.memory_space<hbm>>
      tpu.wait_dma2 semaphore(%run_scoped3A : memref<!tpu.dma_semaphore, #tpu.memory_space<semaphore_mem>>) src(%arg4 : memref<10000xf32, #tpu.memory_space<vmem>>) dst(%dma_wait3A_44 : memref<10000xf32, #tpu.memory_space<hbm>>)
      tpu.yield
    }) : () -> ()
    return
  }
}

#map = affine_map<(d0, d1) -> (0, 0)>
#map1 = affine_map<(d0, d1) -> (0)>
module attributes {stable_mosaic.version = 14 : i64} {
  func.func @kfn(%arg0: i32, %arg1: i32, %arg2: memref<20000x128xf32, #tpu.memory_space<hbm>>, %arg3: memref<320000xi32, #tpu.memory_space<hbm>>, %arg4: memref<320000xi32, #tpu.memory_space<hbm>>, %arg5: memref<20000x128xf32, #tpu.memory_space<hbm>>, %arg6: memref<10000x128xf32, #tpu.memory_space<vmem_shared>>, %arg7: memref<96xi32, #tpu.memory_space<vmem>>, %arg8: memref<96xi32, #tpu.memory_space<vmem>>, %arg9: memref<96xi32, #tpu.memory_space<vmem>>, %arg10: memref<96xi32, #tpu.memory_space<vmem>>, %arg11: memref<96xi32, #tpu.memory_space<vmem>>, %arg12: memref<96xi32, #tpu.memory_space<vmem>>, %arg13: memref<96xi32, #tpu.memory_space<vmem>>, %arg14: memref<96xi32, #tpu.memory_space<vmem>>, %arg15: memref<96x128xf32, #tpu.memory_space<vmem>>, %arg16: memref<96x128xf32, #tpu.memory_space<vmem>>, %arg17: memref<96x128xf32, #tpu.memory_space<vmem>>, %arg18: memref<96x128xf32, #tpu.memory_space<vmem>>, %arg19: memref<!tpu.dma_semaphore, #tpu.memory_space<semaphore_mem>>, %arg20: memref<!tpu.dma_semaphore, #tpu.memory_space<semaphore_mem>>, %arg21: memref<!tpu.dma_semaphore, #tpu.memory_space<semaphore_mem>>, %arg22: memref<!tpu.dma_semaphore, #tpu.memory_space<semaphore_mem>>, %arg23: memref<!tpu.dma_semaphore, #tpu.memory_space<semaphore_mem>>, %arg24: memref<!tpu.dma_semaphore, #tpu.memory_space<semaphore_mem>>, %arg25: memref<!tpu.dma_semaphore, #tpu.memory_space<semaphore_mem>>, %arg26: memref<!tpu.dma_semaphore, #tpu.memory_space<semaphore_mem>>, %arg27: memref<!tpu.dma_semaphore, #tpu.memory_space<semaphore_mem>>, %arg28: memref<!tpu.dma_semaphore, #tpu.memory_space<semaphore_mem>>, %arg29: memref<!tpu.dma_semaphore, #tpu.memory_space<semaphore_mem>>, %arg30: memref<!tpu.dma_semaphore, #tpu.memory_space<semaphore_mem>>, %arg31: memref<16xi32, #tpu.memory_space<vmem>>, %arg32: memref<16xi32, #tpu.memory_space<vmem>>) attributes {dimension_semantics = [#tpu.dimension_semantics<core_parallel>, #tpu.dimension_semantics<subcore_parallel>], iteration_bounds = array<i64: 2, 16>, scalar_prefetch = 0 : i64, scratch_operands = 27 : i64, tpu.core_type = #tpu.core_type<sc_vector_subcore>, window_params = [{transform_indices = #map}, {transform_indices = #map1}, {transform_indices = #map1}, {transform_indices = #map}]} {
    %mul3A = arith.constant 10000 : i32
    %mul3A_0 = arith.muli %arg0, %mul3A : i32
    %mul3A_1 = arith.constant 624 : i32
    %mul3A_2 = arith.muli %arg1, %mul3A_1 : i32
    %add3A = arith.addi %mul3A_0, %mul3A_2 : i32
    %multiple_of3A = tpu.assume_multiple %add3A, 8 : i32
    %mul3A_3 = arith.constant 624 : i32
    %mul3A_4 = arith.muli %arg1, %mul3A_3 : i32
    "tpu.region"() ({
      %run_scoped3A = tpu.sem_alloc : memref<!tpu.dma_semaphore, #tpu.memory_space<semaphore_mem>>
      %dma_start3A_152 = arith.constant 0 : i32
      %dma_start3A_153 = tpu.memref_slice %arg6[%mul3A_4, %dma_start3A_152] : memref<10000x128xf32, #tpu.memory_space<vmem_shared>> -> memref<624x128xf32, #tpu.memory_space<vmem_shared>>
      %dma_start3A_154 = arith.constant 0 : i32
      %dma_start3A_155 = tpu.memref_slice %arg2[%multiple_of3A, %dma_start3A_154] : memref<20000x128xf32, #tpu.memory_space<hbm>> -> memref<624x128xf32, #tpu.memory_space<hbm>>
      tpu.enqueue_dma source(%dma_start3A_155 : memref<624x128xf32, #tpu.memory_space<hbm>>) target(%dma_start3A_153 : memref<624x128xf32, #tpu.memory_space<vmem_shared>>) target_semaphore(%run_scoped3A : memref<!tpu.dma_semaphore, #tpu.memory_space<semaphore_mem>>)
      %dma_wait3A_156 = arith.constant 0 : i32
      %dma_wait3A_157 = tpu.memref_slice %arg6[%mul3A_4, %dma_wait3A_156] : memref<10000x128xf32, #tpu.memory_space<vmem_shared>> -> memref<624x128xf32, #tpu.memory_space<vmem_shared>>
      %dma_wait3A_158 = arith.constant 0 : i32
      %dma_wait3A_159 = tpu.memref_slice %arg2[%multiple_of3A, %dma_wait3A_158] : memref<20000x128xf32, #tpu.memory_space<hbm>> -> memref<624x128xf32, #tpu.memory_space<hbm>>
      tpu.wait_dma2 semaphore(%run_scoped3A : memref<!tpu.dma_semaphore, #tpu.memory_space<semaphore_mem>>) src(%dma_wait3A_159 : memref<624x128xf32, #tpu.memory_space<hbm>>) dst(%dma_wait3A_157 : memref<624x128xf32, #tpu.memory_space<vmem_shared>>)
      tpu.yield
    }) : () -> ()
    %eq3A = arith.constant 15 : i32
    %eq3A_5 = arith.cmpi eq, %arg1, %eq3A : i32
    %convert_element_type3A = arith.extui %eq3A_5 : i1 to i32
    %cond3A = arith.constant 0 : i32
    %cond3A_6 = arith.cmpi ne, %convert_element_type3A, %cond3A : i32
    scf.if %cond3A_6 {
      %mul3A_152 = arith.constant 10000 : i32
      %mul3A_153 = arith.muli %arg0, %mul3A_152 : i32
      %add3A_154 = arith.constant 9984 : i32
      %add3A_155 = arith.addi %mul3A_153, %add3A_154 : i32
      %multiple_of3A_156 = tpu.assume_multiple %add3A_155, 8 : i32
      "tpu.region"() ({
        %run_scoped3A = tpu.sem_alloc : memref<!tpu.dma_semaphore, #tpu.memory_space<semaphore_mem>>
        %dma_start3A_157 = arith.constant 9984 : i32
        %dma_start3A_158 = arith.constant 0 : i32
        %dma_start3A_159 = tpu.memref_slice %arg6[%dma_start3A_157, %dma_start3A_158] : memref<10000x128xf32, #tpu.memory_space<vmem_shared>> -> memref<16x128xf32, #tpu.memory_space<vmem_shared>>
        %dma_start3A_160 = arith.constant 0 : i32
        %dma_start3A_161 = tpu.memref_slice %arg2[%multiple_of3A_156, %dma_start3A_160] : memref<20000x128xf32, #tpu.memory_space<hbm>> -> memref<16x128xf32, #tpu.memory_space<hbm>>
        tpu.enqueue_dma source(%dma_start3A_161 : memref<16x128xf32, #tpu.memory_space<hbm>>) target(%dma_start3A_159 : memref<16x128xf32, #tpu.memory_space<vmem_shared>>) target_semaphore(%run_scoped3A : memref<!tpu.dma_semaphore, #tpu.memory_space<semaphore_mem>>)
        %dma_wait3A_162 = arith.constant 9984 : i32
        %dma_wait3A_163 = arith.constant 0 : i32
        %dma_wait3A_164 = tpu.memref_slice %arg6[%dma_wait3A_162, %dma_wait3A_163] : memref<10000x128xf32, #tpu.memory_space<vmem_shared>> -> memref<16x128xf32, #tpu.memory_space<vmem_shared>>
        %dma_wait3A_165 = arith.constant 0 : i32
        %dma_wait3A_166 = tpu.memref_slice %arg2[%multiple_of3A_156, %dma_wait3A_165] : memref<20000x128xf32, #tpu.memory_space<hbm>> -> memref<16x128xf32, #tpu.memory_space<hbm>>
        tpu.wait_dma2 semaphore(%run_scoped3A : memref<!tpu.dma_semaphore, #tpu.memory_space<semaphore_mem>>) src(%dma_wait3A_166 : memref<16x128xf32, #tpu.memory_space<hbm>>) dst(%dma_wait3A_164 : memref<16x128xf32, #tpu.memory_space<vmem_shared>>)
        tpu.yield
      }) : () -> ()
    } else {
    }
    %barrier3A = arith.constant 0 : index
    tpu.barrier barrier_id(%barrier3A)
    %mul3A_7 = arith.constant 160000 : i32
    %mul3A_8 = arith.muli %arg0, %mul3A_7 : i32
    %mul3A_9 = arith.constant 10000 : i32
    %mul3A_10 = arith.muli %arg1, %mul3A_9 : i32
    %add3A_11 = arith.addi %mul3A_8, %mul3A_10 : i32
    %add3A_12 = arith.constant 0 : i32
    %add3A_13 = arith.addi %add3A_11, %add3A_12 : i32
    %multiple_of3A_14 = tpu.assume_multiple %add3A_13, 8 : i32
    %dma_start3A = tpu.memref_slice %arg3[%multiple_of3A_14] : memref<320000xi32, #tpu.memory_space<hbm>> -> memref<96xi32, #tpu.memory_space<hbm>>
    %dma_start3A_15 = tpu.memref_slice %arg3[%multiple_of3A_14] : memref<320000xi32, #tpu.memory_space<hbm>> -> memref<96xi32, #tpu.memory_space<hbm>>
    tpu.enqueue_dma source(%dma_start3A_15 : memref<96xi32, #tpu.memory_space<hbm>>) target(%arg7 : memref<96xi32, #tpu.memory_space<vmem>>) target_semaphore(%arg19 : memref<!tpu.dma_semaphore, #tpu.memory_space<semaphore_mem>>)
    %dma_start3A_16 = tpu.memref_slice %arg4[%multiple_of3A_14] : memref<320000xi32, #tpu.memory_space<hbm>> -> memref<96xi32, #tpu.memory_space<hbm>>
    %dma_start3A_17 = tpu.memref_slice %arg4[%multiple_of3A_14] : memref<320000xi32, #tpu.memory_space<hbm>> -> memref<96xi32, #tpu.memory_space<hbm>>
    tpu.enqueue_dma source(%dma_start3A_17 : memref<96xi32, #tpu.memory_space<hbm>>) target(%arg11 : memref<96xi32, #tpu.memory_space<vmem>>) target_semaphore(%arg19 : memref<!tpu.dma_semaphore, #tpu.memory_space<semaphore_mem>>)
    %add3A_18 = arith.constant 96 : i32
    %add3A_19 = arith.addi %add3A_11, %add3A_18 : i32
    %multiple_of3A_20 = tpu.assume_multiple %add3A_19, 8 : i32
    %dma_start3A_21 = tpu.memref_slice %arg3[%multiple_of3A_20] : memref<320000xi32, #tpu.memory_space<hbm>> -> memref<96xi32, #tpu.memory_space<hbm>>
    %dma_start3A_22 = tpu.memref_slice %arg3[%multiple_of3A_20] : memref<320000xi32, #tpu.memory_space<hbm>> -> memref<96xi32, #tpu.memory_space<hbm>>
    tpu.enqueue_dma source(%dma_start3A_22 : memref<96xi32, #tpu.memory_space<hbm>>) target(%arg8 : memref<96xi32, #tpu.memory_space<vmem>>) target_semaphore(%arg20 : memref<!tpu.dma_semaphore, #tpu.memory_space<semaphore_mem>>)
    %dma_start3A_23 = tpu.memref_slice %arg4[%multiple_of3A_20] : memref<320000xi32, #tpu.memory_space<hbm>> -> memref<96xi32, #tpu.memory_space<hbm>>
    %dma_start3A_24 = tpu.memref_slice %arg4[%multiple_of3A_20] : memref<320000xi32, #tpu.memory_space<hbm>> -> memref<96xi32, #tpu.memory_space<hbm>>
    tpu.enqueue_dma source(%dma_start3A_24 : memref<96xi32, #tpu.memory_space<hbm>>) target(%arg12 : memref<96xi32, #tpu.memory_space<vmem>>) target_semaphore(%arg20 : memref<!tpu.dma_semaphore, #tpu.memory_space<semaphore_mem>>)
    %dma_wait3A = arith.constant 0 : i32
    %dma_wait3A_25 = tpu.memref_slice %arg3[%dma_wait3A] : memref<320000xi32, #tpu.memory_space<hbm>> -> memref<96xi32, #tpu.memory_space<hbm>>
    %dma_wait3A_26 = arith.constant 0 : i32
    %dma_wait3A_27 = tpu.memref_slice %arg3[%dma_wait3A_26] : memref<320000xi32, #tpu.memory_space<hbm>> -> memref<96xi32, #tpu.memory_space<hbm>>
    tpu.wait_dma2 semaphore(%arg19 : memref<!tpu.dma_semaphore, #tpu.memory_space<semaphore_mem>>) src(%dma_wait3A_27 : memref<96xi32, #tpu.memory_space<hbm>>) dst(%arg7 : memref<96xi32, #tpu.memory_space<vmem>>)
    %dma_wait3A_28 = arith.constant 0 : i32
    %dma_wait3A_29 = tpu.memref_slice %arg4[%dma_wait3A_28] : memref<320000xi32, #tpu.memory_space<hbm>> -> memref<96xi32, #tpu.memory_space<hbm>>
    %dma_wait3A_30 = arith.constant 0 : i32
    %dma_wait3A_31 = tpu.memref_slice %arg4[%dma_wait3A_30] : memref<320000xi32, #tpu.memory_space<hbm>> -> memref<96xi32, #tpu.memory_space<hbm>>
    tpu.wait_dma2 semaphore(%arg19 : memref<!tpu.dma_semaphore, #tpu.memory_space<semaphore_mem>>) src(%dma_wait3A_31 : memref<96xi32, #tpu.memory_space<hbm>>) dst(%arg11 : memref<96xi32, #tpu.memory_space<vmem>>)
    %dma_start3A_32 = arith.constant 0 : i32
    %dma_start3A_33 = arith.constant 0 : i32
    %dma_start3A_34 = tpu.memref_slice %arg2[%dma_start3A_32, %dma_start3A_33] : memref<20000x128xf32, #tpu.memory_space<hbm>> -> memref<20000x128xf32, #tpu.memory_space<hbm>>
    tpu.enqueue_indirect_dma source(%dma_start3A_34 : memref<20000x128xf32, #tpu.memory_space<hbm>>) target(%arg15 : memref<96x128xf32, #tpu.memory_space<vmem>>) offsets(%arg7 : memref<96xi32, #tpu.memory_space<vmem>>) semaphore(%arg23 : memref<!tpu.dma_semaphore, #tpu.memory_space<semaphore_mem>>)
    %add3A_35 = arith.constant 192 : i32
    %add3A_36 = arith.addi %add3A_11, %add3A_35 : i32
    %multiple_of3A_37 = tpu.assume_multiple %add3A_36, 8 : i32
    %dma_start3A_38 = tpu.memref_slice %arg3[%multiple_of3A_37] : memref<320000xi32, #tpu.memory_space<hbm>> -> memref<96xi32, #tpu.memory_space<hbm>>
    %dma_start3A_39 = tpu.memref_slice %arg3[%multiple_of3A_37] : memref<320000xi32, #tpu.memory_space<hbm>> -> memref<96xi32, #tpu.memory_space<hbm>>
    tpu.enqueue_dma source(%dma_start3A_39 : memref<96xi32, #tpu.memory_space<hbm>>) target(%arg9 : memref<96xi32, #tpu.memory_space<vmem>>) target_semaphore(%arg21 : memref<!tpu.dma_semaphore, #tpu.memory_space<semaphore_mem>>)
    %dma_start3A_40 = tpu.memref_slice %arg4[%multiple_of3A_37] : memref<320000xi32, #tpu.memory_space<hbm>> -> memref<96xi32, #tpu.memory_space<hbm>>
    %dma_start3A_41 = tpu.memref_slice %arg4[%multiple_of3A_37] : memref<320000xi32, #tpu.memory_space<hbm>> -> memref<96xi32, #tpu.memory_space<hbm>>
    tpu.enqueue_dma source(%dma_start3A_41 : memref<96xi32, #tpu.memory_space<hbm>>) target(%arg13 : memref<96xi32, #tpu.memory_space<vmem>>) target_semaphore(%arg21 : memref<!tpu.dma_semaphore, #tpu.memory_space<semaphore_mem>>)
    %dma_wait3A_42 = arith.constant 0 : i32
    %dma_wait3A_43 = tpu.memref_slice %arg3[%dma_wait3A_42] : memref<320000xi32, #tpu.memory_space<hbm>> -> memref<96xi32, #tpu.memory_space<hbm>>
    %dma_wait3A_44 = arith.constant 0 : i32
    %dma_wait3A_45 = tpu.memref_slice %arg3[%dma_wait3A_44] : memref<320000xi32, #tpu.memory_space<hbm>> -> memref<96xi32, #tpu.memory_space<hbm>>
    tpu.wait_dma2 semaphore(%arg20 : memref<!tpu.dma_semaphore, #tpu.memory_space<semaphore_mem>>) src(%dma_wait3A_45 : memref<96xi32, #tpu.memory_space<hbm>>) dst(%arg8 : memref<96xi32, #tpu.memory_space<vmem>>)
    %dma_wait3A_46 = arith.constant 0 : i32
    %dma_wait3A_47 = tpu.memref_slice %arg4[%dma_wait3A_46] : memref<320000xi32, #tpu.memory_space<hbm>> -> memref<96xi32, #tpu.memory_space<hbm>>
    %dma_wait3A_48 = arith.constant 0 : i32
    %dma_wait3A_49 = tpu.memref_slice %arg4[%dma_wait3A_48] : memref<320000xi32, #tpu.memory_space<hbm>> -> memref<96xi32, #tpu.memory_space<hbm>>
    tpu.wait_dma2 semaphore(%arg20 : memref<!tpu.dma_semaphore, #tpu.memory_space<semaphore_mem>>) src(%dma_wait3A_49 : memref<96xi32, #tpu.memory_space<hbm>>) dst(%arg12 : memref<96xi32, #tpu.memory_space<vmem>>)
    %dma_start3A_50 = arith.constant 0 : i32
    %dma_start3A_51 = arith.constant 0 : i32
    %dma_start3A_52 = tpu.memref_slice %arg2[%dma_start3A_50, %dma_start3A_51] : memref<20000x128xf32, #tpu.memory_space<hbm>> -> memref<20000x128xf32, #tpu.memory_space<hbm>>
    tpu.enqueue_indirect_dma source(%dma_start3A_52 : memref<20000x128xf32, #tpu.memory_space<hbm>>) target(%arg16 : memref<96x128xf32, #tpu.memory_space<vmem>>) offsets(%arg8 : memref<96xi32, #tpu.memory_space<vmem>>) semaphore(%arg24 : memref<!tpu.dma_semaphore, #tpu.memory_space<semaphore_mem>>)
    %dma_wait3A_53 = arith.constant 0 : i32
    %dma_wait3A_54 = arith.constant 0 : i32
    %dma_wait3A_55 = tpu.memref_slice %arg2[%dma_wait3A_53, %dma_wait3A_54] : memref<20000x128xf32, #tpu.memory_space<hbm>> -> memref<20000x128xf32, #tpu.memory_space<hbm>>
    tpu.wait_indirect_dma semaphore(%arg23 : memref<!tpu.dma_semaphore, #tpu.memory_space<semaphore_mem>>) src(%dma_wait3A_55 : memref<20000x128xf32, #tpu.memory_space<hbm>>) dst(%arg15 : memref<96x128xf32, #tpu.memory_space<vmem>>)
    %dma_start3A_56 = arith.constant 0 : i32
    %dma_start3A_57 = arith.constant 0 : i32
    %dma_start3A_58 = tpu.memref_slice %arg6[%dma_start3A_56, %dma_start3A_57] : memref<10000x128xf32, #tpu.memory_space<vmem_shared>> -> memref<10000x128xf32, #tpu.memory_space<vmem_shared>>
    tpu.enqueue_indirect_dma source(%arg15 : memref<96x128xf32, #tpu.memory_space<vmem>>) target(%dma_start3A_58 : memref<10000x128xf32, #tpu.memory_space<vmem_shared>>) offsets(%arg11 : memref<96xi32, #tpu.memory_space<vmem>>) semaphore(%arg27 : memref<!tpu.dma_semaphore, #tpu.memory_space<semaphore_mem>>) {add = true}
    %add3A_59 = arith.constant 288 : i32
    %add3A_60 = arith.addi %add3A_11, %add3A_59 : i32
    %multiple_of3A_61 = tpu.assume_multiple %add3A_60, 8 : i32
    %dma_start3A_62 = tpu.memref_slice %arg3[%multiple_of3A_61] : memref<320000xi32, #tpu.memory_space<hbm>> -> memref<96xi32, #tpu.memory_space<hbm>>
    %dma_start3A_63 = tpu.memref_slice %arg3[%multiple_of3A_61] : memref<320000xi32, #tpu.memory_space<hbm>> -> memref<96xi32, #tpu.memory_space<hbm>>
    tpu.enqueue_dma source(%dma_start3A_63 : memref<96xi32, #tpu.memory_space<hbm>>) target(%arg10 : memref<96xi32, #tpu.memory_space<vmem>>) target_semaphore(%arg22 : memref<!tpu.dma_semaphore, #tpu.memory_space<semaphore_mem>>)
    %dma_start3A_64 = tpu.memref_slice %arg4[%multiple_of3A_61] : memref<320000xi32, #tpu.memory_space<hbm>> -> memref<96xi32, #tpu.memory_space<hbm>>
    %dma_start3A_65 = tpu.memref_slice %arg4[%multiple_of3A_61] : memref<320000xi32, #tpu.memory_space<hbm>> -> memref<96xi32, #tpu.memory_space<hbm>>
    tpu.enqueue_dma source(%dma_start3A_65 : memref<96xi32, #tpu.memory_space<hbm>>) target(%arg14 : memref<96xi32, #tpu.memory_space<vmem>>) target_semaphore(%arg22 : memref<!tpu.dma_semaphore, #tpu.memory_space<semaphore_mem>>)
    %dma_wait3A_66 = arith.constant 0 : i32
    %dma_wait3A_67 = tpu.memref_slice %arg3[%dma_wait3A_66] : memref<320000xi32, #tpu.memory_space<hbm>> -> memref<96xi32, #tpu.memory_space<hbm>>
    %dma_wait3A_68 = arith.constant 0 : i32
    %dma_wait3A_69 = tpu.memref_slice %arg3[%dma_wait3A_68] : memref<320000xi32, #tpu.memory_space<hbm>> -> memref<96xi32, #tpu.memory_space<hbm>>
    tpu.wait_dma2 semaphore(%arg21 : memref<!tpu.dma_semaphore, #tpu.memory_space<semaphore_mem>>) src(%dma_wait3A_69 : memref<96xi32, #tpu.memory_space<hbm>>) dst(%arg9 : memref<96xi32, #tpu.memory_space<vmem>>)
    %dma_wait3A_70 = arith.constant 0 : i32
    %dma_wait3A_71 = tpu.memref_slice %arg4[%dma_wait3A_70] : memref<320000xi32, #tpu.memory_space<hbm>> -> memref<96xi32, #tpu.memory_space<hbm>>
    %dma_wait3A_72 = arith.constant 0 : i32
    %dma_wait3A_73 = tpu.memref_slice %arg4[%dma_wait3A_72] : memref<320000xi32, #tpu.memory_space<hbm>> -> memref<96xi32, #tpu.memory_space<hbm>>
    tpu.wait_dma2 semaphore(%arg21 : memref<!tpu.dma_semaphore, #tpu.memory_space<semaphore_mem>>) src(%dma_wait3A_73 : memref<96xi32, #tpu.memory_space<hbm>>) dst(%arg13 : memref<96xi32, #tpu.memory_space<vmem>>)
    %dma_start3A_74 = arith.constant 0 : i32
    %dma_start3A_75 = arith.constant 0 : i32
    %dma_start3A_76 = tpu.memref_slice %arg2[%dma_start3A_74, %dma_start3A_75] : memref<20000x128xf32, #tpu.memory_space<hbm>> -> memref<20000x128xf32, #tpu.memory_space<hbm>>
    tpu.enqueue_indirect_dma source(%dma_start3A_76 : memref<20000x128xf32, #tpu.memory_space<hbm>>) target(%arg17 : memref<96x128xf32, #tpu.memory_space<vmem>>) offsets(%arg9 : memref<96xi32, #tpu.memory_space<vmem>>) semaphore(%arg25 : memref<!tpu.dma_semaphore, #tpu.memory_space<semaphore_mem>>)
    %dma_wait3A_77 = arith.constant 0 : i32
    %dma_wait3A_78 = arith.constant 0 : i32
    %dma_wait3A_79 = tpu.memref_slice %arg2[%dma_wait3A_77, %dma_wait3A_78] : memref<20000x128xf32, #tpu.memory_space<hbm>> -> memref<20000x128xf32, #tpu.memory_space<hbm>>
    tpu.wait_indirect_dma semaphore(%arg24 : memref<!tpu.dma_semaphore, #tpu.memory_space<semaphore_mem>>) src(%dma_wait3A_79 : memref<20000x128xf32, #tpu.memory_space<hbm>>) dst(%arg16 : memref<96x128xf32, #tpu.memory_space<vmem>>)
    %dma_start3A_80 = arith.constant 0 : i32
    %dma_start3A_81 = arith.constant 0 : i32
    %dma_start3A_82 = tpu.memref_slice %arg6[%dma_start3A_80, %dma_start3A_81] : memref<10000x128xf32, #tpu.memory_space<vmem_shared>> -> memref<10000x128xf32, #tpu.memory_space<vmem_shared>>
    tpu.enqueue_indirect_dma source(%arg16 : memref<96x128xf32, #tpu.memory_space<vmem>>) target(%dma_start3A_82 : memref<10000x128xf32, #tpu.memory_space<vmem_shared>>) offsets(%arg12 : memref<96xi32, #tpu.memory_space<vmem>>) semaphore(%arg28 : memref<!tpu.dma_semaphore, #tpu.memory_space<semaphore_mem>>) {add = true}
    %scan3A = arith.constant 0 : i32
    %scan3A_83 = arith.constant 1 : i32
    %scan3A_84 = arith.constant 25 : i32
    %scan3A_85 = arith.addi %scan3A_83, %scan3A_84 : i32
    %scan3A_86 = arith.constant 1 : i32
    scf.for %scan3A_152 = %scan3A_83 to %scan3A_85 step %scan3A_86  : i32 {
      %mul3A_153 = arith.constant 384 : i32
      %mul3A_154 = arith.muli %scan3A_152, %mul3A_153 : i32
      %add3A_155 = arith.addi %add3A_11, %mul3A_154 : i32
      %dma_wait3A_156 = arith.constant 0 : i32
      %dma_wait3A_157 = arith.constant 0 : i32
      %dma_wait3A_158 = tpu.memref_slice %arg6[%dma_wait3A_156, %dma_wait3A_157] : memref<10000x128xf32, #tpu.memory_space<vmem_shared>> -> memref<10000x128xf32, #tpu.memory_space<vmem_shared>>
      tpu.wait_indirect_dma semaphore(%arg27 : memref<!tpu.dma_semaphore, #tpu.memory_space<semaphore_mem>>) src(%arg15 : memref<96x128xf32, #tpu.memory_space<vmem>>) dst(%dma_wait3A_158 : memref<10000x128xf32, #tpu.memory_space<vmem_shared>>)
      %add3A_159 = arith.constant 0 : i32
      %add3A_160 = arith.addi %add3A_155, %add3A_159 : i32
      %multiple_of3A_161 = tpu.assume_multiple %add3A_160, 8 : i32
      %dma_start3A_162 = tpu.memref_slice %arg3[%multiple_of3A_161] : memref<320000xi32, #tpu.memory_space<hbm>> -> memref<96xi32, #tpu.memory_space<hbm>>
      %dma_start3A_163 = tpu.memref_slice %arg3[%multiple_of3A_161] : memref<320000xi32, #tpu.memory_space<hbm>> -> memref<96xi32, #tpu.memory_space<hbm>>
      tpu.enqueue_dma source(%dma_start3A_163 : memref<96xi32, #tpu.memory_space<hbm>>) target(%arg7 : memref<96xi32, #tpu.memory_space<vmem>>) target_semaphore(%arg19 : memref<!tpu.dma_semaphore, #tpu.memory_space<semaphore_mem>>)
      %dma_start3A_164 = tpu.memref_slice %arg4[%multiple_of3A_161] : memref<320000xi32, #tpu.memory_space<hbm>> -> memref<96xi32, #tpu.memory_space<hbm>>
      %dma_start3A_165 = tpu.memref_slice %arg4[%multiple_of3A_161] : memref<320000xi32, #tpu.memory_space<hbm>> -> memref<96xi32, #tpu.memory_space<hbm>>
      tpu.enqueue_dma source(%dma_start3A_165 : memref<96xi32, #tpu.memory_space<hbm>>) target(%arg11 : memref<96xi32, #tpu.memory_space<vmem>>) target_semaphore(%arg19 : memref<!tpu.dma_semaphore, #tpu.memory_space<semaphore_mem>>)
      %dma_wait3A_166 = arith.constant 0 : i32
      %dma_wait3A_167 = tpu.memref_slice %arg3[%dma_wait3A_166] : memref<320000xi32, #tpu.memory_space<hbm>> -> memref<96xi32, #tpu.memory_space<hbm>>
      %dma_wait3A_168 = arith.constant 0 : i32
      %dma_wait3A_169 = tpu.memref_slice %arg3[%dma_wait3A_168] : memref<320000xi32, #tpu.memory_space<hbm>> -> memref<96xi32, #tpu.memory_space<hbm>>
      tpu.wait_dma2 semaphore(%arg22 : memref<!tpu.dma_semaphore, #tpu.memory_space<semaphore_mem>>) src(%dma_wait3A_169 : memref<96xi32, #tpu.memory_space<hbm>>) dst(%arg10 : memref<96xi32, #tpu.memory_space<vmem>>)
      %dma_wait3A_170 = arith.constant 0 : i32
      %dma_wait3A_171 = tpu.memref_slice %arg4[%dma_wait3A_170] : memref<320000xi32, #tpu.memory_space<hbm>> -> memref<96xi32, #tpu.memory_space<hbm>>
      %dma_wait3A_172 = arith.constant 0 : i32
      %dma_wait3A_173 = tpu.memref_slice %arg4[%dma_wait3A_172] : memref<320000xi32, #tpu.memory_space<hbm>> -> memref<96xi32, #tpu.memory_space<hbm>>
      tpu.wait_dma2 semaphore(%arg22 : memref<!tpu.dma_semaphore, #tpu.memory_space<semaphore_mem>>) src(%dma_wait3A_173 : memref<96xi32, #tpu.memory_space<hbm>>) dst(%arg14 : memref<96xi32, #tpu.memory_space<vmem>>)
      %dma_start3A_174 = arith.constant 0 : i32
      %dma_start3A_175 = arith.constant 0 : i32
      %dma_start3A_176 = tpu.memref_slice %arg2[%dma_start3A_174, %dma_start3A_175] : memref<20000x128xf32, #tpu.memory_space<hbm>> -> memref<20000x128xf32, #tpu.memory_space<hbm>>
      tpu.enqueue_indirect_dma source(%dma_start3A_176 : memref<20000x128xf32, #tpu.memory_space<hbm>>) target(%arg18 : memref<96x128xf32, #tpu.memory_space<vmem>>) offsets(%arg10 : memref<96xi32, #tpu.memory_space<vmem>>) semaphore(%arg26 : memref<!tpu.dma_semaphore, #tpu.memory_space<semaphore_mem>>)
      %dma_wait3A_177 = arith.constant 0 : i32
      %dma_wait3A_178 = arith.constant 0 : i32
      %dma_wait3A_179 = tpu.memref_slice %arg2[%dma_wait3A_177, %dma_wait3A_178] : memref<20000x128xf32, #tpu.memory_space<hbm>> -> memref<20000x128xf32, #tpu.memory_space<hbm>>
      tpu.wait_indirect_dma semaphore(%arg25 : memref<!tpu.dma_semaphore, #tpu.memory_space<semaphore_mem>>) src(%dma_wait3A_179 : memref<20000x128xf32, #tpu.memory_space<hbm>>) dst(%arg17 : memref<96x128xf32, #tpu.memory_space<vmem>>)
      %dma_start3A_180 = arith.constant 0 : i32
      %dma_start3A_181 = arith.constant 0 : i32
      %dma_start3A_182 = tpu.memref_slice %arg6[%dma_start3A_180, %dma_start3A_181] : memref<10000x128xf32, #tpu.memory_space<vmem_shared>> -> memref<10000x128xf32, #tpu.memory_space<vmem_shared>>
      tpu.enqueue_indirect_dma source(%arg17 : memref<96x128xf32, #tpu.memory_space<vmem>>) target(%dma_start3A_182 : memref<10000x128xf32, #tpu.memory_space<vmem_shared>>) offsets(%arg13 : memref<96xi32, #tpu.memory_space<vmem>>) semaphore(%arg29 : memref<!tpu.dma_semaphore, #tpu.memory_space<semaphore_mem>>) {add = true}
      %dma_wait3A_183 = arith.constant 0 : i32
      %dma_wait3A_184 = arith.constant 0 : i32
      %dma_wait3A_185 = tpu.memref_slice %arg6[%dma_wait3A_183, %dma_wait3A_184] : memref<10000x128xf32, #tpu.memory_space<vmem_shared>> -> memref<10000x128xf32, #tpu.memory_space<vmem_shared>>
      tpu.wait_indirect_dma semaphore(%arg28 : memref<!tpu.dma_semaphore, #tpu.memory_space<semaphore_mem>>) src(%arg16 : memref<96x128xf32, #tpu.memory_space<vmem>>) dst(%dma_wait3A_185 : memref<10000x128xf32, #tpu.memory_space<vmem_shared>>)
      %add3A_186 = arith.constant 96 : i32
      %add3A_187 = arith.addi %add3A_155, %add3A_186 : i32
      %multiple_of3A_188 = tpu.assume_multiple %add3A_187, 8 : i32
      %dma_start3A_189 = tpu.memref_slice %arg3[%multiple_of3A_188] : memref<320000xi32, #tpu.memory_space<hbm>> -> memref<96xi32, #tpu.memory_space<hbm>>
      %dma_start3A_190 = tpu.memref_slice %arg3[%multiple_of3A_188] : memref<320000xi32, #tpu.memory_space<hbm>> -> memref<96xi32, #tpu.memory_space<hbm>>
      tpu.enqueue_dma source(%dma_start3A_190 : memref<96xi32, #tpu.memory_space<hbm>>) target(%arg8 : memref<96xi32, #tpu.memory_space<vmem>>) target_semaphore(%arg20 : memref<!tpu.dma_semaphore, #tpu.memory_space<semaphore_mem>>)
      %dma_start3A_191 = tpu.memref_slice %arg4[%multiple_of3A_188] : memref<320000xi32, #tpu.memory_space<hbm>> -> memref<96xi32, #tpu.memory_space<hbm>>
      %dma_start3A_192 = tpu.memref_slice %arg4[%multiple_of3A_188] : memref<320000xi32, #tpu.memory_space<hbm>> -> memref<96xi32, #tpu.memory_space<hbm>>
      tpu.enqueue_dma source(%dma_start3A_192 : memref<96xi32, #tpu.memory_space<hbm>>) target(%arg12 : memref<96xi32, #tpu.memory_space<vmem>>) target_semaphore(%arg20 : memref<!tpu.dma_semaphore, #tpu.memory_space<semaphore_mem>>)
      %dma_wait3A_193 = arith.constant 0 : i32
      %dma_wait3A_194 = tpu.memref_slice %arg3[%dma_wait3A_193] : memref<320000xi32, #tpu.memory_space<hbm>> -> memref<96xi32, #tpu.memory_space<hbm>>
      %dma_wait3A_195 = arith.constant 0 : i32
      %dma_wait3A_196 = tpu.memref_slice %arg3[%dma_wait3A_195] : memref<320000xi32, #tpu.memory_space<hbm>> -> memref<96xi32, #tpu.memory_space<hbm>>
      tpu.wait_dma2 semaphore(%arg19 : memref<!tpu.dma_semaphore, #tpu.memory_space<semaphore_mem>>) src(%dma_wait3A_196 : memref<96xi32, #tpu.memory_space<hbm>>) dst(%arg7 : memref<96xi32, #tpu.memory_space<vmem>>)
      %dma_wait3A_197 = arith.constant 0 : i32
      %dma_wait3A_198 = tpu.memref_slice %arg4[%dma_wait3A_197] : memref<320000xi32, #tpu.memory_space<hbm>> -> memref<96xi32, #tpu.memory_space<hbm>>
      %dma_wait3A_199 = arith.constant 0 : i32
      %dma_wait3A_200 = tpu.memref_slice %arg4[%dma_wait3A_199] : memref<320000xi32, #tpu.memory_space<hbm>> -> memref<96xi32, #tpu.memory_space<hbm>>
      tpu.wait_dma2 semaphore(%arg19 : memref<!tpu.dma_semaphore, #tpu.memory_space<semaphore_mem>>) src(%dma_wait3A_200 : memref<96xi32, #tpu.memory_space<hbm>>) dst(%arg11 : memref<96xi32, #tpu.memory_space<vmem>>)
      %dma_start3A_201 = arith.constant 0 : i32
      %dma_start3A_202 = arith.constant 0 : i32
      %dma_start3A_203 = tpu.memref_slice %arg2[%dma_start3A_201, %dma_start3A_202] : memref<20000x128xf32, #tpu.memory_space<hbm>> -> memref<20000x128xf32, #tpu.memory_space<hbm>>
      tpu.enqueue_indirect_dma source(%dma_start3A_203 : memref<20000x128xf32, #tpu.memory_space<hbm>>) target(%arg15 : memref<96x128xf32, #tpu.memory_space<vmem>>) offsets(%arg7 : memref<96xi32, #tpu.memory_space<vmem>>) semaphore(%arg23 : memref<!tpu.dma_semaphore, #tpu.memory_space<semaphore_mem>>)
      %dma_wait3A_204 = arith.constant 0 : i32
      %dma_wait3A_205 = arith.constant 0 : i32
      %dma_wait3A_206 = tpu.memref_slice %arg2[%dma_wait3A_204, %dma_wait3A_205] : memref<20000x128xf32, #tpu.memory_space<hbm>> -> memref<20000x128xf32, #tpu.memory_space<hbm>>
      tpu.wait_indirect_dma semaphore(%arg26 : memref<!tpu.dma_semaphore, #tpu.memory_space<semaphore_mem>>) src(%dma_wait3A_206 : memref<20000x128xf32, #tpu.memory_space<hbm>>) dst(%arg18 : memref<96x128xf32, #tpu.memory_space<vmem>>)
      %dma_start3A_207 = arith.constant 0 : i32
      %dma_start3A_208 = arith.constant 0 : i32
      %dma_start3A_209 = tpu.memref_slice %arg6[%dma_start3A_207, %dma_start3A_208] : memref<10000x128xf32, #tpu.memory_space<vmem_shared>> -> memref<10000x128xf32, #tpu.memory_space<vmem_shared>>
      tpu.enqueue_indirect_dma source(%arg18 : memref<96x128xf32, #tpu.memory_space<vmem>>) target(%dma_start3A_209 : memref<10000x128xf32, #tpu.memory_space<vmem_shared>>) offsets(%arg14 : memref<96xi32, #tpu.memory_space<vmem>>) semaphore(%arg30 : memref<!tpu.dma_semaphore, #tpu.memory_space<semaphore_mem>>) {add = true}
      %dma_wait3A_210 = arith.constant 0 : i32
      %dma_wait3A_211 = arith.constant 0 : i32
      %dma_wait3A_212 = tpu.memref_slice %arg6[%dma_wait3A_210, %dma_wait3A_211] : memref<10000x128xf32, #tpu.memory_space<vmem_shared>> -> memref<10000x128xf32, #tpu.memory_space<vmem_shared>>
      tpu.wait_indirect_dma semaphore(%arg29 : memref<!tpu.dma_semaphore, #tpu.memory_space<semaphore_mem>>) src(%arg17 : memref<96x128xf32, #tpu.memory_space<vmem>>) dst(%dma_wait3A_212 : memref<10000x128xf32, #tpu.memory_space<vmem_shared>>)
      %add3A_213 = arith.constant 192 : i32
      %add3A_214 = arith.addi %add3A_155, %add3A_213 : i32
      %multiple_of3A_215 = tpu.assume_multiple %add3A_214, 8 : i32
      %dma_start3A_216 = tpu.memref_slice %arg3[%multiple_of3A_215] : memref<320000xi32, #tpu.memory_space<hbm>> -> memref<96xi32, #tpu.memory_space<hbm>>
      %dma_start3A_217 = tpu.memref_slice %arg3[%multiple_of3A_215] : memref<320000xi32, #tpu.memory_space<hbm>> -> memref<96xi32, #tpu.memory_space<hbm>>
      tpu.enqueue_dma source(%dma_start3A_217 : memref<96xi32, #tpu.memory_space<hbm>>) target(%arg9 : memref<96xi32, #tpu.memory_space<vmem>>) target_semaphore(%arg21 : memref<!tpu.dma_semaphore, #tpu.memory_space<semaphore_mem>>)
      %dma_start3A_218 = tpu.memref_slice %arg4[%multiple_of3A_215] : memref<320000xi32, #tpu.memory_space<hbm>> -> memref<96xi32, #tpu.memory_space<hbm>>
      %dma_start3A_219 = tpu.memref_slice %arg4[%multiple_of3A_215] : memref<320000xi32, #tpu.memory_space<hbm>> -> memref<96xi32, #tpu.memory_space<hbm>>
      tpu.enqueue_dma source(%dma_start3A_219 : memref<96xi32, #tpu.memory_space<hbm>>) target(%arg13 : memref<96xi32, #tpu.memory_space<vmem>>) target_semaphore(%arg21 : memref<!tpu.dma_semaphore, #tpu.memory_space<semaphore_mem>>)
      %dma_wait3A_220 = arith.constant 0 : i32
      %dma_wait3A_221 = tpu.memref_slice %arg3[%dma_wait3A_220] : memref<320000xi32, #tpu.memory_space<hbm>> -> memref<96xi32, #tpu.memory_space<hbm>>
      %dma_wait3A_222 = arith.constant 0 : i32
      %dma_wait3A_223 = tpu.memref_slice %arg3[%dma_wait3A_222] : memref<320000xi32, #tpu.memory_space<hbm>> -> memref<96xi32, #tpu.memory_space<hbm>>
      tpu.wait_dma2 semaphore(%arg20 : memref<!tpu.dma_semaphore, #tpu.memory_space<semaphore_mem>>) src(%dma_wait3A_223 : memref<96xi32, #tpu.memory_space<hbm>>) dst(%arg8 : memref<96xi32, #tpu.memory_space<vmem>>)
      %dma_wait3A_224 = arith.constant 0 : i32
      %dma_wait3A_225 = tpu.memref_slice %arg4[%dma_wait3A_224] : memref<320000xi32, #tpu.memory_space<hbm>> -> memref<96xi32, #tpu.memory_space<hbm>>
      %dma_wait3A_226 = arith.constant 0 : i32
      %dma_wait3A_227 = tpu.memref_slice %arg4[%dma_wait3A_226] : memref<320000xi32, #tpu.memory_space<hbm>> -> memref<96xi32, #tpu.memory_space<hbm>>
      tpu.wait_dma2 semaphore(%arg20 : memref<!tpu.dma_semaphore, #tpu.memory_space<semaphore_mem>>) src(%dma_wait3A_227 : memref<96xi32, #tpu.memory_space<hbm>>) dst(%arg12 : memref<96xi32, #tpu.memory_space<vmem>>)
      %dma_start3A_228 = arith.constant 0 : i32
      %dma_start3A_229 = arith.constant 0 : i32
      %dma_start3A_230 = tpu.memref_slice %arg2[%dma_start3A_228, %dma_start3A_229] : memref<20000x128xf32, #tpu.memory_space<hbm>> -> memref<20000x128xf32, #tpu.memory_space<hbm>>
      tpu.enqueue_indirect_dma source(%dma_start3A_230 : memref<20000x128xf32, #tpu.memory_space<hbm>>) target(%arg16 : memref<96x128xf32, #tpu.memory_space<vmem>>) offsets(%arg8 : memref<96xi32, #tpu.memory_space<vmem>>) semaphore(%arg24 : memref<!tpu.dma_semaphore, #tpu.memory_space<semaphore_mem>>)
      %dma_wait3A_231 = arith.constant 0 : i32
      %dma_wait3A_232 = arith.constant 0 : i32
      %dma_wait3A_233 = tpu.memref_slice %arg2[%dma_wait3A_231, %dma_wait3A_232] : memref<20000x128xf32, #tpu.memory_space<hbm>> -> memref<20000x128xf32, #tpu.memory_space<hbm>>
      tpu.wait_indirect_dma semaphore(%arg23 : memref<!tpu.dma_semaphore, #tpu.memory_space<semaphore_mem>>) src(%dma_wait3A_233 : memref<20000x128xf32, #tpu.memory_space<hbm>>) dst(%arg15 : memref<96x128xf32, #tpu.memory_space<vmem>>)
      %dma_start3A_234 = arith.constant 0 : i32
      %dma_start3A_235 = arith.constant 0 : i32
      %dma_start3A_236 = tpu.memref_slice %arg6[%dma_start3A_234, %dma_start3A_235] : memref<10000x128xf32, #tpu.memory_space<vmem_shared>> -> memref<10000x128xf32, #tpu.memory_space<vmem_shared>>
      tpu.enqueue_indirect_dma source(%arg15 : memref<96x128xf32, #tpu.memory_space<vmem>>) target(%dma_start3A_236 : memref<10000x128xf32, #tpu.memory_space<vmem_shared>>) offsets(%arg11 : memref<96xi32, #tpu.memory_space<vmem>>) semaphore(%arg27 : memref<!tpu.dma_semaphore, #tpu.memory_space<semaphore_mem>>) {add = true}
      %dma_wait3A_237 = arith.constant 0 : i32
      %dma_wait3A_238 = arith.constant 0 : i32
      %dma_wait3A_239 = tpu.memref_slice %arg6[%dma_wait3A_237, %dma_wait3A_238] : memref<10000x128xf32, #tpu.memory_space<vmem_shared>> -> memref<10000x128xf32, #tpu.memory_space<vmem_shared>>
      tpu.wait_indirect_dma semaphore(%arg30 : memref<!tpu.dma_semaphore, #tpu.memory_space<semaphore_mem>>) src(%arg18 : memref<96x128xf32, #tpu.memory_space<vmem>>) dst(%dma_wait3A_239 : memref<10000x128xf32, #tpu.memory_space<vmem_shared>>)
      %add3A_240 = arith.constant 288 : i32
      %add3A_241 = arith.addi %add3A_155, %add3A_240 : i32
      %multiple_of3A_242 = tpu.assume_multiple %add3A_241, 8 : i32
      %dma_start3A_243 = tpu.memref_slice %arg3[%multiple_of3A_242] : memref<320000xi32, #tpu.memory_space<hbm>> -> memref<96xi32, #tpu.memory_space<hbm>>
      %dma_start3A_244 = tpu.memref_slice %arg3[%multiple_of3A_242] : memref<320000xi32, #tpu.memory_space<hbm>> -> memref<96xi32, #tpu.memory_space<hbm>>
      tpu.enqueue_dma source(%dma_start3A_244 : memref<96xi32, #tpu.memory_space<hbm>>) target(%arg10 : memref<96xi32, #tpu.memory_space<vmem>>) target_semaphore(%arg22 : memref<!tpu.dma_semaphore, #tpu.memory_space<semaphore_mem>>)
      %dma_start3A_245 = tpu.memref_slice %arg4[%multiple_of3A_242] : memref<320000xi32, #tpu.memory_space<hbm>> -> memref<96xi32, #tpu.memory_space<hbm>>
      %dma_start3A_246 = tpu.memref_slice %arg4[%multiple_of3A_242] : memref<320000xi32, #tpu.memory_space<hbm>> -> memref<96xi32, #tpu.memory_space<hbm>>
      tpu.enqueue_dma source(%dma_start3A_246 : memref<96xi32, #tpu.memory_space<hbm>>) target(%arg14 : memref<96xi32, #tpu.memory_space<vmem>>) target_semaphore(%arg22 : memref<!tpu.dma_semaphore, #tpu.memory_space<semaphore_mem>>)
      %dma_wait3A_247 = arith.constant 0 : i32
      %dma_wait3A_248 = tpu.memref_slice %arg3[%dma_wait3A_247] : memref<320000xi32, #tpu.memory_space<hbm>> -> memref<96xi32, #tpu.memory_space<hbm>>
      %dma_wait3A_249 = arith.constant 0 : i32
      %dma_wait3A_250 = tpu.memref_slice %arg3[%dma_wait3A_249] : memref<320000xi32, #tpu.memory_space<hbm>> -> memref<96xi32, #tpu.memory_space<hbm>>
      tpu.wait_dma2 semaphore(%arg21 : memref<!tpu.dma_semaphore, #tpu.memory_space<semaphore_mem>>) src(%dma_wait3A_250 : memref<96xi32, #tpu.memory_space<hbm>>) dst(%arg9 : memref<96xi32, #tpu.memory_space<vmem>>)
      %dma_wait3A_251 = arith.constant 0 : i32
      %dma_wait3A_252 = tpu.memref_slice %arg4[%dma_wait3A_251] : memref<320000xi32, #tpu.memory_space<hbm>> -> memref<96xi32, #tpu.memory_space<hbm>>
      %dma_wait3A_253 = arith.constant 0 : i32
      %dma_wait3A_254 = tpu.memref_slice %arg4[%dma_wait3A_253] : memref<320000xi32, #tpu.memory_space<hbm>> -> memref<96xi32, #tpu.memory_space<hbm>>
      tpu.wait_dma2 semaphore(%arg21 : memref<!tpu.dma_semaphore, #tpu.memory_space<semaphore_mem>>) src(%dma_wait3A_254 : memref<96xi32, #tpu.memory_space<hbm>>) dst(%arg13 : memref<96xi32, #tpu.memory_space<vmem>>)
      %dma_start3A_255 = arith.constant 0 : i32
      %dma_start3A_256 = arith.constant 0 : i32
      %dma_start3A_257 = tpu.memref_slice %arg2[%dma_start3A_255, %dma_start3A_256] : memref<20000x128xf32, #tpu.memory_space<hbm>> -> memref<20000x128xf32, #tpu.memory_space<hbm>>
      tpu.enqueue_indirect_dma source(%dma_start3A_257 : memref<20000x128xf32, #tpu.memory_space<hbm>>) target(%arg17 : memref<96x128xf32, #tpu.memory_space<vmem>>) offsets(%arg9 : memref<96xi32, #tpu.memory_space<vmem>>) semaphore(%arg25 : memref<!tpu.dma_semaphore, #tpu.memory_space<semaphore_mem>>)
      %dma_wait3A_258 = arith.constant 0 : i32
      %dma_wait3A_259 = arith.constant 0 : i32
      %dma_wait3A_260 = tpu.memref_slice %arg2[%dma_wait3A_258, %dma_wait3A_259] : memref<20000x128xf32, #tpu.memory_space<hbm>> -> memref<20000x128xf32, #tpu.memory_space<hbm>>
      tpu.wait_indirect_dma semaphore(%arg24 : memref<!tpu.dma_semaphore, #tpu.memory_space<semaphore_mem>>) src(%dma_wait3A_260 : memref<20000x128xf32, #tpu.memory_space<hbm>>) dst(%arg16 : memref<96x128xf32, #tpu.memory_space<vmem>>)
      %dma_start3A_261 = arith.constant 0 : i32
      %dma_start3A_262 = arith.constant 0 : i32
      %dma_start3A_263 = tpu.memref_slice %arg6[%dma_start3A_261, %dma_start3A_262] : memref<10000x128xf32, #tpu.memory_space<vmem_shared>> -> memref<10000x128xf32, #tpu.memory_space<vmem_shared>>
      tpu.enqueue_indirect_dma source(%arg16 : memref<96x128xf32, #tpu.memory_space<vmem>>) target(%dma_start3A_263 : memref<10000x128xf32, #tpu.memory_space<vmem_shared>>) offsets(%arg12 : memref<96xi32, #tpu.memory_space<vmem>>) semaphore(%arg28 : memref<!tpu.dma_semaphore, #tpu.memory_space<semaphore_mem>>) {add = true}
    }
    %scan3A_87 = arith.constant 25 : i32
    %dma_wait3A_88 = arith.constant 0 : i32
    %dma_wait3A_89 = tpu.memref_slice %arg3[%dma_wait3A_88] : memref<320000xi32, #tpu.memory_space<hbm>> -> memref<96xi32, #tpu.memory_space<hbm>>
    %dma_wait3A_90 = arith.constant 0 : i32
    %dma_wait3A_91 = tpu.memref_slice %arg3[%dma_wait3A_90] : memref<320000xi32, #tpu.memory_space<hbm>> -> memref<96xi32, #tpu.memory_space<hbm>>
    tpu.wait_dma2 semaphore(%arg22 : memref<!tpu.dma_semaphore, #tpu.memory_space<semaphore_mem>>) src(%dma_wait3A_91 : memref<96xi32, #tpu.memory_space<hbm>>) dst(%arg10 : memref<96xi32, #tpu.memory_space<vmem>>)
    %dma_wait3A_92 = arith.constant 0 : i32
    %dma_wait3A_93 = tpu.memref_slice %arg4[%dma_wait3A_92] : memref<320000xi32, #tpu.memory_space<hbm>> -> memref<96xi32, #tpu.memory_space<hbm>>
    %dma_wait3A_94 = arith.constant 0 : i32
    %dma_wait3A_95 = tpu.memref_slice %arg4[%dma_wait3A_94] : memref<320000xi32, #tpu.memory_space<hbm>> -> memref<96xi32, #tpu.memory_space<hbm>>
    tpu.wait_dma2 semaphore(%arg22 : memref<!tpu.dma_semaphore, #tpu.memory_space<semaphore_mem>>) src(%dma_wait3A_95 : memref<96xi32, #tpu.memory_space<hbm>>) dst(%arg14 : memref<96xi32, #tpu.memory_space<vmem>>)
    %dma_start3A_96 = arith.constant 0 : i32
    %dma_start3A_97 = arith.constant 0 : i32
    %dma_start3A_98 = tpu.memref_slice %arg2[%dma_start3A_96, %dma_start3A_97] : memref<20000x128xf32, #tpu.memory_space<hbm>> -> memref<20000x128xf32, #tpu.memory_space<hbm>>
    tpu.enqueue_indirect_dma source(%dma_start3A_98 : memref<20000x128xf32, #tpu.memory_space<hbm>>) target(%arg18 : memref<96x128xf32, #tpu.memory_space<vmem>>) offsets(%arg10 : memref<96xi32, #tpu.memory_space<vmem>>) semaphore(%arg26 : memref<!tpu.dma_semaphore, #tpu.memory_space<semaphore_mem>>)
    %dma_wait3A_99 = arith.constant 0 : i32
    %dma_wait3A_100 = arith.constant 0 : i32
    %dma_wait3A_101 = tpu.memref_slice %arg2[%dma_wait3A_99, %dma_wait3A_100] : memref<20000x128xf32, #tpu.memory_space<hbm>> -> memref<20000x128xf32, #tpu.memory_space<hbm>>
    tpu.wait_indirect_dma semaphore(%arg25 : memref<!tpu.dma_semaphore, #tpu.memory_space<semaphore_mem>>) src(%dma_wait3A_101 : memref<20000x128xf32, #tpu.memory_space<hbm>>) dst(%arg17 : memref<96x128xf32, #tpu.memory_space<vmem>>)
    %dma_start3A_102 = arith.constant 0 : i32
    %dma_start3A_103 = arith.constant 0 : i32
    %dma_start3A_104 = tpu.memref_slice %arg6[%dma_start3A_102, %dma_start3A_103] : memref<10000x128xf32, #tpu.memory_space<vmem_shared>> -> memref<10000x128xf32, #tpu.memory_space<vmem_shared>>
    tpu.enqueue_indirect_dma source(%arg17 : memref<96x128xf32, #tpu.memory_space<vmem>>) target(%dma_start3A_104 : memref<10000x128xf32, #tpu.memory_space<vmem_shared>>) offsets(%arg13 : memref<96xi32, #tpu.memory_space<vmem>>) semaphore(%arg29 : memref<!tpu.dma_semaphore, #tpu.memory_space<semaphore_mem>>) {add = true}
    %dma_wait3A_105 = arith.constant 0 : i32
    %dma_wait3A_106 = arith.constant 0 : i32
    %dma_wait3A_107 = tpu.memref_slice %arg2[%dma_wait3A_105, %dma_wait3A_106] : memref<20000x128xf32, #tpu.memory_space<hbm>> -> memref<20000x128xf32, #tpu.memory_space<hbm>>
    tpu.wait_indirect_dma semaphore(%arg26 : memref<!tpu.dma_semaphore, #tpu.memory_space<semaphore_mem>>) src(%dma_wait3A_107 : memref<20000x128xf32, #tpu.memory_space<hbm>>) dst(%arg18 : memref<96x128xf32, #tpu.memory_space<vmem>>)
    %dma_start3A_108 = arith.constant 0 : i32
    %dma_start3A_109 = arith.constant 0 : i32
    %dma_start3A_110 = tpu.memref_slice %arg6[%dma_start3A_108, %dma_start3A_109] : memref<10000x128xf32, #tpu.memory_space<vmem_shared>> -> memref<10000x128xf32, #tpu.memory_space<vmem_shared>>
    tpu.enqueue_indirect_dma source(%arg18 : memref<96x128xf32, #tpu.memory_space<vmem>>) target(%dma_start3A_110 : memref<10000x128xf32, #tpu.memory_space<vmem_shared>>) offsets(%arg14 : memref<96xi32, #tpu.memory_space<vmem>>) semaphore(%arg30 : memref<!tpu.dma_semaphore, #tpu.memory_space<semaphore_mem>>) {add = true}
    %dma_wait3A_111 = arith.constant 0 : i32
    %dma_wait3A_112 = arith.constant 0 : i32
    %dma_wait3A_113 = tpu.memref_slice %arg6[%dma_wait3A_111, %dma_wait3A_112] : memref<10000x128xf32, #tpu.memory_space<vmem_shared>> -> memref<10000x128xf32, #tpu.memory_space<vmem_shared>>
    tpu.wait_indirect_dma semaphore(%arg27 : memref<!tpu.dma_semaphore, #tpu.memory_space<semaphore_mem>>) src(%arg15 : memref<96x128xf32, #tpu.memory_space<vmem>>) dst(%dma_wait3A_113 : memref<10000x128xf32, #tpu.memory_space<vmem_shared>>)
    %dma_wait3A_114 = arith.constant 0 : i32
    %dma_wait3A_115 = arith.constant 0 : i32
    %dma_wait3A_116 = tpu.memref_slice %arg6[%dma_wait3A_114, %dma_wait3A_115] : memref<10000x128xf32, #tpu.memory_space<vmem_shared>> -> memref<10000x128xf32, #tpu.memory_space<vmem_shared>>
    tpu.wait_indirect_dma semaphore(%arg28 : memref<!tpu.dma_semaphore, #tpu.memory_space<semaphore_mem>>) src(%arg16 : memref<96x128xf32, #tpu.memory_space<vmem>>) dst(%dma_wait3A_116 : memref<10000x128xf32, #tpu.memory_space<vmem_shared>>)
    %dma_wait3A_117 = arith.constant 0 : i32
    %dma_wait3A_118 = arith.constant 0 : i32
    %dma_wait3A_119 = tpu.memref_slice %arg6[%dma_wait3A_117, %dma_wait3A_118] : memref<10000x128xf32, #tpu.memory_space<vmem_shared>> -> memref<10000x128xf32, #tpu.memory_space<vmem_shared>>
    tpu.wait_indirect_dma semaphore(%arg29 : memref<!tpu.dma_semaphore, #tpu.memory_space<semaphore_mem>>) src(%arg17 : memref<96x128xf32, #tpu.memory_space<vmem>>) dst(%dma_wait3A_119 : memref<10000x128xf32, #tpu.memory_space<vmem_shared>>)
    %dma_wait3A_120 = arith.constant 0 : i32
    %dma_wait3A_121 = arith.constant 0 : i32
    %dma_wait3A_122 = tpu.memref_slice %arg6[%dma_wait3A_120, %dma_wait3A_121] : memref<10000x128xf32, #tpu.memory_space<vmem_shared>> -> memref<10000x128xf32, #tpu.memory_space<vmem_shared>>
    tpu.wait_indirect_dma semaphore(%arg30 : memref<!tpu.dma_semaphore, #tpu.memory_space<semaphore_mem>>) src(%arg18 : memref<96x128xf32, #tpu.memory_space<vmem>>) dst(%dma_wait3A_122 : memref<10000x128xf32, #tpu.memory_space<vmem_shared>>)
    %add3A_123 = arith.constant 9984 : i32
    %add3A_124 = arith.addi %add3A_11, %add3A_123 : i32
    %multiple_of3A_125 = tpu.assume_multiple %add3A_124, 8 : i32
    "tpu.region"() ({
      %run_scoped3A = tpu.sem_alloc : memref<!tpu.dma_semaphore, #tpu.memory_space<semaphore_mem>>
      %dma_start3A_152 = tpu.memref_slice %arg4[%multiple_of3A_125] : memref<320000xi32, #tpu.memory_space<hbm>> -> memref<16xi32, #tpu.memory_space<hbm>>
      %dma_start3A_153 = tpu.memref_slice %arg4[%multiple_of3A_125] : memref<320000xi32, #tpu.memory_space<hbm>> -> memref<16xi32, #tpu.memory_space<hbm>>
      tpu.enqueue_dma source(%dma_start3A_153 : memref<16xi32, #tpu.memory_space<hbm>>) target(%arg32 : memref<16xi32, #tpu.memory_space<vmem>>) target_semaphore(%run_scoped3A : memref<!tpu.dma_semaphore, #tpu.memory_space<semaphore_mem>>)
      %dma_wait3A_154 = tpu.memref_slice %arg4[%multiple_of3A_125] : memref<320000xi32, #tpu.memory_space<hbm>> -> memref<16xi32, #tpu.memory_space<hbm>>
      %dma_wait3A_155 = tpu.memref_slice %arg4[%multiple_of3A_125] : memref<320000xi32, #tpu.memory_space<hbm>> -> memref<16xi32, #tpu.memory_space<hbm>>
      tpu.wait_dma2 semaphore(%run_scoped3A : memref<!tpu.dma_semaphore, #tpu.memory_space<semaphore_mem>>) src(%dma_wait3A_155 : memref<16xi32, #tpu.memory_space<hbm>>) dst(%arg32 : memref<16xi32, #tpu.memory_space<vmem>>)
      tpu.yield
    }) : () -> ()
    "tpu.region"() ({
      %run_scoped3A = tpu.sem_alloc : memref<!tpu.dma_semaphore, #tpu.memory_space<semaphore_mem>>
      %dma_start3A_152 = tpu.memref_slice %arg3[%multiple_of3A_125] : memref<320000xi32, #tpu.memory_space<hbm>> -> memref<16xi32, #tpu.memory_space<hbm>>
      %dma_start3A_153 = tpu.memref_slice %arg3[%multiple_of3A_125] : memref<320000xi32, #tpu.memory_space<hbm>> -> memref<16xi32, #tpu.memory_space<hbm>>
      tpu.enqueue_dma source(%dma_start3A_153 : memref<16xi32, #tpu.memory_space<hbm>>) target(%arg31 : memref<16xi32, #tpu.memory_space<vmem>>) target_semaphore(%run_scoped3A : memref<!tpu.dma_semaphore, #tpu.memory_space<semaphore_mem>>)
      %dma_wait3A_154 = tpu.memref_slice %arg3[%multiple_of3A_125] : memref<320000xi32, #tpu.memory_space<hbm>> -> memref<16xi32, #tpu.memory_space<hbm>>
      %dma_wait3A_155 = tpu.memref_slice %arg3[%multiple_of3A_125] : memref<320000xi32, #tpu.memory_space<hbm>> -> memref<16xi32, #tpu.memory_space<hbm>>
      tpu.wait_dma2 semaphore(%run_scoped3A : memref<!tpu.dma_semaphore, #tpu.memory_space<semaphore_mem>>) src(%dma_wait3A_155 : memref<16xi32, #tpu.memory_space<hbm>>) dst(%arg31 : memref<16xi32, #tpu.memory_space<vmem>>)
      tpu.yield
    }) : () -> ()
    %dma_start3A_126 = arith.constant 0 : i32
    %dma_start3A_127 = arith.constant 0 : i32
    %dma_start3A_128 = tpu.memref_slice %arg15[%dma_start3A_126, %dma_start3A_127] : memref<96x128xf32, #tpu.memory_space<vmem>> -> memref<16x128xf32, #tpu.memory_space<vmem>>
    %dma_start3A_129 = arith.constant 0 : i32
    %dma_start3A_130 = arith.constant 0 : i32
    %dma_start3A_131 = tpu.memref_slice %arg2[%dma_start3A_129, %dma_start3A_130] : memref<20000x128xf32, #tpu.memory_space<hbm>> -> memref<20000x128xf32, #tpu.memory_space<hbm>>
    tpu.enqueue_indirect_dma source(%dma_start3A_131 : memref<20000x128xf32, #tpu.memory_space<hbm>>) target(%dma_start3A_128 : memref<16x128xf32, #tpu.memory_space<vmem>>) offsets(%arg31 : memref<16xi32, #tpu.memory_space<vmem>>) semaphore(%arg23 : memref<!tpu.dma_semaphore, #tpu.memory_space<semaphore_mem>>)
    %dma_wait3A_132 = arith.constant 0 : i32
    %dma_wait3A_133 = arith.constant 0 : i32
    %dma_wait3A_134 = tpu.memref_slice %arg15[%dma_wait3A_132, %dma_wait3A_133] : memref<96x128xf32, #tpu.memory_space<vmem>> -> memref<16x128xf32, #tpu.memory_space<vmem>>
    %dma_wait3A_135 = arith.constant 0 : i32
    %dma_wait3A_136 = arith.constant 0 : i32
    %dma_wait3A_137 = tpu.memref_slice %arg2[%dma_wait3A_135, %dma_wait3A_136] : memref<20000x128xf32, #tpu.memory_space<hbm>> -> memref<20000x128xf32, #tpu.memory_space<hbm>>
    tpu.wait_indirect_dma semaphore(%arg23 : memref<!tpu.dma_semaphore, #tpu.memory_space<semaphore_mem>>) src(%dma_wait3A_137 : memref<20000x128xf32, #tpu.memory_space<hbm>>) dst(%dma_wait3A_134 : memref<16x128xf32, #tpu.memory_space<vmem>>)
    "tpu.region"() ({
      %run_scoped3A = tpu.sem_alloc : memref<!tpu.dma_semaphore, #tpu.memory_space<semaphore_mem>>
      %dma_start3A_152 = arith.constant 0 : i32
      %dma_start3A_153 = arith.constant 0 : i32
      %dma_start3A_154 = tpu.memref_slice %arg15[%dma_start3A_152, %dma_start3A_153] : memref<96x128xf32, #tpu.memory_space<vmem>> -> memref<16x128xf32, #tpu.memory_space<vmem>>
      %dma_start3A_155 = arith.constant 0 : i32
      %dma_start3A_156 = arith.constant 0 : i32
      %dma_start3A_157 = tpu.memref_slice %arg6[%dma_start3A_155, %dma_start3A_156] : memref<10000x128xf32, #tpu.memory_space<vmem_shared>> -> memref<10000x128xf32, #tpu.memory_space<vmem_shared>>
      tpu.enqueue_indirect_dma source(%dma_start3A_154 : memref<16x128xf32, #tpu.memory_space<vmem>>) target(%dma_start3A_157 : memref<10000x128xf32, #tpu.memory_space<vmem_shared>>) offsets(%arg32 : memref<16xi32, #tpu.memory_space<vmem>>) semaphore(%run_scoped3A : memref<!tpu.dma_semaphore, #tpu.memory_space<semaphore_mem>>) {add = true}
      %dma_wait3A_158 = arith.constant 0 : i32
      %dma_wait3A_159 = arith.constant 0 : i32
      %dma_wait3A_160 = tpu.memref_slice %arg15[%dma_wait3A_158, %dma_wait3A_159] : memref<96x128xf32, #tpu.memory_space<vmem>> -> memref<16x128xf32, #tpu.memory_space<vmem>>
      %dma_wait3A_161 = arith.constant 0 : i32
      %dma_wait3A_162 = arith.constant 0 : i32
      %dma_wait3A_163 = tpu.memref_slice %arg6[%dma_wait3A_161, %dma_wait3A_162] : memref<10000x128xf32, #tpu.memory_space<vmem_shared>> -> memref<10000x128xf32, #tpu.memory_space<vmem_shared>>
      tpu.wait_indirect_dma semaphore(%run_scoped3A : memref<!tpu.dma_semaphore, #tpu.memory_space<semaphore_mem>>) src(%dma_wait3A_160 : memref<16x128xf32, #tpu.memory_space<vmem>>) dst(%dma_wait3A_163 : memref<10000x128xf32, #tpu.memory_space<vmem_shared>>)
      tpu.yield
    }) : () -> ()
    %barrier3A_138 = arith.constant 0 : index
    tpu.barrier barrier_id(%barrier3A_138)
    %mul3A_139 = arith.constant 10000 : i32
    %mul3A_140 = arith.muli %arg0, %mul3A_139 : i32
    %mul3A_141 = arith.constant 624 : i32
    %mul3A_142 = arith.muli %arg1, %mul3A_141 : i32
    %add3A_143 = arith.addi %mul3A_140, %mul3A_142 : i32
    %multiple_of3A_144 = tpu.assume_multiple %add3A_143, 8 : i32
    %mul3A_145 = arith.constant 624 : i32
    %mul3A_146 = arith.muli %arg1, %mul3A_145 : i32
    "tpu.region"() ({
      %run_scoped3A = tpu.sem_alloc : memref<!tpu.dma_semaphore, #tpu.memory_space<semaphore_mem>>
      %dma_start3A_152 = arith.constant 0 : i32
      %dma_start3A_153 = tpu.memref_slice %arg5[%multiple_of3A_144, %dma_start3A_152] : memref<20000x128xf32, #tpu.memory_space<hbm>> -> memref<624x128xf32, #tpu.memory_space<hbm>>
      %dma_start3A_154 = arith.constant 0 : i32
      %dma_start3A_155 = tpu.memref_slice %arg6[%mul3A_146, %dma_start3A_154] : memref<10000x128xf32, #tpu.memory_space<vmem_shared>> -> memref<624x128xf32, #tpu.memory_space<vmem_shared>>
      tpu.enqueue_dma source(%dma_start3A_155 : memref<624x128xf32, #tpu.memory_space<vmem_shared>>) target(%dma_start3A_153 : memref<624x128xf32, #tpu.memory_space<hbm>>) target_semaphore(%run_scoped3A : memref<!tpu.dma_semaphore, #tpu.memory_space<semaphore_mem>>)
      %dma_wait3A_156 = arith.constant 0 : i32
      %dma_wait3A_157 = tpu.memref_slice %arg5[%multiple_of3A_144, %dma_wait3A_156] : memref<20000x128xf32, #tpu.memory_space<hbm>> -> memref<624x128xf32, #tpu.memory_space<hbm>>
      %dma_wait3A_158 = arith.constant 0 : i32
      %dma_wait3A_159 = tpu.memref_slice %arg6[%mul3A_146, %dma_wait3A_158] : memref<10000x128xf32, #tpu.memory_space<vmem_shared>> -> memref<624x128xf32, #tpu.memory_space<vmem_shared>>
      tpu.wait_dma2 semaphore(%run_scoped3A : memref<!tpu.dma_semaphore, #tpu.memory_space<semaphore_mem>>) src(%dma_wait3A_159 : memref<624x128xf32, #tpu.memory_space<vmem_shared>>) dst(%dma_wait3A_157 : memref<624x128xf32, #tpu.memory_space<hbm>>)
      tpu.yield
    }) : () -> ()
    %eq3A_147 = arith.constant 15 : i32
    %eq3A_148 = arith.cmpi eq, %arg1, %eq3A_147 : i32
    %convert_element_type3A_149 = arith.extui %eq3A_148 : i1 to i32
    %cond3A_150 = arith.constant 0 : i32
    %cond3A_151 = arith.cmpi ne, %convert_element_type3A_149, %cond3A_150 : i32
    scf.if %cond3A_151 {
      %mul3A_152 = arith.constant 10000 : i32
      %mul3A_153 = arith.muli %arg0, %mul3A_152 : i32
      %add3A_154 = arith.constant 9984 : i32
      %add3A_155 = arith.addi %mul3A_153, %add3A_154 : i32
      %multiple_of3A_156 = tpu.assume_multiple %add3A_155, 8 : i32
      "tpu.region"() ({
        %run_scoped3A = tpu.sem_alloc : memref<!tpu.dma_semaphore, #tpu.memory_space<semaphore_mem>>
        %dma_start3A_157 = arith.constant 0 : i32
        %dma_start3A_158 = tpu.memref_slice %arg5[%multiple_of3A_156, %dma_start3A_157] : memref<20000x128xf32, #tpu.memory_space<hbm>> -> memref<16x128xf32, #tpu.memory_space<hbm>>
        %dma_start3A_159 = arith.constant 9984 : i32
        %dma_start3A_160 = arith.constant 0 : i32
        %dma_start3A_161 = tpu.memref_slice %arg6[%dma_start3A_159, %dma_start3A_160] : memref<10000x128xf32, #tpu.memory_space<vmem_shared>> -> memref<16x128xf32, #tpu.memory_space<vmem_shared>>
        tpu.enqueue_dma source(%dma_start3A_161 : memref<16x128xf32, #tpu.memory_space<vmem_shared>>) target(%dma_start3A_158 : memref<16x128xf32, #tpu.memory_space<hbm>>) target_semaphore(%run_scoped3A : memref<!tpu.dma_semaphore, #tpu.memory_space<semaphore_mem>>)
        %dma_wait3A_162 = arith.constant 0 : i32
        %dma_wait3A_163 = tpu.memref_slice %arg5[%multiple_of3A_156, %dma_wait3A_162] : memref<20000x128xf32, #tpu.memory_space<hbm>> -> memref<16x128xf32, #tpu.memory_space<hbm>>
        %dma_wait3A_164 = arith.constant 9984 : i32
        %dma_wait3A_165 = arith.constant 0 : i32
        %dma_wait3A_166 = tpu.memref_slice %arg6[%dma_wait3A_164, %dma_wait3A_165] : memref<10000x128xf32, #tpu.memory_space<vmem_shared>> -> memref<16x128xf32, #tpu.memory_space<vmem_shared>>
        tpu.wait_dma2 semaphore(%run_scoped3A : memref<!tpu.dma_semaphore, #tpu.memory_space<semaphore_mem>>) src(%dma_wait3A_166 : memref<16x128xf32, #tpu.memory_space<vmem_shared>>) dst(%dma_wait3A_163 : memref<16x128xf32, #tpu.memory_space<hbm>>)
        tpu.yield
      }) : () -> ()
    } else {
    }
    return
  }
}

#map = affine_map<(d0, d1) -> (0, 0)>
#map1 = affine_map<(d0, d1) -> (0)>
module attributes {stable_mosaic.version = 14 : i64} {
  func.func @kfn(%arg0: i32, %arg1: i32, %arg2: memref<10000x128xf32, #tpu.memory_space<hbm>>, %arg3: memref<160000xi32, #tpu.memory_space<hbm>>, %arg4: memref<160000xi32, #tpu.memory_space<hbm>>, %arg5: memref<20000x128xf32, #tpu.memory_space<hbm>>, %arg6: memref<10000x128xf32, #tpu.memory_space<vmem_shared>>, %arg7: memref<96xi32, #tpu.memory_space<vmem>>, %arg8: memref<96xi32, #tpu.memory_space<vmem>>, %arg9: memref<96xi32, #tpu.memory_space<vmem>>, %arg10: memref<96xi32, #tpu.memory_space<vmem>>, %arg11: memref<96xi32, #tpu.memory_space<vmem>>, %arg12: memref<96xi32, #tpu.memory_space<vmem>>, %arg13: memref<96xi32, #tpu.memory_space<vmem>>, %arg14: memref<96xi32, #tpu.memory_space<vmem>>, %arg15: memref<96x128xf32, #tpu.memory_space<vmem>>, %arg16: memref<96x128xf32, #tpu.memory_space<vmem>>, %arg17: memref<96x128xf32, #tpu.memory_space<vmem>>, %arg18: memref<96x128xf32, #tpu.memory_space<vmem>>, %arg19: memref<!tpu.dma_semaphore, #tpu.memory_space<semaphore_mem>>, %arg20: memref<!tpu.dma_semaphore, #tpu.memory_space<semaphore_mem>>, %arg21: memref<!tpu.dma_semaphore, #tpu.memory_space<semaphore_mem>>, %arg22: memref<!tpu.dma_semaphore, #tpu.memory_space<semaphore_mem>>, %arg23: memref<!tpu.dma_semaphore, #tpu.memory_space<semaphore_mem>>, %arg24: memref<!tpu.dma_semaphore, #tpu.memory_space<semaphore_mem>>, %arg25: memref<!tpu.dma_semaphore, #tpu.memory_space<semaphore_mem>>, %arg26: memref<!tpu.dma_semaphore, #tpu.memory_space<semaphore_mem>>, %arg27: memref<!tpu.dma_semaphore, #tpu.memory_space<semaphore_mem>>, %arg28: memref<!tpu.dma_semaphore, #tpu.memory_space<semaphore_mem>>, %arg29: memref<!tpu.dma_semaphore, #tpu.memory_space<semaphore_mem>>, %arg30: memref<!tpu.dma_semaphore, #tpu.memory_space<semaphore_mem>>, %arg31: memref<8xi32, #tpu.memory_space<vmem>>, %arg32: memref<8xi32, #tpu.memory_space<vmem>>) attributes {dimension_semantics = [#tpu.dimension_semantics<core_parallel>, #tpu.dimension_semantics<subcore_parallel>], iteration_bounds = array<i64: 2, 16>, scalar_prefetch = 0 : i64, scratch_operands = 27 : i64, tpu.core_type = #tpu.core_type<sc_vector_subcore>, window_params = [{transform_indices = #map}, {transform_indices = #map1}, {transform_indices = #map1}, {transform_indices = #map}]} {
    %mul3A = arith.constant 0 : i32
    %mul3A_0 = arith.muli %arg0, %mul3A : i32
    %mul3A_1 = arith.constant 624 : i32
    %mul3A_2 = arith.muli %arg1, %mul3A_1 : i32
    %add3A = arith.addi %mul3A_0, %mul3A_2 : i32
    %multiple_of3A = tpu.assume_multiple %add3A, 8 : i32
    %mul3A_3 = arith.constant 624 : i32
    %mul3A_4 = arith.muli %arg1, %mul3A_3 : i32
    "tpu.region"() ({
      %run_scoped3A = tpu.sem_alloc : memref<!tpu.dma_semaphore, #tpu.memory_space<semaphore_mem>>
      %dma_start3A_152 = arith.constant 0 : i32
      %dma_start3A_153 = tpu.memref_slice %arg6[%mul3A_4, %dma_start3A_152] : memref<10000x128xf32, #tpu.memory_space<vmem_shared>> -> memref<624x128xf32, #tpu.memory_space<vmem_shared>>
      %dma_start3A_154 = arith.constant 0 : i32
      %dma_start3A_155 = tpu.memref_slice %arg2[%multiple_of3A, %dma_start3A_154] : memref<10000x128xf32, #tpu.memory_space<hbm>> -> memref<624x128xf32, #tpu.memory_space<hbm>>
      tpu.enqueue_dma source(%dma_start3A_155 : memref<624x128xf32, #tpu.memory_space<hbm>>) target(%dma_start3A_153 : memref<624x128xf32, #tpu.memory_space<vmem_shared>>) target_semaphore(%run_scoped3A : memref<!tpu.dma_semaphore, #tpu.memory_space<semaphore_mem>>)
      %dma_wait3A_156 = arith.constant 0 : i32
      %dma_wait3A_157 = tpu.memref_slice %arg6[%mul3A_4, %dma_wait3A_156] : memref<10000x128xf32, #tpu.memory_space<vmem_shared>> -> memref<624x128xf32, #tpu.memory_space<vmem_shared>>
      %dma_wait3A_158 = arith.constant 0 : i32
      %dma_wait3A_159 = tpu.memref_slice %arg2[%multiple_of3A, %dma_wait3A_158] : memref<10000x128xf32, #tpu.memory_space<hbm>> -> memref<624x128xf32, #tpu.memory_space<hbm>>
      tpu.wait_dma2 semaphore(%run_scoped3A : memref<!tpu.dma_semaphore, #tpu.memory_space<semaphore_mem>>) src(%dma_wait3A_159 : memref<624x128xf32, #tpu.memory_space<hbm>>) dst(%dma_wait3A_157 : memref<624x128xf32, #tpu.memory_space<vmem_shared>>)
      tpu.yield
    }) : () -> ()
    %eq3A = arith.constant 15 : i32
    %eq3A_5 = arith.cmpi eq, %arg1, %eq3A : i32
    %convert_element_type3A = arith.extui %eq3A_5 : i1 to i32
    %cond3A = arith.constant 0 : i32
    %cond3A_6 = arith.cmpi ne, %convert_element_type3A, %cond3A : i32
    scf.if %cond3A_6 {
      %mul3A_152 = arith.constant 0 : i32
      %mul3A_153 = arith.muli %arg0, %mul3A_152 : i32
      %add3A_154 = arith.constant 9984 : i32
      %add3A_155 = arith.addi %mul3A_153, %add3A_154 : i32
      %multiple_of3A_156 = tpu.assume_multiple %add3A_155, 8 : i32
      "tpu.region"() ({
        %run_scoped3A = tpu.sem_alloc : memref<!tpu.dma_semaphore, #tpu.memory_space<semaphore_mem>>
        %dma_start3A_157 = arith.constant 9984 : i32
        %dma_start3A_158 = arith.constant 0 : i32
        %dma_start3A_159 = tpu.memref_slice %arg6[%dma_start3A_157, %dma_start3A_158] : memref<10000x128xf32, #tpu.memory_space<vmem_shared>> -> memref<16x128xf32, #tpu.memory_space<vmem_shared>>
        %dma_start3A_160 = arith.constant 0 : i32
        %dma_start3A_161 = tpu.memref_slice %arg2[%multiple_of3A_156, %dma_start3A_160] : memref<10000x128xf32, #tpu.memory_space<hbm>> -> memref<16x128xf32, #tpu.memory_space<hbm>>
        tpu.enqueue_dma source(%dma_start3A_161 : memref<16x128xf32, #tpu.memory_space<hbm>>) target(%dma_start3A_159 : memref<16x128xf32, #tpu.memory_space<vmem_shared>>) target_semaphore(%run_scoped3A : memref<!tpu.dma_semaphore, #tpu.memory_space<semaphore_mem>>)
        %dma_wait3A_162 = arith.constant 9984 : i32
        %dma_wait3A_163 = arith.constant 0 : i32
        %dma_wait3A_164 = tpu.memref_slice %arg6[%dma_wait3A_162, %dma_wait3A_163] : memref<10000x128xf32, #tpu.memory_space<vmem_shared>> -> memref<16x128xf32, #tpu.memory_space<vmem_shared>>
        %dma_wait3A_165 = arith.constant 0 : i32
        %dma_wait3A_166 = tpu.memref_slice %arg2[%multiple_of3A_156, %dma_wait3A_165] : memref<10000x128xf32, #tpu.memory_space<hbm>> -> memref<16x128xf32, #tpu.memory_space<hbm>>
        tpu.wait_dma2 semaphore(%run_scoped3A : memref<!tpu.dma_semaphore, #tpu.memory_space<semaphore_mem>>) src(%dma_wait3A_166 : memref<16x128xf32, #tpu.memory_space<hbm>>) dst(%dma_wait3A_164 : memref<16x128xf32, #tpu.memory_space<vmem_shared>>)
        tpu.yield
      }) : () -> ()
    } else {
    }
    %barrier3A = arith.constant 0 : index
    tpu.barrier barrier_id(%barrier3A)
    %mul3A_7 = arith.constant 80000 : i32
    %mul3A_8 = arith.muli %arg0, %mul3A_7 : i32
    %mul3A_9 = arith.constant 5000 : i32
    %mul3A_10 = arith.muli %arg1, %mul3A_9 : i32
    %add3A_11 = arith.addi %mul3A_8, %mul3A_10 : i32
    %add3A_12 = arith.constant 0 : i32
    %add3A_13 = arith.addi %add3A_11, %add3A_12 : i32
    %multiple_of3A_14 = tpu.assume_multiple %add3A_13, 8 : i32
    %dma_start3A = tpu.memref_slice %arg3[%multiple_of3A_14] : memref<160000xi32, #tpu.memory_space<hbm>> -> memref<96xi32, #tpu.memory_space<hbm>>
    %dma_start3A_15 = tpu.memref_slice %arg3[%multiple_of3A_14] : memref<160000xi32, #tpu.memory_space<hbm>> -> memref<96xi32, #tpu.memory_space<hbm>>
    tpu.enqueue_dma source(%dma_start3A_15 : memref<96xi32, #tpu.memory_space<hbm>>) target(%arg7 : memref<96xi32, #tpu.memory_space<vmem>>) target_semaphore(%arg19 : memref<!tpu.dma_semaphore, #tpu.memory_space<semaphore_mem>>)
    %dma_start3A_16 = tpu.memref_slice %arg4[%multiple_of3A_14] : memref<160000xi32, #tpu.memory_space<hbm>> -> memref<96xi32, #tpu.memory_space<hbm>>
    %dma_start3A_17 = tpu.memref_slice %arg4[%multiple_of3A_14] : memref<160000xi32, #tpu.memory_space<hbm>> -> memref<96xi32, #tpu.memory_space<hbm>>
    tpu.enqueue_dma source(%dma_start3A_17 : memref<96xi32, #tpu.memory_space<hbm>>) target(%arg11 : memref<96xi32, #tpu.memory_space<vmem>>) target_semaphore(%arg19 : memref<!tpu.dma_semaphore, #tpu.memory_space<semaphore_mem>>)
    %add3A_18 = arith.constant 96 : i32
    %add3A_19 = arith.addi %add3A_11, %add3A_18 : i32
    %multiple_of3A_20 = tpu.assume_multiple %add3A_19, 8 : i32
    %dma_start3A_21 = tpu.memref_slice %arg3[%multiple_of3A_20] : memref<160000xi32, #tpu.memory_space<hbm>> -> memref<96xi32, #tpu.memory_space<hbm>>
    %dma_start3A_22 = tpu.memref_slice %arg3[%multiple_of3A_20] : memref<160000xi32, #tpu.memory_space<hbm>> -> memref<96xi32, #tpu.memory_space<hbm>>
    tpu.enqueue_dma source(%dma_start3A_22 : memref<96xi32, #tpu.memory_space<hbm>>) target(%arg8 : memref<96xi32, #tpu.memory_space<vmem>>) target_semaphore(%arg20 : memref<!tpu.dma_semaphore, #tpu.memory_space<semaphore_mem>>)
    %dma_start3A_23 = tpu.memref_slice %arg4[%multiple_of3A_20] : memref<160000xi32, #tpu.memory_space<hbm>> -> memref<96xi32, #tpu.memory_space<hbm>>
    %dma_start3A_24 = tpu.memref_slice %arg4[%multiple_of3A_20] : memref<160000xi32, #tpu.memory_space<hbm>> -> memref<96xi32, #tpu.memory_space<hbm>>
    tpu.enqueue_dma source(%dma_start3A_24 : memref<96xi32, #tpu.memory_space<hbm>>) target(%arg12 : memref<96xi32, #tpu.memory_space<vmem>>) target_semaphore(%arg20 : memref<!tpu.dma_semaphore, #tpu.memory_space<semaphore_mem>>)
    %dma_wait3A = arith.constant 0 : i32
    %dma_wait3A_25 = tpu.memref_slice %arg3[%dma_wait3A] : memref<160000xi32, #tpu.memory_space<hbm>> -> memref<96xi32, #tpu.memory_space<hbm>>
    %dma_wait3A_26 = arith.constant 0 : i32
    %dma_wait3A_27 = tpu.memref_slice %arg3[%dma_wait3A_26] : memref<160000xi32, #tpu.memory_space<hbm>> -> memref<96xi32, #tpu.memory_space<hbm>>
    tpu.wait_dma2 semaphore(%arg19 : memref<!tpu.dma_semaphore, #tpu.memory_space<semaphore_mem>>) src(%dma_wait3A_27 : memref<96xi32, #tpu.memory_space<hbm>>) dst(%arg7 : memref<96xi32, #tpu.memory_space<vmem>>)
    %dma_wait3A_28 = arith.constant 0 : i32
    %dma_wait3A_29 = tpu.memref_slice %arg4[%dma_wait3A_28] : memref<160000xi32, #tpu.memory_space<hbm>> -> memref<96xi32, #tpu.memory_space<hbm>>
    %dma_wait3A_30 = arith.constant 0 : i32
    %dma_wait3A_31 = tpu.memref_slice %arg4[%dma_wait3A_30] : memref<160000xi32, #tpu.memory_space<hbm>> -> memref<96xi32, #tpu.memory_space<hbm>>
    tpu.wait_dma2 semaphore(%arg19 : memref<!tpu.dma_semaphore, #tpu.memory_space<semaphore_mem>>) src(%dma_wait3A_31 : memref<96xi32, #tpu.memory_space<hbm>>) dst(%arg11 : memref<96xi32, #tpu.memory_space<vmem>>)
    %dma_start3A_32 = arith.constant 0 : i32
    %dma_start3A_33 = arith.constant 0 : i32
    %dma_start3A_34 = tpu.memref_slice %arg2[%dma_start3A_32, %dma_start3A_33] : memref<10000x128xf32, #tpu.memory_space<hbm>> -> memref<10000x128xf32, #tpu.memory_space<hbm>>
    tpu.enqueue_indirect_dma source(%dma_start3A_34 : memref<10000x128xf32, #tpu.memory_space<hbm>>) target(%arg15 : memref<96x128xf32, #tpu.memory_space<vmem>>) offsets(%arg7 : memref<96xi32, #tpu.memory_space<vmem>>) semaphore(%arg23 : memref<!tpu.dma_semaphore, #tpu.memory_space<semaphore_mem>>)
    %add3A_35 = arith.constant 192 : i32
    %add3A_36 = arith.addi %add3A_11, %add3A_35 : i32
    %multiple_of3A_37 = tpu.assume_multiple %add3A_36, 8 : i32
    %dma_start3A_38 = tpu.memref_slice %arg3[%multiple_of3A_37] : memref<160000xi32, #tpu.memory_space<hbm>> -> memref<96xi32, #tpu.memory_space<hbm>>
    %dma_start3A_39 = tpu.memref_slice %arg3[%multiple_of3A_37] : memref<160000xi32, #tpu.memory_space<hbm>> -> memref<96xi32, #tpu.memory_space<hbm>>
    tpu.enqueue_dma source(%dma_start3A_39 : memref<96xi32, #tpu.memory_space<hbm>>) target(%arg9 : memref<96xi32, #tpu.memory_space<vmem>>) target_semaphore(%arg21 : memref<!tpu.dma_semaphore, #tpu.memory_space<semaphore_mem>>)
    %dma_start3A_40 = tpu.memref_slice %arg4[%multiple_of3A_37] : memref<160000xi32, #tpu.memory_space<hbm>> -> memref<96xi32, #tpu.memory_space<hbm>>
    %dma_start3A_41 = tpu.memref_slice %arg4[%multiple_of3A_37] : memref<160000xi32, #tpu.memory_space<hbm>> -> memref<96xi32, #tpu.memory_space<hbm>>
    tpu.enqueue_dma source(%dma_start3A_41 : memref<96xi32, #tpu.memory_space<hbm>>) target(%arg13 : memref<96xi32, #tpu.memory_space<vmem>>) target_semaphore(%arg21 : memref<!tpu.dma_semaphore, #tpu.memory_space<semaphore_mem>>)
    %dma_wait3A_42 = arith.constant 0 : i32
    %dma_wait3A_43 = tpu.memref_slice %arg3[%dma_wait3A_42] : memref<160000xi32, #tpu.memory_space<hbm>> -> memref<96xi32, #tpu.memory_space<hbm>>
    %dma_wait3A_44 = arith.constant 0 : i32
    %dma_wait3A_45 = tpu.memref_slice %arg3[%dma_wait3A_44] : memref<160000xi32, #tpu.memory_space<hbm>> -> memref<96xi32, #tpu.memory_space<hbm>>
    tpu.wait_dma2 semaphore(%arg20 : memref<!tpu.dma_semaphore, #tpu.memory_space<semaphore_mem>>) src(%dma_wait3A_45 : memref<96xi32, #tpu.memory_space<hbm>>) dst(%arg8 : memref<96xi32, #tpu.memory_space<vmem>>)
    %dma_wait3A_46 = arith.constant 0 : i32
    %dma_wait3A_47 = tpu.memref_slice %arg4[%dma_wait3A_46] : memref<160000xi32, #tpu.memory_space<hbm>> -> memref<96xi32, #tpu.memory_space<hbm>>
    %dma_wait3A_48 = arith.constant 0 : i32
    %dma_wait3A_49 = tpu.memref_slice %arg4[%dma_wait3A_48] : memref<160000xi32, #tpu.memory_space<hbm>> -> memref<96xi32, #tpu.memory_space<hbm>>
    tpu.wait_dma2 semaphore(%arg20 : memref<!tpu.dma_semaphore, #tpu.memory_space<semaphore_mem>>) src(%dma_wait3A_49 : memref<96xi32, #tpu.memory_space<hbm>>) dst(%arg12 : memref<96xi32, #tpu.memory_space<vmem>>)
    %dma_start3A_50 = arith.constant 0 : i32
    %dma_start3A_51 = arith.constant 0 : i32
    %dma_start3A_52 = tpu.memref_slice %arg2[%dma_start3A_50, %dma_start3A_51] : memref<10000x128xf32, #tpu.memory_space<hbm>> -> memref<10000x128xf32, #tpu.memory_space<hbm>>
    tpu.enqueue_indirect_dma source(%dma_start3A_52 : memref<10000x128xf32, #tpu.memory_space<hbm>>) target(%arg16 : memref<96x128xf32, #tpu.memory_space<vmem>>) offsets(%arg8 : memref<96xi32, #tpu.memory_space<vmem>>) semaphore(%arg24 : memref<!tpu.dma_semaphore, #tpu.memory_space<semaphore_mem>>)
    %dma_wait3A_53 = arith.constant 0 : i32
    %dma_wait3A_54 = arith.constant 0 : i32
    %dma_wait3A_55 = tpu.memref_slice %arg2[%dma_wait3A_53, %dma_wait3A_54] : memref<10000x128xf32, #tpu.memory_space<hbm>> -> memref<10000x128xf32, #tpu.memory_space<hbm>>
    tpu.wait_indirect_dma semaphore(%arg23 : memref<!tpu.dma_semaphore, #tpu.memory_space<semaphore_mem>>) src(%dma_wait3A_55 : memref<10000x128xf32, #tpu.memory_space<hbm>>) dst(%arg15 : memref<96x128xf32, #tpu.memory_space<vmem>>)
    %dma_start3A_56 = arith.constant 0 : i32
    %dma_start3A_57 = arith.constant 0 : i32
    %dma_start3A_58 = tpu.memref_slice %arg6[%dma_start3A_56, %dma_start3A_57] : memref<10000x128xf32, #tpu.memory_space<vmem_shared>> -> memref<10000x128xf32, #tpu.memory_space<vmem_shared>>
    tpu.enqueue_indirect_dma source(%arg15 : memref<96x128xf32, #tpu.memory_space<vmem>>) target(%dma_start3A_58 : memref<10000x128xf32, #tpu.memory_space<vmem_shared>>) offsets(%arg11 : memref<96xi32, #tpu.memory_space<vmem>>) semaphore(%arg27 : memref<!tpu.dma_semaphore, #tpu.memory_space<semaphore_mem>>) {add = true}
    %add3A_59 = arith.constant 288 : i32
    %add3A_60 = arith.addi %add3A_11, %add3A_59 : i32
    %multiple_of3A_61 = tpu.assume_multiple %add3A_60, 8 : i32
    %dma_start3A_62 = tpu.memref_slice %arg3[%multiple_of3A_61] : memref<160000xi32, #tpu.memory_space<hbm>> -> memref<96xi32, #tpu.memory_space<hbm>>
    %dma_start3A_63 = tpu.memref_slice %arg3[%multiple_of3A_61] : memref<160000xi32, #tpu.memory_space<hbm>> -> memref<96xi32, #tpu.memory_space<hbm>>
    tpu.enqueue_dma source(%dma_start3A_63 : memref<96xi32, #tpu.memory_space<hbm>>) target(%arg10 : memref<96xi32, #tpu.memory_space<vmem>>) target_semaphore(%arg22 : memref<!tpu.dma_semaphore, #tpu.memory_space<semaphore_mem>>)
    %dma_start3A_64 = tpu.memref_slice %arg4[%multiple_of3A_61] : memref<160000xi32, #tpu.memory_space<hbm>> -> memref<96xi32, #tpu.memory_space<hbm>>
    %dma_start3A_65 = tpu.memref_slice %arg4[%multiple_of3A_61] : memref<160000xi32, #tpu.memory_space<hbm>> -> memref<96xi32, #tpu.memory_space<hbm>>
    tpu.enqueue_dma source(%dma_start3A_65 : memref<96xi32, #tpu.memory_space<hbm>>) target(%arg14 : memref<96xi32, #tpu.memory_space<vmem>>) target_semaphore(%arg22 : memref<!tpu.dma_semaphore, #tpu.memory_space<semaphore_mem>>)
    %dma_wait3A_66 = arith.constant 0 : i32
    %dma_wait3A_67 = tpu.memref_slice %arg3[%dma_wait3A_66] : memref<160000xi32, #tpu.memory_space<hbm>> -> memref<96xi32, #tpu.memory_space<hbm>>
    %dma_wait3A_68 = arith.constant 0 : i32
    %dma_wait3A_69 = tpu.memref_slice %arg3[%dma_wait3A_68] : memref<160000xi32, #tpu.memory_space<hbm>> -> memref<96xi32, #tpu.memory_space<hbm>>
    tpu.wait_dma2 semaphore(%arg21 : memref<!tpu.dma_semaphore, #tpu.memory_space<semaphore_mem>>) src(%dma_wait3A_69 : memref<96xi32, #tpu.memory_space<hbm>>) dst(%arg9 : memref<96xi32, #tpu.memory_space<vmem>>)
    %dma_wait3A_70 = arith.constant 0 : i32
    %dma_wait3A_71 = tpu.memref_slice %arg4[%dma_wait3A_70] : memref<160000xi32, #tpu.memory_space<hbm>> -> memref<96xi32, #tpu.memory_space<hbm>>
    %dma_wait3A_72 = arith.constant 0 : i32
    %dma_wait3A_73 = tpu.memref_slice %arg4[%dma_wait3A_72] : memref<160000xi32, #tpu.memory_space<hbm>> -> memref<96xi32, #tpu.memory_space<hbm>>
    tpu.wait_dma2 semaphore(%arg21 : memref<!tpu.dma_semaphore, #tpu.memory_space<semaphore_mem>>) src(%dma_wait3A_73 : memref<96xi32, #tpu.memory_space<hbm>>) dst(%arg13 : memref<96xi32, #tpu.memory_space<vmem>>)
    %dma_start3A_74 = arith.constant 0 : i32
    %dma_start3A_75 = arith.constant 0 : i32
    %dma_start3A_76 = tpu.memref_slice %arg2[%dma_start3A_74, %dma_start3A_75] : memref<10000x128xf32, #tpu.memory_space<hbm>> -> memref<10000x128xf32, #tpu.memory_space<hbm>>
    tpu.enqueue_indirect_dma source(%dma_start3A_76 : memref<10000x128xf32, #tpu.memory_space<hbm>>) target(%arg17 : memref<96x128xf32, #tpu.memory_space<vmem>>) offsets(%arg9 : memref<96xi32, #tpu.memory_space<vmem>>) semaphore(%arg25 : memref<!tpu.dma_semaphore, #tpu.memory_space<semaphore_mem>>)
    %dma_wait3A_77 = arith.constant 0 : i32
    %dma_wait3A_78 = arith.constant 0 : i32
    %dma_wait3A_79 = tpu.memref_slice %arg2[%dma_wait3A_77, %dma_wait3A_78] : memref<10000x128xf32, #tpu.memory_space<hbm>> -> memref<10000x128xf32, #tpu.memory_space<hbm>>
    tpu.wait_indirect_dma semaphore(%arg24 : memref<!tpu.dma_semaphore, #tpu.memory_space<semaphore_mem>>) src(%dma_wait3A_79 : memref<10000x128xf32, #tpu.memory_space<hbm>>) dst(%arg16 : memref<96x128xf32, #tpu.memory_space<vmem>>)
    %dma_start3A_80 = arith.constant 0 : i32
    %dma_start3A_81 = arith.constant 0 : i32
    %dma_start3A_82 = tpu.memref_slice %arg6[%dma_start3A_80, %dma_start3A_81] : memref<10000x128xf32, #tpu.memory_space<vmem_shared>> -> memref<10000x128xf32, #tpu.memory_space<vmem_shared>>
    tpu.enqueue_indirect_dma source(%arg16 : memref<96x128xf32, #tpu.memory_space<vmem>>) target(%dma_start3A_82 : memref<10000x128xf32, #tpu.memory_space<vmem_shared>>) offsets(%arg12 : memref<96xi32, #tpu.memory_space<vmem>>) semaphore(%arg28 : memref<!tpu.dma_semaphore, #tpu.memory_space<semaphore_mem>>) {add = true}
    %scan3A = arith.constant 0 : i32
    %scan3A_83 = arith.constant 1 : i32
    %scan3A_84 = arith.constant 12 : i32
    %scan3A_85 = arith.addi %scan3A_83, %scan3A_84 : i32
    %scan3A_86 = arith.constant 1 : i32
    scf.for %scan3A_152 = %scan3A_83 to %scan3A_85 step %scan3A_86  : i32 {
      %mul3A_153 = arith.constant 384 : i32
      %mul3A_154 = arith.muli %scan3A_152, %mul3A_153 : i32
      %add3A_155 = arith.addi %add3A_11, %mul3A_154 : i32
      %dma_wait3A_156 = arith.constant 0 : i32
      %dma_wait3A_157 = arith.constant 0 : i32
      %dma_wait3A_158 = tpu.memref_slice %arg6[%dma_wait3A_156, %dma_wait3A_157] : memref<10000x128xf32, #tpu.memory_space<vmem_shared>> -> memref<10000x128xf32, #tpu.memory_space<vmem_shared>>
      tpu.wait_indirect_dma semaphore(%arg27 : memref<!tpu.dma_semaphore, #tpu.memory_space<semaphore_mem>>) src(%arg15 : memref<96x128xf32, #tpu.memory_space<vmem>>) dst(%dma_wait3A_158 : memref<10000x128xf32, #tpu.memory_space<vmem_shared>>)
      %add3A_159 = arith.constant 0 : i32
      %add3A_160 = arith.addi %add3A_155, %add3A_159 : i32
      %multiple_of3A_161 = tpu.assume_multiple %add3A_160, 8 : i32
      %dma_start3A_162 = tpu.memref_slice %arg3[%multiple_of3A_161] : memref<160000xi32, #tpu.memory_space<hbm>> -> memref<96xi32, #tpu.memory_space<hbm>>
      %dma_start3A_163 = tpu.memref_slice %arg3[%multiple_of3A_161] : memref<160000xi32, #tpu.memory_space<hbm>> -> memref<96xi32, #tpu.memory_space<hbm>>
      tpu.enqueue_dma source(%dma_start3A_163 : memref<96xi32, #tpu.memory_space<hbm>>) target(%arg7 : memref<96xi32, #tpu.memory_space<vmem>>) target_semaphore(%arg19 : memref<!tpu.dma_semaphore, #tpu.memory_space<semaphore_mem>>)
      %dma_start3A_164 = tpu.memref_slice %arg4[%multiple_of3A_161] : memref<160000xi32, #tpu.memory_space<hbm>> -> memref<96xi32, #tpu.memory_space<hbm>>
      %dma_start3A_165 = tpu.memref_slice %arg4[%multiple_of3A_161] : memref<160000xi32, #tpu.memory_space<hbm>> -> memref<96xi32, #tpu.memory_space<hbm>>
      tpu.enqueue_dma source(%dma_start3A_165 : memref<96xi32, #tpu.memory_space<hbm>>) target(%arg11 : memref<96xi32, #tpu.memory_space<vmem>>) target_semaphore(%arg19 : memref<!tpu.dma_semaphore, #tpu.memory_space<semaphore_mem>>)
      %dma_wait3A_166 = arith.constant 0 : i32
      %dma_wait3A_167 = tpu.memref_slice %arg3[%dma_wait3A_166] : memref<160000xi32, #tpu.memory_space<hbm>> -> memref<96xi32, #tpu.memory_space<hbm>>
      %dma_wait3A_168 = arith.constant 0 : i32
      %dma_wait3A_169 = tpu.memref_slice %arg3[%dma_wait3A_168] : memref<160000xi32, #tpu.memory_space<hbm>> -> memref<96xi32, #tpu.memory_space<hbm>>
      tpu.wait_dma2 semaphore(%arg22 : memref<!tpu.dma_semaphore, #tpu.memory_space<semaphore_mem>>) src(%dma_wait3A_169 : memref<96xi32, #tpu.memory_space<hbm>>) dst(%arg10 : memref<96xi32, #tpu.memory_space<vmem>>)
      %dma_wait3A_170 = arith.constant 0 : i32
      %dma_wait3A_171 = tpu.memref_slice %arg4[%dma_wait3A_170] : memref<160000xi32, #tpu.memory_space<hbm>> -> memref<96xi32, #tpu.memory_space<hbm>>
      %dma_wait3A_172 = arith.constant 0 : i32
      %dma_wait3A_173 = tpu.memref_slice %arg4[%dma_wait3A_172] : memref<160000xi32, #tpu.memory_space<hbm>> -> memref<96xi32, #tpu.memory_space<hbm>>
      tpu.wait_dma2 semaphore(%arg22 : memref<!tpu.dma_semaphore, #tpu.memory_space<semaphore_mem>>) src(%dma_wait3A_173 : memref<96xi32, #tpu.memory_space<hbm>>) dst(%arg14 : memref<96xi32, #tpu.memory_space<vmem>>)
      %dma_start3A_174 = arith.constant 0 : i32
      %dma_start3A_175 = arith.constant 0 : i32
      %dma_start3A_176 = tpu.memref_slice %arg2[%dma_start3A_174, %dma_start3A_175] : memref<10000x128xf32, #tpu.memory_space<hbm>> -> memref<10000x128xf32, #tpu.memory_space<hbm>>
      tpu.enqueue_indirect_dma source(%dma_start3A_176 : memref<10000x128xf32, #tpu.memory_space<hbm>>) target(%arg18 : memref<96x128xf32, #tpu.memory_space<vmem>>) offsets(%arg10 : memref<96xi32, #tpu.memory_space<vmem>>) semaphore(%arg26 : memref<!tpu.dma_semaphore, #tpu.memory_space<semaphore_mem>>)
      %dma_wait3A_177 = arith.constant 0 : i32
      %dma_wait3A_178 = arith.constant 0 : i32
      %dma_wait3A_179 = tpu.memref_slice %arg2[%dma_wait3A_177, %dma_wait3A_178] : memref<10000x128xf32, #tpu.memory_space<hbm>> -> memref<10000x128xf32, #tpu.memory_space<hbm>>
      tpu.wait_indirect_dma semaphore(%arg25 : memref<!tpu.dma_semaphore, #tpu.memory_space<semaphore_mem>>) src(%dma_wait3A_179 : memref<10000x128xf32, #tpu.memory_space<hbm>>) dst(%arg17 : memref<96x128xf32, #tpu.memory_space<vmem>>)
      %dma_start3A_180 = arith.constant 0 : i32
      %dma_start3A_181 = arith.constant 0 : i32
      %dma_start3A_182 = tpu.memref_slice %arg6[%dma_start3A_180, %dma_start3A_181] : memref<10000x128xf32, #tpu.memory_space<vmem_shared>> -> memref<10000x128xf32, #tpu.memory_space<vmem_shared>>
      tpu.enqueue_indirect_dma source(%arg17 : memref<96x128xf32, #tpu.memory_space<vmem>>) target(%dma_start3A_182 : memref<10000x128xf32, #tpu.memory_space<vmem_shared>>) offsets(%arg13 : memref<96xi32, #tpu.memory_space<vmem>>) semaphore(%arg29 : memref<!tpu.dma_semaphore, #tpu.memory_space<semaphore_mem>>) {add = true}
      %dma_wait3A_183 = arith.constant 0 : i32
      %dma_wait3A_184 = arith.constant 0 : i32
      %dma_wait3A_185 = tpu.memref_slice %arg6[%dma_wait3A_183, %dma_wait3A_184] : memref<10000x128xf32, #tpu.memory_space<vmem_shared>> -> memref<10000x128xf32, #tpu.memory_space<vmem_shared>>
      tpu.wait_indirect_dma semaphore(%arg28 : memref<!tpu.dma_semaphore, #tpu.memory_space<semaphore_mem>>) src(%arg16 : memref<96x128xf32, #tpu.memory_space<vmem>>) dst(%dma_wait3A_185 : memref<10000x128xf32, #tpu.memory_space<vmem_shared>>)
      %add3A_186 = arith.constant 96 : i32
      %add3A_187 = arith.addi %add3A_155, %add3A_186 : i32
      %multiple_of3A_188 = tpu.assume_multiple %add3A_187, 8 : i32
      %dma_start3A_189 = tpu.memref_slice %arg3[%multiple_of3A_188] : memref<160000xi32, #tpu.memory_space<hbm>> -> memref<96xi32, #tpu.memory_space<hbm>>
      %dma_start3A_190 = tpu.memref_slice %arg3[%multiple_of3A_188] : memref<160000xi32, #tpu.memory_space<hbm>> -> memref<96xi32, #tpu.memory_space<hbm>>
      tpu.enqueue_dma source(%dma_start3A_190 : memref<96xi32, #tpu.memory_space<hbm>>) target(%arg8 : memref<96xi32, #tpu.memory_space<vmem>>) target_semaphore(%arg20 : memref<!tpu.dma_semaphore, #tpu.memory_space<semaphore_mem>>)
      %dma_start3A_191 = tpu.memref_slice %arg4[%multiple_of3A_188] : memref<160000xi32, #tpu.memory_space<hbm>> -> memref<96xi32, #tpu.memory_space<hbm>>
      %dma_start3A_192 = tpu.memref_slice %arg4[%multiple_of3A_188] : memref<160000xi32, #tpu.memory_space<hbm>> -> memref<96xi32, #tpu.memory_space<hbm>>
      tpu.enqueue_dma source(%dma_start3A_192 : memref<96xi32, #tpu.memory_space<hbm>>) target(%arg12 : memref<96xi32, #tpu.memory_space<vmem>>) target_semaphore(%arg20 : memref<!tpu.dma_semaphore, #tpu.memory_space<semaphore_mem>>)
      %dma_wait3A_193 = arith.constant 0 : i32
      %dma_wait3A_194 = tpu.memref_slice %arg3[%dma_wait3A_193] : memref<160000xi32, #tpu.memory_space<hbm>> -> memref<96xi32, #tpu.memory_space<hbm>>
      %dma_wait3A_195 = arith.constant 0 : i32
      %dma_wait3A_196 = tpu.memref_slice %arg3[%dma_wait3A_195] : memref<160000xi32, #tpu.memory_space<hbm>> -> memref<96xi32, #tpu.memory_space<hbm>>
      tpu.wait_dma2 semaphore(%arg19 : memref<!tpu.dma_semaphore, #tpu.memory_space<semaphore_mem>>) src(%dma_wait3A_196 : memref<96xi32, #tpu.memory_space<hbm>>) dst(%arg7 : memref<96xi32, #tpu.memory_space<vmem>>)
      %dma_wait3A_197 = arith.constant 0 : i32
      %dma_wait3A_198 = tpu.memref_slice %arg4[%dma_wait3A_197] : memref<160000xi32, #tpu.memory_space<hbm>> -> memref<96xi32, #tpu.memory_space<hbm>>
      %dma_wait3A_199 = arith.constant 0 : i32
      %dma_wait3A_200 = tpu.memref_slice %arg4[%dma_wait3A_199] : memref<160000xi32, #tpu.memory_space<hbm>> -> memref<96xi32, #tpu.memory_space<hbm>>
      tpu.wait_dma2 semaphore(%arg19 : memref<!tpu.dma_semaphore, #tpu.memory_space<semaphore_mem>>) src(%dma_wait3A_200 : memref<96xi32, #tpu.memory_space<hbm>>) dst(%arg11 : memref<96xi32, #tpu.memory_space<vmem>>)
      %dma_start3A_201 = arith.constant 0 : i32
      %dma_start3A_202 = arith.constant 0 : i32
      %dma_start3A_203 = tpu.memref_slice %arg2[%dma_start3A_201, %dma_start3A_202] : memref<10000x128xf32, #tpu.memory_space<hbm>> -> memref<10000x128xf32, #tpu.memory_space<hbm>>
      tpu.enqueue_indirect_dma source(%dma_start3A_203 : memref<10000x128xf32, #tpu.memory_space<hbm>>) target(%arg15 : memref<96x128xf32, #tpu.memory_space<vmem>>) offsets(%arg7 : memref<96xi32, #tpu.memory_space<vmem>>) semaphore(%arg23 : memref<!tpu.dma_semaphore, #tpu.memory_space<semaphore_mem>>)
      %dma_wait3A_204 = arith.constant 0 : i32
      %dma_wait3A_205 = arith.constant 0 : i32
      %dma_wait3A_206 = tpu.memref_slice %arg2[%dma_wait3A_204, %dma_wait3A_205] : memref<10000x128xf32, #tpu.memory_space<hbm>> -> memref<10000x128xf32, #tpu.memory_space<hbm>>
      tpu.wait_indirect_dma semaphore(%arg26 : memref<!tpu.dma_semaphore, #tpu.memory_space<semaphore_mem>>) src(%dma_wait3A_206 : memref<10000x128xf32, #tpu.memory_space<hbm>>) dst(%arg18 : memref<96x128xf32, #tpu.memory_space<vmem>>)
      %dma_start3A_207 = arith.constant 0 : i32
      %dma_start3A_208 = arith.constant 0 : i32
      %dma_start3A_209 = tpu.memref_slice %arg6[%dma_start3A_207, %dma_start3A_208] : memref<10000x128xf32, #tpu.memory_space<vmem_shared>> -> memref<10000x128xf32, #tpu.memory_space<vmem_shared>>
      tpu.enqueue_indirect_dma source(%arg18 : memref<96x128xf32, #tpu.memory_space<vmem>>) target(%dma_start3A_209 : memref<10000x128xf32, #tpu.memory_space<vmem_shared>>) offsets(%arg14 : memref<96xi32, #tpu.memory_space<vmem>>) semaphore(%arg30 : memref<!tpu.dma_semaphore, #tpu.memory_space<semaphore_mem>>) {add = true}
      %dma_wait3A_210 = arith.constant 0 : i32
      %dma_wait3A_211 = arith.constant 0 : i32
      %dma_wait3A_212 = tpu.memref_slice %arg6[%dma_wait3A_210, %dma_wait3A_211] : memref<10000x128xf32, #tpu.memory_space<vmem_shared>> -> memref<10000x128xf32, #tpu.memory_space<vmem_shared>>
      tpu.wait_indirect_dma semaphore(%arg29 : memref<!tpu.dma_semaphore, #tpu.memory_space<semaphore_mem>>) src(%arg17 : memref<96x128xf32, #tpu.memory_space<vmem>>) dst(%dma_wait3A_212 : memref<10000x128xf32, #tpu.memory_space<vmem_shared>>)
      %add3A_213 = arith.constant 192 : i32
      %add3A_214 = arith.addi %add3A_155, %add3A_213 : i32
      %multiple_of3A_215 = tpu.assume_multiple %add3A_214, 8 : i32
      %dma_start3A_216 = tpu.memref_slice %arg3[%multiple_of3A_215] : memref<160000xi32, #tpu.memory_space<hbm>> -> memref<96xi32, #tpu.memory_space<hbm>>
      %dma_start3A_217 = tpu.memref_slice %arg3[%multiple_of3A_215] : memref<160000xi32, #tpu.memory_space<hbm>> -> memref<96xi32, #tpu.memory_space<hbm>>
      tpu.enqueue_dma source(%dma_start3A_217 : memref<96xi32, #tpu.memory_space<hbm>>) target(%arg9 : memref<96xi32, #tpu.memory_space<vmem>>) target_semaphore(%arg21 : memref<!tpu.dma_semaphore, #tpu.memory_space<semaphore_mem>>)
      %dma_start3A_218 = tpu.memref_slice %arg4[%multiple_of3A_215] : memref<160000xi32, #tpu.memory_space<hbm>> -> memref<96xi32, #tpu.memory_space<hbm>>
      %dma_start3A_219 = tpu.memref_slice %arg4[%multiple_of3A_215] : memref<160000xi32, #tpu.memory_space<hbm>> -> memref<96xi32, #tpu.memory_space<hbm>>
      tpu.enqueue_dma source(%dma_start3A_219 : memref<96xi32, #tpu.memory_space<hbm>>) target(%arg13 : memref<96xi32, #tpu.memory_space<vmem>>) target_semaphore(%arg21 : memref<!tpu.dma_semaphore, #tpu.memory_space<semaphore_mem>>)
      %dma_wait3A_220 = arith.constant 0 : i32
      %dma_wait3A_221 = tpu.memref_slice %arg3[%dma_wait3A_220] : memref<160000xi32, #tpu.memory_space<hbm>> -> memref<96xi32, #tpu.memory_space<hbm>>
      %dma_wait3A_222 = arith.constant 0 : i32
      %dma_wait3A_223 = tpu.memref_slice %arg3[%dma_wait3A_222] : memref<160000xi32, #tpu.memory_space<hbm>> -> memref<96xi32, #tpu.memory_space<hbm>>
      tpu.wait_dma2 semaphore(%arg20 : memref<!tpu.dma_semaphore, #tpu.memory_space<semaphore_mem>>) src(%dma_wait3A_223 : memref<96xi32, #tpu.memory_space<hbm>>) dst(%arg8 : memref<96xi32, #tpu.memory_space<vmem>>)
      %dma_wait3A_224 = arith.constant 0 : i32
      %dma_wait3A_225 = tpu.memref_slice %arg4[%dma_wait3A_224] : memref<160000xi32, #tpu.memory_space<hbm>> -> memref<96xi32, #tpu.memory_space<hbm>>
      %dma_wait3A_226 = arith.constant 0 : i32
      %dma_wait3A_227 = tpu.memref_slice %arg4[%dma_wait3A_226] : memref<160000xi32, #tpu.memory_space<hbm>> -> memref<96xi32, #tpu.memory_space<hbm>>
      tpu.wait_dma2 semaphore(%arg20 : memref<!tpu.dma_semaphore, #tpu.memory_space<semaphore_mem>>) src(%dma_wait3A_227 : memref<96xi32, #tpu.memory_space<hbm>>) dst(%arg12 : memref<96xi32, #tpu.memory_space<vmem>>)
      %dma_start3A_228 = arith.constant 0 : i32
      %dma_start3A_229 = arith.constant 0 : i32
      %dma_start3A_230 = tpu.memref_slice %arg2[%dma_start3A_228, %dma_start3A_229] : memref<10000x128xf32, #tpu.memory_space<hbm>> -> memref<10000x128xf32, #tpu.memory_space<hbm>>
      tpu.enqueue_indirect_dma source(%dma_start3A_230 : memref<10000x128xf32, #tpu.memory_space<hbm>>) target(%arg16 : memref<96x128xf32, #tpu.memory_space<vmem>>) offsets(%arg8 : memref<96xi32, #tpu.memory_space<vmem>>) semaphore(%arg24 : memref<!tpu.dma_semaphore, #tpu.memory_space<semaphore_mem>>)
      %dma_wait3A_231 = arith.constant 0 : i32
      %dma_wait3A_232 = arith.constant 0 : i32
      %dma_wait3A_233 = tpu.memref_slice %arg2[%dma_wait3A_231, %dma_wait3A_232] : memref<10000x128xf32, #tpu.memory_space<hbm>> -> memref<10000x128xf32, #tpu.memory_space<hbm>>
      tpu.wait_indirect_dma semaphore(%arg23 : memref<!tpu.dma_semaphore, #tpu.memory_space<semaphore_mem>>) src(%dma_wait3A_233 : memref<10000x128xf32, #tpu.memory_space<hbm>>) dst(%arg15 : memref<96x128xf32, #tpu.memory_space<vmem>>)
      %dma_start3A_234 = arith.constant 0 : i32
      %dma_start3A_235 = arith.constant 0 : i32
      %dma_start3A_236 = tpu.memref_slice %arg6[%dma_start3A_234, %dma_start3A_235] : memref<10000x128xf32, #tpu.memory_space<vmem_shared>> -> memref<10000x128xf32, #tpu.memory_space<vmem_shared>>
      tpu.enqueue_indirect_dma source(%arg15 : memref<96x128xf32, #tpu.memory_space<vmem>>) target(%dma_start3A_236 : memref<10000x128xf32, #tpu.memory_space<vmem_shared>>) offsets(%arg11 : memref<96xi32, #tpu.memory_space<vmem>>) semaphore(%arg27 : memref<!tpu.dma_semaphore, #tpu.memory_space<semaphore_mem>>) {add = true}
      %dma_wait3A_237 = arith.constant 0 : i32
      %dma_wait3A_238 = arith.constant 0 : i32
      %dma_wait3A_239 = tpu.memref_slice %arg6[%dma_wait3A_237, %dma_wait3A_238] : memref<10000x128xf32, #tpu.memory_space<vmem_shared>> -> memref<10000x128xf32, #tpu.memory_space<vmem_shared>>
      tpu.wait_indirect_dma semaphore(%arg30 : memref<!tpu.dma_semaphore, #tpu.memory_space<semaphore_mem>>) src(%arg18 : memref<96x128xf32, #tpu.memory_space<vmem>>) dst(%dma_wait3A_239 : memref<10000x128xf32, #tpu.memory_space<vmem_shared>>)
      %add3A_240 = arith.constant 288 : i32
      %add3A_241 = arith.addi %add3A_155, %add3A_240 : i32
      %multiple_of3A_242 = tpu.assume_multiple %add3A_241, 8 : i32
      %dma_start3A_243 = tpu.memref_slice %arg3[%multiple_of3A_242] : memref<160000xi32, #tpu.memory_space<hbm>> -> memref<96xi32, #tpu.memory_space<hbm>>
      %dma_start3A_244 = tpu.memref_slice %arg3[%multiple_of3A_242] : memref<160000xi32, #tpu.memory_space<hbm>> -> memref<96xi32, #tpu.memory_space<hbm>>
      tpu.enqueue_dma source(%dma_start3A_244 : memref<96xi32, #tpu.memory_space<hbm>>) target(%arg10 : memref<96xi32, #tpu.memory_space<vmem>>) target_semaphore(%arg22 : memref<!tpu.dma_semaphore, #tpu.memory_space<semaphore_mem>>)
      %dma_start3A_245 = tpu.memref_slice %arg4[%multiple_of3A_242] : memref<160000xi32, #tpu.memory_space<hbm>> -> memref<96xi32, #tpu.memory_space<hbm>>
      %dma_start3A_246 = tpu.memref_slice %arg4[%multiple_of3A_242] : memref<160000xi32, #tpu.memory_space<hbm>> -> memref<96xi32, #tpu.memory_space<hbm>>
      tpu.enqueue_dma source(%dma_start3A_246 : memref<96xi32, #tpu.memory_space<hbm>>) target(%arg14 : memref<96xi32, #tpu.memory_space<vmem>>) target_semaphore(%arg22 : memref<!tpu.dma_semaphore, #tpu.memory_space<semaphore_mem>>)
      %dma_wait3A_247 = arith.constant 0 : i32
      %dma_wait3A_248 = tpu.memref_slice %arg3[%dma_wait3A_247] : memref<160000xi32, #tpu.memory_space<hbm>> -> memref<96xi32, #tpu.memory_space<hbm>>
      %dma_wait3A_249 = arith.constant 0 : i32
      %dma_wait3A_250 = tpu.memref_slice %arg3[%dma_wait3A_249] : memref<160000xi32, #tpu.memory_space<hbm>> -> memref<96xi32, #tpu.memory_space<hbm>>
      tpu.wait_dma2 semaphore(%arg21 : memref<!tpu.dma_semaphore, #tpu.memory_space<semaphore_mem>>) src(%dma_wait3A_250 : memref<96xi32, #tpu.memory_space<hbm>>) dst(%arg9 : memref<96xi32, #tpu.memory_space<vmem>>)
      %dma_wait3A_251 = arith.constant 0 : i32
      %dma_wait3A_252 = tpu.memref_slice %arg4[%dma_wait3A_251] : memref<160000xi32, #tpu.memory_space<hbm>> -> memref<96xi32, #tpu.memory_space<hbm>>
      %dma_wait3A_253 = arith.constant 0 : i32
      %dma_wait3A_254 = tpu.memref_slice %arg4[%dma_wait3A_253] : memref<160000xi32, #tpu.memory_space<hbm>> -> memref<96xi32, #tpu.memory_space<hbm>>
      tpu.wait_dma2 semaphore(%arg21 : memref<!tpu.dma_semaphore, #tpu.memory_space<semaphore_mem>>) src(%dma_wait3A_254 : memref<96xi32, #tpu.memory_space<hbm>>) dst(%arg13 : memref<96xi32, #tpu.memory_space<vmem>>)
      %dma_start3A_255 = arith.constant 0 : i32
      %dma_start3A_256 = arith.constant 0 : i32
      %dma_start3A_257 = tpu.memref_slice %arg2[%dma_start3A_255, %dma_start3A_256] : memref<10000x128xf32, #tpu.memory_space<hbm>> -> memref<10000x128xf32, #tpu.memory_space<hbm>>
      tpu.enqueue_indirect_dma source(%dma_start3A_257 : memref<10000x128xf32, #tpu.memory_space<hbm>>) target(%arg17 : memref<96x128xf32, #tpu.memory_space<vmem>>) offsets(%arg9 : memref<96xi32, #tpu.memory_space<vmem>>) semaphore(%arg25 : memref<!tpu.dma_semaphore, #tpu.memory_space<semaphore_mem>>)
      %dma_wait3A_258 = arith.constant 0 : i32
      %dma_wait3A_259 = arith.constant 0 : i32
      %dma_wait3A_260 = tpu.memref_slice %arg2[%dma_wait3A_258, %dma_wait3A_259] : memref<10000x128xf32, #tpu.memory_space<hbm>> -> memref<10000x128xf32, #tpu.memory_space<hbm>>
      tpu.wait_indirect_dma semaphore(%arg24 : memref<!tpu.dma_semaphore, #tpu.memory_space<semaphore_mem>>) src(%dma_wait3A_260 : memref<10000x128xf32, #tpu.memory_space<hbm>>) dst(%arg16 : memref<96x128xf32, #tpu.memory_space<vmem>>)
      %dma_start3A_261 = arith.constant 0 : i32
      %dma_start3A_262 = arith.constant 0 : i32
      %dma_start3A_263 = tpu.memref_slice %arg6[%dma_start3A_261, %dma_start3A_262] : memref<10000x128xf32, #tpu.memory_space<vmem_shared>> -> memref<10000x128xf32, #tpu.memory_space<vmem_shared>>
      tpu.enqueue_indirect_dma source(%arg16 : memref<96x128xf32, #tpu.memory_space<vmem>>) target(%dma_start3A_263 : memref<10000x128xf32, #tpu.memory_space<vmem_shared>>) offsets(%arg12 : memref<96xi32, #tpu.memory_space<vmem>>) semaphore(%arg28 : memref<!tpu.dma_semaphore, #tpu.memory_space<semaphore_mem>>) {add = true}
    }
    %scan3A_87 = arith.constant 12 : i32
    %dma_wait3A_88 = arith.constant 0 : i32
    %dma_wait3A_89 = tpu.memref_slice %arg3[%dma_wait3A_88] : memref<160000xi32, #tpu.memory_space<hbm>> -> memref<96xi32, #tpu.memory_space<hbm>>
    %dma_wait3A_90 = arith.constant 0 : i32
    %dma_wait3A_91 = tpu.memref_slice %arg3[%dma_wait3A_90] : memref<160000xi32, #tpu.memory_space<hbm>> -> memref<96xi32, #tpu.memory_space<hbm>>
    tpu.wait_dma2 semaphore(%arg22 : memref<!tpu.dma_semaphore, #tpu.memory_space<semaphore_mem>>) src(%dma_wait3A_91 : memref<96xi32, #tpu.memory_space<hbm>>) dst(%arg10 : memref<96xi32, #tpu.memory_space<vmem>>)
    %dma_wait3A_92 = arith.constant 0 : i32
    %dma_wait3A_93 = tpu.memref_slice %arg4[%dma_wait3A_92] : memref<160000xi32, #tpu.memory_space<hbm>> -> memref<96xi32, #tpu.memory_space<hbm>>
    %dma_wait3A_94 = arith.constant 0 : i32
    %dma_wait3A_95 = tpu.memref_slice %arg4[%dma_wait3A_94] : memref<160000xi32, #tpu.memory_space<hbm>> -> memref<96xi32, #tpu.memory_space<hbm>>
    tpu.wait_dma2 semaphore(%arg22 : memref<!tpu.dma_semaphore, #tpu.memory_space<semaphore_mem>>) src(%dma_wait3A_95 : memref<96xi32, #tpu.memory_space<hbm>>) dst(%arg14 : memref<96xi32, #tpu.memory_space<vmem>>)
    %dma_start3A_96 = arith.constant 0 : i32
    %dma_start3A_97 = arith.constant 0 : i32
    %dma_start3A_98 = tpu.memref_slice %arg2[%dma_start3A_96, %dma_start3A_97] : memref<10000x128xf32, #tpu.memory_space<hbm>> -> memref<10000x128xf32, #tpu.memory_space<hbm>>
    tpu.enqueue_indirect_dma source(%dma_start3A_98 : memref<10000x128xf32, #tpu.memory_space<hbm>>) target(%arg18 : memref<96x128xf32, #tpu.memory_space<vmem>>) offsets(%arg10 : memref<96xi32, #tpu.memory_space<vmem>>) semaphore(%arg26 : memref<!tpu.dma_semaphore, #tpu.memory_space<semaphore_mem>>)
    %dma_wait3A_99 = arith.constant 0 : i32
    %dma_wait3A_100 = arith.constant 0 : i32
    %dma_wait3A_101 = tpu.memref_slice %arg2[%dma_wait3A_99, %dma_wait3A_100] : memref<10000x128xf32, #tpu.memory_space<hbm>> -> memref<10000x128xf32, #tpu.memory_space<hbm>>
    tpu.wait_indirect_dma semaphore(%arg25 : memref<!tpu.dma_semaphore, #tpu.memory_space<semaphore_mem>>) src(%dma_wait3A_101 : memref<10000x128xf32, #tpu.memory_space<hbm>>) dst(%arg17 : memref<96x128xf32, #tpu.memory_space<vmem>>)
    %dma_start3A_102 = arith.constant 0 : i32
    %dma_start3A_103 = arith.constant 0 : i32
    %dma_start3A_104 = tpu.memref_slice %arg6[%dma_start3A_102, %dma_start3A_103] : memref<10000x128xf32, #tpu.memory_space<vmem_shared>> -> memref<10000x128xf32, #tpu.memory_space<vmem_shared>>
    tpu.enqueue_indirect_dma source(%arg17 : memref<96x128xf32, #tpu.memory_space<vmem>>) target(%dma_start3A_104 : memref<10000x128xf32, #tpu.memory_space<vmem_shared>>) offsets(%arg13 : memref<96xi32, #tpu.memory_space<vmem>>) semaphore(%arg29 : memref<!tpu.dma_semaphore, #tpu.memory_space<semaphore_mem>>) {add = true}
    %dma_wait3A_105 = arith.constant 0 : i32
    %dma_wait3A_106 = arith.constant 0 : i32
    %dma_wait3A_107 = tpu.memref_slice %arg2[%dma_wait3A_105, %dma_wait3A_106] : memref<10000x128xf32, #tpu.memory_space<hbm>> -> memref<10000x128xf32, #tpu.memory_space<hbm>>
    tpu.wait_indirect_dma semaphore(%arg26 : memref<!tpu.dma_semaphore, #tpu.memory_space<semaphore_mem>>) src(%dma_wait3A_107 : memref<10000x128xf32, #tpu.memory_space<hbm>>) dst(%arg18 : memref<96x128xf32, #tpu.memory_space<vmem>>)
    %dma_start3A_108 = arith.constant 0 : i32
    %dma_start3A_109 = arith.constant 0 : i32
    %dma_start3A_110 = tpu.memref_slice %arg6[%dma_start3A_108, %dma_start3A_109] : memref<10000x128xf32, #tpu.memory_space<vmem_shared>> -> memref<10000x128xf32, #tpu.memory_space<vmem_shared>>
    tpu.enqueue_indirect_dma source(%arg18 : memref<96x128xf32, #tpu.memory_space<vmem>>) target(%dma_start3A_110 : memref<10000x128xf32, #tpu.memory_space<vmem_shared>>) offsets(%arg14 : memref<96xi32, #tpu.memory_space<vmem>>) semaphore(%arg30 : memref<!tpu.dma_semaphore, #tpu.memory_space<semaphore_mem>>) {add = true}
    %dma_wait3A_111 = arith.constant 0 : i32
    %dma_wait3A_112 = arith.constant 0 : i32
    %dma_wait3A_113 = tpu.memref_slice %arg6[%dma_wait3A_111, %dma_wait3A_112] : memref<10000x128xf32, #tpu.memory_space<vmem_shared>> -> memref<10000x128xf32, #tpu.memory_space<vmem_shared>>
    tpu.wait_indirect_dma semaphore(%arg27 : memref<!tpu.dma_semaphore, #tpu.memory_space<semaphore_mem>>) src(%arg15 : memref<96x128xf32, #tpu.memory_space<vmem>>) dst(%dma_wait3A_113 : memref<10000x128xf32, #tpu.memory_space<vmem_shared>>)
    %dma_wait3A_114 = arith.constant 0 : i32
    %dma_wait3A_115 = arith.constant 0 : i32
    %dma_wait3A_116 = tpu.memref_slice %arg6[%dma_wait3A_114, %dma_wait3A_115] : memref<10000x128xf32, #tpu.memory_space<vmem_shared>> -> memref<10000x128xf32, #tpu.memory_space<vmem_shared>>
    tpu.wait_indirect_dma semaphore(%arg28 : memref<!tpu.dma_semaphore, #tpu.memory_space<semaphore_mem>>) src(%arg16 : memref<96x128xf32, #tpu.memory_space<vmem>>) dst(%dma_wait3A_116 : memref<10000x128xf32, #tpu.memory_space<vmem_shared>>)
    %dma_wait3A_117 = arith.constant 0 : i32
    %dma_wait3A_118 = arith.constant 0 : i32
    %dma_wait3A_119 = tpu.memref_slice %arg6[%dma_wait3A_117, %dma_wait3A_118] : memref<10000x128xf32, #tpu.memory_space<vmem_shared>> -> memref<10000x128xf32, #tpu.memory_space<vmem_shared>>
    tpu.wait_indirect_dma semaphore(%arg29 : memref<!tpu.dma_semaphore, #tpu.memory_space<semaphore_mem>>) src(%arg17 : memref<96x128xf32, #tpu.memory_space<vmem>>) dst(%dma_wait3A_119 : memref<10000x128xf32, #tpu.memory_space<vmem_shared>>)
    %dma_wait3A_120 = arith.constant 0 : i32
    %dma_wait3A_121 = arith.constant 0 : i32
    %dma_wait3A_122 = tpu.memref_slice %arg6[%dma_wait3A_120, %dma_wait3A_121] : memref<10000x128xf32, #tpu.memory_space<vmem_shared>> -> memref<10000x128xf32, #tpu.memory_space<vmem_shared>>
    tpu.wait_indirect_dma semaphore(%arg30 : memref<!tpu.dma_semaphore, #tpu.memory_space<semaphore_mem>>) src(%arg18 : memref<96x128xf32, #tpu.memory_space<vmem>>) dst(%dma_wait3A_122 : memref<10000x128xf32, #tpu.memory_space<vmem_shared>>)
    %add3A_123 = arith.constant 4992 : i32
    %add3A_124 = arith.addi %add3A_11, %add3A_123 : i32
    %multiple_of3A_125 = tpu.assume_multiple %add3A_124, 8 : i32
    "tpu.region"() ({
      %run_scoped3A = tpu.sem_alloc : memref<!tpu.dma_semaphore, #tpu.memory_space<semaphore_mem>>
      %dma_start3A_152 = tpu.memref_slice %arg4[%multiple_of3A_125] : memref<160000xi32, #tpu.memory_space<hbm>> -> memref<8xi32, #tpu.memory_space<hbm>>
      %dma_start3A_153 = tpu.memref_slice %arg4[%multiple_of3A_125] : memref<160000xi32, #tpu.memory_space<hbm>> -> memref<8xi32, #tpu.memory_space<hbm>>
      tpu.enqueue_dma source(%dma_start3A_153 : memref<8xi32, #tpu.memory_space<hbm>>) target(%arg32 : memref<8xi32, #tpu.memory_space<vmem>>) target_semaphore(%run_scoped3A : memref<!tpu.dma_semaphore, #tpu.memory_space<semaphore_mem>>)
      %dma_wait3A_154 = tpu.memref_slice %arg4[%multiple_of3A_125] : memref<160000xi32, #tpu.memory_space<hbm>> -> memref<8xi32, #tpu.memory_space<hbm>>
      %dma_wait3A_155 = tpu.memref_slice %arg4[%multiple_of3A_125] : memref<160000xi32, #tpu.memory_space<hbm>> -> memref<8xi32, #tpu.memory_space<hbm>>
      tpu.wait_dma2 semaphore(%run_scoped3A : memref<!tpu.dma_semaphore, #tpu.memory_space<semaphore_mem>>) src(%dma_wait3A_155 : memref<8xi32, #tpu.memory_space<hbm>>) dst(%arg32 : memref<8xi32, #tpu.memory_space<vmem>>)
      tpu.yield
    }) : () -> ()
    "tpu.region"() ({
      %run_scoped3A = tpu.sem_alloc : memref<!tpu.dma_semaphore, #tpu.memory_space<semaphore_mem>>
      %dma_start3A_152 = tpu.memref_slice %arg3[%multiple_of3A_125] : memref<160000xi32, #tpu.memory_space<hbm>> -> memref<8xi32, #tpu.memory_space<hbm>>
      %dma_start3A_153 = tpu.memref_slice %arg3[%multiple_of3A_125] : memref<160000xi32, #tpu.memory_space<hbm>> -> memref<8xi32, #tpu.memory_space<hbm>>
      tpu.enqueue_dma source(%dma_start3A_153 : memref<8xi32, #tpu.memory_space<hbm>>) target(%arg31 : memref<8xi32, #tpu.memory_space<vmem>>) target_semaphore(%run_scoped3A : memref<!tpu.dma_semaphore, #tpu.memory_space<semaphore_mem>>)
      %dma_wait3A_154 = tpu.memref_slice %arg3[%multiple_of3A_125] : memref<160000xi32, #tpu.memory_space<hbm>> -> memref<8xi32, #tpu.memory_space<hbm>>
      %dma_wait3A_155 = tpu.memref_slice %arg3[%multiple_of3A_125] : memref<160000xi32, #tpu.memory_space<hbm>> -> memref<8xi32, #tpu.memory_space<hbm>>
      tpu.wait_dma2 semaphore(%run_scoped3A : memref<!tpu.dma_semaphore, #tpu.memory_space<semaphore_mem>>) src(%dma_wait3A_155 : memref<8xi32, #tpu.memory_space<hbm>>) dst(%arg31 : memref<8xi32, #tpu.memory_space<vmem>>)
      tpu.yield
    }) : () -> ()
    %dma_start3A_126 = arith.constant 0 : i32
    %dma_start3A_127 = arith.constant 0 : i32
    %dma_start3A_128 = tpu.memref_slice %arg15[%dma_start3A_126, %dma_start3A_127] : memref<96x128xf32, #tpu.memory_space<vmem>> -> memref<8x128xf32, #tpu.memory_space<vmem>>
    %dma_start3A_129 = arith.constant 0 : i32
    %dma_start3A_130 = arith.constant 0 : i32
    %dma_start3A_131 = tpu.memref_slice %arg2[%dma_start3A_129, %dma_start3A_130] : memref<10000x128xf32, #tpu.memory_space<hbm>> -> memref<10000x128xf32, #tpu.memory_space<hbm>>
    tpu.enqueue_indirect_dma source(%dma_start3A_131 : memref<10000x128xf32, #tpu.memory_space<hbm>>) target(%dma_start3A_128 : memref<8x128xf32, #tpu.memory_space<vmem>>) offsets(%arg31 : memref<8xi32, #tpu.memory_space<vmem>>) semaphore(%arg23 : memref<!tpu.dma_semaphore, #tpu.memory_space<semaphore_mem>>)
    %dma_wait3A_132 = arith.constant 0 : i32
    %dma_wait3A_133 = arith.constant 0 : i32
    %dma_wait3A_134 = tpu.memref_slice %arg15[%dma_wait3A_132, %dma_wait3A_133] : memref<96x128xf32, #tpu.memory_space<vmem>> -> memref<8x128xf32, #tpu.memory_space<vmem>>
    %dma_wait3A_135 = arith.constant 0 : i32
    %dma_wait3A_136 = arith.constant 0 : i32
    %dma_wait3A_137 = tpu.memref_slice %arg2[%dma_wait3A_135, %dma_wait3A_136] : memref<10000x128xf32, #tpu.memory_space<hbm>> -> memref<10000x128xf32, #tpu.memory_space<hbm>>
    tpu.wait_indirect_dma semaphore(%arg23 : memref<!tpu.dma_semaphore, #tpu.memory_space<semaphore_mem>>) src(%dma_wait3A_137 : memref<10000x128xf32, #tpu.memory_space<hbm>>) dst(%dma_wait3A_134 : memref<8x128xf32, #tpu.memory_space<vmem>>)
    "tpu.region"() ({
      %run_scoped3A = tpu.sem_alloc : memref<!tpu.dma_semaphore, #tpu.memory_space<semaphore_mem>>
      %dma_start3A_152 = arith.constant 0 : i32
      %dma_start3A_153 = arith.constant 0 : i32
      %dma_start3A_154 = tpu.memref_slice %arg15[%dma_start3A_152, %dma_start3A_153] : memref<96x128xf32, #tpu.memory_space<vmem>> -> memref<8x128xf32, #tpu.memory_space<vmem>>
      %dma_start3A_155 = arith.constant 0 : i32
      %dma_start3A_156 = arith.constant 0 : i32
      %dma_start3A_157 = tpu.memref_slice %arg6[%dma_start3A_155, %dma_start3A_156] : memref<10000x128xf32, #tpu.memory_space<vmem_shared>> -> memref<10000x128xf32, #tpu.memory_space<vmem_shared>>
      tpu.enqueue_indirect_dma source(%dma_start3A_154 : memref<8x128xf32, #tpu.memory_space<vmem>>) target(%dma_start3A_157 : memref<10000x128xf32, #tpu.memory_space<vmem_shared>>) offsets(%arg32 : memref<8xi32, #tpu.memory_space<vmem>>) semaphore(%run_scoped3A : memref<!tpu.dma_semaphore, #tpu.memory_space<semaphore_mem>>) {add = true}
      %dma_wait3A_158 = arith.constant 0 : i32
      %dma_wait3A_159 = arith.constant 0 : i32
      %dma_wait3A_160 = tpu.memref_slice %arg15[%dma_wait3A_158, %dma_wait3A_159] : memref<96x128xf32, #tpu.memory_space<vmem>> -> memref<8x128xf32, #tpu.memory_space<vmem>>
      %dma_wait3A_161 = arith.constant 0 : i32
      %dma_wait3A_162 = arith.constant 0 : i32
      %dma_wait3A_163 = tpu.memref_slice %arg6[%dma_wait3A_161, %dma_wait3A_162] : memref<10000x128xf32, #tpu.memory_space<vmem_shared>> -> memref<10000x128xf32, #tpu.memory_space<vmem_shared>>
      tpu.wait_indirect_dma semaphore(%run_scoped3A : memref<!tpu.dma_semaphore, #tpu.memory_space<semaphore_mem>>) src(%dma_wait3A_160 : memref<8x128xf32, #tpu.memory_space<vmem>>) dst(%dma_wait3A_163 : memref<10000x128xf32, #tpu.memory_space<vmem_shared>>)
      tpu.yield
    }) : () -> ()
    %barrier3A_138 = arith.constant 0 : index
    tpu.barrier barrier_id(%barrier3A_138)
    %mul3A_139 = arith.constant 10000 : i32
    %mul3A_140 = arith.muli %arg0, %mul3A_139 : i32
    %mul3A_141 = arith.constant 624 : i32
    %mul3A_142 = arith.muli %arg1, %mul3A_141 : i32
    %add3A_143 = arith.addi %mul3A_140, %mul3A_142 : i32
    %multiple_of3A_144 = tpu.assume_multiple %add3A_143, 8 : i32
    %mul3A_145 = arith.constant 624 : i32
    %mul3A_146 = arith.muli %arg1, %mul3A_145 : i32
    "tpu.region"() ({
      %run_scoped3A = tpu.sem_alloc : memref<!tpu.dma_semaphore, #tpu.memory_space<semaphore_mem>>
      %dma_start3A_152 = arith.constant 0 : i32
      %dma_start3A_153 = tpu.memref_slice %arg5[%multiple_of3A_144, %dma_start3A_152] : memref<20000x128xf32, #tpu.memory_space<hbm>> -> memref<624x128xf32, #tpu.memory_space<hbm>>
      %dma_start3A_154 = arith.constant 0 : i32
      %dma_start3A_155 = tpu.memref_slice %arg6[%mul3A_146, %dma_start3A_154] : memref<10000x128xf32, #tpu.memory_space<vmem_shared>> -> memref<624x128xf32, #tpu.memory_space<vmem_shared>>
      tpu.enqueue_dma source(%dma_start3A_155 : memref<624x128xf32, #tpu.memory_space<vmem_shared>>) target(%dma_start3A_153 : memref<624x128xf32, #tpu.memory_space<hbm>>) target_semaphore(%run_scoped3A : memref<!tpu.dma_semaphore, #tpu.memory_space<semaphore_mem>>)
      %dma_wait3A_156 = arith.constant 0 : i32
      %dma_wait3A_157 = tpu.memref_slice %arg5[%multiple_of3A_144, %dma_wait3A_156] : memref<20000x128xf32, #tpu.memory_space<hbm>> -> memref<624x128xf32, #tpu.memory_space<hbm>>
      %dma_wait3A_158 = arith.constant 0 : i32
      %dma_wait3A_159 = tpu.memref_slice %arg6[%mul3A_146, %dma_wait3A_158] : memref<10000x128xf32, #tpu.memory_space<vmem_shared>> -> memref<624x128xf32, #tpu.memory_space<vmem_shared>>
      tpu.wait_dma2 semaphore(%run_scoped3A : memref<!tpu.dma_semaphore, #tpu.memory_space<semaphore_mem>>) src(%dma_wait3A_159 : memref<624x128xf32, #tpu.memory_space<vmem_shared>>) dst(%dma_wait3A_157 : memref<624x128xf32, #tpu.memory_space<hbm>>)
      tpu.yield
    }) : () -> ()
    %eq3A_147 = arith.constant 15 : i32
    %eq3A_148 = arith.cmpi eq, %arg1, %eq3A_147 : i32
    %convert_element_type3A_149 = arith.extui %eq3A_148 : i1 to i32
    %cond3A_150 = arith.constant 0 : i32
    %cond3A_151 = arith.cmpi ne, %convert_element_type3A_149, %cond3A_150 : i32
    scf.if %cond3A_151 {
      %mul3A_152 = arith.constant 10000 : i32
      %mul3A_153 = arith.muli %arg0, %mul3A_152 : i32
      %add3A_154 = arith.constant 9984 : i32
      %add3A_155 = arith.addi %mul3A_153, %add3A_154 : i32
      %multiple_of3A_156 = tpu.assume_multiple %add3A_155, 8 : i32
      "tpu.region"() ({
        %run_scoped3A = tpu.sem_alloc : memref<!tpu.dma_semaphore, #tpu.memory_space<semaphore_mem>>
        %dma_start3A_157 = arith.constant 0 : i32
        %dma_start3A_158 = tpu.memref_slice %arg5[%multiple_of3A_156, %dma_start3A_157] : memref<20000x128xf32, #tpu.memory_space<hbm>> -> memref<16x128xf32, #tpu.memory_space<hbm>>
        %dma_start3A_159 = arith.constant 9984 : i32
        %dma_start3A_160 = arith.constant 0 : i32
        %dma_start3A_161 = tpu.memref_slice %arg6[%dma_start3A_159, %dma_start3A_160] : memref<10000x128xf32, #tpu.memory_space<vmem_shared>> -> memref<16x128xf32, #tpu.memory_space<vmem_shared>>
        tpu.enqueue_dma source(%dma_start3A_161 : memref<16x128xf32, #tpu.memory_space<vmem_shared>>) target(%dma_start3A_158 : memref<16x128xf32, #tpu.memory_space<hbm>>) target_semaphore(%run_scoped3A : memref<!tpu.dma_semaphore, #tpu.memory_space<semaphore_mem>>)
        %dma_wait3A_162 = arith.constant 0 : i32
        %dma_wait3A_163 = tpu.memref_slice %arg5[%multiple_of3A_156, %dma_wait3A_162] : memref<20000x128xf32, #tpu.memory_space<hbm>> -> memref<16x128xf32, #tpu.memory_space<hbm>>
        %dma_wait3A_164 = arith.constant 9984 : i32
        %dma_wait3A_165 = arith.constant 0 : i32
        %dma_wait3A_166 = tpu.memref_slice %arg6[%dma_wait3A_164, %dma_wait3A_165] : memref<10000x128xf32, #tpu.memory_space<vmem_shared>> -> memref<16x128xf32, #tpu.memory_space<vmem_shared>>
        tpu.wait_dma2 semaphore(%run_scoped3A : memref<!tpu.dma_semaphore, #tpu.memory_space<semaphore_mem>>) src(%dma_wait3A_166 : memref<16x128xf32, #tpu.memory_space<vmem_shared>>) dst(%dma_wait3A_163 : memref<16x128xf32, #tpu.memory_space<hbm>>)
        tpu.yield
      }) : () -> ()
    } else {
    }
    return
  }
}

#map = affine_map<(d0, d1) -> (0, 0)>
#map1 = affine_map<(d0, d1) -> (0)>
module attributes {stable_mosaic.version = 14 : i64} {
  func.func @kfn(%arg0: i32, %arg1: i32, %arg2: memref<20000x128xf32, #tpu.memory_space<hbm>>, %arg3: memref<320000xi32, #tpu.memory_space<hbm>>, %arg4: memref<320000xi32, #tpu.memory_space<hbm>>, %arg5: memref<20000x128xf32, #tpu.memory_space<hbm>>, %arg6: memref<10000x128xf32, #tpu.memory_space<vmem_shared>>, %arg7: memref<96xi32, #tpu.memory_space<vmem>>, %arg8: memref<96xi32, #tpu.memory_space<vmem>>, %arg9: memref<96xi32, #tpu.memory_space<vmem>>, %arg10: memref<96xi32, #tpu.memory_space<vmem>>, %arg11: memref<96xi32, #tpu.memory_space<vmem>>, %arg12: memref<96xi32, #tpu.memory_space<vmem>>, %arg13: memref<96xi32, #tpu.memory_space<vmem>>, %arg14: memref<96xi32, #tpu.memory_space<vmem>>, %arg15: memref<96x128xf32, #tpu.memory_space<vmem>>, %arg16: memref<96x128xf32, #tpu.memory_space<vmem>>, %arg17: memref<96x128xf32, #tpu.memory_space<vmem>>, %arg18: memref<96x128xf32, #tpu.memory_space<vmem>>, %arg19: memref<!tpu.dma_semaphore, #tpu.memory_space<semaphore_mem>>, %arg20: memref<!tpu.dma_semaphore, #tpu.memory_space<semaphore_mem>>, %arg21: memref<!tpu.dma_semaphore, #tpu.memory_space<semaphore_mem>>, %arg22: memref<!tpu.dma_semaphore, #tpu.memory_space<semaphore_mem>>, %arg23: memref<!tpu.dma_semaphore, #tpu.memory_space<semaphore_mem>>, %arg24: memref<!tpu.dma_semaphore, #tpu.memory_space<semaphore_mem>>, %arg25: memref<!tpu.dma_semaphore, #tpu.memory_space<semaphore_mem>>, %arg26: memref<!tpu.dma_semaphore, #tpu.memory_space<semaphore_mem>>, %arg27: memref<!tpu.dma_semaphore, #tpu.memory_space<semaphore_mem>>, %arg28: memref<!tpu.dma_semaphore, #tpu.memory_space<semaphore_mem>>, %arg29: memref<!tpu.dma_semaphore, #tpu.memory_space<semaphore_mem>>, %arg30: memref<!tpu.dma_semaphore, #tpu.memory_space<semaphore_mem>>, %arg31: memref<16xi32, #tpu.memory_space<vmem>>, %arg32: memref<16xi32, #tpu.memory_space<vmem>>) attributes {dimension_semantics = [#tpu.dimension_semantics<core_parallel>, #tpu.dimension_semantics<subcore_parallel>], iteration_bounds = array<i64: 2, 16>, scalar_prefetch = 0 : i64, scratch_operands = 27 : i64, tpu.core_type = #tpu.core_type<sc_vector_subcore>, window_params = [{transform_indices = #map}, {transform_indices = #map1}, {transform_indices = #map1}, {transform_indices = #map}]} {
    %mul3A = arith.constant 10000 : i32
    %mul3A_0 = arith.muli %arg0, %mul3A : i32
    %mul3A_1 = arith.constant 624 : i32
    %mul3A_2 = arith.muli %arg1, %mul3A_1 : i32
    %add3A = arith.addi %mul3A_0, %mul3A_2 : i32
    %multiple_of3A = tpu.assume_multiple %add3A, 8 : i32
    %mul3A_3 = arith.constant 624 : i32
    %mul3A_4 = arith.muli %arg1, %mul3A_3 : i32
    "tpu.region"() ({
      %run_scoped3A = tpu.sem_alloc : memref<!tpu.dma_semaphore, #tpu.memory_space<semaphore_mem>>
      %dma_start3A_152 = arith.constant 0 : i32
      %dma_start3A_153 = tpu.memref_slice %arg6[%mul3A_4, %dma_start3A_152] : memref<10000x128xf32, #tpu.memory_space<vmem_shared>> -> memref<624x128xf32, #tpu.memory_space<vmem_shared>>
      %dma_start3A_154 = arith.constant 0 : i32
      %dma_start3A_155 = tpu.memref_slice %arg2[%multiple_of3A, %dma_start3A_154] : memref<20000x128xf32, #tpu.memory_space<hbm>> -> memref<624x128xf32, #tpu.memory_space<hbm>>
      tpu.enqueue_dma source(%dma_start3A_155 : memref<624x128xf32, #tpu.memory_space<hbm>>) target(%dma_start3A_153 : memref<624x128xf32, #tpu.memory_space<vmem_shared>>) target_semaphore(%run_scoped3A : memref<!tpu.dma_semaphore, #tpu.memory_space<semaphore_mem>>)
      %dma_wait3A_156 = arith.constant 0 : i32
      %dma_wait3A_157 = tpu.memref_slice %arg6[%mul3A_4, %dma_wait3A_156] : memref<10000x128xf32, #tpu.memory_space<vmem_shared>> -> memref<624x128xf32, #tpu.memory_space<vmem_shared>>
      %dma_wait3A_158 = arith.constant 0 : i32
      %dma_wait3A_159 = tpu.memref_slice %arg2[%multiple_of3A, %dma_wait3A_158] : memref<20000x128xf32, #tpu.memory_space<hbm>> -> memref<624x128xf32, #tpu.memory_space<hbm>>
      tpu.wait_dma2 semaphore(%run_scoped3A : memref<!tpu.dma_semaphore, #tpu.memory_space<semaphore_mem>>) src(%dma_wait3A_159 : memref<624x128xf32, #tpu.memory_space<hbm>>) dst(%dma_wait3A_157 : memref<624x128xf32, #tpu.memory_space<vmem_shared>>)
      tpu.yield
    }) : () -> ()
    %eq3A = arith.constant 15 : i32
    %eq3A_5 = arith.cmpi eq, %arg1, %eq3A : i32
    %convert_element_type3A = arith.extui %eq3A_5 : i1 to i32
    %cond3A = arith.constant 0 : i32
    %cond3A_6 = arith.cmpi ne, %convert_element_type3A, %cond3A : i32
    scf.if %cond3A_6 {
      %mul3A_152 = arith.constant 10000 : i32
      %mul3A_153 = arith.muli %arg0, %mul3A_152 : i32
      %add3A_154 = arith.constant 9984 : i32
      %add3A_155 = arith.addi %mul3A_153, %add3A_154 : i32
      %multiple_of3A_156 = tpu.assume_multiple %add3A_155, 8 : i32
      "tpu.region"() ({
        %run_scoped3A = tpu.sem_alloc : memref<!tpu.dma_semaphore, #tpu.memory_space<semaphore_mem>>
        %dma_start3A_157 = arith.constant 9984 : i32
        %dma_start3A_158 = arith.constant 0 : i32
        %dma_start3A_159 = tpu.memref_slice %arg6[%dma_start3A_157, %dma_start3A_158] : memref<10000x128xf32, #tpu.memory_space<vmem_shared>> -> memref<16x128xf32, #tpu.memory_space<vmem_shared>>
        %dma_start3A_160 = arith.constant 0 : i32
        %dma_start3A_161 = tpu.memref_slice %arg2[%multiple_of3A_156, %dma_start3A_160] : memref<20000x128xf32, #tpu.memory_space<hbm>> -> memref<16x128xf32, #tpu.memory_space<hbm>>
        tpu.enqueue_dma source(%dma_start3A_161 : memref<16x128xf32, #tpu.memory_space<hbm>>) target(%dma_start3A_159 : memref<16x128xf32, #tpu.memory_space<vmem_shared>>) target_semaphore(%run_scoped3A : memref<!tpu.dma_semaphore, #tpu.memory_space<semaphore_mem>>)
        %dma_wait3A_162 = arith.constant 9984 : i32
        %dma_wait3A_163 = arith.constant 0 : i32
        %dma_wait3A_164 = tpu.memref_slice %arg6[%dma_wait3A_162, %dma_wait3A_163] : memref<10000x128xf32, #tpu.memory_space<vmem_shared>> -> memref<16x128xf32, #tpu.memory_space<vmem_shared>>
        %dma_wait3A_165 = arith.constant 0 : i32
        %dma_wait3A_166 = tpu.memref_slice %arg2[%multiple_of3A_156, %dma_wait3A_165] : memref<20000x128xf32, #tpu.memory_space<hbm>> -> memref<16x128xf32, #tpu.memory_space<hbm>>
        tpu.wait_dma2 semaphore(%run_scoped3A : memref<!tpu.dma_semaphore, #tpu.memory_space<semaphore_mem>>) src(%dma_wait3A_166 : memref<16x128xf32, #tpu.memory_space<hbm>>) dst(%dma_wait3A_164 : memref<16x128xf32, #tpu.memory_space<vmem_shared>>)
        tpu.yield
      }) : () -> ()
    } else {
    }
    %barrier3A = arith.constant 0 : index
    tpu.barrier barrier_id(%barrier3A)
    %mul3A_7 = arith.constant 160000 : i32
    %mul3A_8 = arith.muli %arg0, %mul3A_7 : i32
    %mul3A_9 = arith.constant 10000 : i32
    %mul3A_10 = arith.muli %arg1, %mul3A_9 : i32
    %add3A_11 = arith.addi %mul3A_8, %mul3A_10 : i32
    %add3A_12 = arith.constant 0 : i32
    %add3A_13 = arith.addi %add3A_11, %add3A_12 : i32
    %multiple_of3A_14 = tpu.assume_multiple %add3A_13, 8 : i32
    %dma_start3A = tpu.memref_slice %arg3[%multiple_of3A_14] : memref<320000xi32, #tpu.memory_space<hbm>> -> memref<96xi32, #tpu.memory_space<hbm>>
    %dma_start3A_15 = tpu.memref_slice %arg3[%multiple_of3A_14] : memref<320000xi32, #tpu.memory_space<hbm>> -> memref<96xi32, #tpu.memory_space<hbm>>
    tpu.enqueue_dma source(%dma_start3A_15 : memref<96xi32, #tpu.memory_space<hbm>>) target(%arg7 : memref<96xi32, #tpu.memory_space<vmem>>) target_semaphore(%arg19 : memref<!tpu.dma_semaphore, #tpu.memory_space<semaphore_mem>>)
    %dma_start3A_16 = tpu.memref_slice %arg4[%multiple_of3A_14] : memref<320000xi32, #tpu.memory_space<hbm>> -> memref<96xi32, #tpu.memory_space<hbm>>
    %dma_start3A_17 = tpu.memref_slice %arg4[%multiple_of3A_14] : memref<320000xi32, #tpu.memory_space<hbm>> -> memref<96xi32, #tpu.memory_space<hbm>>
    tpu.enqueue_dma source(%dma_start3A_17 : memref<96xi32, #tpu.memory_space<hbm>>) target(%arg11 : memref<96xi32, #tpu.memory_space<vmem>>) target_semaphore(%arg19 : memref<!tpu.dma_semaphore, #tpu.memory_space<semaphore_mem>>)
    %add3A_18 = arith.constant 96 : i32
    %add3A_19 = arith.addi %add3A_11, %add3A_18 : i32
    %multiple_of3A_20 = tpu.assume_multiple %add3A_19, 8 : i32
    %dma_start3A_21 = tpu.memref_slice %arg3[%multiple_of3A_20] : memref<320000xi32, #tpu.memory_space<hbm>> -> memref<96xi32, #tpu.memory_space<hbm>>
    %dma_start3A_22 = tpu.memref_slice %arg3[%multiple_of3A_20] : memref<320000xi32, #tpu.memory_space<hbm>> -> memref<96xi32, #tpu.memory_space<hbm>>
    tpu.enqueue_dma source(%dma_start3A_22 : memref<96xi32, #tpu.memory_space<hbm>>) target(%arg8 : memref<96xi32, #tpu.memory_space<vmem>>) target_semaphore(%arg20 : memref<!tpu.dma_semaphore, #tpu.memory_space<semaphore_mem>>)
    %dma_start3A_23 = tpu.memref_slice %arg4[%multiple_of3A_20] : memref<320000xi32, #tpu.memory_space<hbm>> -> memref<96xi32, #tpu.memory_space<hbm>>
    %dma_start3A_24 = tpu.memref_slice %arg4[%multiple_of3A_20] : memref<320000xi32, #tpu.memory_space<hbm>> -> memref<96xi32, #tpu.memory_space<hbm>>
    tpu.enqueue_dma source(%dma_start3A_24 : memref<96xi32, #tpu.memory_space<hbm>>) target(%arg12 : memref<96xi32, #tpu.memory_space<vmem>>) target_semaphore(%arg20 : memref<!tpu.dma_semaphore, #tpu.memory_space<semaphore_mem>>)
    %dma_wait3A = arith.constant 0 : i32
    %dma_wait3A_25 = tpu.memref_slice %arg3[%dma_wait3A] : memref<320000xi32, #tpu.memory_space<hbm>> -> memref<96xi32, #tpu.memory_space<hbm>>
    %dma_wait3A_26 = arith.constant 0 : i32
    %dma_wait3A_27 = tpu.memref_slice %arg3[%dma_wait3A_26] : memref<320000xi32, #tpu.memory_space<hbm>> -> memref<96xi32, #tpu.memory_space<hbm>>
    tpu.wait_dma2 semaphore(%arg19 : memref<!tpu.dma_semaphore, #tpu.memory_space<semaphore_mem>>) src(%dma_wait3A_27 : memref<96xi32, #tpu.memory_space<hbm>>) dst(%arg7 : memref<96xi32, #tpu.memory_space<vmem>>)
    %dma_wait3A_28 = arith.constant 0 : i32
    %dma_wait3A_29 = tpu.memref_slice %arg4[%dma_wait3A_28] : memref<320000xi32, #tpu.memory_space<hbm>> -> memref<96xi32, #tpu.memory_space<hbm>>
    %dma_wait3A_30 = arith.constant 0 : i32
    %dma_wait3A_31 = tpu.memref_slice %arg4[%dma_wait3A_30] : memref<320000xi32, #tpu.memory_space<hbm>> -> memref<96xi32, #tpu.memory_space<hbm>>
    tpu.wait_dma2 semaphore(%arg19 : memref<!tpu.dma_semaphore, #tpu.memory_space<semaphore_mem>>) src(%dma_wait3A_31 : memref<96xi32, #tpu.memory_space<hbm>>) dst(%arg11 : memref<96xi32, #tpu.memory_space<vmem>>)
    %dma_start3A_32 = arith.constant 0 : i32
    %dma_start3A_33 = arith.constant 0 : i32
    %dma_start3A_34 = tpu.memref_slice %arg2[%dma_start3A_32, %dma_start3A_33] : memref<20000x128xf32, #tpu.memory_space<hbm>> -> memref<20000x128xf32, #tpu.memory_space<hbm>>
    tpu.enqueue_indirect_dma source(%dma_start3A_34 : memref<20000x128xf32, #tpu.memory_space<hbm>>) target(%arg15 : memref<96x128xf32, #tpu.memory_space<vmem>>) offsets(%arg7 : memref<96xi32, #tpu.memory_space<vmem>>) semaphore(%arg23 : memref<!tpu.dma_semaphore, #tpu.memory_space<semaphore_mem>>)
    %add3A_35 = arith.constant 192 : i32
    %add3A_36 = arith.addi %add3A_11, %add3A_35 : i32
    %multiple_of3A_37 = tpu.assume_multiple %add3A_36, 8 : i32
    %dma_start3A_38 = tpu.memref_slice %arg3[%multiple_of3A_37] : memref<320000xi32, #tpu.memory_space<hbm>> -> memref<96xi32, #tpu.memory_space<hbm>>
    %dma_start3A_39 = tpu.memref_slice %arg3[%multiple_of3A_37] : memref<320000xi32, #tpu.memory_space<hbm>> -> memref<96xi32, #tpu.memory_space<hbm>>
    tpu.enqueue_dma source(%dma_start3A_39 : memref<96xi32, #tpu.memory_space<hbm>>) target(%arg9 : memref<96xi32, #tpu.memory_space<vmem>>) target_semaphore(%arg21 : memref<!tpu.dma_semaphore, #tpu.memory_space<semaphore_mem>>)
    %dma_start3A_40 = tpu.memref_slice %arg4[%multiple_of3A_37] : memref<320000xi32, #tpu.memory_space<hbm>> -> memref<96xi32, #tpu.memory_space<hbm>>
    %dma_start3A_41 = tpu.memref_slice %arg4[%multiple_of3A_37] : memref<320000xi32, #tpu.memory_space<hbm>> -> memref<96xi32, #tpu.memory_space<hbm>>
    tpu.enqueue_dma source(%dma_start3A_41 : memref<96xi32, #tpu.memory_space<hbm>>) target(%arg13 : memref<96xi32, #tpu.memory_space<vmem>>) target_semaphore(%arg21 : memref<!tpu.dma_semaphore, #tpu.memory_space<semaphore_mem>>)
    %dma_wait3A_42 = arith.constant 0 : i32
    %dma_wait3A_43 = tpu.memref_slice %arg3[%dma_wait3A_42] : memref<320000xi32, #tpu.memory_space<hbm>> -> memref<96xi32, #tpu.memory_space<hbm>>
    %dma_wait3A_44 = arith.constant 0 : i32
    %dma_wait3A_45 = tpu.memref_slice %arg3[%dma_wait3A_44] : memref<320000xi32, #tpu.memory_space<hbm>> -> memref<96xi32, #tpu.memory_space<hbm>>
    tpu.wait_dma2 semaphore(%arg20 : memref<!tpu.dma_semaphore, #tpu.memory_space<semaphore_mem>>) src(%dma_wait3A_45 : memref<96xi32, #tpu.memory_space<hbm>>) dst(%arg8 : memref<96xi32, #tpu.memory_space<vmem>>)
    %dma_wait3A_46 = arith.constant 0 : i32
    %dma_wait3A_47 = tpu.memref_slice %arg4[%dma_wait3A_46] : memref<320000xi32, #tpu.memory_space<hbm>> -> memref<96xi32, #tpu.memory_space<hbm>>
    %dma_wait3A_48 = arith.constant 0 : i32
    %dma_wait3A_49 = tpu.memref_slice %arg4[%dma_wait3A_48] : memref<320000xi32, #tpu.memory_space<hbm>> -> memref<96xi32, #tpu.memory_space<hbm>>
    tpu.wait_dma2 semaphore(%arg20 : memref<!tpu.dma_semaphore, #tpu.memory_space<semaphore_mem>>) src(%dma_wait3A_49 : memref<96xi32, #tpu.memory_space<hbm>>) dst(%arg12 : memref<96xi32, #tpu.memory_space<vmem>>)
    %dma_start3A_50 = arith.constant 0 : i32
    %dma_start3A_51 = arith.constant 0 : i32
    %dma_start3A_52 = tpu.memref_slice %arg2[%dma_start3A_50, %dma_start3A_51] : memref<20000x128xf32, #tpu.memory_space<hbm>> -> memref<20000x128xf32, #tpu.memory_space<hbm>>
    tpu.enqueue_indirect_dma source(%dma_start3A_52 : memref<20000x128xf32, #tpu.memory_space<hbm>>) target(%arg16 : memref<96x128xf32, #tpu.memory_space<vmem>>) offsets(%arg8 : memref<96xi32, #tpu.memory_space<vmem>>) semaphore(%arg24 : memref<!tpu.dma_semaphore, #tpu.memory_space<semaphore_mem>>)
    %dma_wait3A_53 = arith.constant 0 : i32
    %dma_wait3A_54 = arith.constant 0 : i32
    %dma_wait3A_55 = tpu.memref_slice %arg2[%dma_wait3A_53, %dma_wait3A_54] : memref<20000x128xf32, #tpu.memory_space<hbm>> -> memref<20000x128xf32, #tpu.memory_space<hbm>>
    tpu.wait_indirect_dma semaphore(%arg23 : memref<!tpu.dma_semaphore, #tpu.memory_space<semaphore_mem>>) src(%dma_wait3A_55 : memref<20000x128xf32, #tpu.memory_space<hbm>>) dst(%arg15 : memref<96x128xf32, #tpu.memory_space<vmem>>)
    %dma_start3A_56 = arith.constant 0 : i32
    %dma_start3A_57 = arith.constant 0 : i32
    %dma_start3A_58 = tpu.memref_slice %arg6[%dma_start3A_56, %dma_start3A_57] : memref<10000x128xf32, #tpu.memory_space<vmem_shared>> -> memref<10000x128xf32, #tpu.memory_space<vmem_shared>>
    tpu.enqueue_indirect_dma source(%arg15 : memref<96x128xf32, #tpu.memory_space<vmem>>) target(%dma_start3A_58 : memref<10000x128xf32, #tpu.memory_space<vmem_shared>>) offsets(%arg11 : memref<96xi32, #tpu.memory_space<vmem>>) semaphore(%arg27 : memref<!tpu.dma_semaphore, #tpu.memory_space<semaphore_mem>>) {add = true}
    %add3A_59 = arith.constant 288 : i32
    %add3A_60 = arith.addi %add3A_11, %add3A_59 : i32
    %multiple_of3A_61 = tpu.assume_multiple %add3A_60, 8 : i32
    %dma_start3A_62 = tpu.memref_slice %arg3[%multiple_of3A_61] : memref<320000xi32, #tpu.memory_space<hbm>> -> memref<96xi32, #tpu.memory_space<hbm>>
    %dma_start3A_63 = tpu.memref_slice %arg3[%multiple_of3A_61] : memref<320000xi32, #tpu.memory_space<hbm>> -> memref<96xi32, #tpu.memory_space<hbm>>
    tpu.enqueue_dma source(%dma_start3A_63 : memref<96xi32, #tpu.memory_space<hbm>>) target(%arg10 : memref<96xi32, #tpu.memory_space<vmem>>) target_semaphore(%arg22 : memref<!tpu.dma_semaphore, #tpu.memory_space<semaphore_mem>>)
    %dma_start3A_64 = tpu.memref_slice %arg4[%multiple_of3A_61] : memref<320000xi32, #tpu.memory_space<hbm>> -> memref<96xi32, #tpu.memory_space<hbm>>
    %dma_start3A_65 = tpu.memref_slice %arg4[%multiple_of3A_61] : memref<320000xi32, #tpu.memory_space<hbm>> -> memref<96xi32, #tpu.memory_space<hbm>>
    tpu.enqueue_dma source(%dma_start3A_65 : memref<96xi32, #tpu.memory_space<hbm>>) target(%arg14 : memref<96xi32, #tpu.memory_space<vmem>>) target_semaphore(%arg22 : memref<!tpu.dma_semaphore, #tpu.memory_space<semaphore_mem>>)
    %dma_wait3A_66 = arith.constant 0 : i32
    %dma_wait3A_67 = tpu.memref_slice %arg3[%dma_wait3A_66] : memref<320000xi32, #tpu.memory_space<hbm>> -> memref<96xi32, #tpu.memory_space<hbm>>
    %dma_wait3A_68 = arith.constant 0 : i32
    %dma_wait3A_69 = tpu.memref_slice %arg3[%dma_wait3A_68] : memref<320000xi32, #tpu.memory_space<hbm>> -> memref<96xi32, #tpu.memory_space<hbm>>
    tpu.wait_dma2 semaphore(%arg21 : memref<!tpu.dma_semaphore, #tpu.memory_space<semaphore_mem>>) src(%dma_wait3A_69 : memref<96xi32, #tpu.memory_space<hbm>>) dst(%arg9 : memref<96xi32, #tpu.memory_space<vmem>>)
    %dma_wait3A_70 = arith.constant 0 : i32
    %dma_wait3A_71 = tpu.memref_slice %arg4[%dma_wait3A_70] : memref<320000xi32, #tpu.memory_space<hbm>> -> memref<96xi32, #tpu.memory_space<hbm>>
    %dma_wait3A_72 = arith.constant 0 : i32
    %dma_wait3A_73 = tpu.memref_slice %arg4[%dma_wait3A_72] : memref<320000xi32, #tpu.memory_space<hbm>> -> memref<96xi32, #tpu.memory_space<hbm>>
    tpu.wait_dma2 semaphore(%arg21 : memref<!tpu.dma_semaphore, #tpu.memory_space<semaphore_mem>>) src(%dma_wait3A_73 : memref<96xi32, #tpu.memory_space<hbm>>) dst(%arg13 : memref<96xi32, #tpu.memory_space<vmem>>)
    %dma_start3A_74 = arith.constant 0 : i32
    %dma_start3A_75 = arith.constant 0 : i32
    %dma_start3A_76 = tpu.memref_slice %arg2[%dma_start3A_74, %dma_start3A_75] : memref<20000x128xf32, #tpu.memory_space<hbm>> -> memref<20000x128xf32, #tpu.memory_space<hbm>>
    tpu.enqueue_indirect_dma source(%dma_start3A_76 : memref<20000x128xf32, #tpu.memory_space<hbm>>) target(%arg17 : memref<96x128xf32, #tpu.memory_space<vmem>>) offsets(%arg9 : memref<96xi32, #tpu.memory_space<vmem>>) semaphore(%arg25 : memref<!tpu.dma_semaphore, #tpu.memory_space<semaphore_mem>>)
    %dma_wait3A_77 = arith.constant 0 : i32
    %dma_wait3A_78 = arith.constant 0 : i32
    %dma_wait3A_79 = tpu.memref_slice %arg2[%dma_wait3A_77, %dma_wait3A_78] : memref<20000x128xf32, #tpu.memory_space<hbm>> -> memref<20000x128xf32, #tpu.memory_space<hbm>>
    tpu.wait_indirect_dma semaphore(%arg24 : memref<!tpu.dma_semaphore, #tpu.memory_space<semaphore_mem>>) src(%dma_wait3A_79 : memref<20000x128xf32, #tpu.memory_space<hbm>>) dst(%arg16 : memref<96x128xf32, #tpu.memory_space<vmem>>)
    %dma_start3A_80 = arith.constant 0 : i32
    %dma_start3A_81 = arith.constant 0 : i32
    %dma_start3A_82 = tpu.memref_slice %arg6[%dma_start3A_80, %dma_start3A_81] : memref<10000x128xf32, #tpu.memory_space<vmem_shared>> -> memref<10000x128xf32, #tpu.memory_space<vmem_shared>>
    tpu.enqueue_indirect_dma source(%arg16 : memref<96x128xf32, #tpu.memory_space<vmem>>) target(%dma_start3A_82 : memref<10000x128xf32, #tpu.memory_space<vmem_shared>>) offsets(%arg12 : memref<96xi32, #tpu.memory_space<vmem>>) semaphore(%arg28 : memref<!tpu.dma_semaphore, #tpu.memory_space<semaphore_mem>>) {add = true}
    %scan3A = arith.constant 0 : i32
    %scan3A_83 = arith.constant 1 : i32
    %scan3A_84 = arith.constant 25 : i32
    %scan3A_85 = arith.addi %scan3A_83, %scan3A_84 : i32
    %scan3A_86 = arith.constant 1 : i32
    scf.for %scan3A_152 = %scan3A_83 to %scan3A_85 step %scan3A_86  : i32 {
      %mul3A_153 = arith.constant 384 : i32
      %mul3A_154 = arith.muli %scan3A_152, %mul3A_153 : i32
      %add3A_155 = arith.addi %add3A_11, %mul3A_154 : i32
      %dma_wait3A_156 = arith.constant 0 : i32
      %dma_wait3A_157 = arith.constant 0 : i32
      %dma_wait3A_158 = tpu.memref_slice %arg6[%dma_wait3A_156, %dma_wait3A_157] : memref<10000x128xf32, #tpu.memory_space<vmem_shared>> -> memref<10000x128xf32, #tpu.memory_space<vmem_shared>>
      tpu.wait_indirect_dma semaphore(%arg27 : memref<!tpu.dma_semaphore, #tpu.memory_space<semaphore_mem>>) src(%arg15 : memref<96x128xf32, #tpu.memory_space<vmem>>) dst(%dma_wait3A_158 : memref<10000x128xf32, #tpu.memory_space<vmem_shared>>)
      %add3A_159 = arith.constant 0 : i32
      %add3A_160 = arith.addi %add3A_155, %add3A_159 : i32
      %multiple_of3A_161 = tpu.assume_multiple %add3A_160, 8 : i32
      %dma_start3A_162 = tpu.memref_slice %arg3[%multiple_of3A_161] : memref<320000xi32, #tpu.memory_space<hbm>> -> memref<96xi32, #tpu.memory_space<hbm>>
      %dma_start3A_163 = tpu.memref_slice %arg3[%multiple_of3A_161] : memref<320000xi32, #tpu.memory_space<hbm>> -> memref<96xi32, #tpu.memory_space<hbm>>
      tpu.enqueue_dma source(%dma_start3A_163 : memref<96xi32, #tpu.memory_space<hbm>>) target(%arg7 : memref<96xi32, #tpu.memory_space<vmem>>) target_semaphore(%arg19 : memref<!tpu.dma_semaphore, #tpu.memory_space<semaphore_mem>>)
      %dma_start3A_164 = tpu.memref_slice %arg4[%multiple_of3A_161] : memref<320000xi32, #tpu.memory_space<hbm>> -> memref<96xi32, #tpu.memory_space<hbm>>
      %dma_start3A_165 = tpu.memref_slice %arg4[%multiple_of3A_161] : memref<320000xi32, #tpu.memory_space<hbm>> -> memref<96xi32, #tpu.memory_space<hbm>>
      tpu.enqueue_dma source(%dma_start3A_165 : memref<96xi32, #tpu.memory_space<hbm>>) target(%arg11 : memref<96xi32, #tpu.memory_space<vmem>>) target_semaphore(%arg19 : memref<!tpu.dma_semaphore, #tpu.memory_space<semaphore_mem>>)
      %dma_wait3A_166 = arith.constant 0 : i32
      %dma_wait3A_167 = tpu.memref_slice %arg3[%dma_wait3A_166] : memref<320000xi32, #tpu.memory_space<hbm>> -> memref<96xi32, #tpu.memory_space<hbm>>
      %dma_wait3A_168 = arith.constant 0 : i32
      %dma_wait3A_169 = tpu.memref_slice %arg3[%dma_wait3A_168] : memref<320000xi32, #tpu.memory_space<hbm>> -> memref<96xi32, #tpu.memory_space<hbm>>
      tpu.wait_dma2 semaphore(%arg22 : memref<!tpu.dma_semaphore, #tpu.memory_space<semaphore_mem>>) src(%dma_wait3A_169 : memref<96xi32, #tpu.memory_space<hbm>>) dst(%arg10 : memref<96xi32, #tpu.memory_space<vmem>>)
      %dma_wait3A_170 = arith.constant 0 : i32
      %dma_wait3A_171 = tpu.memref_slice %arg4[%dma_wait3A_170] : memref<320000xi32, #tpu.memory_space<hbm>> -> memref<96xi32, #tpu.memory_space<hbm>>
      %dma_wait3A_172 = arith.constant 0 : i32
      %dma_wait3A_173 = tpu.memref_slice %arg4[%dma_wait3A_172] : memref<320000xi32, #tpu.memory_space<hbm>> -> memref<96xi32, #tpu.memory_space<hbm>>
      tpu.wait_dma2 semaphore(%arg22 : memref<!tpu.dma_semaphore, #tpu.memory_space<semaphore_mem>>) src(%dma_wait3A_173 : memref<96xi32, #tpu.memory_space<hbm>>) dst(%arg14 : memref<96xi32, #tpu.memory_space<vmem>>)
      %dma_start3A_174 = arith.constant 0 : i32
      %dma_start3A_175 = arith.constant 0 : i32
      %dma_start3A_176 = tpu.memref_slice %arg2[%dma_start3A_174, %dma_start3A_175] : memref<20000x128xf32, #tpu.memory_space<hbm>> -> memref<20000x128xf32, #tpu.memory_space<hbm>>
      tpu.enqueue_indirect_dma source(%dma_start3A_176 : memref<20000x128xf32, #tpu.memory_space<hbm>>) target(%arg18 : memref<96x128xf32, #tpu.memory_space<vmem>>) offsets(%arg10 : memref<96xi32, #tpu.memory_space<vmem>>) semaphore(%arg26 : memref<!tpu.dma_semaphore, #tpu.memory_space<semaphore_mem>>)
      %dma_wait3A_177 = arith.constant 0 : i32
      %dma_wait3A_178 = arith.constant 0 : i32
      %dma_wait3A_179 = tpu.memref_slice %arg2[%dma_wait3A_177, %dma_wait3A_178] : memref<20000x128xf32, #tpu.memory_space<hbm>> -> memref<20000x128xf32, #tpu.memory_space<hbm>>
      tpu.wait_indirect_dma semaphore(%arg25 : memref<!tpu.dma_semaphore, #tpu.memory_space<semaphore_mem>>) src(%dma_wait3A_179 : memref<20000x128xf32, #tpu.memory_space<hbm>>) dst(%arg17 : memref<96x128xf32, #tpu.memory_space<vmem>>)
      %dma_start3A_180 = arith.constant 0 : i32
      %dma_start3A_181 = arith.constant 0 : i32
      %dma_start3A_182 = tpu.memref_slice %arg6[%dma_start3A_180, %dma_start3A_181] : memref<10000x128xf32, #tpu.memory_space<vmem_shared>> -> memref<10000x128xf32, #tpu.memory_space<vmem_shared>>
      tpu.enqueue_indirect_dma source(%arg17 : memref<96x128xf32, #tpu.memory_space<vmem>>) target(%dma_start3A_182 : memref<10000x128xf32, #tpu.memory_space<vmem_shared>>) offsets(%arg13 : memref<96xi32, #tpu.memory_space<vmem>>) semaphore(%arg29 : memref<!tpu.dma_semaphore, #tpu.memory_space<semaphore_mem>>) {add = true}
      %dma_wait3A_183 = arith.constant 0 : i32
      %dma_wait3A_184 = arith.constant 0 : i32
      %dma_wait3A_185 = tpu.memref_slice %arg6[%dma_wait3A_183, %dma_wait3A_184] : memref<10000x128xf32, #tpu.memory_space<vmem_shared>> -> memref<10000x128xf32, #tpu.memory_space<vmem_shared>>
      tpu.wait_indirect_dma semaphore(%arg28 : memref<!tpu.dma_semaphore, #tpu.memory_space<semaphore_mem>>) src(%arg16 : memref<96x128xf32, #tpu.memory_space<vmem>>) dst(%dma_wait3A_185 : memref<10000x128xf32, #tpu.memory_space<vmem_shared>>)
      %add3A_186 = arith.constant 96 : i32
      %add3A_187 = arith.addi %add3A_155, %add3A_186 : i32
      %multiple_of3A_188 = tpu.assume_multiple %add3A_187, 8 : i32
      %dma_start3A_189 = tpu.memref_slice %arg3[%multiple_of3A_188] : memref<320000xi32, #tpu.memory_space<hbm>> -> memref<96xi32, #tpu.memory_space<hbm>>
      %dma_start3A_190 = tpu.memref_slice %arg3[%multiple_of3A_188] : memref<320000xi32, #tpu.memory_space<hbm>> -> memref<96xi32, #tpu.memory_space<hbm>>
      tpu.enqueue_dma source(%dma_start3A_190 : memref<96xi32, #tpu.memory_space<hbm>>) target(%arg8 : memref<96xi32, #tpu.memory_space<vmem>>) target_semaphore(%arg20 : memref<!tpu.dma_semaphore, #tpu.memory_space<semaphore_mem>>)
      %dma_start3A_191 = tpu.memref_slice %arg4[%multiple_of3A_188] : memref<320000xi32, #tpu.memory_space<hbm>> -> memref<96xi32, #tpu.memory_space<hbm>>
      %dma_start3A_192 = tpu.memref_slice %arg4[%multiple_of3A_188] : memref<320000xi32, #tpu.memory_space<hbm>> -> memref<96xi32, #tpu.memory_space<hbm>>
      tpu.enqueue_dma source(%dma_start3A_192 : memref<96xi32, #tpu.memory_space<hbm>>) target(%arg12 : memref<96xi32, #tpu.memory_space<vmem>>) target_semaphore(%arg20 : memref<!tpu.dma_semaphore, #tpu.memory_space<semaphore_mem>>)
      %dma_wait3A_193 = arith.constant 0 : i32
      %dma_wait3A_194 = tpu.memref_slice %arg3[%dma_wait3A_193] : memref<320000xi32, #tpu.memory_space<hbm>> -> memref<96xi32, #tpu.memory_space<hbm>>
      %dma_wait3A_195 = arith.constant 0 : i32
      %dma_wait3A_196 = tpu.memref_slice %arg3[%dma_wait3A_195] : memref<320000xi32, #tpu.memory_space<hbm>> -> memref<96xi32, #tpu.memory_space<hbm>>
      tpu.wait_dma2 semaphore(%arg19 : memref<!tpu.dma_semaphore, #tpu.memory_space<semaphore_mem>>) src(%dma_wait3A_196 : memref<96xi32, #tpu.memory_space<hbm>>) dst(%arg7 : memref<96xi32, #tpu.memory_space<vmem>>)
      %dma_wait3A_197 = arith.constant 0 : i32
      %dma_wait3A_198 = tpu.memref_slice %arg4[%dma_wait3A_197] : memref<320000xi32, #tpu.memory_space<hbm>> -> memref<96xi32, #tpu.memory_space<hbm>>
      %dma_wait3A_199 = arith.constant 0 : i32
      %dma_wait3A_200 = tpu.memref_slice %arg4[%dma_wait3A_199] : memref<320000xi32, #tpu.memory_space<hbm>> -> memref<96xi32, #tpu.memory_space<hbm>>
      tpu.wait_dma2 semaphore(%arg19 : memref<!tpu.dma_semaphore, #tpu.memory_space<semaphore_mem>>) src(%dma_wait3A_200 : memref<96xi32, #tpu.memory_space<hbm>>) dst(%arg11 : memref<96xi32, #tpu.memory_space<vmem>>)
      %dma_start3A_201 = arith.constant 0 : i32
      %dma_start3A_202 = arith.constant 0 : i32
      %dma_start3A_203 = tpu.memref_slice %arg2[%dma_start3A_201, %dma_start3A_202] : memref<20000x128xf32, #tpu.memory_space<hbm>> -> memref<20000x128xf32, #tpu.memory_space<hbm>>
      tpu.enqueue_indirect_dma source(%dma_start3A_203 : memref<20000x128xf32, #tpu.memory_space<hbm>>) target(%arg15 : memref<96x128xf32, #tpu.memory_space<vmem>>) offsets(%arg7 : memref<96xi32, #tpu.memory_space<vmem>>) semaphore(%arg23 : memref<!tpu.dma_semaphore, #tpu.memory_space<semaphore_mem>>)
      %dma_wait3A_204 = arith.constant 0 : i32
      %dma_wait3A_205 = arith.constant 0 : i32
      %dma_wait3A_206 = tpu.memref_slice %arg2[%dma_wait3A_204, %dma_wait3A_205] : memref<20000x128xf32, #tpu.memory_space<hbm>> -> memref<20000x128xf32, #tpu.memory_space<hbm>>
      tpu.wait_indirect_dma semaphore(%arg26 : memref<!tpu.dma_semaphore, #tpu.memory_space<semaphore_mem>>) src(%dma_wait3A_206 : memref<20000x128xf32, #tpu.memory_space<hbm>>) dst(%arg18 : memref<96x128xf32, #tpu.memory_space<vmem>>)
      %dma_start3A_207 = arith.constant 0 : i32
      %dma_start3A_208 = arith.constant 0 : i32
      %dma_start3A_209 = tpu.memref_slice %arg6[%dma_start3A_207, %dma_start3A_208] : memref<10000x128xf32, #tpu.memory_space<vmem_shared>> -> memref<10000x128xf32, #tpu.memory_space<vmem_shared>>
      tpu.enqueue_indirect_dma source(%arg18 : memref<96x128xf32, #tpu.memory_space<vmem>>) target(%dma_start3A_209 : memref<10000x128xf32, #tpu.memory_space<vmem_shared>>) offsets(%arg14 : memref<96xi32, #tpu.memory_space<vmem>>) semaphore(%arg30 : memref<!tpu.dma_semaphore, #tpu.memory_space<semaphore_mem>>) {add = true}
      %dma_wait3A_210 = arith.constant 0 : i32
      %dma_wait3A_211 = arith.constant 0 : i32
      %dma_wait3A_212 = tpu.memref_slice %arg6[%dma_wait3A_210, %dma_wait3A_211] : memref<10000x128xf32, #tpu.memory_space<vmem_shared>> -> memref<10000x128xf32, #tpu.memory_space<vmem_shared>>
      tpu.wait_indirect_dma semaphore(%arg29 : memref<!tpu.dma_semaphore, #tpu.memory_space<semaphore_mem>>) src(%arg17 : memref<96x128xf32, #tpu.memory_space<vmem>>) dst(%dma_wait3A_212 : memref<10000x128xf32, #tpu.memory_space<vmem_shared>>)
      %add3A_213 = arith.constant 192 : i32
      %add3A_214 = arith.addi %add3A_155, %add3A_213 : i32
      %multiple_of3A_215 = tpu.assume_multiple %add3A_214, 8 : i32
      %dma_start3A_216 = tpu.memref_slice %arg3[%multiple_of3A_215] : memref<320000xi32, #tpu.memory_space<hbm>> -> memref<96xi32, #tpu.memory_space<hbm>>
      %dma_start3A_217 = tpu.memref_slice %arg3[%multiple_of3A_215] : memref<320000xi32, #tpu.memory_space<hbm>> -> memref<96xi32, #tpu.memory_space<hbm>>
      tpu.enqueue_dma source(%dma_start3A_217 : memref<96xi32, #tpu.memory_space<hbm>>) target(%arg9 : memref<96xi32, #tpu.memory_space<vmem>>) target_semaphore(%arg21 : memref<!tpu.dma_semaphore, #tpu.memory_space<semaphore_mem>>)
      %dma_start3A_218 = tpu.memref_slice %arg4[%multiple_of3A_215] : memref<320000xi32, #tpu.memory_space<hbm>> -> memref<96xi32, #tpu.memory_space<hbm>>
      %dma_start3A_219 = tpu.memref_slice %arg4[%multiple_of3A_215] : memref<320000xi32, #tpu.memory_space<hbm>> -> memref<96xi32, #tpu.memory_space<hbm>>
      tpu.enqueue_dma source(%dma_start3A_219 : memref<96xi32, #tpu.memory_space<hbm>>) target(%arg13 : memref<96xi32, #tpu.memory_space<vmem>>) target_semaphore(%arg21 : memref<!tpu.dma_semaphore, #tpu.memory_space<semaphore_mem>>)
      %dma_wait3A_220 = arith.constant 0 : i32
      %dma_wait3A_221 = tpu.memref_slice %arg3[%dma_wait3A_220] : memref<320000xi32, #tpu.memory_space<hbm>> -> memref<96xi32, #tpu.memory_space<hbm>>
      %dma_wait3A_222 = arith.constant 0 : i32
      %dma_wait3A_223 = tpu.memref_slice %arg3[%dma_wait3A_222] : memref<320000xi32, #tpu.memory_space<hbm>> -> memref<96xi32, #tpu.memory_space<hbm>>
      tpu.wait_dma2 semaphore(%arg20 : memref<!tpu.dma_semaphore, #tpu.memory_space<semaphore_mem>>) src(%dma_wait3A_223 : memref<96xi32, #tpu.memory_space<hbm>>) dst(%arg8 : memref<96xi32, #tpu.memory_space<vmem>>)
      %dma_wait3A_224 = arith.constant 0 : i32
      %dma_wait3A_225 = tpu.memref_slice %arg4[%dma_wait3A_224] : memref<320000xi32, #tpu.memory_space<hbm>> -> memref<96xi32, #tpu.memory_space<hbm>>
      %dma_wait3A_226 = arith.constant 0 : i32
      %dma_wait3A_227 = tpu.memref_slice %arg4[%dma_wait3A_226] : memref<320000xi32, #tpu.memory_space<hbm>> -> memref<96xi32, #tpu.memory_space<hbm>>
      tpu.wait_dma2 semaphore(%arg20 : memref<!tpu.dma_semaphore, #tpu.memory_space<semaphore_mem>>) src(%dma_wait3A_227 : memref<96xi32, #tpu.memory_space<hbm>>) dst(%arg12 : memref<96xi32, #tpu.memory_space<vmem>>)
      %dma_start3A_228 = arith.constant 0 : i32
      %dma_start3A_229 = arith.constant 0 : i32
      %dma_start3A_230 = tpu.memref_slice %arg2[%dma_start3A_228, %dma_start3A_229] : memref<20000x128xf32, #tpu.memory_space<hbm>> -> memref<20000x128xf32, #tpu.memory_space<hbm>>
      tpu.enqueue_indirect_dma source(%dma_start3A_230 : memref<20000x128xf32, #tpu.memory_space<hbm>>) target(%arg16 : memref<96x128xf32, #tpu.memory_space<vmem>>) offsets(%arg8 : memref<96xi32, #tpu.memory_space<vmem>>) semaphore(%arg24 : memref<!tpu.dma_semaphore, #tpu.memory_space<semaphore_mem>>)
      %dma_wait3A_231 = arith.constant 0 : i32
      %dma_wait3A_232 = arith.constant 0 : i32
      %dma_wait3A_233 = tpu.memref_slice %arg2[%dma_wait3A_231, %dma_wait3A_232] : memref<20000x128xf32, #tpu.memory_space<hbm>> -> memref<20000x128xf32, #tpu.memory_space<hbm>>
      tpu.wait_indirect_dma semaphore(%arg23 : memref<!tpu.dma_semaphore, #tpu.memory_space<semaphore_mem>>) src(%dma_wait3A_233 : memref<20000x128xf32, #tpu.memory_space<hbm>>) dst(%arg15 : memref<96x128xf32, #tpu.memory_space<vmem>>)
      %dma_start3A_234 = arith.constant 0 : i32
      %dma_start3A_235 = arith.constant 0 : i32
      %dma_start3A_236 = tpu.memref_slice %arg6[%dma_start3A_234, %dma_start3A_235] : memref<10000x128xf32, #tpu.memory_space<vmem_shared>> -> memref<10000x128xf32, #tpu.memory_space<vmem_shared>>
      tpu.enqueue_indirect_dma source(%arg15 : memref<96x128xf32, #tpu.memory_space<vmem>>) target(%dma_start3A_236 : memref<10000x128xf32, #tpu.memory_space<vmem_shared>>) offsets(%arg11 : memref<96xi32, #tpu.memory_space<vmem>>) semaphore(%arg27 : memref<!tpu.dma_semaphore, #tpu.memory_space<semaphore_mem>>) {add = true}
      %dma_wait3A_237 = arith.constant 0 : i32
      %dma_wait3A_238 = arith.constant 0 : i32
      %dma_wait3A_239 = tpu.memref_slice %arg6[%dma_wait3A_237, %dma_wait3A_238] : memref<10000x128xf32, #tpu.memory_space<vmem_shared>> -> memref<10000x128xf32, #tpu.memory_space<vmem_shared>>
      tpu.wait_indirect_dma semaphore(%arg30 : memref<!tpu.dma_semaphore, #tpu.memory_space<semaphore_mem>>) src(%arg18 : memref<96x128xf32, #tpu.memory_space<vmem>>) dst(%dma_wait3A_239 : memref<10000x128xf32, #tpu.memory_space<vmem_shared>>)
      %add3A_240 = arith.constant 288 : i32
      %add3A_241 = arith.addi %add3A_155, %add3A_240 : i32
      %multiple_of3A_242 = tpu.assume_multiple %add3A_241, 8 : i32
      %dma_start3A_243 = tpu.memref_slice %arg3[%multiple_of3A_242] : memref<320000xi32, #tpu.memory_space<hbm>> -> memref<96xi32, #tpu.memory_space<hbm>>
      %dma_start3A_244 = tpu.memref_slice %arg3[%multiple_of3A_242] : memref<320000xi32, #tpu.memory_space<hbm>> -> memref<96xi32, #tpu.memory_space<hbm>>
      tpu.enqueue_dma source(%dma_start3A_244 : memref<96xi32, #tpu.memory_space<hbm>>) target(%arg10 : memref<96xi32, #tpu.memory_space<vmem>>) target_semaphore(%arg22 : memref<!tpu.dma_semaphore, #tpu.memory_space<semaphore_mem>>)
      %dma_start3A_245 = tpu.memref_slice %arg4[%multiple_of3A_242] : memref<320000xi32, #tpu.memory_space<hbm>> -> memref<96xi32, #tpu.memory_space<hbm>>
      %dma_start3A_246 = tpu.memref_slice %arg4[%multiple_of3A_242] : memref<320000xi32, #tpu.memory_space<hbm>> -> memref<96xi32, #tpu.memory_space<hbm>>
      tpu.enqueue_dma source(%dma_start3A_246 : memref<96xi32, #tpu.memory_space<hbm>>) target(%arg14 : memref<96xi32, #tpu.memory_space<vmem>>) target_semaphore(%arg22 : memref<!tpu.dma_semaphore, #tpu.memory_space<semaphore_mem>>)
      %dma_wait3A_247 = arith.constant 0 : i32
      %dma_wait3A_248 = tpu.memref_slice %arg3[%dma_wait3A_247] : memref<320000xi32, #tpu.memory_space<hbm>> -> memref<96xi32, #tpu.memory_space<hbm>>
      %dma_wait3A_249 = arith.constant 0 : i32
      %dma_wait3A_250 = tpu.memref_slice %arg3[%dma_wait3A_249] : memref<320000xi32, #tpu.memory_space<hbm>> -> memref<96xi32, #tpu.memory_space<hbm>>
      tpu.wait_dma2 semaphore(%arg21 : memref<!tpu.dma_semaphore, #tpu.memory_space<semaphore_mem>>) src(%dma_wait3A_250 : memref<96xi32, #tpu.memory_space<hbm>>) dst(%arg9 : memref<96xi32, #tpu.memory_space<vmem>>)
      %dma_wait3A_251 = arith.constant 0 : i32
      %dma_wait3A_252 = tpu.memref_slice %arg4[%dma_wait3A_251] : memref<320000xi32, #tpu.memory_space<hbm>> -> memref<96xi32, #tpu.memory_space<hbm>>
      %dma_wait3A_253 = arith.constant 0 : i32
      %dma_wait3A_254 = tpu.memref_slice %arg4[%dma_wait3A_253] : memref<320000xi32, #tpu.memory_space<hbm>> -> memref<96xi32, #tpu.memory_space<hbm>>
      tpu.wait_dma2 semaphore(%arg21 : memref<!tpu.dma_semaphore, #tpu.memory_space<semaphore_mem>>) src(%dma_wait3A_254 : memref<96xi32, #tpu.memory_space<hbm>>) dst(%arg13 : memref<96xi32, #tpu.memory_space<vmem>>)
      %dma_start3A_255 = arith.constant 0 : i32
      %dma_start3A_256 = arith.constant 0 : i32
      %dma_start3A_257 = tpu.memref_slice %arg2[%dma_start3A_255, %dma_start3A_256] : memref<20000x128xf32, #tpu.memory_space<hbm>> -> memref<20000x128xf32, #tpu.memory_space<hbm>>
      tpu.enqueue_indirect_dma source(%dma_start3A_257 : memref<20000x128xf32, #tpu.memory_space<hbm>>) target(%arg17 : memref<96x128xf32, #tpu.memory_space<vmem>>) offsets(%arg9 : memref<96xi32, #tpu.memory_space<vmem>>) semaphore(%arg25 : memref<!tpu.dma_semaphore, #tpu.memory_space<semaphore_mem>>)
      %dma_wait3A_258 = arith.constant 0 : i32
      %dma_wait3A_259 = arith.constant 0 : i32
      %dma_wait3A_260 = tpu.memref_slice %arg2[%dma_wait3A_258, %dma_wait3A_259] : memref<20000x128xf32, #tpu.memory_space<hbm>> -> memref<20000x128xf32, #tpu.memory_space<hbm>>
      tpu.wait_indirect_dma semaphore(%arg24 : memref<!tpu.dma_semaphore, #tpu.memory_space<semaphore_mem>>) src(%dma_wait3A_260 : memref<20000x128xf32, #tpu.memory_space<hbm>>) dst(%arg16 : memref<96x128xf32, #tpu.memory_space<vmem>>)
      %dma_start3A_261 = arith.constant 0 : i32
      %dma_start3A_262 = arith.constant 0 : i32
      %dma_start3A_263 = tpu.memref_slice %arg6[%dma_start3A_261, %dma_start3A_262] : memref<10000x128xf32, #tpu.memory_space<vmem_shared>> -> memref<10000x128xf32, #tpu.memory_space<vmem_shared>>
      tpu.enqueue_indirect_dma source(%arg16 : memref<96x128xf32, #tpu.memory_space<vmem>>) target(%dma_start3A_263 : memref<10000x128xf32, #tpu.memory_space<vmem_shared>>) offsets(%arg12 : memref<96xi32, #tpu.memory_space<vmem>>) semaphore(%arg28 : memref<!tpu.dma_semaphore, #tpu.memory_space<semaphore_mem>>) {add = true}
    }
    %scan3A_87 = arith.constant 25 : i32
    %dma_wait3A_88 = arith.constant 0 : i32
    %dma_wait3A_89 = tpu.memref_slice %arg3[%dma_wait3A_88] : memref<320000xi32, #tpu.memory_space<hbm>> -> memref<96xi32, #tpu.memory_space<hbm>>
    %dma_wait3A_90 = arith.constant 0 : i32
    %dma_wait3A_91 = tpu.memref_slice %arg3[%dma_wait3A_90] : memref<320000xi32, #tpu.memory_space<hbm>> -> memref<96xi32, #tpu.memory_space<hbm>>
    tpu.wait_dma2 semaphore(%arg22 : memref<!tpu.dma_semaphore, #tpu.memory_space<semaphore_mem>>) src(%dma_wait3A_91 : memref<96xi32, #tpu.memory_space<hbm>>) dst(%arg10 : memref<96xi32, #tpu.memory_space<vmem>>)
    %dma_wait3A_92 = arith.constant 0 : i32
    %dma_wait3A_93 = tpu.memref_slice %arg4[%dma_wait3A_92] : memref<320000xi32, #tpu.memory_space<hbm>> -> memref<96xi32, #tpu.memory_space<hbm>>
    %dma_wait3A_94 = arith.constant 0 : i32
    %dma_wait3A_95 = tpu.memref_slice %arg4[%dma_wait3A_94] : memref<320000xi32, #tpu.memory_space<hbm>> -> memref<96xi32, #tpu.memory_space<hbm>>
    tpu.wait_dma2 semaphore(%arg22 : memref<!tpu.dma_semaphore, #tpu.memory_space<semaphore_mem>>) src(%dma_wait3A_95 : memref<96xi32, #tpu.memory_space<hbm>>) dst(%arg14 : memref<96xi32, #tpu.memory_space<vmem>>)
    %dma_start3A_96 = arith.constant 0 : i32
    %dma_start3A_97 = arith.constant 0 : i32
    %dma_start3A_98 = tpu.memref_slice %arg2[%dma_start3A_96, %dma_start3A_97] : memref<20000x128xf32, #tpu.memory_space<hbm>> -> memref<20000x128xf32, #tpu.memory_space<hbm>>
    tpu.enqueue_indirect_dma source(%dma_start3A_98 : memref<20000x128xf32, #tpu.memory_space<hbm>>) target(%arg18 : memref<96x128xf32, #tpu.memory_space<vmem>>) offsets(%arg10 : memref<96xi32, #tpu.memory_space<vmem>>) semaphore(%arg26 : memref<!tpu.dma_semaphore, #tpu.memory_space<semaphore_mem>>)
    %dma_wait3A_99 = arith.constant 0 : i32
    %dma_wait3A_100 = arith.constant 0 : i32
    %dma_wait3A_101 = tpu.memref_slice %arg2[%dma_wait3A_99, %dma_wait3A_100] : memref<20000x128xf32, #tpu.memory_space<hbm>> -> memref<20000x128xf32, #tpu.memory_space<hbm>>
    tpu.wait_indirect_dma semaphore(%arg25 : memref<!tpu.dma_semaphore, #tpu.memory_space<semaphore_mem>>) src(%dma_wait3A_101 : memref<20000x128xf32, #tpu.memory_space<hbm>>) dst(%arg17 : memref<96x128xf32, #tpu.memory_space<vmem>>)
    %dma_start3A_102 = arith.constant 0 : i32
    %dma_start3A_103 = arith.constant 0 : i32
    %dma_start3A_104 = tpu.memref_slice %arg6[%dma_start3A_102, %dma_start3A_103] : memref<10000x128xf32, #tpu.memory_space<vmem_shared>> -> memref<10000x128xf32, #tpu.memory_space<vmem_shared>>
    tpu.enqueue_indirect_dma source(%arg17 : memref<96x128xf32, #tpu.memory_space<vmem>>) target(%dma_start3A_104 : memref<10000x128xf32, #tpu.memory_space<vmem_shared>>) offsets(%arg13 : memref<96xi32, #tpu.memory_space<vmem>>) semaphore(%arg29 : memref<!tpu.dma_semaphore, #tpu.memory_space<semaphore_mem>>) {add = true}
    %dma_wait3A_105 = arith.constant 0 : i32
    %dma_wait3A_106 = arith.constant 0 : i32
    %dma_wait3A_107 = tpu.memref_slice %arg2[%dma_wait3A_105, %dma_wait3A_106] : memref<20000x128xf32, #tpu.memory_space<hbm>> -> memref<20000x128xf32, #tpu.memory_space<hbm>>
    tpu.wait_indirect_dma semaphore(%arg26 : memref<!tpu.dma_semaphore, #tpu.memory_space<semaphore_mem>>) src(%dma_wait3A_107 : memref<20000x128xf32, #tpu.memory_space<hbm>>) dst(%arg18 : memref<96x128xf32, #tpu.memory_space<vmem>>)
    %dma_start3A_108 = arith.constant 0 : i32
    %dma_start3A_109 = arith.constant 0 : i32
    %dma_start3A_110 = tpu.memref_slice %arg6[%dma_start3A_108, %dma_start3A_109] : memref<10000x128xf32, #tpu.memory_space<vmem_shared>> -> memref<10000x128xf32, #tpu.memory_space<vmem_shared>>
    tpu.enqueue_indirect_dma source(%arg18 : memref<96x128xf32, #tpu.memory_space<vmem>>) target(%dma_start3A_110 : memref<10000x128xf32, #tpu.memory_space<vmem_shared>>) offsets(%arg14 : memref<96xi32, #tpu.memory_space<vmem>>) semaphore(%arg30 : memref<!tpu.dma_semaphore, #tpu.memory_space<semaphore_mem>>) {add = true}
    %dma_wait3A_111 = arith.constant 0 : i32
    %dma_wait3A_112 = arith.constant 0 : i32
    %dma_wait3A_113 = tpu.memref_slice %arg6[%dma_wait3A_111, %dma_wait3A_112] : memref<10000x128xf32, #tpu.memory_space<vmem_shared>> -> memref<10000x128xf32, #tpu.memory_space<vmem_shared>>
    tpu.wait_indirect_dma semaphore(%arg27 : memref<!tpu.dma_semaphore, #tpu.memory_space<semaphore_mem>>) src(%arg15 : memref<96x128xf32, #tpu.memory_space<vmem>>) dst(%dma_wait3A_113 : memref<10000x128xf32, #tpu.memory_space<vmem_shared>>)
    %dma_wait3A_114 = arith.constant 0 : i32
    %dma_wait3A_115 = arith.constant 0 : i32
    %dma_wait3A_116 = tpu.memref_slice %arg6[%dma_wait3A_114, %dma_wait3A_115] : memref<10000x128xf32, #tpu.memory_space<vmem_shared>> -> memref<10000x128xf32, #tpu.memory_space<vmem_shared>>
    tpu.wait_indirect_dma semaphore(%arg28 : memref<!tpu.dma_semaphore, #tpu.memory_space<semaphore_mem>>) src(%arg16 : memref<96x128xf32, #tpu.memory_space<vmem>>) dst(%dma_wait3A_116 : memref<10000x128xf32, #tpu.memory_space<vmem_shared>>)
    %dma_wait3A_117 = arith.constant 0 : i32
    %dma_wait3A_118 = arith.constant 0 : i32
    %dma_wait3A_119 = tpu.memref_slice %arg6[%dma_wait3A_117, %dma_wait3A_118] : memref<10000x128xf32, #tpu.memory_space<vmem_shared>> -> memref<10000x128xf32, #tpu.memory_space<vmem_shared>>
    tpu.wait_indirect_dma semaphore(%arg29 : memref<!tpu.dma_semaphore, #tpu.memory_space<semaphore_mem>>) src(%arg17 : memref<96x128xf32, #tpu.memory_space<vmem>>) dst(%dma_wait3A_119 : memref<10000x128xf32, #tpu.memory_space<vmem_shared>>)
    %dma_wait3A_120 = arith.constant 0 : i32
    %dma_wait3A_121 = arith.constant 0 : i32
    %dma_wait3A_122 = tpu.memref_slice %arg6[%dma_wait3A_120, %dma_wait3A_121] : memref<10000x128xf32, #tpu.memory_space<vmem_shared>> -> memref<10000x128xf32, #tpu.memory_space<vmem_shared>>
    tpu.wait_indirect_dma semaphore(%arg30 : memref<!tpu.dma_semaphore, #tpu.memory_space<semaphore_mem>>) src(%arg18 : memref<96x128xf32, #tpu.memory_space<vmem>>) dst(%dma_wait3A_122 : memref<10000x128xf32, #tpu.memory_space<vmem_shared>>)
    %add3A_123 = arith.constant 9984 : i32
    %add3A_124 = arith.addi %add3A_11, %add3A_123 : i32
    %multiple_of3A_125 = tpu.assume_multiple %add3A_124, 8 : i32
    "tpu.region"() ({
      %run_scoped3A = tpu.sem_alloc : memref<!tpu.dma_semaphore, #tpu.memory_space<semaphore_mem>>
      %dma_start3A_152 = tpu.memref_slice %arg4[%multiple_of3A_125] : memref<320000xi32, #tpu.memory_space<hbm>> -> memref<16xi32, #tpu.memory_space<hbm>>
      %dma_start3A_153 = tpu.memref_slice %arg4[%multiple_of3A_125] : memref<320000xi32, #tpu.memory_space<hbm>> -> memref<16xi32, #tpu.memory_space<hbm>>
      tpu.enqueue_dma source(%dma_start3A_153 : memref<16xi32, #tpu.memory_space<hbm>>) target(%arg32 : memref<16xi32, #tpu.memory_space<vmem>>) target_semaphore(%run_scoped3A : memref<!tpu.dma_semaphore, #tpu.memory_space<semaphore_mem>>)
      %dma_wait3A_154 = tpu.memref_slice %arg4[%multiple_of3A_125] : memref<320000xi32, #tpu.memory_space<hbm>> -> memref<16xi32, #tpu.memory_space<hbm>>
      %dma_wait3A_155 = tpu.memref_slice %arg4[%multiple_of3A_125] : memref<320000xi32, #tpu.memory_space<hbm>> -> memref<16xi32, #tpu.memory_space<hbm>>
      tpu.wait_dma2 semaphore(%run_scoped3A : memref<!tpu.dma_semaphore, #tpu.memory_space<semaphore_mem>>) src(%dma_wait3A_155 : memref<16xi32, #tpu.memory_space<hbm>>) dst(%arg32 : memref<16xi32, #tpu.memory_space<vmem>>)
      tpu.yield
    }) : () -> ()
    "tpu.region"() ({
      %run_scoped3A = tpu.sem_alloc : memref<!tpu.dma_semaphore, #tpu.memory_space<semaphore_mem>>
      %dma_start3A_152 = tpu.memref_slice %arg3[%multiple_of3A_125] : memref<320000xi32, #tpu.memory_space<hbm>> -> memref<16xi32, #tpu.memory_space<hbm>>
      %dma_start3A_153 = tpu.memref_slice %arg3[%multiple_of3A_125] : memref<320000xi32, #tpu.memory_space<hbm>> -> memref<16xi32, #tpu.memory_space<hbm>>
      tpu.enqueue_dma source(%dma_start3A_153 : memref<16xi32, #tpu.memory_space<hbm>>) target(%arg31 : memref<16xi32, #tpu.memory_space<vmem>>) target_semaphore(%run_scoped3A : memref<!tpu.dma_semaphore, #tpu.memory_space<semaphore_mem>>)
      %dma_wait3A_154 = tpu.memref_slice %arg3[%multiple_of3A_125] : memref<320000xi32, #tpu.memory_space<hbm>> -> memref<16xi32, #tpu.memory_space<hbm>>
      %dma_wait3A_155 = tpu.memref_slice %arg3[%multiple_of3A_125] : memref<320000xi32, #tpu.memory_space<hbm>> -> memref<16xi32, #tpu.memory_space<hbm>>
      tpu.wait_dma2 semaphore(%run_scoped3A : memref<!tpu.dma_semaphore, #tpu.memory_space<semaphore_mem>>) src(%dma_wait3A_155 : memref<16xi32, #tpu.memory_space<hbm>>) dst(%arg31 : memref<16xi32, #tpu.memory_space<vmem>>)
      tpu.yield
    }) : () -> ()
    %dma_start3A_126 = arith.constant 0 : i32
    %dma_start3A_127 = arith.constant 0 : i32
    %dma_start3A_128 = tpu.memref_slice %arg15[%dma_start3A_126, %dma_start3A_127] : memref<96x128xf32, #tpu.memory_space<vmem>> -> memref<16x128xf32, #tpu.memory_space<vmem>>
    %dma_start3A_129 = arith.constant 0 : i32
    %dma_start3A_130 = arith.constant 0 : i32
    %dma_start3A_131 = tpu.memref_slice %arg2[%dma_start3A_129, %dma_start3A_130] : memref<20000x128xf32, #tpu.memory_space<hbm>> -> memref<20000x128xf32, #tpu.memory_space<hbm>>
    tpu.enqueue_indirect_dma source(%dma_start3A_131 : memref<20000x128xf32, #tpu.memory_space<hbm>>) target(%dma_start3A_128 : memref<16x128xf32, #tpu.memory_space<vmem>>) offsets(%arg31 : memref<16xi32, #tpu.memory_space<vmem>>) semaphore(%arg23 : memref<!tpu.dma_semaphore, #tpu.memory_space<semaphore_mem>>)
    %dma_wait3A_132 = arith.constant 0 : i32
    %dma_wait3A_133 = arith.constant 0 : i32
    %dma_wait3A_134 = tpu.memref_slice %arg15[%dma_wait3A_132, %dma_wait3A_133] : memref<96x128xf32, #tpu.memory_space<vmem>> -> memref<16x128xf32, #tpu.memory_space<vmem>>
    %dma_wait3A_135 = arith.constant 0 : i32
    %dma_wait3A_136 = arith.constant 0 : i32
    %dma_wait3A_137 = tpu.memref_slice %arg2[%dma_wait3A_135, %dma_wait3A_136] : memref<20000x128xf32, #tpu.memory_space<hbm>> -> memref<20000x128xf32, #tpu.memory_space<hbm>>
    tpu.wait_indirect_dma semaphore(%arg23 : memref<!tpu.dma_semaphore, #tpu.memory_space<semaphore_mem>>) src(%dma_wait3A_137 : memref<20000x128xf32, #tpu.memory_space<hbm>>) dst(%dma_wait3A_134 : memref<16x128xf32, #tpu.memory_space<vmem>>)
    "tpu.region"() ({
      %run_scoped3A = tpu.sem_alloc : memref<!tpu.dma_semaphore, #tpu.memory_space<semaphore_mem>>
      %dma_start3A_152 = arith.constant 0 : i32
      %dma_start3A_153 = arith.constant 0 : i32
      %dma_start3A_154 = tpu.memref_slice %arg15[%dma_start3A_152, %dma_start3A_153] : memref<96x128xf32, #tpu.memory_space<vmem>> -> memref<16x128xf32, #tpu.memory_space<vmem>>
      %dma_start3A_155 = arith.constant 0 : i32
      %dma_start3A_156 = arith.constant 0 : i32
      %dma_start3A_157 = tpu.memref_slice %arg6[%dma_start3A_155, %dma_start3A_156] : memref<10000x128xf32, #tpu.memory_space<vmem_shared>> -> memref<10000x128xf32, #tpu.memory_space<vmem_shared>>
      tpu.enqueue_indirect_dma source(%dma_start3A_154 : memref<16x128xf32, #tpu.memory_space<vmem>>) target(%dma_start3A_157 : memref<10000x128xf32, #tpu.memory_space<vmem_shared>>) offsets(%arg32 : memref<16xi32, #tpu.memory_space<vmem>>) semaphore(%run_scoped3A : memref<!tpu.dma_semaphore, #tpu.memory_space<semaphore_mem>>) {add = true}
      %dma_wait3A_158 = arith.constant 0 : i32
      %dma_wait3A_159 = arith.constant 0 : i32
      %dma_wait3A_160 = tpu.memref_slice %arg15[%dma_wait3A_158, %dma_wait3A_159] : memref<96x128xf32, #tpu.memory_space<vmem>> -> memref<16x128xf32, #tpu.memory_space<vmem>>
      %dma_wait3A_161 = arith.constant 0 : i32
      %dma_wait3A_162 = arith.constant 0 : i32
      %dma_wait3A_163 = tpu.memref_slice %arg6[%dma_wait3A_161, %dma_wait3A_162] : memref<10000x128xf32, #tpu.memory_space<vmem_shared>> -> memref<10000x128xf32, #tpu.memory_space<vmem_shared>>
      tpu.wait_indirect_dma semaphore(%run_scoped3A : memref<!tpu.dma_semaphore, #tpu.memory_space<semaphore_mem>>) src(%dma_wait3A_160 : memref<16x128xf32, #tpu.memory_space<vmem>>) dst(%dma_wait3A_163 : memref<10000x128xf32, #tpu.memory_space<vmem_shared>>)
      tpu.yield
    }) : () -> ()
    %barrier3A_138 = arith.constant 0 : index
    tpu.barrier barrier_id(%barrier3A_138)
    %mul3A_139 = arith.constant 10000 : i32
    %mul3A_140 = arith.muli %arg0, %mul3A_139 : i32
    %mul3A_141 = arith.constant 624 : i32
    %mul3A_142 = arith.muli %arg1, %mul3A_141 : i32
    %add3A_143 = arith.addi %mul3A_140, %mul3A_142 : i32
    %multiple_of3A_144 = tpu.assume_multiple %add3A_143, 8 : i32
    %mul3A_145 = arith.constant 624 : i32
    %mul3A_146 = arith.muli %arg1, %mul3A_145 : i32
    "tpu.region"() ({
      %run_scoped3A = tpu.sem_alloc : memref<!tpu.dma_semaphore, #tpu.memory_space<semaphore_mem>>
      %dma_start3A_152 = arith.constant 0 : i32
      %dma_start3A_153 = tpu.memref_slice %arg5[%multiple_of3A_144, %dma_start3A_152] : memref<20000x128xf32, #tpu.memory_space<hbm>> -> memref<624x128xf32, #tpu.memory_space<hbm>>
      %dma_start3A_154 = arith.constant 0 : i32
      %dma_start3A_155 = tpu.memref_slice %arg6[%mul3A_146, %dma_start3A_154] : memref<10000x128xf32, #tpu.memory_space<vmem_shared>> -> memref<624x128xf32, #tpu.memory_space<vmem_shared>>
      tpu.enqueue_dma source(%dma_start3A_155 : memref<624x128xf32, #tpu.memory_space<vmem_shared>>) target(%dma_start3A_153 : memref<624x128xf32, #tpu.memory_space<hbm>>) target_semaphore(%run_scoped3A : memref<!tpu.dma_semaphore, #tpu.memory_space<semaphore_mem>>)
      %dma_wait3A_156 = arith.constant 0 : i32
      %dma_wait3A_157 = tpu.memref_slice %arg5[%multiple_of3A_144, %dma_wait3A_156] : memref<20000x128xf32, #tpu.memory_space<hbm>> -> memref<624x128xf32, #tpu.memory_space<hbm>>
      %dma_wait3A_158 = arith.constant 0 : i32
      %dma_wait3A_159 = tpu.memref_slice %arg6[%mul3A_146, %dma_wait3A_158] : memref<10000x128xf32, #tpu.memory_space<vmem_shared>> -> memref<624x128xf32, #tpu.memory_space<vmem_shared>>
      tpu.wait_dma2 semaphore(%run_scoped3A : memref<!tpu.dma_semaphore, #tpu.memory_space<semaphore_mem>>) src(%dma_wait3A_159 : memref<624x128xf32, #tpu.memory_space<vmem_shared>>) dst(%dma_wait3A_157 : memref<624x128xf32, #tpu.memory_space<hbm>>)
      tpu.yield
    }) : () -> ()
    %eq3A_147 = arith.constant 15 : i32
    %eq3A_148 = arith.cmpi eq, %arg1, %eq3A_147 : i32
    %convert_element_type3A_149 = arith.extui %eq3A_148 : i1 to i32
    %cond3A_150 = arith.constant 0 : i32
    %cond3A_151 = arith.cmpi ne, %convert_element_type3A_149, %cond3A_150 : i32
    scf.if %cond3A_151 {
      %mul3A_152 = arith.constant 10000 : i32
      %mul3A_153 = arith.muli %arg0, %mul3A_152 : i32
      %add3A_154 = arith.constant 9984 : i32
      %add3A_155 = arith.addi %mul3A_153, %add3A_154 : i32
      %multiple_of3A_156 = tpu.assume_multiple %add3A_155, 8 : i32
      "tpu.region"() ({
        %run_scoped3A = tpu.sem_alloc : memref<!tpu.dma_semaphore, #tpu.memory_space<semaphore_mem>>
        %dma_start3A_157 = arith.constant 0 : i32
        %dma_start3A_158 = tpu.memref_slice %arg5[%multiple_of3A_156, %dma_start3A_157] : memref<20000x128xf32, #tpu.memory_space<hbm>> -> memref<16x128xf32, #tpu.memory_space<hbm>>
        %dma_start3A_159 = arith.constant 9984 : i32
        %dma_start3A_160 = arith.constant 0 : i32
        %dma_start3A_161 = tpu.memref_slice %arg6[%dma_start3A_159, %dma_start3A_160] : memref<10000x128xf32, #tpu.memory_space<vmem_shared>> -> memref<16x128xf32, #tpu.memory_space<vmem_shared>>
        tpu.enqueue_dma source(%dma_start3A_161 : memref<16x128xf32, #tpu.memory_space<vmem_shared>>) target(%dma_start3A_158 : memref<16x128xf32, #tpu.memory_space<hbm>>) target_semaphore(%run_scoped3A : memref<!tpu.dma_semaphore, #tpu.memory_space<semaphore_mem>>)
        %dma_wait3A_162 = arith.constant 0 : i32
        %dma_wait3A_163 = tpu.memref_slice %arg5[%multiple_of3A_156, %dma_wait3A_162] : memref<20000x128xf32, #tpu.memory_space<hbm>> -> memref<16x128xf32, #tpu.memory_space<hbm>>
        %dma_wait3A_164 = arith.constant 9984 : i32
        %dma_wait3A_165 = arith.constant 0 : i32
        %dma_wait3A_166 = tpu.memref_slice %arg6[%dma_wait3A_164, %dma_wait3A_165] : memref<10000x128xf32, #tpu.memory_space<vmem_shared>> -> memref<16x128xf32, #tpu.memory_space<vmem_shared>>
        tpu.wait_dma2 semaphore(%run_scoped3A : memref<!tpu.dma_semaphore, #tpu.memory_space<semaphore_mem>>) src(%dma_wait3A_166 : memref<16x128xf32, #tpu.memory_space<vmem_shared>>) dst(%dma_wait3A_163 : memref<16x128xf32, #tpu.memory_space<hbm>>)
        tpu.yield
      }) : () -> ()
    } else {
    }
    return
  }
}

module attributes {stable_mosaic.version = 14 : i64} {
  func.func @body(%arg0: i32, %arg1: memref<2000x256xf32, #tpu.memory_space<vmem>>, %arg2: memref<256x256xf32, #tpu.memory_space<vmem>>, %arg3: memref<2000x32xf32, #tpu.memory_space<vmem>>, %arg4: memref<2x2000x128xf32, #tpu.memory_space<vmem>>, %arg5: memref<2000x1xf32, #tpu.memory_space<vmem>>) attributes {dimension_semantics = [#tpu.dimension_semantics<arbitrary>], iteration_bounds = array<i64: 5>, scalar_prefetch = 0 : i64, scratch_operands = 0 : i64, tpu.core_type = #tpu.core_type<tc>, window_params = [{transform_indices = @transform_0, window_bounds = array<i64: 2000, 256>}, {pipeline_mode = #tpu.pipeline_mode<synchronous>, transform_indices = @transform_1, window_bounds = array<i64: 256, 256>}, {transform_indices = @transform_2, window_bounds = array<i64: 2000, 32>}, {transform_indices = @transform_3, window_bounds = array<i64: 2, 2000, 128>}, {transform_indices = @transform_4, window_bounds = array<i64: 2000, 1>}]} {
    %get3A = arith.constant 0 : index
    %get3A_0 = arith.constant 0 : index
    %get3A_1 = vector.load %arg3[%get3A, %get3A_0] : memref<2000x32xf32, #tpu.memory_space<vmem>>, vector<2000x32xf32>
    %reduce_sum3A = arith.constant dense<0.000000e+00> : vector<2000xf32>
    %reduce_sum3A_2 = vector.multi_reduction <add>, %get3A_1, %reduce_sum3A [1] : vector<2000x32xf32> to vector<2000xf32>
    %broadcast_in_dim3A = vector.shape_cast %reduce_sum3A_2 : vector<2000xf32> to vector<2000x1xf32>
    %add3A = arith.constant 1.000000e+00 : f32
    %add3A_3 = vector.broadcast %add3A : f32 to vector<2000x1xf32>
    %add3A_4 = arith.addf %broadcast_in_dim3A, %add3A_3 : vector<2000x1xf32>
    %rsqrt3A = math.rsqrt %add3A_4 : vector<2000x1xf32>
    %swap3A = arith.constant 0 : index
    %swap3A_5 = arith.constant 0 : index
    %swap3A_6 = vector.load %arg5[%swap3A, %swap3A_5] : memref<2000x1xf32, #tpu.memory_space<vmem>>, vector<2000x1xf32>
    tpu.vector_store %arg5[%swap3A, %swap3A_5], %rsqrt3A {strides = array<i32>} : memref<2000x1xf32, #tpu.memory_space<vmem>>, vector<2000x1xf32>,
    %get3A_7 = arith.constant 0 : index
    %get3A_8 = arith.constant 0 : index
    %get3A_9 = vector.load %arg1[%get3A_7, %get3A_8] : memref<2000x256xf32, #tpu.memory_space<vmem>>, vector<2000x256xf32>
    %get3A_10 = arith.constant 0 : index
    %get3A_11 = arith.constant 0 : index
    %get3A_12 = vector.load %arg2[%get3A_10, %get3A_11] : memref<256x256xf32, #tpu.memory_space<vmem>>, vector<256x256xf32>
    %dot_general3A = arith.constant dense<0.000000e+00> : vector<2000x256xf32>
    %dot_general3A_13 = tpu.matmul %get3A_9, %get3A_12, %dot_general3A {dimension_numbers = #tpu.dot_dimension_numbers<[1], [0], [0], [1], [0, 0, 1, 1], [], []>, transpose_lhs_hint = false} : vector<2000x256xf32>, vector<256x256xf32>, vector<2000x256xf32> -> vector<2000x256xf32>
    %mul3A = vector.broadcast %rsqrt3A : vector<2000x1xf32> to vector<2000x256xf32>
    %mul3A_14 = arith.mulf %dot_general3A_13, %mul3A : vector<2000x256xf32>
    %slice3A = vector.extract_strided_slice %mul3A_14 {offsets = [0, 0], sizes = [2000, 128], strides = [1, 1]} : vector<2000x256xf32> to vector<2000x128xf32>
    %swap3A_15 = arith.constant 0 : index
    %swap3A_16 = arith.constant 0 : index
    %swap3A_17 = arith.constant 0 : index
    %swap3A_18 = vector.load %arg4[%swap3A_15, %swap3A_16, %swap3A_17] : memref<2x2000x128xf32, #tpu.memory_space<vmem>>, vector<1x2000x128xf32>
    %swap3A_19 = vector.shape_cast %swap3A_18 : vector<1x2000x128xf32> to vector<2000x128xf32>
    %swap3A_20 = vector.shape_cast %slice3A : vector<2000x128xf32> to vector<1x2000x128xf32>
    tpu.vector_store %arg4[%swap3A_15, %swap3A_16, %swap3A_17], %swap3A_20 {strides = array<i32>} : memref<2x2000x128xf32, #tpu.memory_space<vmem>>, vector<1x2000x128xf32>,
    %slice3A_21 = vector.extract_strided_slice %mul3A_14 {offsets = [0, 128], sizes = [2000, 128], strides = [1, 1]} : vector<2000x256xf32> to vector<2000x128xf32>
    %swap3A_22 = arith.constant 1 : index
    %swap3A_23 = arith.constant 0 : index
    %swap3A_24 = arith.constant 0 : index
    %swap3A_25 = vector.load %arg4[%swap3A_22, %swap3A_23, %swap3A_24] : memref<2x2000x128xf32, #tpu.memory_space<vmem>>, vector<1x2000x128xf32>
    %swap3A_26 = vector.shape_cast %swap3A_25 : vector<1x2000x128xf32> to vector<2000x128xf32>
    %swap3A_27 = vector.shape_cast %slice3A_21 : vector<2000x128xf32> to vector<1x2000x128xf32>
    tpu.vector_store %arg4[%swap3A_22, %swap3A_23, %swap3A_24], %swap3A_27 {strides = array<i32>} : memref<2x2000x128xf32, #tpu.memory_space<vmem>>, vector<1x2000x128xf32>,
    return
  }
  func.func @transform_0(%arg0: i32) -> (i32, i32) {
    %c0_i32 = arith.constant 0 : i32
    %c0_i32_0 = arith.constant 0 : i32
    return %arg0, %c0_i32 : i32, i32
  }
  func.func @transform_1(%arg0: i32) -> (i32, i32) {
    %c0_i32 = arith.constant 0 : i32
    %c0_i32_0 = arith.constant 0 : i32
    %c0_i32_1 = arith.constant 0 : i32
    return %c0_i32, %c0_i32_0 : i32, i32
  }
  func.func @transform_2(%arg0: i32) -> (i32, i32) {
    %c0_i32 = arith.constant 0 : i32
    %c0_i32_0 = arith.constant 0 : i32
    return %arg0, %c0_i32 : i32, i32
  }
  func.func @transform_3(%arg0: i32) -> (i32, i32, i32) {
    %c0_i32 = arith.constant 0 : i32
    %c0_i32_0 = arith.constant 0 : i32
    %c0_i32_1 = arith.constant 0 : i32
    return %c0_i32, %arg0, %c0_i32_0 : i32, i32, i32
  }
  func.func @transform_4(%arg0: i32) -> (i32, i32) {
    %c0_i32 = arith.constant 0 : i32
    %c0_i32_0 = arith.constant 0 : i32
    return %arg0, %c0_i32 : i32, i32
  }
}

module attributes {stable_mosaic.version = 14 : i64} {
  func.func @body(%arg0: i32, %arg1: memref<2x2000x128xf32, #tpu.memory_space<vmem>>, %arg2: memref<2000x1xf32, #tpu.memory_space<vmem>>, %arg3: memref<2x128xf32, #tpu.memory_space<vmem>>, %arg4: memref<2x128x256xf32, #tpu.memory_space<vmem>>, %arg5: memref<2x2000x128xf32, #tpu.memory_space<vmem>>) attributes {dimension_semantics = [#tpu.dimension_semantics<arbitrary>], iteration_bounds = array<i64: 5>, scalar_prefetch = 0 : i64, scratch_operands = 0 : i64, tpu.core_type = #tpu.core_type<tc>, window_params = [{transform_indices = @transform_0, window_bounds = array<i64: 2, 2000, 128>}, {transform_indices = @transform_1, window_bounds = array<i64: 2000, 1>}, {pipeline_mode = #tpu.pipeline_mode<synchronous>, transform_indices = @transform_2, window_bounds = array<i64: 2, 128>}, {pipeline_mode = #tpu.pipeline_mode<synchronous>, transform_indices = @transform_3, window_bounds = array<i64: 2, 128, 256>}, {transform_indices = @transform_4, window_bounds = array<i64: 2, 2000, 128>}]} {
    %get3A = arith.constant 0 : index
    %get3A_0 = arith.constant 0 : index
    %get3A_1 = vector.load %arg2[%get3A, %get3A_0] : memref<2000x1xf32, #tpu.memory_space<vmem>>, vector<2000x1xf32>
    %get3A_2 = arith.constant 0 : index
    %get3A_3 = arith.constant 0 : index
    %get3A_4 = arith.constant 0 : index
    %get3A_5 = vector.load %arg1[%get3A_2, %get3A_3, %get3A_4] : memref<2x2000x128xf32, #tpu.memory_space<vmem>>, vector<1x2000x128xf32>
    %get3A_6 = vector.shape_cast %get3A_5 : vector<1x2000x128xf32> to vector<2000x128xf32>
    %mul3A = vector.broadcast %get3A_1 : vector<2000x1xf32> to vector<2000x128xf32>
    %mul3A_7 = arith.mulf %get3A_6, %mul3A : vector<2000x128xf32>
    %get3A_8 = arith.constant 0 : index
    %get3A_9 = arith.constant 0 : index
    %get3A_10 = vector.load %arg3[%get3A_8, %get3A_9] : memref<2x128xf32, #tpu.memory_space<vmem>>, vector<1x128xf32>
    %add3A = vector.broadcast %get3A_10 : vector<1x128xf32> to vector<2000x128xf32>
    %add3A_11 = arith.addf %mul3A_7, %add3A : vector<2000x128xf32>
    %max3A = arith.constant 0.000000e+00 : f32
    %max3A_12 = vector.broadcast %max3A : f32 to vector<2000x128xf32>
    %max3A_13 = arith.maximumf %add3A_11, %max3A_12 : vector<2000x128xf32>
    %get3A_14 = arith.constant 1 : index
    %get3A_15 = arith.constant 0 : index
    %get3A_16 = arith.constant 0 : index
    %get3A_17 = vector.load %arg1[%get3A_14, %get3A_15, %get3A_16] : memref<2x2000x128xf32, #tpu.memory_space<vmem>>, vector<1x2000x128xf32>
    %get3A_18 = vector.shape_cast %get3A_17 : vector<1x2000x128xf32> to vector<2000x128xf32>
    %mul3A_19 = vector.broadcast %get3A_1 : vector<2000x1xf32> to vector<2000x128xf32>
    %mul3A_20 = arith.mulf %get3A_18, %mul3A_19 : vector<2000x128xf32>
    %get3A_21 = arith.constant 1 : index
    %get3A_22 = arith.constant 0 : index
    %get3A_23 = vector.load %arg3[%get3A_21, %get3A_22] : memref<2x128xf32, #tpu.memory_space<vmem>>, vector<1x128xf32>
    %add3A_24 = vector.broadcast %get3A_23 : vector<1x128xf32> to vector<2000x128xf32>
    %add3A_25 = arith.addf %mul3A_20, %add3A_24 : vector<2000x128xf32>
    %max3A_26 = arith.constant 0.000000e+00 : f32
    %max3A_27 = vector.broadcast %max3A_26 : f32 to vector<2000x128xf32>
    %max3A_28 = arith.maximumf %add3A_25, %max3A_27 : vector<2000x128xf32>
    %get3A_29 = arith.constant 0 : index
    %get3A_30 = arith.constant 0 : index
    %get3A_31 = arith.constant 0 : index
    %get3A_32 = vector.load %arg4[%get3A_29, %get3A_30, %get3A_31] : memref<2x128x256xf32, #tpu.memory_space<vmem>>, vector<1x128x256xf32>
    %get3A_33 = vector.shape_cast %get3A_32 : vector<1x128x256xf32> to vector<128x256xf32>
    %dot_general3A = arith.constant dense<0.000000e+00> : vector<2000x256xf32>
    %dot_general3A_34 = tpu.matmul %max3A_13, %get3A_33, %dot_general3A {dimension_numbers = #tpu.dot_dimension_numbers<[1], [0], [0], [1], [0, 0, 1, 1], [], []>, transpose_lhs_hint = false} : vector<2000x128xf32>, vector<128x256xf32>, vector<2000x256xf32> -> vector<2000x256xf32>
    %get3A_35 = arith.constant 1 : index
    %get3A_36 = arith.constant 0 : index
    %get3A_37 = arith.constant 0 : index
    %get3A_38 = vector.load %arg4[%get3A_35, %get3A_36, %get3A_37] : memref<2x128x256xf32, #tpu.memory_space<vmem>>, vector<1x128x256xf32>
    %get3A_39 = vector.shape_cast %get3A_38 : vector<1x128x256xf32> to vector<128x256xf32>
    %dot_general3A_40 = arith.constant dense<0.000000e+00> : vector<2000x256xf32>
    %dot_general3A_41 = tpu.matmul %max3A_28, %get3A_39, %dot_general3A_40 {dimension_numbers = #tpu.dot_dimension_numbers<[1], [0], [0], [1], [0, 0, 1, 1], [], []>, transpose_lhs_hint = false} : vector<2000x128xf32>, vector<128x256xf32>, vector<2000x256xf32> -> vector<2000x256xf32>
    %add3A_42 = arith.addf %dot_general3A_34, %dot_general3A_41 : vector<2000x256xf32>
    %mul3A_43 = vector.broadcast %get3A_1 : vector<2000x1xf32> to vector<2000x256xf32>
    %mul3A_44 = arith.mulf %add3A_42, %mul3A_43 : vector<2000x256xf32>
    %slice3A = vector.extract_strided_slice %mul3A_44 {offsets = [0, 0], sizes = [2000, 128], strides = [1, 1]} : vector<2000x256xf32> to vector<2000x128xf32>
    %swap3A = arith.constant 0 : index
    %swap3A_45 = arith.constant 0 : index
    %swap3A_46 = arith.constant 0 : index
    %swap3A_47 = vector.load %arg5[%swap3A, %swap3A_45, %swap3A_46] : memref<2x2000x128xf32, #tpu.memory_space<vmem>>, vector<1x2000x128xf32>
    %swap3A_48 = vector.shape_cast %swap3A_47 : vector<1x2000x128xf32> to vector<2000x128xf32>
    %swap3A_49 = vector.shape_cast %slice3A : vector<2000x128xf32> to vector<1x2000x128xf32>
    tpu.vector_store %arg5[%swap3A, %swap3A_45, %swap3A_46], %swap3A_49 {strides = array<i32>} : memref<2x2000x128xf32, #tpu.memory_space<vmem>>, vector<1x2000x128xf32>,
    %slice3A_50 = vector.extract_strided_slice %mul3A_44 {offsets = [0, 128], sizes = [2000, 128], strides = [1, 1]} : vector<2000x256xf32> to vector<2000x128xf32>
    %swap3A_51 = arith.constant 1 : index
    %swap3A_52 = arith.constant 0 : index
    %swap3A_53 = arith.constant 0 : index
    %swap3A_54 = vector.load %arg5[%swap3A_51, %swap3A_52, %swap3A_53] : memref<2x2000x128xf32, #tpu.memory_space<vmem>>, vector<1x2000x128xf32>
    %swap3A_55 = vector.shape_cast %swap3A_54 : vector<1x2000x128xf32> to vector<2000x128xf32>
    %swap3A_56 = vector.shape_cast %slice3A_50 : vector<2000x128xf32> to vector<1x2000x128xf32>
    tpu.vector_store %arg5[%swap3A_51, %swap3A_52, %swap3A_53], %swap3A_56 {strides = array<i32>} : memref<2x2000x128xf32, #tpu.memory_space<vmem>>, vector<1x2000x128xf32>,
    return
  }
  func.func @transform_0(%arg0: i32) -> (i32, i32, i32) {
    %c0_i32 = arith.constant 0 : i32
    %c0_i32_0 = arith.constant 0 : i32
    %c0_i32_1 = arith.constant 0 : i32
    return %c0_i32, %arg0, %c0_i32_0 : i32, i32, i32
  }
  func.func @transform_1(%arg0: i32) -> (i32, i32) {
    %c0_i32 = arith.constant 0 : i32
    %c0_i32_0 = arith.constant 0 : i32
    return %arg0, %c0_i32 : i32, i32
  }
  func.func @transform_2(%arg0: i32) -> (i32, i32) {
    %c0_i32 = arith.constant 0 : i32
    %c0_i32_0 = arith.constant 0 : i32
    %c0_i32_1 = arith.constant 0 : i32
    return %c0_i32, %c0_i32_0 : i32, i32
  }
  func.func @transform_3(%arg0: i32) -> (i32, i32, i32) {
    %c0_i32 = arith.constant 0 : i32
    %c0_i32_0 = arith.constant 0 : i32
    %c0_i32_1 = arith.constant 0 : i32
    %c0_i32_2 = arith.constant 0 : i32
    return %c0_i32, %c0_i32_0, %c0_i32_1 : i32, i32, i32
  }
  func.func @transform_4(%arg0: i32) -> (i32, i32, i32) {
    %c0_i32 = arith.constant 0 : i32
    %c0_i32_0 = arith.constant 0 : i32
    %c0_i32_1 = arith.constant 0 : i32
    return %c0_i32, %arg0, %c0_i32_0 : i32, i32, i32
  }
}

module attributes {stable_mosaic.version = 14 : i64} {
  func.func @body(%arg0: i32, %arg1: memref<2x2000x128xf32, #tpu.memory_space<vmem>>, %arg2: memref<2000x1xf32, #tpu.memory_space<vmem>>, %arg3: memref<2x128xf32, #tpu.memory_space<vmem>>, %arg4: memref<2x128x128xf32, #tpu.memory_space<vmem>>, %arg5: memref<2000x128xf32, #tpu.memory_space<vmem>>) attributes {dimension_semantics = [#tpu.dimension_semantics<arbitrary>], iteration_bounds = array<i64: 5>, scalar_prefetch = 0 : i64, scratch_operands = 0 : i64, tpu.core_type = #tpu.core_type<tc>, window_params = [{transform_indices = @transform_0, window_bounds = array<i64: 2, 2000, 128>}, {transform_indices = @transform_1, window_bounds = array<i64: 2000, 1>}, {pipeline_mode = #tpu.pipeline_mode<synchronous>, transform_indices = @transform_2, window_bounds = array<i64: 2, 128>}, {pipeline_mode = #tpu.pipeline_mode<synchronous>, transform_indices = @transform_3, window_bounds = array<i64: 2, 128, 128>}, {transform_indices = @transform_4, window_bounds = array<i64: 2000, 128>}]} {
    %get3A = arith.constant 0 : index
    %get3A_0 = arith.constant 0 : index
    %get3A_1 = vector.load %arg2[%get3A, %get3A_0] : memref<2000x1xf32, #tpu.memory_space<vmem>>, vector<2000x1xf32>
    %get3A_2 = arith.constant 0 : index
    %get3A_3 = arith.constant 0 : index
    %get3A_4 = arith.constant 0 : index
    %get3A_5 = vector.load %arg1[%get3A_2, %get3A_3, %get3A_4] : memref<2x2000x128xf32, #tpu.memory_space<vmem>>, vector<1x2000x128xf32>
    %get3A_6 = vector.shape_cast %get3A_5 : vector<1x2000x128xf32> to vector<2000x128xf32>
    %mul3A = vector.broadcast %get3A_1 : vector<2000x1xf32> to vector<2000x128xf32>
    %mul3A_7 = arith.mulf %get3A_6, %mul3A : vector<2000x128xf32>
    %get3A_8 = arith.constant 0 : index
    %get3A_9 = arith.constant 0 : index
    %get3A_10 = vector.load %arg3[%get3A_8, %get3A_9] : memref<2x128xf32, #tpu.memory_space<vmem>>, vector<1x128xf32>
    %add3A = vector.broadcast %get3A_10 : vector<1x128xf32> to vector<2000x128xf32>
    %add3A_11 = arith.addf %mul3A_7, %add3A : vector<2000x128xf32>
    %max3A = arith.constant 0.000000e+00 : f32
    %max3A_12 = vector.broadcast %max3A : f32 to vector<2000x128xf32>
    %max3A_13 = arith.maximumf %add3A_11, %max3A_12 : vector<2000x128xf32>
    %get3A_14 = arith.constant 1 : index
    %get3A_15 = arith.constant 0 : index
    %get3A_16 = arith.constant 0 : index
    %get3A_17 = vector.load %arg1[%get3A_14, %get3A_15, %get3A_16] : memref<2x2000x128xf32, #tpu.memory_space<vmem>>, vector<1x2000x128xf32>
    %get3A_18 = vector.shape_cast %get3A_17 : vector<1x2000x128xf32> to vector<2000x128xf32>
    %mul3A_19 = vector.broadcast %get3A_1 : vector<2000x1xf32> to vector<2000x128xf32>
    %mul3A_20 = arith.mulf %get3A_18, %mul3A_19 : vector<2000x128xf32>
    %get3A_21 = arith.constant 1 : index
    %get3A_22 = arith.constant 0 : index
    %get3A_23 = vector.load %arg3[%get3A_21, %get3A_22] : memref<2x128xf32, #tpu.memory_space<vmem>>, vector<1x128xf32>
    %add3A_24 = vector.broadcast %get3A_23 : vector<1x128xf32> to vector<2000x128xf32>
    %add3A_25 = arith.addf %mul3A_20, %add3A_24 : vector<2000x128xf32>
    %max3A_26 = arith.constant 0.000000e+00 : f32
    %max3A_27 = vector.broadcast %max3A_26 : f32 to vector<2000x128xf32>
    %max3A_28 = arith.maximumf %add3A_25, %max3A_27 : vector<2000x128xf32>
    %get3A_29 = arith.constant 0 : index
    %get3A_30 = arith.constant 0 : index
    %get3A_31 = arith.constant 0 : index
    %get3A_32 = vector.load %arg4[%get3A_29, %get3A_30, %get3A_31] : memref<2x128x128xf32, #tpu.memory_space<vmem>>, vector<1x128x128xf32>
    %get3A_33 = vector.shape_cast %get3A_32 : vector<1x128x128xf32> to vector<128x128xf32>
    %dot_general3A = arith.constant dense<0.000000e+00> : vector<2000x128xf32>
    %dot_general3A_34 = tpu.matmul %max3A_13, %get3A_33, %dot_general3A {dimension_numbers = #tpu.dot_dimension_numbers<[1], [0], [0], [1], [0, 0, 1, 1], [], []>, transpose_lhs_hint = false} : vector<2000x128xf32>, vector<128x128xf32>, vector<2000x128xf32> -> vector<2000x128xf32>
    %get3A_35 = arith.constant 1 : index
    %get3A_36 = arith.constant 0 : index
    %get3A_37 = arith.constant 0 : index
    %get3A_38 = vector.load %arg4[%get3A_35, %get3A_36, %get3A_37] : memref<2x128x128xf32, #tpu.memory_space<vmem>>, vector<1x128x128xf32>
    %get3A_39 = vector.shape_cast %get3A_38 : vector<1x128x128xf32> to vector<128x128xf32>
    %dot_general3A_40 = arith.constant dense<0.000000e+00> : vector<2000x128xf32>
    %dot_general3A_41 = tpu.matmul %max3A_28, %get3A_39, %dot_general3A_40 {dimension_numbers = #tpu.dot_dimension_numbers<[1], [0], [0], [1], [0, 0, 1, 1], [], []>, transpose_lhs_hint = false} : vector<2000x128xf32>, vector<128x128xf32>, vector<2000x128xf32> -> vector<2000x128xf32>
    %add3A_42 = arith.addf %dot_general3A_34, %dot_general3A_41 : vector<2000x128xf32>
    %mul3A_43 = vector.broadcast %get3A_1 : vector<2000x1xf32> to vector<2000x128xf32>
    %mul3A_44 = arith.mulf %add3A_42, %mul3A_43 : vector<2000x128xf32>
    %swap3A = arith.constant 0 : index
    %swap3A_45 = arith.constant 0 : index
    %swap3A_46 = vector.load %arg5[%swap3A, %swap3A_45] : memref<2000x128xf32, #tpu.memory_space<vmem>>, vector<2000x128xf32>
    tpu.vector_store %arg5[%swap3A, %swap3A_45], %mul3A_44 {strides = array<i32>} : memref<2000x128xf32, #tpu.memory_space<vmem>>, vector<2000x128xf32>,
    return
  }
  func.func @transform_0(%arg0: i32) -> (i32, i32, i32) {
    %c0_i32 = arith.constant 0 : i32
    %c0_i32_0 = arith.constant 0 : i32
    %c0_i32_1 = arith.constant 0 : i32
    return %c0_i32, %arg0, %c0_i32_0 : i32, i32, i32
  }
  func.func @transform_1(%arg0: i32) -> (i32, i32) {
    %c0_i32 = arith.constant 0 : i32
    %c0_i32_0 = arith.constant 0 : i32
    return %arg0, %c0_i32 : i32, i32
  }
  func.func @transform_2(%arg0: i32) -> (i32, i32) {
    %c0_i32 = arith.constant 0 : i32
    %c0_i32_0 = arith.constant 0 : i32
    %c0_i32_1 = arith.constant 0 : i32
    return %c0_i32, %c0_i32_0 : i32, i32
  }
  func.func @transform_3(%arg0: i32) -> (i32, i32, i32) {
    %c0_i32 = arith.constant 0 : i32
    %c0_i32_0 = arith.constant 0 : i32
    %c0_i32_1 = arith.constant 0 : i32
    %c0_i32_2 = arith.constant 0 : i32
    return %c0_i32, %c0_i32_0, %c0_i32_1 : i32, i32, i32
  }
  func.func @transform_4(%arg0: i32) -> (i32, i32) {
    %c0_i32 = arith.constant 0 : i32
    %c0_i32_0 = arith.constant 0 : i32
    return %arg0, %c0_i32 : i32, i32
  }
}

module attributes {stable_mosaic.version = 14 : i64} {
  func.func @body(%arg0: i32, %arg1: memref<2x2000x128xf32, #tpu.memory_space<vmem>>, %arg2: memref<2000x128xf32, #tpu.memory_space<vmem>>, %arg3: memref<2000x1xf32, #tpu.memory_space<vmem>>, %arg4: memref<1x128xf32, #tpu.memory_space<vmem>>, %arg5: memref<2000x128xf32, #tpu.memory_space<vmem>>) attributes {dimension_semantics = [#tpu.dimension_semantics<arbitrary>], iteration_bounds = array<i64: 5>, scalar_prefetch = 0 : i64, scratch_operands = 0 : i64, tpu.core_type = #tpu.core_type<tc>, window_params = [{transform_indices = @transform_0, window_bounds = array<i64: 2, 2000, 128>}, {transform_indices = @transform_1, window_bounds = array<i64: 2000, 128>}, {transform_indices = @transform_2, window_bounds = array<i64: 2000, 1>}, {pipeline_mode = #tpu.pipeline_mode<synchronous>, transform_indices = @transform_3, window_bounds = array<i64: 1, 128>}, {transform_indices = @transform_4, window_bounds = array<i64: 2000, 128>}]} {
    %get3A = arith.constant 0 : index
    %get3A_0 = arith.constant 0 : index
    %get3A_1 = arith.constant 0 : index
    %get3A_2 = vector.load %arg1[%get3A, %get3A_0, %get3A_1] : memref<2x2000x128xf32, #tpu.memory_space<vmem>>, vector<1x2000x128xf32>
    %get3A_3 = vector.shape_cast %get3A_2 : vector<1x2000x128xf32> to vector<2000x128xf32>
    %get3A_4 = arith.constant 1 : index
    %get3A_5 = arith.constant 0 : index
    %get3A_6 = arith.constant 0 : index
    %get3A_7 = vector.load %arg1[%get3A_4, %get3A_5, %get3A_6] : memref<2x2000x128xf32, #tpu.memory_space<vmem>>, vector<1x2000x128xf32>
    %get3A_8 = vector.shape_cast %get3A_7 : vector<1x2000x128xf32> to vector<2000x128xf32>
    %add3A = arith.addf %get3A_3, %get3A_8 : vector<2000x128xf32>
    %get3A_9 = arith.constant 0 : index
    %get3A_10 = arith.constant 0 : index
    %get3A_11 = vector.load %arg2[%get3A_9, %get3A_10] : memref<2000x128xf32, #tpu.memory_space<vmem>>, vector<2000x128xf32>
    %sub3A = arith.subf %add3A, %get3A_11 : vector<2000x128xf32>
    %get3A_12 = arith.constant 0 : index
    %get3A_13 = arith.constant 0 : index
    %get3A_14 = vector.load %arg3[%get3A_12, %get3A_13] : memref<2000x1xf32, #tpu.memory_space<vmem>>, vector<2000x1xf32>
    %mul3A = vector.broadcast %get3A_14 : vector<2000x1xf32> to vector<2000x128xf32>
    %mul3A_15 = arith.mulf %sub3A, %mul3A : vector<2000x128xf32>
    %get3A_16 = arith.constant 0 : index
    %get3A_17 = arith.constant 0 : index
    %get3A_18 = vector.load %arg4[%get3A_16, %get3A_17] : memref<1x128xf32, #tpu.memory_space<vmem>>, vector<1x128xf32>
    %add3A_19 = vector.broadcast %get3A_18 : vector<1x128xf32> to vector<2000x128xf32>
    %add3A_20 = arith.addf %mul3A_15, %add3A_19 : vector<2000x128xf32>
    %swap3A = arith.constant 0 : index
    %swap3A_21 = arith.constant 0 : index
    %swap3A_22 = vector.load %arg5[%swap3A, %swap3A_21] : memref<2000x128xf32, #tpu.memory_space<vmem>>, vector<2000x128xf32>
    tpu.vector_store %arg5[%swap3A, %swap3A_21], %add3A_20 {strides = array<i32>} : memref<2000x128xf32, #tpu.memory_space<vmem>>, vector<2000x128xf32>,
    return
  }
  func.func @transform_0(%arg0: i32) -> (i32, i32, i32) {
    %c0_i32 = arith.constant 0 : i32
    %c0_i32_0 = arith.constant 0 : i32
    %c0_i32_1 = arith.constant 0 : i32
    return %c0_i32, %arg0, %c0_i32_0 : i32, i32, i32
  }
  func.func @transform_1(%arg0: i32) -> (i32, i32) {
    %c0_i32 = arith.constant 0 : i32
    %c0_i32_0 = arith.constant 0 : i32
    return %arg0, %c0_i32 : i32, i32
  }
  func.func @transform_2(%arg0: i32) -> (i32, i32) {
    %c0_i32 = arith.constant 0 : i32
    %c0_i32_0 = arith.constant 0 : i32
    return %arg0, %c0_i32 : i32, i32
  }
  func.func @transform_3(%arg0: i32) -> (i32, i32) {
    %c0_i32 = arith.constant 0 : i32
    %c0_i32_0 = arith.constant 0 : i32
    %c0_i32_1 = arith.constant 0 : i32
    return %c0_i32, %c0_i32_0 : i32, i32
  }
  func.func @transform_4(%arg0: i32) -> (i32, i32) {
    %c0_i32 = arith.constant 0 : i32
    %c0_i32_0 = arith.constant 0 : i32
    return %arg0, %c0_i32 : i32, i32
  }
}

</mosaic_0001>

<sc_bundles>
// kernel: _run.10.cloned.1.call-start
scs
__scs_entry_jumppad:
0x0: {  	(pc) =	sbr.rel $0x88, $3  }
0x1: {  	(tag) =	ssettag $0x0;
	lr =	simm.s32 $0x1  }
0x2: {  	[smem:$0x3F98] =	sst lr;
	_ =	strace $0xD0000000  }
0x3: {  	_ = 	snop  }
0x4: {  	_ = 	snop  }
0x5: {  	_ = 	snop  }
0x6: {  	_ = 	snop  }
0x7: {  	_ = 	snop  }
__scs_overlays_trampoline_lowered:
0x8: {  	[smem:$0x3FA7] =	sst s0  }
0x9: {  	[smem:$0x3FA8] =	sst s1  }
0xa: {  	[smem:$0x3FA9] =	sst s2  }
0xb: {  	[smem:$0x3FAA] =	sst s3  }
0xc: {  	[smem:$0x3FAB] =	sst s4  }
0xd: {  	[smem:$0x3FAC] =	sst s5  }
0xe: {  	[smem:$0x3FAD] =	sst s6  }
0xf: {  	[smem:$0x3FAE] =	sst s7  }
0x10: {  	[smem:$0x3FAF] =	sst s8  }
0x11: {  	[smem:$0x3FB0] =	sst s9;
	s0 =	simm.s32 @!p0 $0x0  }
0x12: {  	s1 =	sld [smem:$0x3F96];
	s0 =	simm.s32 @p0 $0x1  }
0x13: {  	[smem:$0x3FB1] =	sst s0;
	s0 =	simm.s32 @!p1 $0x0  }
0x14: {  	s2 =	sld [smem:$0x3F95];
	s0 =	simm.s32 @p1 $0x1  }
0x15: {  	[smem:$0x3FB2] =	sst s0;
	s0 =	simm.s32 @!p2 $0x0  }
0x16: {  	s3 =	sld [smem:$0x3FDB];
	s0 =	simm.s32 @p2 $0x1  }
0x17: {  	s4 =	simm.s32 $0x1BF5;
	[smem:$0x3FB4] =	sst s0  }
0x18: {  	s0 =	sld [smem:$0x3F97];
	_ =	swait.ge [sflag:s4], $0x0  }
0x19: {  	s7 =	sld [smem:$0x3F98]  }
0x1a: {  	s8 =	sadd.s32 $0xFFFFE003, lr  }
0x1b: {  	s9 =	sadd.s32 $0xFFFFFEF7, lr;
	s5 =	simm.s32 $0xFFFFFFFF;
	p2 =	slt.u32 s8, $0xFFFFF086  }
0x1c: {  	p1 =	slt.u32 s9, $0xF7A;
	s5 =	simm.s32 @!p2 $0x0  }
0x1d: {  	s5 =	simm.s32 @p1 $0x1;
	p0 =	seq.s32 s7, s2  }
0x1e: {  	s7 =	smul.u32 @!p0 $0xF7A, s2;
	p2 =	seq.s32 @!p0 s5, $0x0  }
0x1f: {  	s9 =	smul.u32 $0xF7A, s1;
	s8 =	simm.s32 @!p0 $0x1BF5;
	p2 =	por !p2, p0  }
0x20: {  	[sflag:s8] =	ssyncset.s32 @!p0 $0xFFFFF086;
	s6 =	sadd.s32 @!p0 s3, s7;
	s7 =	simm.s32 @!p0 $0x108  }
0x21: {  	s3 =	sadd.s32 s3, s9;
	s6 =	sadd.s32 @!p0 $0x88, s6;
	s7 =	simm.s32 @p2 $0x1082  }
0x22: {  	[simem:s7], [sflag:s8] =	dma.local @!p0 [hbm:s6], $0xF7A  }
0x23: {  	s9 =	sor.u32 $0xD0000000, s2;
	s6 =	simm.s32 $0x108;
	_ =	swait.ge @!p0 [sflag:s8], $0x0  }
0x24: {  	s3 =	sadd.s32 $0x88, s3;
	s6 =	simm.s32 @!p1 $0x1082;
	[sflag:s4] =	ssyncset.s32 $0xFFFFF086  }
0x25: {  	[simem:s6], [sflag:s4] =	dma.local [hbm:s3], $0xF7A  }
0x26: {  	[smem:$0x3F98] =	sst s1;
	(tag) =	ssettag s2;
	_ =	strace s9  }
0x27: {  	s1 =	sld [smem:$0x3FA8]  }
0x28: {  	s2 =	sld [smem:$0x3FA9]  }
0x29: {  	s4 =	sld [smem:$0x3FAB]  }
0x2a: {  	p0 =	seq.s32 s5, $0x0;
	s5 =	sld [smem:$0x3FAC]  }
0x2b: {  	s6 =	sld [smem:$0x3FAD]  }
0x2c: {  	s7 =	sld [smem:$0x3FAE]  }
0x2d: {  	s3 =	simm.s32 $0x108;
	s8 =	sld [smem:$0x3FAF]  }
0x2e: {  	s3 =	simm.s32 @!p0 $0x1082;
	s9 =	sld [smem:$0x3FB0]  }
0x2f: {  	lr =	sadd.s32 s0, s3;
	s0 =	sld [smem:$0x3FA7]  }
0x30: {  	s3 =	sld [smem:$0x3FAA]  }
0x31: {  	[smem:$0x3FB3] =	sst s10  }
0x32: {  	s10 =	sld [smem:$0x3FB1];
	_ =	sdelay $0x3  }
0x33: {  	p0 =	seq.s32 s10, $0x1;
	s10 =	sld [smem:$0x3FB3];
	_ =	sdelay $0x3  }
0x34: {  	[smem:$0x3FB3] =	sst s10  }
0x35: {  	s10 =	sld [smem:$0x3FB2];
	_ =	sdelay $0x3  }
0x36: {  	p1 =	seq.s32 s10, $0x1;
	s10 =	sld [smem:$0x3FB3];
	_ =	sdelay $0x3  }
0x37: {  	[smem:$0x3FB3] =	sst s10  }
0x38: {  	s10 =	sld [smem:$0x3FB4]  }
0x39: {  	_ = 	snop;
	(pc) =	sbr.ind lr, $3  }
0x3a: {  	_ = 	snop  }
0x3b: {  	_ = 	snop  }
0x3c: {  	p2 =	seq.s32 s10, $0x1;
	s10 =	sld [smem:$0x3FB3]  }
0x3d: {  	_ =	shalt  }
0x3e: {  	_ =	shalt  }
0x3f: {  	_ =	shalt  }
0x40: {  	_ =	shalt  }
0x41: {  	_ =	shalt  }
0x42: {  	_ =	shalt  }
0x43: {  	_ =	shalt  }
0x44: {  	_ =	shalt  }
0x45: {  	_ =	shalt  }
0x46: {  	_ =	shalt  }
0x47: {  	_ =	shalt  }
0x48: {  	_ =	shalt  }
0x49: {  	_ =	shalt  }
0x4a: {  	_ =	shalt  }
0x4b: {  	_ =	shalt  }
0x4c: {  	_ =	shalt  }
0x4d: {  	_ =	shalt  }
0x4e: {  	_ =	shalt  }
0x4f: {  	_ =	shalt  }
0x50: {  	_ =	shalt  }
0x51: {  	_ =	shalt  }
0x52: {  	_ =	shalt  }
0x53: {  	_ =	shalt  }
0x54: {  	_ =	shalt  }
0x55: {  	_ =	shalt  }
0x56: {  	_ =	shalt  }
0x57: {  	_ =	shalt  }
0x58: {  	_ =	shalt  }
0x59: {  	_ =	shalt  }
0x5a: {  	_ =	shalt  }
0x5b: {  	_ =	shalt  }
0x5c: {  	_ =	shalt  }
0x5d: {  	_ =	shalt  }
0x5e: {  	_ =	shalt  }
0x5f: {  	_ =	shalt  }
0x60: {  	_ =	shalt  }
0x61: {  	_ =	shalt  }
0x62: {  	_ =	shalt  }
0x63: {  	_ =	shalt  }
0x64: {  	_ =	shalt  }
0x65: {  	_ =	shalt  }
0x66: {  	_ =	shalt  }
0x67: {  	_ =	shalt  }
0x68: {  	_ =	shalt  }
0x69: {  	_ =	shalt  }
0x6a: {  	_ =	shalt  }
0x6b: {  	_ =	shalt  }
0x6c: {  	_ =	shalt  }
0x6d: {  	_ =	shalt  }
0x6e: {  	_ =	shalt  }
0x6f: {  	_ =	shalt  }
0x70: {  	_ =	shalt  }
0x71: {  	_ =	shalt  }
0x72: {  	_ =	shalt  }
0x73: {  	_ =	shalt  }
0x74: {  	_ =	shalt  }
0x75: {  	_ =	shalt  }
0x76: {  	_ =	shalt  }
0x77: {  	_ =	shalt  }
0x78: {  	_ =	shalt  }
0x79: {  	_ =	shalt  }
0x7a: {  	_ =	shalt  }
0x7b: {  	_ =	shalt  }
0x7c: {  	_ =	shalt  }
0x7d: {  	_ =	shalt  }
0x7e: {  	_ =	shalt  }
0x7f: {  	_ =	shalt  }
0x80: {  	_ =	shalt  }
0x81: {  	_ =	shalt  }
0x82: {  	_ =	shalt  }
0x83: {  	_ =	shalt  }
0x84: {  	_ =	shalt  }
0x85: {  	_ =	shalt  }
0x86: {  	_ =	shalt  }
0x87: {  	_ =	shalt  }
.Lfunc_end0:
.L_simem_size_0:
called_computation_lowered:
.L_overlay_start_0:
0x88: {  	s2 =	sld [smem:$0x3FD9]  }
0x89: {  	s3 =	sld [smem:$0x3FFE];
	_ =	sdelay $0x1  }
0x8a: {  	s1 =	srdreg.scid  }
0x8b: {  	s0 =	sand.u32 $0x1, s1  }
0x8c: {  	s17 =	sshll.u32 s0, $0xA;
	s2 =	sadd.s32 s3, s2  }
0x8d: {  	s2 =	sadd.s32 s2, s17  }
0x8e: {  	[smem:$0x3FBF] =	sst s2  }
0x8f: {  	_ = 	snop  }
0x90: {  	s2 =	sld [smem:$0x3FC7];
	(tm) =	ssettm $0x1  }
0x91: {  	s18 =	sld [smem:$0x3FFB];
	_ =	sdelay $0x3  }
0x92: {  	_ =	strace s18  }
0x93: {  	s3 =	sld [smem:$0x3FFC];
	_ =	sdelay $0x3  }
0x94: {  	_ =	strace s3  }
0x95: {  	s3 =	sld [smem:$0x3FFD];
	_ =	sdelay $0x3  }
0x96: {  	_ =	strace s3  }
0x97: {  	_ =	strace $0x8FFFFFFF  }
0x98: {  	s19 =	sld [smem:$0x3FDB];
	_ =	sdelay $0x1  }
0x99: {  	s4 =	simm.s32 $_scs_section_size  }
0x9a: {  	s5 =	simm.s32 $_size__tile_overlayer_lowered;
	s6 =	simm.s32 $_tile_overlayer_lowered  }
0x9b: {  	s22 =	simm.s32 $0x1BFF;
	s21 =	sshll.u32 s6, $0x1;
	s3 =	sadd.s32 s4, s19  }
0x9c: {  	s7 =	simm.s32 $0x0;
	s20 =	sshll.u32 s5, $0x1;
	s5 =	sadd.s32 s21, s3  }
0x9d: {  	[timem:s7], [sflag:s22] =	dma.local [hbm:s5], s20  }
0x9e: {  	_ =	swait.ge [sflag:s22], s20  }
0x9f: {  	s4 =	ssub.s32 $0x0, s20;
	[sflag:s22] =	ssyncset.done $0x0  }
0xa0: {  	[sflag:s22] =	ssyncadd.s32 s4;
	_ =	sdelay $0x1  }
0xa1: {  	s23 =	simm.s32 $0x1B8B  }
0xa2: {  	_ =	swait.ge [sflag:s23], $0x1  }
0xa3: {  	[sflag:s23] =	ssyncset.done $0x0  }
0xa4: {  	s25 =	simm.s32 $0x1B8E;
	s24 =	sld [smem:$0x3FFE];
	[sflag:s23] =	ssyncadd.s32 $0xFFFFFFFF  }
0xa5: {  	s26 =	simm.s32 $execute0_lowered;
	[smem:$0x3FD2] =	sst s25  }
0xa6: {  	s5 =	sshll.u32 s26, $0x1;
	_ =	strace $0x80000046;
	[dreg:$0x1] =	wrdreg $0xFFFFFFFF  }
0xa7: {  	s28 =	simm.s32 $_size_execute0_lowered;
	s3 =	sadd.s32 s3, s5;
	[dreg:$0x0] =	wrdreg $0x0  }
0xa8: {  	s5 =	sshll.u32 s28, $0x1;
	[dreg:$0x2] =	wrdreg s3  }
0xa9: {  	[dreg:$0x3] =	wrdreg s5  }
0xaa: {  	[dreg:$0x4] =	wrdreg $0xC0  }
0xab: {  	_ =	task [dreg:s7], $0x5FFFF  }
0xac: {  	[dreg:$0x1] =	wrdreg $0xFFFFFFFF  }
0xad: {  	[dreg:$0x0] =	wrdreg $0x60  }
0xae: {  	[dreg:$0x2] =	wrdreg s2  }
0xaf: {  	[dreg:$0x3] =	wrdreg s24  }
0xb0: {  	[dreg:$0x4] =	wrdreg $0x9  }
0xb1: {  	_ =	task.clear_ibuf [dreg:s7], $0x5FFFF;
	_ =	strace $0x90000046  }
0xb2: {  	s29 =	simm.s32 $0x9;
	_ =	strace $0x80000048  }
0xb3: {  	_ =	swait.ge [sflag:s29], $0x1  }
0xb4: {  	[sflag:s29] =	ssyncadd.s32 $0xFFFFFFFF  }
0xb5: {  	_ =	strace $0x90000048  }
0xb6: {  	_ =	sfence  }
0xb7: {  	s30 =	sld [smem:$0x0];
	_ =	sdelay $0x2  }
0xb8: {  	s31 =	sshll.u32 s1, $0xD;
	s1 =	sshrl.u32 s1, $0x2  }
0xb9: {  	s3 =	sand.u32 $0x4000, s31;
	s1 =	sadd.s32 s1, s30  }
0xba: {  	s0 =	sor.u32 s3, s0;
	s1 =	sshll.u32 s1, $0x11  }
0xbb: {  	s0 =	sor.u32 s1, s0  }
0xbc: {  	s0 =	sadd.s32 $0x8F2B, s0  }
0xbd: {  	[sflag:s0] =	ssyncadd.remote.s32 $0x1  }
0xbe: {  	_ =	sfence.sel $0xFFFF  }
0xbf: {  	[dreg:$0x0] =	wrdreg $0xFFFFFFFF;
	(pc) =	sbr.abs _section_cstart, $3  }
0xc0: {  	[dreg:$0x1] =	wrdreg $0xFFFFFFFF  }
0xc1: {  	_ =	task.clear_ibuf [dreg:s7], $0x2FFFF;
	_ =	strace $0x9FFFFFFF  }
0xc2: {  	(tm) =	ssettm $0x7FFFFFFF  }
0xc3: {  	_ =	shalt  }
tec
execute0_lowered:
.L_overlay_start_1:
0x0: {  	(tag) =	ssettag $0x1  }
0x1: {  	s0 =	srdreg.scid;
	s2 =	rddreg [dreg:$0x0]  }
0x2: {  	s5 =	rddreg [dreg:$0x1];
	s1 =	stileid.u32;
	s3 =	simm.s32 $0x0  }
0x3: {  	s14 =	simm.s32 $0x2800;
	s15 =	simm.s32 $0x2880;
	s16 =	simm.s32 $0x1  }
0x4: {  	s17 =	simm.s32 $0x2;
	s18 =	simm.s32 $0x3;
	s19 =	simm.s32 $0x2900  }
0x5: {  	s20 =	simm.s32 $0x4;
	s21 =	simm.s32 $0x0;
	s4 =	sand.u32 $0x1, s0  }
0x6: {  	s0 =	rddreg [dreg:$0x2];
	s11 =	smul.u32 $0x1388, s1;
	s6 =	sshll.u32 s4, $0x4  }
0x7: {  	[smem:$0x7FF] =	sst s3;
	s9 =	smul.u32 $0x13880, s4;
	s6 =	sor.u32 s1, s6  }
0x8: {  	_ =	strace $0x80000047;
	s8 =	ssub.s32 $0x2, s4;
	s7 =	smul.u32 $0x1388, s6  }
0x9: {  	s10 =	sshrl.u32 s8, $0x1;
	s6 =	smul.u32 $0x4E2, s6;
	s13 =	sadd.s32 s11, s9  }
0xa: {  	s10 =	ssub.s32 s8, s10;
	s11 =	sadd.s32 $0x280, s13;
	s29 =	sadd.s32 $0x200, s13  }
.Ltmp0:
0xb: {  	s9 =	smax.u32 s10, $0x1;
	s7 =	sshrl.u32 s7, $0x3;
	(pc) =	sbr.rel .LBB2_1-.Ltmp0, $4  }
0xc: {  	s12 =	sadd.s32 s6, s5;
	s30 =	sshrl.u32 s11, $0x3;
	s31 =	sshrl.u32 s29, $0x3  }
0xd: {  	s4 =	sadd.s32 s2, s7;
	s8 =	sadd.s32 $0x3000, s12;
	s10 =	sadd.s32 s30, s2  }
0xe: {  	v0 =	vlaneseq.u32;
	s11 =	sadd.s32 s31, s2;
	s12 =	sadd.s32 $0x180, s13;
	s13 =	simm.s32 $0x2780  }
0xf: {  	v1 =	vimm.f32 $0.0e+00;
	v2 =	vimm.f32 $1.000000000e+00;
	v3 =	vimm.s32 $0x0;
	s5 =	sadd.s32 $0x10, s4;
	s6 =	sadd.s32 $0x20, s4;
	s7 =	sadd.s32 $0x270, s4  }
.LBB2_6:
0x10: {  	[tilespmem:$0x2900] =	vst v3  }
0x11: {  	[tilespmem:s19], [sflag:$0x4] =	stream.linear.gather [hbm4b:s7+s3], $0x8, $0x38;
	[tilespmem:$0x2980] =	vst v63  }
0x12: {  	_ =	swait.ge [sflag:s20], $0x8  }
0x13: {  	[sflag:s20] =	ssyncset.done $0x0  }
0x14: {  	[sflag:s20] =	ssyncadd.s32 $0xFFFFFFF8  }
0x15: {  	v4 =	vld [tilespmem:$0x2900];
	_ =	sdelay $0x5  }
0x16: {  	s21 =	sadd.s32 $0x1, s21  }
0x17: {  	p0 =	sne.s32 s21, s9  }
.Ltmp1:
0x18: {  	[tilespmem:v4+s3+$0x0] =	vst.idx.add.f32.msk $0xff, v2;
	(pc) =	sbr.rel @!p0 .LBB2_7-.Ltmp1, $4  }
0x19: {  	[hbm4b:s8+s3] =	stream.linear.scatter [tilespmem:s3], [sflag:$0x4], $0x2710, $0x38;
	[tilespmem:$0x2980] =	vst v63  }
0x1a: {  	_ =	swait.ge [sflag:s20], $0x2710  }
0x1b: {  	[sflag:s20] =	ssyncset.done $0x0  }
0x1c: {  	[sflag:s20] =	ssyncadd.s32 $0xFFFFD8F0  }
.LBB2_1:
0x1d: {  	s22 =	simm.s32 $0x10;
	v4 =	vor.u32 s3, v0  }
.LBB2_2:
0x1e: {  	p0 =	sne.s32 s22, $0x2700  }
.Ltmp2:
0x1f: {  	_ = 	snop;
	(pc) =	sbr.rel @p0 .LBB2_2-.Ltmp2, $3  }
0x20: {  	_ =	sdelay $0x1  }
0x21: {  	[tilespmem:v4+s3+$0x0] =	vst.idx.msk $0xffff, v1;
	s23 =	smov.u32 s22;
	s22 =	sadd.s32 $0x10, s22  }
0x22: {  	v4 =	vor.u32 s23, v0  }
0x23: {  	_ =	sdelay $0x3  }
0x24: {  	[tilespmem:v4+s3+$0x0] =	vst.idx.msk $0xffff, v1;
	s22 =	simm.s32 $0x0  }
0x25: {  	[tilespmem:s13], [sflag:$0x1] =	stream.linear.gather [hbm4b:s4+s22], $0x80, $0x38;
	[tilespmem:$0x2980] =	vst v63  }
0x26: {  	_ = 	snop  }
0x27: {  	[tilespmem:s14], [sflag:$0x2] =	stream.linear.gather [hbm4b:s5+s22], $0x80, $0x38;
	[tilespmem:$0x2980] =	vst v63  }
0x28: {  	s23 =	smov.u32 s12  }
0x29: {  	[tilespmem:s15], [sflag:$0x3] =	stream.linear.gather [hbm4b:s6+s22], $0x80, $0x38;
	[tilespmem:$0x2980] =	vst v63  }
.LBB2_4:
0x2a: {  	_ =	swait.ge [sflag:s16], $0x80  }
0x2b: {  	[sflag:s16] =	ssyncset.done $0x0  }
0x2c: {  	[sflag:s16] =	ssyncadd.s32 $0xFFFFFF80  }
0x2d: {  	v4 =	vld [tilespmem:$0x2780];
	_ =	sdelay $0x7  }
0x2e: {  	[tilespmem:v4+s3+$0x0] =	vst.idx.add.f32.msk $0xffff, v2  }
0x2f: {  	v4 =	vld [tilespmem:$0x2790];
	_ =	sdelay $0x7  }
0x30: {  	[tilespmem:v4+s3+$0x0] =	vst.idx.add.f32.msk $0xffff, v2  }
0x31: {  	v4 =	vld [tilespmem:$0x27A0];
	_ =	sdelay $0x7  }
0x32: {  	[tilespmem:v4+s3+$0x0] =	vst.idx.add.f32.msk $0xffff, v2  }
0x33: {  	v4 =	vld [tilespmem:$0x27B0];
	_ =	sdelay $0x7  }
0x34: {  	[tilespmem:v4+s3+$0x0] =	vst.idx.add.f32.msk $0xffff, v2  }
0x35: {  	v4 =	vld [tilespmem:$0x27C0];
	_ =	sdelay $0x7  }
0x36: {  	[tilespmem:v4+s3+$0x0] =	vst.idx.add.f32.msk $0xffff, v2  }
0x37: {  	v4 =	vld [tilespmem:$0x27D0];
	_ =	sdelay $0x7  }
0x38: {  	[tilespmem:v4+s3+$0x0] =	vst.idx.add.f32.msk $0xffff, v2  }
0x39: {  	v4 =	vld [tilespmem:$0x27E0];
	_ =	sdelay $0x7  }
0x3a: {  	[tilespmem:v4+s3+$0x0] =	vst.idx.add.f32.msk $0xffff, v2  }
0x3b: {  	v4 =	vld [tilespmem:$0x27F0];
	_ =	sdelay $0x5  }
0x3c: {  	p0 =	seq.s32 s22, $0x240  }
0x3d: {  	s24 =	sshrl.u32 @!p0 s23, $0x3  }
0x3e: {  	s25 =	simm.s32 @!p0 $0x0;
	s26 =	simm.s32 @!p0 $0x2780;
	s24 =	sadd.s32 @!p0 s2, s24;
	[tilespmem:v4+s3+$0x0] =	vst.idx.add.f32.msk $0xffff, v2  }
0x3f: {  	[tilespmem:s26], [sflag:$0x1] =	stream.linear.gather @!p0 [hbm4b:s24+s25], $0x80, $0x38;
	[tilespmem:$0x2980] =	vst v63  }
0x40: {  	_ =	swait.ge [sflag:s17], $0x80  }
0x41: {  	[sflag:s17] =	ssyncset.done $0x0  }
0x42: {  	[sflag:s17] =	ssyncadd.s32 $0xFFFFFF80  }
0x43: {  	v4 =	vld [tilespmem:$0x2800];
	_ =	sdelay $0x7  }
0x44: {  	[tilespmem:v4+s3+$0x0] =	vst.idx.add.f32.msk $0xffff, v2  }
0x45: {  	v4 =	vld [tilespmem:$0x2810];
	_ =	sdelay $0x7  }
0x46: {  	[tilespmem:v4+s3+$0x0] =	vst.idx.add.f32.msk $0xffff, v2  }
0x47: {  	v4 =	vld [tilespmem:$0x2820];
	_ =	sdelay $0x7  }
0x48: {  	[tilespmem:v4+s3+$0x0] =	vst.idx.add.f32.msk $0xffff, v2  }
0x49: {  	v4 =	vld [tilespmem:$0x2830];
	_ =	sdelay $0x7  }
0x4a: {  	[tilespmem:v4+s3+$0x0] =	vst.idx.add.f32.msk $0xffff, v2  }
0x4b: {  	v4 =	vld [tilespmem:$0x2840];
	_ =	sdelay $0x7  }
0x4c: {  	[tilespmem:v4+s3+$0x0] =	vst.idx.add.f32.msk $0xffff, v2  }
0x4d: {  	v4 =	vld [tilespmem:$0x2850];
	_ =	sdelay $0x7  }
0x4e: {  	[tilespmem:v4+s3+$0x0] =	vst.idx.add.f32.msk $0xffff, v2  }
0x4f: {  	v4 =	vld [tilespmem:$0x2860];
	_ =	sdelay $0x7  }
0x50: {  	[tilespmem:v4+s3+$0x0] =	vst.idx.add.f32.msk $0xffff, v2  }
0x51: {  	v4 =	vld [tilespmem:$0x2870];
	_ =	sdelay $0x7  }
0x52: {  	s24 =	sadd.s32 @!p0 s22, s11;
	s26 =	simm.s32 @!p0 $0x2800;
	[tilespmem:v4+s3+$0x0] =	vst.idx.add.f32.msk $0xffff, v2  }
0x53: {  	[tilespmem:s26], [sflag:$0x2] =	stream.linear.gather @!p0 [hbm4b:s24+s25], $0x80, $0x38;
	[tilespmem:$0x2980] =	vst v63  }
0x54: {  	_ =	swait.ge [sflag:s18], $0x80  }
0x55: {  	[sflag:s18] =	ssyncset.done $0x0  }
0x56: {  	[sflag:s18] =	ssyncadd.s32 $0xFFFFFF80  }
0x57: {  	v4 =	vld [tilespmem:$0x2880];
	_ =	sdelay $0x7  }
0x58: {  	[tilespmem:v4+s3+$0x0] =	vst.idx.add.f32.msk $0xffff, v2  }
0x59: {  	v4 =	vld [tilespmem:$0x2890];
	_ =	sdelay $0x7  }
0x5a: {  	[tilespmem:v4+s3+$0x0] =	vst.idx.add.f32.msk $0xffff, v2  }
0x5b: {  	v4 =	vld [tilespmem:$0x28A0];
	_ =	sdelay $0x7  }
0x5c: {  	[tilespmem:v4+s3+$0x0] =	vst.idx.add.f32.msk $0xffff, v2  }
0x5d: {  	v4 =	vld [tilespmem:$0x28B0];
	_ =	sdelay $0x7  }
0x5e: {  	[tilespmem:v4+s3+$0x0] =	vst.idx.add.f32.msk $0xffff, v2  }
0x5f: {  	v4 =	vld [tilespmem:$0x28C0];
	_ =	sdelay $0x7  }
0x60: {  	[tilespmem:v4+s3+$0x0] =	vst.idx.add.f32.msk $0xffff, v2  }
0x61: {  	v4 =	vld [tilespmem:$0x28D0];
	_ =	sdelay $0x7  }
0x62: {  	[tilespmem:v4+s3+$0x0] =	vst.idx.add.f32.msk $0xffff, v2  }
0x63: {  	v4 =	vld [tilespmem:$0x28E0];
	_ =	sdelay $0x7  }
0x64: {  	[tilespmem:v4+s3+$0x0] =	vst.idx.add.f32.msk $0xffff, v2  }
0x65: {  	v4 =	vld [tilespmem:$0x28F0];
	_ =	sdelay $0x3  }
.Ltmp3:
0x66: {  	_ = 	snop;
	(pc) =	sbr.rel @p0 .LBB2_6-.Ltmp3, $2  }
0x67: {  	_ =	sdelay $0x2  }
0x68: {  	[tilespmem:v4+s3+$0x0] =	vst.idx.add.f32.msk $0xffff, v2  }
.Ltmp4:
0x69: {  	(pc) =	sbr.rel .LBB2_4-.Ltmp4, $3  }
0x6a: {  	_ =	sdelay $0x1  }
0x6b: {  	s24 =	sadd.s32 s22, s10;
	s22 =	sadd.s32 $0x30, s22;
	s23 =	sadd.s32 $0x180, s23  }
0x6c: {  	[tilespmem:s15], [sflag:$0x3] =	stream.linear.gather [hbm4b:s24+s3], $0x80, $0x38;
	[tilespmem:$0x2980] =	vst v63  }
.LBB2_7:
0x6d: {  	_ =	sfence.sel $0x180000  }
0x6e: {  	[bflag:$0x0] =	sbarrier.arrive $0xFFFF  }
0x6f: {  	p0 =	sne.s32 s1, $0x0;
	_ =	strace $0x90000047  }
0x70: {  	s0 =	sadd.s32 @!p0 $0x100000, s0;
	[bflag:$0x2] =	sbarrier.arrive $0xFFFF  }
0x71: {  	[sflag:s0] =	ssyncadd.tile.s32 @!p0 $0x1;
	_ =	shalt  }
.Lfunc_end2:
_tile_overlayer_lowered:
.L_overlay_start_2:
0x72: {  	(tag) =	ssettag $0x2  }
0x73: {  	s0 =	rddreg [dreg:$0x0];
	s2 =	stileid.u32  }
0x74: {  	s1 =	rddreg [dreg:$0x1];
	p0 =	sne.s32 s2, $0x0  }
0x75: {  	s3 =	rddreg [dreg:$0x2];
	[bflag:$0x3] =	sbarrier.arrive $0xFFFF;
	s2 =	simm.s32 @!p0 $0x1C04  }
0x76: {  	[timem:s3], [sflag:s2] =	dma.local @!p0 [hbm:s0], s1  }
0x77: {  	s0 =	simm.s32 @!p0 $0x4  }
0x78: {  	_ =	swait.ge @!p0 [sflag:s0], s1  }
0x79: {  	s1 =	ssub.s32 @!p0 $0x0, s1;
	[sflag:s0] =	ssyncset.done @!p0 $0x0  }
0x7a: {  	[sflag:s0] =	ssyncadd.s32 @!p0 s1  }
0x7b: {  	[bflag:$0x3] =	sbarrier.arrive $0xFFFF  }
0x7c: {  	_ =	shalt  }

// kernel: _run.13.cloned.1.call-start
scs
__scs_entry_jumppad:
0x0: {  	(pc) =	sbr.rel $0x88, $3  }
0x1: {  	(tag) =	ssettag $0x0;
	lr =	simm.s32 $0x1  }
0x2: {  	[smem:$0x3F98] =	sst lr;
	_ =	strace $0xD0000000  }
0x3: {  	_ = 	snop  }
0x4: {  	_ = 	snop  }
0x5: {  	_ = 	snop  }
0x6: {  	_ = 	snop  }
0x7: {  	_ = 	snop  }
__scs_overlays_trampoline_lowered:
0x8: {  	[smem:$0x3FA7] =	sst s0  }
0x9: {  	[smem:$0x3FA8] =	sst s1  }
0xa: {  	[smem:$0x3FA9] =	sst s2  }
0xb: {  	[smem:$0x3FAA] =	sst s3  }
0xc: {  	[smem:$0x3FAB] =	sst s4  }
0xd: {  	[smem:$0x3FAC] =	sst s5  }
0xe: {  	[smem:$0x3FAD] =	sst s6  }
0xf: {  	[smem:$0x3FAE] =	sst s7  }
0x10: {  	[smem:$0x3FAF] =	sst s8  }
0x11: {  	[smem:$0x3FB0] =	sst s9;
	s0 =	simm.s32 @!p0 $0x0  }
0x12: {  	s1 =	sld [smem:$0x3F96];
	s0 =	simm.s32 @p0 $0x1  }
0x13: {  	[smem:$0x3FB1] =	sst s0;
	s0 =	simm.s32 @!p1 $0x0  }
0x14: {  	s2 =	sld [smem:$0x3F95];
	s0 =	simm.s32 @p1 $0x1  }
0x15: {  	[smem:$0x3FB2] =	sst s0;
	s0 =	simm.s32 @!p2 $0x0  }
0x16: {  	s3 =	sld [smem:$0x3FDB];
	s0 =	simm.s32 @p2 $0x1  }
0x17: {  	s4 =	simm.s32 $0x1BF5;
	[smem:$0x3FB4] =	sst s0  }
0x18: {  	s0 =	sld [smem:$0x3F97];
	_ =	swait.ge [sflag:s4], $0x0  }
0x19: {  	s7 =	sld [smem:$0x3F98]  }
0x1a: {  	s8 =	sadd.s32 $0xFFFFE003, lr  }
0x1b: {  	s9 =	sadd.s32 $0xFFFFFEF7, lr;
	s5 =	simm.s32 $0xFFFFFFFF;
	p2 =	slt.u32 s8, $0xFFFFF086  }
0x1c: {  	p1 =	slt.u32 s9, $0xF7A;
	s5 =	simm.s32 @!p2 $0x0  }
0x1d: {  	s5 =	simm.s32 @p1 $0x1;
	p0 =	seq.s32 s7, s2  }
0x1e: {  	s7 =	smul.u32 @!p0 $0xF7A, s2;
	p2 =	seq.s32 @!p0 s5, $0x0  }
0x1f: {  	s9 =	smul.u32 $0xF7A, s1;
	s8 =	simm.s32 @!p0 $0x1BF5;
	p2 =	por !p2, p0  }
0x20: {  	[sflag:s8] =	ssyncset.s32 @!p0 $0xFFFFF086;
	s6 =	sadd.s32 @!p0 s3, s7;
	s7 =	simm.s32 @!p0 $0x108  }
0x21: {  	s3 =	sadd.s32 s3, s9;
	s6 =	sadd.s32 @!p0 $0x88, s6;
	s7 =	simm.s32 @p2 $0x1082  }
0x22: {  	[simem:s7], [sflag:s8] =	dma.local @!p0 [hbm:s6], $0xF7A  }
0x23: {  	s9 =	sor.u32 $0xD0000000, s2;
	s6 =	simm.s32 $0x108;
	_ =	swait.ge @!p0 [sflag:s8], $0x0  }
0x24: {  	s3 =	sadd.s32 $0x88, s3;
	s6 =	simm.s32 @!p1 $0x1082;
	[sflag:s4] =	ssyncset.s32 $0xFFFFF086  }
0x25: {  	[simem:s6], [sflag:s4] =	dma.local [hbm:s3], $0xF7A  }
0x26: {  	[smem:$0x3F98] =	sst s1;
	(tag) =	ssettag s2;
	_ =	strace s9  }
0x27: {  	s1 =	sld [smem:$0x3FA8]  }
0x28: {  	s2 =	sld [smem:$0x3FA9]  }
0x29: {  	s4 =	sld [smem:$0x3FAB]  }
0x2a: {  	p0 =	seq.s32 s5, $0x0;
	s5 =	sld [smem:$0x3FAC]  }
0x2b: {  	s6 =	sld [smem:$0x3FAD]  }
0x2c: {  	s7 =	sld [smem:$0x3FAE]  }
0x2d: {  	s3 =	simm.s32 $0x108;
	s8 =	sld [smem:$0x3FAF]  }
0x2e: {  	s3 =	simm.s32 @!p0 $0x1082;
	s9 =	sld [smem:$0x3FB0]  }
0x2f: {  	lr =	sadd.s32 s0, s3;
	s0 =	sld [smem:$0x3FA7]  }
0x30: {  	s3 =	sld [smem:$0x3FAA]  }
0x31: {  	[smem:$0x3FB3] =	sst s10  }
0x32: {  	s10 =	sld [smem:$0x3FB1];
	_ =	sdelay $0x3  }
0x33: {  	p0 =	seq.s32 s10, $0x1;
	s10 =	sld [smem:$0x3FB3];
	_ =	sdelay $0x3  }
0x34: {  	[smem:$0x3FB3] =	sst s10  }
0x35: {  	s10 =	sld [smem:$0x3FB2];
	_ =	sdelay $0x3  }
0x36: {  	p1 =	seq.s32 s10, $0x1;
	s10 =	sld [smem:$0x3FB3];
	_ =	sdelay $0x3  }
0x37: {  	[smem:$0x3FB3] =	sst s10  }
0x38: {  	s10 =	sld [smem:$0x3FB4]  }
0x39: {  	_ = 	snop;
	(pc) =	sbr.ind lr, $3  }
0x3a: {  	_ = 	snop  }
0x3b: {  	_ = 	snop  }
0x3c: {  	p2 =	seq.s32 s10, $0x1;
	s10 =	sld [smem:$0x3FB3]  }
0x3d: {  	_ =	shalt  }
0x3e: {  	_ =	shalt  }
0x3f: {  	_ =	shalt  }
0x40: {  	_ =	shalt  }
0x41: {  	_ =	shalt  }
0x42: {  	_ =	shalt  }
0x43: {  	_ =	shalt  }
0x44: {  	_ =	shalt  }
0x45: {  	_ =	shalt  }
0x46: {  	_ =	shalt  }
0x47: {  	_ =	shalt  }
0x48: {  	_ =	shalt  }
0x49: {  	_ =	shalt  }
0x4a: {  	_ =	shalt  }
0x4b: {  	_ =	shalt  }
0x4c: {  	_ =	shalt  }
0x4d: {  	_ =	shalt  }
0x4e: {  	_ =	shalt  }
0x4f: {  	_ =	shalt  }
0x50: {  	_ =	shalt  }
0x51: {  	_ =	shalt  }
0x52: {  	_ =	shalt  }
0x53: {  	_ =	shalt  }
0x54: {  	_ =	shalt  }
0x55: {  	_ =	shalt  }
0x56: {  	_ =	shalt  }
0x57: {  	_ =	shalt  }
0x58: {  	_ =	shalt  }
0x59: {  	_ =	shalt  }
0x5a: {  	_ =	shalt  }
0x5b: {  	_ =	shalt  }
0x5c: {  	_ =	shalt  }
0x5d: {  	_ =	shalt  }
0x5e: {  	_ =	shalt  }
0x5f: {  	_ =	shalt  }
0x60: {  	_ =	shalt  }
0x61: {  	_ =	shalt  }
0x62: {  	_ =	shalt  }
0x63: {  	_ =	shalt  }
0x64: {  	_ =	shalt  }
0x65: {  	_ =	shalt  }
0x66: {  	_ =	shalt  }
0x67: {  	_ =	shalt  }
0x68: {  	_ =	shalt  }
0x69: {  	_ =	shalt  }
0x6a: {  	_ =	shalt  }
0x6b: {  	_ =	shalt  }
0x6c: {  	_ =	shalt  }
0x6d: {  	_ =	shalt  }
0x6e: {  	_ =	shalt  }
0x6f: {  	_ =	shalt  }
0x70: {  	_ =	shalt  }
0x71: {  	_ =	shalt  }
0x72: {  	_ =	shalt  }
0x73: {  	_ =	shalt  }
0x74: {  	_ =	shalt  }
0x75: {  	_ =	shalt  }
0x76: {  	_ =	shalt  }
0x77: {  	_ =	shalt  }
0x78: {  	_ =	shalt  }
0x79: {  	_ =	shalt  }
0x7a: {  	_ =	shalt  }
0x7b: {  	_ =	shalt  }
0x7c: {  	_ =	shalt  }
0x7d: {  	_ =	shalt  }
0x7e: {  	_ =	shalt  }
0x7f: {  	_ =	shalt  }
0x80: {  	_ =	shalt  }
0x81: {  	_ =	shalt  }
0x82: {  	_ =	shalt  }
0x83: {  	_ =	shalt  }
0x84: {  	_ =	shalt  }
0x85: {  	_ =	shalt  }
0x86: {  	_ =	shalt  }
0x87: {  	_ =	shalt  }
.Lfunc_end0:
.L_simem_size_0:
called_computation.1_lowered:
.L_overlay_start_0:
0x88: {  	s2 =	sld [smem:$0x3FD9]  }
0x89: {  	s3 =	sld [smem:$0x3FFE];
	_ =	sdelay $0x1  }
0x8a: {  	s1 =	srdreg.scid  }
0x8b: {  	s0 =	sand.u32 $0x1, s1  }
0x8c: {  	s17 =	sshll.u32 s0, $0xA;
	s2 =	sadd.s32 s3, s2  }
0x8d: {  	s2 =	sadd.s32 s2, s17  }
0x8e: {  	[smem:$0x3FBF] =	sst s2  }
0x8f: {  	_ = 	snop  }
0x90: {  	s2 =	sld [smem:$0x3FD0];
	(tm) =	ssettm $0x1  }
0x91: {  	s18 =	sld [smem:$0x3FFB];
	_ =	sdelay $0x3  }
0x92: {  	_ =	strace s18  }
0x93: {  	s3 =	sld [smem:$0x3FFC];
	_ =	sdelay $0x3  }
0x94: {  	_ =	strace s3  }
0x95: {  	s3 =	sld [smem:$0x3FFD];
	_ =	sdelay $0x3  }
0x96: {  	_ =	strace s3  }
0x97: {  	_ =	strace $0x8FFFFFFF  }
0x98: {  	s19 =	sld [smem:$0x3FDB];
	_ =	sdelay $0x1  }
0x99: {  	s4 =	simm.s32 $_scs_section_size  }
0x9a: {  	s5 =	simm.s32 $_size__tile_overlayer_lowered;
	s6 =	simm.s32 $_tile_overlayer_lowered  }
0x9b: {  	s22 =	simm.s32 $0x1BFF;
	s21 =	sshll.u32 s6, $0x1;
	s3 =	sadd.s32 s4, s19  }
0x9c: {  	s7 =	simm.s32 $0x0;
	s20 =	sshll.u32 s5, $0x1;
	s5 =	sadd.s32 s21, s3  }
0x9d: {  	[timem:s7], [sflag:s22] =	dma.local [hbm:s5], s20  }
0x9e: {  	_ =	swait.ge [sflag:s22], s20  }
0x9f: {  	s4 =	ssub.s32 $0x0, s20;
	[sflag:s22] =	ssyncset.done $0x0  }
0xa0: {  	[sflag:s22] =	ssyncadd.s32 s4;
	_ =	sdelay $0x1  }
0xa1: {  	s23 =	simm.s32 $0x1B8B  }
0xa2: {  	_ =	swait.ge [sflag:s23], $0x1  }
0xa3: {  	[sflag:s23] =	ssyncset.done $0x0  }
0xa4: {  	s25 =	simm.s32 $0x1B8E;
	s24 =	sld [smem:$0x3FFE];
	[sflag:s23] =	ssyncadd.s32 $0xFFFFFFFF  }
0xa5: {  	s26 =	simm.s32 $execute0_lowered;
	[smem:$0x3FD2] =	sst s25  }
0xa6: {  	s5 =	sshll.u32 s26, $0x1;
	_ =	strace $0x80000049;
	[dreg:$0x1] =	wrdreg $0xFFFFFFFF  }
0xa7: {  	s28 =	simm.s32 $_size_execute0_lowered;
	s3 =	sadd.s32 s3, s5;
	[dreg:$0x0] =	wrdreg $0x0  }
0xa8: {  	s5 =	sshll.u32 s28, $0x1;
	[dreg:$0x2] =	wrdreg s3  }
0xa9: {  	[dreg:$0x3] =	wrdreg s5  }
0xaa: {  	[dreg:$0x4] =	wrdreg $0xC0  }
0xab: {  	_ =	task [dreg:s7], $0x5FFFF  }
0xac: {  	[dreg:$0x1] =	wrdreg $0xFFFFFFFF  }
0xad: {  	[dreg:$0x0] =	wrdreg $0x60  }
0xae: {  	[dreg:$0x2] =	wrdreg s24  }
0xaf: {  	[dreg:$0x3] =	wrdreg s2  }
0xb0: {  	[dreg:$0x4] =	wrdreg $0x0  }
0xb1: {  	[dreg:$0x5] =	wrdreg $0x9  }
0xb2: {  	_ =	task.clear_ibuf [dreg:s7], $0x6FFFF;
	_ =	strace $0x90000049  }
0xb3: {  	s29 =	simm.s32 $0x9;
	_ =	strace $0x8000004B  }
0xb4: {  	_ =	swait.ge [sflag:s29], $0x1  }
0xb5: {  	[sflag:s29] =	ssyncadd.s32 $0xFFFFFFFF  }
0xb6: {  	_ =	strace $0x9000004B  }
0xb7: {  	_ =	sfence  }
0xb8: {  	s30 =	sld [smem:$0x0];
	_ =	sdelay $0x2  }
0xb9: {  	s31 =	sshll.u32 s1, $0xD;
	s1 =	sshrl.u32 s1, $0x2  }
0xba: {  	s3 =	sand.u32 $0x4000, s31;
	s1 =	sadd.s32 s1, s30  }
0xbb: {  	s0 =	sor.u32 s3, s0;
	s1 =	sshll.u32 s1, $0x11  }
0xbc: {  	s0 =	sor.u32 s1, s0  }
0xbd: {  	s0 =	sadd.s32 $0x8F2B, s0  }
0xbe: {  	[sflag:s0] =	ssyncadd.remote.s32 $0x1  }
0xbf: {  	_ =	sfence.sel $0xFFFF  }
0xc0: {  	[dreg:$0x0] =	wrdreg $0xFFFFFFFF;
	(pc) =	sbr.abs _section_cstart, $3  }
0xc1: {  	[dreg:$0x1] =	wrdreg $0xFFFFFFFF  }
0xc2: {  	_ =	task.clear_ibuf [dreg:s7], $0x2FFFF;
	_ =	strace $0x9FFFFFFF  }
0xc3: {  	(tm) =	ssettm $0x7FFFFFFF  }
tec
execute0_lowered:
.L_overlay_start_1:
0x0: {  	(tag) =	ssettag $0x1  }
0x1: {  	s0 =	rddreg [dreg:$0x0]  }
0x2: {  	s29 =	rddreg [dreg:$0x1]  }
0x3: {  	s3 =	rddreg [dreg:$0x2];
	s4 =	simm.s32 $0x0  }
0x4: {  	s1 =	srdreg.scid;
	s11 =	stileid.u32;
	s28 =	simm.s32 $0xD  }
0x5: {  	s30 =	simm.s32 $0x13980;
	[smem:$0x7FF] =	sst s4;
	s2 =	smul.u32 $0x4E000, s11  }
0x6: {  	s1 =	sand.u32 $0x1, s1;
	s5 =	sadd.s32 $0x16C00, s0;
	s7 =	smul.u32 $0x270, s11  }
0x7: {  	s31 =	sadd.s32 $0xCE00, s0;
	s0 =	sadd.s32 $0x64E00, s0;
	s13 =	smul.u32 $0x2710, s11  }
0x8: {  	s15 =	sshll.u32 s11, $0x6;
	s17 =	sadd.s32 $0x138000, s3;
	s6 =	smul.u32 $0x2710, s1  }
0x9: {  	p0 =	sne.s32 s11, $0xF;
	s11 =	simm.s32 $0x2;
	s9 =	smul.u32 $0x138800, s1  }
0xa: {  	_ =	strace $0x8000004A;
	s8 =	ssub.s32 $0x2, s1;
	s1 =	smul.u32 $0x27100, s1  }
0xb: {  	s26 =	sor.u32 $0x1C0D, s15;
	[dreg:$0xd] =	wrdreg s17;
	s10 =	sshrl.u32 s8, $0x1  }
0xc: {  	s2 =	sshrl.u32 s2, $0x2;
	[dreg:$0xc] =	wrdreg s26;
	s6 =	sadd.s32 s7, s6  }
0xd: {  	s8 =	ssub.s32 s8, s10;
	s2 =	sadd.s32 s2, s3;
	s9 =	sshrl.u32 s9, $0x3  }
0xe: {  	s1 =	sadd.s32 s13, s1;
	s6 =	sshll.u32 s6, $0x4;
	[dreg:$0xa] =	wrdreg s2  }
0xf: {  	s16 =	sadd.s32 $0x27000, s9;
	s7 =	sshrl.u32 s1, $0x3;
	s14 =	sadd.s32 s5, s6  }
0x10: {  	s24 =	sadd.s32 $0x2A0, s1;
	s18 =	sadd.s32 s5, s16;
	[dreg:$0xb] =	wrdreg s14  }
0x11: {  	s15 =	sadd.s32 $0x1E0, s1;
	s20 =	sadd.s32 s29, s7;
	[dreg:$0xe] =	wrdreg s18  }
0x12: {  	s19 =	sadd.s32 $0xC, s7;
	s21 =	sadd.s32 s31, s7;
	[dreg:$0xf] =	wrdreg s20  }
0x13: {  	s23 =	sadd.s32 $0x18, s7;
	s6 =	sadd.s32 s0, s6;
	[dreg:$0x10] =	wrdreg s21  }
0x14: {  	s25 =	sshrl.u32 s24, $0x3;
	s0 =	sadd.s32 s0, s16;
	[dreg:$0x14] =	wrdreg s6  }
0x15: {  	s17 =	sshrl.u32 s15, $0x3;
	s24 =	smax.u32 s8, $0x1;
	[dreg:$0x15] =	wrdreg s0  }
0x16: {  	s8 =	simm.s32 $0x13A80;
	s22 =	sadd.s32 s29, s19;
	[dreg:$0x1b] =	wrdreg s24  }
0x17: {  	s9 =	sadd.s32 s31, s19;
	s12 =	sadd.s32 s29, s23;
	[dreg:$0x11] =	wrdreg s22  }
0x18: {  	s10 =	sadd.s32 s25, s31;
	s13 =	sadd.s32 s25, s29;
	[dreg:$0x12] =	wrdreg s9  }
0x19: {  	s18 =	sadd.s32 $0x24, s7;
	s19 =	sadd.s32 s17, s31;
	[dreg:$0x13] =	wrdreg s12  }
0x1a: {  	s25 =	sadd.s32 $0x180, s1;
	s24 =	simm.s32 $0x8;
	[dreg:$0x4] =	wrdreg s10  }
0x1b: {  	s12 =	sadd.s32 $0x240, s1;
	[dreg:$0x5] =	wrdreg s13;
	s9 =	sadd.s32 s31, s23  }
0x1c: {  	[dreg:$0x8] =	wrdreg s19;
	s20 =	sadd.s32 s29, s18;
	s21 =	sadd.s32 s31, s18  }
0x1d: {  	s22 =	sadd.s32 $0x4E0, s7;
	[dreg:$0x1c] =	wrdreg s25;
	s7 =	simm.s32 $0x13880  }
0x1e: {  	s10 =	simm.s32 $0x13900;
	s19 =	simm.s32 $0x6;
	[dreg:$0x16] =	wrdreg s9  }
0x1f: {  	s25 =	simm.s32 $0xB;
	s2 =	sshrl.u32 s12, $0x3;
	[dreg:$0x17] =	wrdreg s20  }
0x20: {  	[dreg:$0x18] =	wrdreg s21;
	s23 =	sadd.s32 s31, s22;
	s0 =	sadd.s32 s29, s22  }
0x21: {  	s20 =	simm.s32 $0x4;
	s9 =	simm.s32 $0xC;
	[dreg:$0x19] =	wrdreg s23  }
0x22: {  	s12 =	simm.s32 $0x0;
	s14 =	sadd.s32 s2, s31;
	[dreg:$0x1a] =	wrdreg s0  }
0x23: {  	s16 =	sadd.s32 s2, s29;
	s2 =	sadd.s32 s17, s29;
	[dreg:$0x6] =	wrdreg s14  }
0x24: {  	s0 =	simm.s32 $0x1;
	s23 =	simm.s32 $0xA;
	[dreg:$0x7] =	wrdreg s16  }
0x25: {  	[dreg:$0x9] =	wrdreg s2;
	s2 =	simm.s32 $0x60;
	s16 =	simm.s32 $0x3  }
.LBB2_1:
0x26: {  	[dreg:$0x1d] =	wrdreg s12  }
0x27: {  	s1 =	rddreg [dreg:$0xa]  }
0x28: {  	s14 =	rddreg [dreg:$0xb];
	s6 =	sshrl.u32 s1, $0x3  }
0x29: {  	[dreg:$0x1e] =	wrdreg s6  }
0x2a: {  	[spmem:s6], [sflag:s26] =	dma.local [hbm:s14], $0x2700  }
0x2b: {  	_ =	swait.ge [sflag:s28], $0x2700  }
0x2c: {  	s1 =	rddreg [dreg:$0xd]  }
0x2d: {  	[sflag:s28] =	ssyncset.done $0x0;
	s6 =	sshrl.u32 @!p0 s1, $0x3;
	s1 =	rddreg [dreg:$0xe]  }
0x2e: {  	[sflag:s28] =	ssyncadd.s32 $0xFFFFD900;
	[dreg:$0x1f] =	wrdreg s6  }
0x2f: {  	[spmem:s6], [sflag:s26] =	dma.local @!p0 [hbm:s1], $0x100  }
0x30: {  	s1 =	simm.s32 @!p0 $0xD  }
0x31: {  	_ =	swait.ge @!p0 [sflag:s1], $0x100  }
0x32: {  	[sflag:s1] =	ssyncset.done @!p0 $0x0  }
0x33: {  	[sflag:s1] =	ssyncadd.s32 @!p0 $0xFFFFFF00  }
0x34: {  	[bflag:$0x0] =	sbarrier.arrive $0xFFFF  }
0x35: {  	s15 =	rddreg [dreg:$0xf]  }
0x36: {  	[tilespmem:s7], [sflag:$0x1] =	stream.linear.gather [hbm4b:s15+s4], $0x60, $0x38;
	[tilespmem:$0x1FD80] =	vst v63  }
0x37: {  	s17 =	rddreg [dreg:$0x10]  }
0x38: {  	[tilespmem:s8], [sflag:$0x1] =	stream.linear.gather [hbm4b:s17+s4], $0x60, $0x38;
	[tilespmem:$0x1FD80] =	vst v63  }
0x39: {  	s18 =	rddreg [dreg:$0x11]  }
0x3a: {  	[tilespmem:s10], [sflag:$0x2] =	stream.linear.gather [hbm4b:s18+s4], $0x60, $0x38;
	[tilespmem:$0x1FD80] =	vst v63  }
0x3b: {  	s13 =	simm.s32 $0x13B00;
	s21 =	rddreg [dreg:$0x12]  }
0x3c: {  	[tilespmem:s13], [sflag:$0x2] =	stream.linear.gather [hbm4b:s21+s4], $0x60, $0x38;
	[tilespmem:$0x1FD80] =	vst v63  }
0x3d: {  	_ =	swait.ge [sflag:s0], $0x60  }
0x3e: {  	[sflag:s0] =	ssyncset.done $0x0  }
0x3f: {  	[sflag:s0] =	ssyncadd.s32 $0xFFFFFFA0  }
0x40: {  	_ =	swait.ge [sflag:s0], $0x60  }
0x41: {  	[sflag:s0] =	ssyncset.done $0x0  }
0x42: {  	s14 =	simm.s32 $0x13C80;
	[sflag:s0] =	ssyncadd.s32 $0xFFFFFFA0  }
0x43: {  	[tilespmem:s14], [sflag:$0x5] =	stream.indirect.gather [hbm4b:s5+s2], $0x80, s7, s2, $0xb8;
	[tilespmem:$0x1FD80] =	vst v63  }
0x44: {  	s22 =	rddreg [dreg:$0x13]  }
0x45: {  	[tilespmem:s30], [sflag:$0x3] =	stream.linear.gather [hbm4b:s22+s4], $0x60, $0x38;
	[tilespmem:$0x1FD80] =	vst v63  }
0x46: {  	s15 =	simm.s32 $0x13B80;
	s26 =	rddreg [dreg:$0x16]  }
0x47: {  	[tilespmem:s15], [sflag:$0x3] =	stream.linear.gather [hbm4b:s26+s4], $0x60, $0x38;
	[tilespmem:$0x1FD80] =	vst v63  }
0x48: {  	_ =	swait.ge [sflag:s11], $0x60  }
0x49: {  	[sflag:s11] =	ssyncset.done $0x0  }
0x4a: {  	[sflag:s11] =	ssyncadd.s32 $0xFFFFFFA0  }
0x4b: {  	_ =	swait.ge [sflag:s11], $0x60  }
0x4c: {  	[sflag:s11] =	ssyncset.done $0x0  }
0x4d: {  	s17 =	simm.s32 $0x16C80;
	s21 =	simm.s32 $0x5;
	[sflag:s11] =	ssyncadd.s32 $0xFFFFFFA0  }
0x4e: {  	[tilespmem:s17], [sflag:$0x6] =	stream.indirect.gather [hbm4b:s5+s2], $0x80, s10, s2, $0xb8;
	[tilespmem:$0x1FD80] =	vst v63  }
0x4f: {  	_ =	swait.ge [sflag:s21], $0x3000  }
0x50: {  	[sflag:s21] =	ssyncset.done $0x0  }
0x51: {  	[sflag:s21] =	ssyncadd.s32 $0xFFFFD000  }
0x52: {  	[spmem:s3] =	stream.indirect.scatter.add.f32 [tilespmem:s14], [sflag:$0x9], $0x80, s8, s2, $0xb8;
	[tilespmem:$0x1FD80] =	vst v63  }
0x53: {  	s18 =	simm.s32 $0x13A00;
	s28 =	rddreg [dreg:$0x17]  }
0x54: {  	[tilespmem:s18], [sflag:$0x4] =	stream.linear.gather [hbm4b:s28+s4], $0x60, $0x38;
	[tilespmem:$0x1FD80] =	vst v63  }
0x55: {  	s26 =	simm.s32 $0x13C00;
	s6 =	rddreg [dreg:$0x18]  }
0x56: {  	[tilespmem:s26], [sflag:$0x4] =	stream.linear.gather [hbm4b:s6+s4], $0x60, $0x38;
	[tilespmem:$0x1FD80] =	vst v63  }
0x57: {  	_ =	swait.ge [sflag:s16], $0x60  }
0x58: {  	[sflag:s16] =	ssyncset.done $0x0  }
0x59: {  	[sflag:s16] =	ssyncadd.s32 $0xFFFFFFA0  }
0x5a: {  	_ =	swait.ge [sflag:s16], $0x60  }
0x5b: {  	[sflag:s16] =	ssyncset.done $0x0  }
0x5c: {  	s22 =	simm.s32 $0x19C80;
	[sflag:s16] =	ssyncadd.s32 $0xFFFFFFA0  }
0x5d: {  	[tilespmem:s22], [sflag:$0x7] =	stream.indirect.gather [hbm4b:s5+s2], $0x80, s30, s2, $0xb8;
	[tilespmem:$0x1FD80] =	vst v63  }
0x5e: {  	_ =	swait.ge [sflag:s19], $0x3000  }
0x5f: {  	[sflag:s19] =	ssyncset.done $0x0  }
0x60: {  	s12 =	simm.s32 $0x9;
	[sflag:s19] =	ssyncadd.s32 $0xFFFFD000  }
0x61: {  	[spmem:s3] =	stream.indirect.scatter.add.f32 [tilespmem:s17], [sflag:$0xA], $0x80, s13, s2, $0xb8;
	[tilespmem:$0x1FD80] =	vst v63  }
0x62: {  	_ =	swait.ge [sflag:s12], $0x3000  }
0x63: {  	s28 =	rddreg [dreg:$0x1c]  }
0x64: {  	[sflag:s12] =	ssyncset.done $0x0;
	s1 =	sshrl.u32 s28, $0x3  }
0x65: {  	[sflag:s12] =	ssyncadd.s32 $0xFFFFD000;
	s12 =	sadd.s32 s29, s1  }
0x66: {  	[tilespmem:s7], [sflag:$0x1] =	stream.linear.gather [hbm4b:s12+s4], $0x60, $0x38;
	[tilespmem:$0x1FD80] =	vst v63  }
0x67: {  	s1 =	sadd.s32 s31, s1  }
0x68: {  	[tilespmem:s8], [sflag:$0x1] =	stream.linear.gather [hbm4b:s1+s4], $0x60, $0x38;
	[tilespmem:$0x1FD80] =	vst v63  }
0x69: {  	_ =	swait.ge [sflag:s20], $0x60  }
0x6a: {  	[sflag:s20] =	ssyncset.done $0x0  }
0x6b: {  	[sflag:s20] =	ssyncadd.s32 $0xFFFFFFA0  }
0x6c: {  	_ =	swait.ge [sflag:s20], $0x60  }
0x6d: {  	[sflag:s20] =	ssyncset.done $0x0  }
0x6e: {  	s6 =	simm.s32 $0x7;
	s12 =	simm.s32 $0x1CC80;
	[sflag:s20] =	ssyncadd.s32 $0xFFFFFFA0  }
0x6f: {  	[tilespmem:s12], [sflag:$0x8] =	stream.indirect.gather [hbm4b:s5+s2], $0x80, s18, s2, $0xb8;
	[tilespmem:$0x1FD80] =	vst v63  }
0x70: {  	_ =	swait.ge [sflag:s6], $0x3000  }
0x71: {  	[sflag:s6] =	ssyncset.done $0x0  }
0x72: {  	[sflag:s6] =	ssyncadd.s32 $0xFFFFD000  }
0x73: {  	[spmem:s3] =	stream.indirect.scatter.add.f32 [tilespmem:s22], [sflag:$0xB], $0x80, s15, s2, $0xb8;
	[tilespmem:$0x1FD80] =	vst v63  }
0x74: {  	_ =	swait.ge [sflag:s23], $0x3000  }
0x75: {  	s1 =	rddreg [dreg:$0x9];
	[sflag:s23] =	ssyncset.done $0x0  }
0x76: {  	s6 =	rddreg [dreg:$0x8];
	[sflag:s23] =	ssyncadd.s32 $0xFFFFD000;
	s1 =	sadd.s32 $0x0, s1  }
0x77: {  	[tilespmem:s10], [sflag:$0x2] =	stream.linear.gather [hbm4b:s1+s4], $0x60, $0x38;
	[tilespmem:$0x1FD80] =	vst v63  }
0x78: {  	s6 =	sadd.s32 $0x0, s6  }
0x79: {  	[tilespmem:s13], [sflag:$0x2] =	stream.linear.gather [hbm4b:s6+s4], $0x60, $0x38;
	[tilespmem:$0x1FD80] =	vst v63  }
0x7a: {  	_ =	swait.ge [sflag:s0], $0x60  }
0x7b: {  	[sflag:s0] =	ssyncset.done $0x0  }
0x7c: {  	[sflag:s0] =	ssyncadd.s32 $0xFFFFFFA0  }
0x7d: {  	_ =	swait.ge [sflag:s0], $0x60  }
0x7e: {  	[sflag:s0] =	ssyncset.done $0x0  }
0x7f: {  	[sflag:s0] =	ssyncadd.s32 $0xFFFFFFA0  }
0x80: {  	[tilespmem:s14], [sflag:$0x5] =	stream.indirect.gather [hbm4b:s5+s2], $0x80, s7, s2, $0xb8;
	[tilespmem:$0x1FD80] =	vst v63  }
0x81: {  	_ =	swait.ge [sflag:s24], $0x3000  }
0x82: {  	[sflag:s24] =	ssyncset.done $0x0  }
0x83: {  	[sflag:s24] =	ssyncadd.s32 $0xFFFFD000  }
0x84: {  	[spmem:s3] =	stream.indirect.scatter.add.f32 [tilespmem:s12], [sflag:$0xC], $0x80, s26, s2, $0xb8;
	[tilespmem:$0x1FD80] =	vst v63  }
0x85: {  	_ =	swait.ge [sflag:s25], $0x3000  }
0x86: {  	s7 =	rddreg [dreg:$0x7];
	[sflag:s25] =	ssyncset.done $0x0  }
0x87: {  	s12 =	rddreg [dreg:$0x6];
	[sflag:s25] =	ssyncadd.s32 $0xFFFFD000;
	s1 =	sadd.s32 $0x0, s7  }
0x88: {  	[tilespmem:s30], [sflag:$0x3] =	stream.linear.gather [hbm4b:s1+s4], $0x60, $0x38;
	[tilespmem:$0x1FD80] =	vst v63  }
0x89: {  	s13 =	sadd.s32 $0x0, s12  }
0x8a: {  	[tilespmem:s15], [sflag:$0x3] =	stream.linear.gather [hbm4b:s13+s4], $0x60, $0x38;
	[tilespmem:$0x1FD80] =	vst v63  }
0x8b: {  	_ =	swait.ge [sflag:s11], $0x60  }
0x8c: {  	[sflag:s11] =	ssyncset.done $0x0  }
0x8d: {  	[sflag:s11] =	ssyncadd.s32 $0xFFFFFFA0  }
0x8e: {  	_ =	swait.ge [sflag:s11], $0x60  }
0x8f: {  	[sflag:s11] =	ssyncset.done $0x0  }
0x90: {  	[sflag:s11] =	ssyncadd.s32 $0xFFFFFFA0  }
0x91: {  	[tilespmem:s17], [sflag:$0x6] =	stream.indirect.gather [hbm4b:s5+s2], $0x80, s10, s2, $0xb8;
	[tilespmem:$0x1FD80] =	vst v63  }
0x92: {  	_ =	swait.ge [sflag:s21], $0x3000  }
0x93: {  	[sflag:s21] =	ssyncset.done $0x0  }
0x94: {  	[sflag:s21] =	ssyncadd.s32 $0xFFFFD000  }
0x95: {  	[spmem:s3] =	stream.indirect.scatter.add.f32 [tilespmem:s14], [sflag:$0x9], $0x80, s8, s2, $0xb8;
	[tilespmem:$0x1FD80] =	vst v63  }
0x96: {  	_ =	swait.ge [sflag:s9], $0x3000  }
0x97: {  	s15 =	rddreg [dreg:$0x5];
	[sflag:s9] =	ssyncset.done $0x0  }
0x98: {  	s17 =	rddreg [dreg:$0x4];
	[sflag:s9] =	ssyncadd.s32 $0xFFFFD000;
	s1 =	sadd.s32 $0x0, s15  }
0x99: {  	[tilespmem:s18], [sflag:$0x4] =	stream.linear.gather [hbm4b:s1+s4], $0x60, $0x38;
	[tilespmem:$0x1FD80] =	vst v63  }
0x9a: {  	s21 =	sadd.s32 $0x0, s17  }
0x9b: {  	[tilespmem:s26], [sflag:$0x4] =	stream.linear.gather [hbm4b:s21+s4], $0x60, $0x38;
	[tilespmem:$0x1FD80] =	vst v63  }
0x9c: {  	_ =	swait.ge [sflag:s16], $0x60  }
0x9d: {  	[sflag:s16] =	ssyncset.done $0x0  }
0x9e: {  	[sflag:s16] =	ssyncadd.s32 $0xFFFFFFA0  }
0x9f: {  	_ =	swait.ge [sflag:s16], $0x60  }
0xa0: {  	[sflag:s16] =	ssyncset.done $0x0  }
0xa1: {  	[sflag:s16] =	ssyncadd.s32 $0xFFFFFFA0  }
0xa2: {  	[tilespmem:s22], [sflag:$0x7] =	stream.indirect.gather [hbm4b:s5+s2], $0x80, s30, s2, $0xb8;
	[tilespmem:$0x1FD80] =	vst v63  }
0xa3: {  	s7 =	simm.s32 $0x13880;
	_ =	swait.ge [sflag:s19], $0x3000  }
0xa4: {  	s10 =	simm.s32 $0x13900;
	s8 =	simm.s32 $0x13A80;
	[sflag:s19] =	ssyncset.done $0x0  }
0xa5: {  	s1 =	sadd.s32 $0x180, s28;
	s26 =	simm.s32 $0x30;
	[sflag:s19] =	ssyncadd.s32 $0xFFFFD000  }
.LBB2_2:
0xa6: {  	s14 =	simm.s32 $0x13B00;
	s21 =	simm.s32 $0x16C80;
	s12 =	simm.s32 $0x9  }
0xa7: {  	[spmem:s3] =	stream.indirect.scatter.add.f32 [tilespmem:s21], [sflag:$0xA], $0x80, s14, s2, $0xb8;
	[tilespmem:$0x1FD80] =	vst v63  }
0xa8: {  	_ =	swait.ge [sflag:s12], $0x3000  }
0xa9: {  	s28 =	sshrl.u32 s1, $0x3;
	[sflag:s12] =	ssyncset.done $0x0  }
0xaa: {  	s30 =	smov.u32 s29;
	s29 =	sadd.s32 s29, s28;
	[sflag:s12] =	ssyncadd.s32 $0xFFFFD000  }
0xab: {  	[tilespmem:s7], [sflag:$0x1] =	stream.linear.gather [hbm4b:s29+s4], $0x60, $0x38;
	[tilespmem:$0x1FD80] =	vst v63  }
0xac: {  	s28 =	sadd.s32 s31, s28  }
0xad: {  	[tilespmem:s8], [sflag:$0x1] =	stream.linear.gather [hbm4b:s28+s4], $0x60, $0x38;
	[tilespmem:$0x1FD80] =	vst v63  }
0xae: {  	_ =	swait.ge [sflag:s20], $0x60  }
0xaf: {  	[sflag:s20] =	ssyncset.done $0x0  }
0xb0: {  	[sflag:s20] =	ssyncadd.s32 $0xFFFFFFA0  }
0xb1: {  	_ =	swait.ge [sflag:s20], $0x60  }
0xb2: {  	s13 =	simm.s32 $0x13A00;
	[sflag:s20] =	ssyncset.done $0x0  }
0xb3: {  	s22 =	simm.s32 $0x1CC80;
	s28 =	simm.s32 $0x7;
	[sflag:s20] =	ssyncadd.s32 $0xFFFFFFA0  }
0xb4: {  	[tilespmem:s22], [sflag:$0x8] =	stream.indirect.gather [hbm4b:s5+s2], $0x80, s13, s2, $0xb8;
	[tilespmem:$0x1FD80] =	vst v63  }
0xb5: {  	_ =	swait.ge [sflag:s28], $0x3000  }
0xb6: {  	[sflag:s28] =	ssyncset.done $0x0  }
0xb7: {  	s17 =	simm.s32 $0x13B80;
	s19 =	simm.s32 $0x19C80;
	[sflag:s28] =	ssyncadd.s32 $0xFFFFD000  }
0xb8: {  	[spmem:s3] =	stream.indirect.scatter.add.f32 [tilespmem:s19], [sflag:$0xB], $0x80, s17, s2, $0xb8;
	[tilespmem:$0x1FD80] =	vst v63  }
0xb9: {  	_ =	swait.ge [sflag:s23], $0x3000  }
0xba: {  	s6 =	smov.u32 s26;
	s12 =	rddreg [dreg:$0x9];
	[sflag:s23] =	ssyncset.done $0x0  }
0xbb: {  	s29 =	rddreg [dreg:$0x8];
	[sflag:s23] =	ssyncadd.s32 $0xFFFFD000;
	s28 =	sadd.s32 s6, s12  }
0xbc: {  	[tilespmem:s10], [sflag:$0x2] =	stream.linear.gather [hbm4b:s28+s4], $0x60, $0x38;
	[tilespmem:$0x1FD80] =	vst v63  }
0xbd: {  	s18 =	sadd.s32 s6, s29  }
0xbe: {  	[tilespmem:s14], [sflag:$0x2] =	stream.linear.gather [hbm4b:s18+s4], $0x60, $0x38;
	[tilespmem:$0x1FD80] =	vst v63  }
0xbf: {  	_ =	swait.ge [sflag:s0], $0x60  }
0xc0: {  	[sflag:s0] =	ssyncset.done $0x0  }
0xc1: {  	[sflag:s0] =	ssyncadd.s32 $0xFFFFFFA0  }
0xc2: {  	_ =	swait.ge [sflag:s0], $0x60  }
0xc3: {  	[sflag:s0] =	ssyncset.done $0x0  }
0xc4: {  	s14 =	simm.s32 $0x13C80;
	[sflag:s0] =	ssyncadd.s32 $0xFFFFFFA0  }
0xc5: {  	[tilespmem:s14], [sflag:$0x5] =	stream.indirect.gather [hbm4b:s5+s2], $0x80, s7, s2, $0xb8;
	[tilespmem:$0x1FD80] =	vst v63  }
0xc6: {  	_ =	swait.ge [sflag:s24], $0x3000  }
0xc7: {  	[sflag:s24] =	ssyncset.done $0x0  }
0xc8: {  	s18 =	simm.s32 $0x13C00;
	[sflag:s24] =	ssyncadd.s32 $0xFFFFD000  }
0xc9: {  	[spmem:s3] =	stream.indirect.scatter.add.f32 [tilespmem:s22], [sflag:$0xC], $0x80, s18, s2, $0xb8;
	[tilespmem:$0x1FD80] =	vst v63  }
0xca: {  	_ =	swait.ge [sflag:s25], $0x3000  }
0xcb: {  	s15 =	simm.s32 $0x13980;
	s22 =	rddreg [dreg:$0x7];
	[sflag:s25] =	ssyncset.done $0x0  }
0xcc: {  	s29 =	rddreg [dreg:$0x6];
	[sflag:s25] =	ssyncadd.s32 $0xFFFFD000;
	s28 =	sadd.s32 s6, s22  }
0xcd: {  	[tilespmem:s15], [sflag:$0x3] =	stream.linear.gather [hbm4b:s28+s4], $0x60, $0x38;
	[tilespmem:$0x1FD80] =	vst v63  }
0xce: {  	s22 =	sadd.s32 s6, s29  }
0xcf: {  	[tilespmem:s17], [sflag:$0x3] =	stream.linear.gather [hbm4b:s22+s4], $0x60, $0x38;
	[tilespmem:$0x1FD80] =	vst v63  }
0xd0: {  	_ =	swait.ge [sflag:s11], $0x60  }
0xd1: {  	[sflag:s11] =	ssyncset.done $0x0  }
0xd2: {  	[sflag:s11] =	ssyncadd.s32 $0xFFFFFFA0  }
0xd3: {  	_ =	swait.ge [sflag:s11], $0x60  }
0xd4: {  	[sflag:s11] =	ssyncset.done $0x0  }
0xd5: {  	s28 =	simm.s32 $0x5;
	[sflag:s11] =	ssyncadd.s32 $0xFFFFFFA0  }
0xd6: {  	[tilespmem:s21], [sflag:$0x6] =	stream.indirect.gather [hbm4b:s5+s2], $0x80, s10, s2, $0xb8;
	[tilespmem:$0x1FD80] =	vst v63  }
0xd7: {  	_ =	swait.ge [sflag:s28], $0x3000  }
0xd8: {  	[sflag:s28] =	ssyncset.done $0x0  }
0xd9: {  	[sflag:s28] =	ssyncadd.s32 $0xFFFFD000  }
0xda: {  	[spmem:s3] =	stream.indirect.scatter.add.f32 [tilespmem:s14], [sflag:$0x9], $0x80, s8, s2, $0xb8;
	[tilespmem:$0x1FD80] =	vst v63  }
0xdb: {  	_ =	swait.ge [sflag:s9], $0x3000  }
0xdc: {  	s22 =	rddreg [dreg:$0x5];
	[sflag:s9] =	ssyncset.done $0x0  }
0xdd: {  	s29 =	rddreg [dreg:$0x4];
	[sflag:s9] =	ssyncadd.s32 $0xFFFFD000;
	s28 =	sadd.s32 s6, s22  }
0xde: {  	[tilespmem:s13], [sflag:$0x4] =	stream.linear.gather [hbm4b:s28+s4], $0x60, $0x38;
	[tilespmem:$0x1FD80] =	vst v63  }
0xdf: {  	s6 =	sadd.s32 s6, s29  }
0xe0: {  	[tilespmem:s18], [sflag:$0x4] =	stream.linear.gather [hbm4b:s6+s4], $0x60, $0x38;
	[tilespmem:$0x1FD80] =	vst v63  }
0xe1: {  	_ =	swait.ge [sflag:s16], $0x60  }
0xe2: {  	[sflag:s16] =	ssyncset.done $0x0  }
0xe3: {  	[sflag:s16] =	ssyncadd.s32 $0xFFFFFFA0  }
0xe4: {  	_ =	swait.ge [sflag:s16], $0x60  }
0xe5: {  	p1 =	sne.s32 s26, $0x480;
	[sflag:s16] =	ssyncset.done $0x0  }
0xe6: {  	s29 =	smov.u32 s30;
	s30 =	simm.s32 $0x13980;
	[sflag:s16] =	ssyncadd.s32 $0xFFFFFFA0  }
0xe7: {  	[tilespmem:s19], [sflag:$0x7] =	stream.indirect.gather [hbm4b:s5+s2], $0x80, s30, s2, $0xb8;
	[tilespmem:$0x1FD80] =	vst v63  }
.Ltmp0:
0xe8: {  	_ = 	snop;
	(pc) =	sbr.rel @p1 .LBB2_2-.Ltmp0, $4  }
0xe9: {  	s26 =	sadd.s32 $0x30, s26;
	s1 =	sadd.s32 $0x180, s1;
	s19 =	simm.s32 $0x6  }
0xea: {  	s12 =	simm.s32 $0x13B00;
	s15 =	simm.s32 $0x13B80;
	_ =	swait.ge [sflag:s19], $0x3000  }
0xeb: {  	s17 =	simm.s32 $0x16C80;
	s14 =	simm.s32 $0x13A00;
	[sflag:s19] =	ssyncset.done $0x0  }
0xec: {  	s13 =	simm.s32 $0x13C00;
	s6 =	simm.s32 $0x19C80;
	[sflag:s19] =	ssyncadd.s32 $0xFFFFD000  }
0xed: {  	[spmem:s3] =	stream.indirect.scatter.add.f32 [tilespmem:s17], [sflag:$0xA], $0x80, s12, s2, $0xb8;
	[tilespmem:$0x1FD80] =	vst v63  }
0xee: {  	_ =	swait.ge [sflag:s20], $0x60  }
0xef: {  	[sflag:s20] =	ssyncset.done $0x0  }
0xf0: {  	[sflag:s20] =	ssyncadd.s32 $0xFFFFFFA0  }
0xf1: {  	_ =	swait.ge [sflag:s20], $0x60  }
0xf2: {  	[sflag:s20] =	ssyncset.done $0x0  }
0xf3: {  	s1 =	simm.s32 $0x1CC80;
	s7 =	simm.s32 $0x7;
	[sflag:s20] =	ssyncadd.s32 $0xFFFFFFA0  }
0xf4: {  	[tilespmem:s1], [sflag:$0x8] =	stream.indirect.gather [hbm4b:s5+s2], $0x80, s14, s2, $0xb8;
	[tilespmem:$0x1FD80] =	vst v63  }
0xf5: {  	_ =	swait.ge [sflag:s7], $0x3000  }
0xf6: {  	[sflag:s7] =	ssyncset.done $0x0  }
0xf7: {  	[sflag:s7] =	ssyncadd.s32 $0xFFFFD000  }
0xf8: {  	[spmem:s3] =	stream.indirect.scatter.add.f32 [tilespmem:s6], [sflag:$0xB], $0x80, s15, s2, $0xb8;
	[tilespmem:$0x1FD80] =	vst v63  }
0xf9: {  	_ =	swait.ge [sflag:s24], $0x3000  }
0xfa: {  	[sflag:s24] =	ssyncset.done $0x0  }
0xfb: {  	s7 =	simm.s32 $0x9;
	[sflag:s24] =	ssyncadd.s32 $0xFFFFD000  }
0xfc: {  	[spmem:s3] =	stream.indirect.scatter.add.f32 [tilespmem:s1], [sflag:$0xC], $0x80, s13, s2, $0xb8;
	[tilespmem:$0x1FD80] =	vst v63  }
0xfd: {  	_ =	swait.ge [sflag:s7], $0x3000  }
0xfe: {  	[sflag:s7] =	ssyncset.done $0x0  }
0xff: {  	[sflag:s7] =	ssyncadd.s32 $0xFFFFD000  }
0x100: {  	_ =	swait.ge [sflag:s23], $0x3000  }
0x101: {  	[sflag:s23] =	ssyncset.done $0x0  }
0x102: {  	[sflag:s23] =	ssyncadd.s32 $0xFFFFD000  }
0x103: {  	_ =	swait.ge [sflag:s25], $0x3000  }
0x104: {  	[sflag:s25] =	ssyncset.done $0x0  }
0x105: {  	[sflag:s25] =	ssyncadd.s32 $0xFFFFD000  }
0x106: {  	_ =	swait.ge [sflag:s9], $0x3000  }
0x107: {  	s10 =	simm.s32 $0x1FD00;
	[sflag:s9] =	ssyncset.done $0x0  }
0x108: {  	s28 =	simm.s32 $0xD;
	s8 =	rddreg [dreg:$0x19];
	[sflag:s9] =	ssyncadd.s32 $0xFFFFD000  }
0x109: {  	[tilespmem:s10], [sflag:$0xD] =	stream.linear.gather [hbm4b:s8+s4], $0x10, $0x38;
	[tilespmem:$0x1FD80] =	vst v63  }
0x10a: {  	_ =	swait.ge [sflag:s28], $0x10  }
0x10b: {  	[sflag:s28] =	ssyncset.done $0x0  }
0x10c: {  	s13 =	simm.s32 $0x1FC80;
	s12 =	rddreg [dreg:$0x1a];
	[sflag:s28] =	ssyncadd.s32 $0xFFFFFFF0  }
0x10d: {  	[tilespmem:s13], [sflag:$0xD] =	stream.linear.gather [hbm4b:s12+s4], $0x10, $0x38;
	[tilespmem:$0x1FD80] =	vst v63  }
0x10e: {  	_ =	swait.ge [sflag:s28], $0x10  }
0x10f: {  	s14 =	simm.s32 $0x13C80;
	[sflag:s28] =	ssyncset.done $0x0  }
0x110: {  	s15 =	simm.s32 $0x5;
	s8 =	simm.s32 $0x10;
	[sflag:s28] =	ssyncadd.s32 $0xFFFFFFF0  }
0x111: {  	[tilespmem:s14], [sflag:$0x5] =	stream.indirect.gather [hbm4b:s5+s8], $0x80, s13, s8, $0xb8;
	[tilespmem:$0x1FD80] =	vst v63  }
0x112: {  	_ =	swait.ge [sflag:s15], $0x800  }
0x113: {  	[sflag:s15] =	ssyncset.done $0x0  }
0x114: {  	[sflag:s15] =	ssyncadd.s32 $0xFFFFF800  }
0x115: {  	[spmem:s3] =	stream.indirect.scatter.add.f32 [tilespmem:s14], [sflag:$0xD], $0x80, s10, s8, $0xb8;
	[tilespmem:$0x1FD80] =	vst v63  }
0x116: {  	_ =	swait.ge [sflag:s28], $0x800  }
0x117: {  	[sflag:s28] =	ssyncset.done $0x0  }
0x118: {  	[sflag:s28] =	ssyncadd.s32 $0xFFFFF800  }
0x119: {  	[bflag:$0x0] =	sbarrier.arrive $0xFFFF  }
0x11a: {  	s26 =	rddreg [dreg:$0xc]  }
0x11b: {  	s17 =	rddreg [dreg:$0x14]  }
0x11c: {  	s18 =	rddreg [dreg:$0x1e]  }
0x11d: {  	[hbm:s17], [sflag:s26] =	dma.local [spmem:s18], $0x2700  }
0x11e: {  	_ =	swait.ge [sflag:s28], $0x2700  }
0x11f: {  	[sflag:s28] =	ssyncset.done $0x0;
	s1 =	rddreg [dreg:$0x15]  }
0x120: {  	s6 =	rddreg [dreg:$0x1f];
	[sflag:s28] =	ssyncadd.s32 $0xFFFFD900  }
0x121: {  	[hbm:s1], [sflag:s26] =	dma.local @!p0 [spmem:s6], $0x100  }
0x122: {  	s1 =	simm.s32 @!p0 $0xD  }
0x123: {  	_ =	swait.ge @!p0 [sflag:s1], $0x100  }
0x124: {  	s21 =	rddreg [dreg:$0x1d]  }
0x125: {  	s22 =	rddreg [dreg:$0x1b];
	s12 =	sadd.s32 $0x1, s21  }
0x126: {  	p1 =	sne.s32 s12, s22  }
.Ltmp1:
0x127: {  	_ = 	snop;
	(pc) =	sbr.rel @p1 .LBB2_1-.Ltmp1, $3  }
0x128: {  	_ =	sdelay $0x1  }
0x129: {  	s7 =	simm.s32 $0x13880;
	[sflag:s1] =	ssyncset.done @!p0 $0x0  }
0x12a: {  	s8 =	simm.s32 $0x13A80;
	s10 =	simm.s32 $0x13900;
	[sflag:s1] =	ssyncadd.s32 @!p0 $0xFFFFFF00  }
0x12b: {  	_ =	sfence.sel $0x180000  }
0x12c: {  	[bflag:$0x0] =	sbarrier.arrive $0xFFFF  }
0x12d: {  	_ =	strace $0x9000004A  }
0x12e: {  	s0 =	stileid.u32;
	[bflag:$0x2] =	sbarrier.arrive $0xFFFF  }
0x12f: {  	p0 =	sne.s32 s0, $0x0;
	s0 =	rddreg [dreg:$0x3]  }
0x130: {  	s0 =	sadd.s32 @!p0 $0x100000, s0  }
0x131: {  	[sflag:s0] =	ssyncadd.tile.s32 @!p0 $0x1;
	_ =	shalt  }
.Lfunc_end2:
_tile_overlayer_lowered:
.L_overlay_start_2:
0x132: {  	(tag) =	ssettag $0x2  }
0x133: {  	s0 =	rddreg [dreg:$0x0];
	s2 =	stileid.u32  }
0x134: {  	s1 =	rddreg [dreg:$0x1];
	p0 =	sne.s32 s2, $0x0  }
0x135: {  	s3 =	rddreg [dreg:$0x2];
	[bflag:$0x3] =	sbarrier.arrive $0xFFFF;
	s2 =	simm.s32 @!p0 $0x1C0D  }
0x136: {  	[timem:s3], [sflag:s2] =	dma.local @!p0 [hbm:s0], s1  }
0x137: {  	s0 =	simm.s32 @!p0 $0xD  }
0x138: {  	_ =	swait.ge @!p0 [sflag:s0], s1  }
0x139: {  	s1 =	ssub.s32 @!p0 $0x0, s1;
	[sflag:s0] =	ssyncset.done @!p0 $0x0  }
0x13a: {  	[sflag:s0] =	ssyncadd.s32 @!p0 s1  }
0x13b: {  	[bflag:$0x3] =	sbarrier.arrive $0xFFFF  }
0x13c: {  	_ =	shalt  }

// kernel: _run.16.cloned.1.call-start
scs
__scs_entry_jumppad:
0x0: {  	(pc) =	sbr.rel $0x88, $3  }
0x1: {  	(tag) =	ssettag $0x0;
	lr =	simm.s32 $0x1  }
0x2: {  	[smem:$0x3F98] =	sst lr;
	_ =	strace $0xD0000000  }
0x3: {  	_ = 	snop  }
0x4: {  	_ = 	snop  }
0x5: {  	_ = 	snop  }
0x6: {  	_ = 	snop  }
0x7: {  	_ = 	snop  }
__scs_overlays_trampoline_lowered:
0x8: {  	[smem:$0x3FA7] =	sst s0  }
0x9: {  	[smem:$0x3FA8] =	sst s1  }
0xa: {  	[smem:$0x3FA9] =	sst s2  }
0xb: {  	[smem:$0x3FAA] =	sst s3  }
0xc: {  	[smem:$0x3FAB] =	sst s4  }
0xd: {  	[smem:$0x3FAC] =	sst s5  }
0xe: {  	[smem:$0x3FAD] =	sst s6  }
0xf: {  	[smem:$0x3FAE] =	sst s7  }
0x10: {  	[smem:$0x3FAF] =	sst s8  }
0x11: {  	[smem:$0x3FB0] =	sst s9;
	s0 =	simm.s32 @!p0 $0x0  }
0x12: {  	s1 =	sld [smem:$0x3F96];
	s0 =	simm.s32 @p0 $0x1  }
0x13: {  	[smem:$0x3FB1] =	sst s0;
	s0 =	simm.s32 @!p1 $0x0  }
0x14: {  	s2 =	sld [smem:$0x3F95];
	s0 =	simm.s32 @p1 $0x1  }
0x15: {  	[smem:$0x3FB2] =	sst s0;
	s0 =	simm.s32 @!p2 $0x0  }
0x16: {  	s3 =	sld [smem:$0x3FDB];
	s0 =	simm.s32 @p2 $0x1  }
0x17: {  	s4 =	simm.s32 $0x1BF5;
	[smem:$0x3FB4] =	sst s0  }
0x18: {  	s0 =	sld [smem:$0x3F97];
	_ =	swait.ge [sflag:s4], $0x0  }
0x19: {  	s7 =	sld [smem:$0x3F98]  }
0x1a: {  	s8 =	sadd.s32 $0xFFFFE003, lr  }
0x1b: {  	s9 =	sadd.s32 $0xFFFFFEF7, lr;
	s5 =	simm.s32 $0xFFFFFFFF;
	p2 =	slt.u32 s8, $0xFFFFF086  }
0x1c: {  	p1 =	slt.u32 s9, $0xF7A;
	s5 =	simm.s32 @!p2 $0x0  }
0x1d: {  	s5 =	simm.s32 @p1 $0x1;
	p0 =	seq.s32 s7, s2  }
0x1e: {  	s7 =	smul.u32 @!p0 $0xF7A, s2;
	p2 =	seq.s32 @!p0 s5, $0x0  }
0x1f: {  	s9 =	smul.u32 $0xF7A, s1;
	s8 =	simm.s32 @!p0 $0x1BF5;
	p2 =	por !p2, p0  }
0x20: {  	[sflag:s8] =	ssyncset.s32 @!p0 $0xFFFFF086;
	s6 =	sadd.s32 @!p0 s3, s7;
	s7 =	simm.s32 @!p0 $0x108  }
0x21: {  	s3 =	sadd.s32 s3, s9;
	s6 =	sadd.s32 @!p0 $0x88, s6;
	s7 =	simm.s32 @p2 $0x1082  }
0x22: {  	[simem:s7], [sflag:s8] =	dma.local @!p0 [hbm:s6], $0xF7A  }
0x23: {  	s9 =	sor.u32 $0xD0000000, s2;
	s6 =	simm.s32 $0x108;
	_ =	swait.ge @!p0 [sflag:s8], $0x0  }
0x24: {  	s3 =	sadd.s32 $0x88, s3;
	s6 =	simm.s32 @!p1 $0x1082;
	[sflag:s4] =	ssyncset.s32 $0xFFFFF086  }
0x25: {  	[simem:s6], [sflag:s4] =	dma.local [hbm:s3], $0xF7A  }
0x26: {  	[smem:$0x3F98] =	sst s1;
	(tag) =	ssettag s2;
	_ =	strace s9  }
0x27: {  	s1 =	sld [smem:$0x3FA8]  }
0x28: {  	s2 =	sld [smem:$0x3FA9]  }
0x29: {  	s4 =	sld [smem:$0x3FAB]  }
0x2a: {  	p0 =	seq.s32 s5, $0x0;
	s5 =	sld [smem:$0x3FAC]  }
0x2b: {  	s6 =	sld [smem:$0x3FAD]  }
0x2c: {  	s7 =	sld [smem:$0x3FAE]  }
0x2d: {  	s3 =	simm.s32 $0x108;
	s8 =	sld [smem:$0x3FAF]  }
0x2e: {  	s3 =	simm.s32 @!p0 $0x1082;
	s9 =	sld [smem:$0x3FB0]  }
0x2f: {  	lr =	sadd.s32 s0, s3;
	s0 =	sld [smem:$0x3FA7]  }
0x30: {  	s3 =	sld [smem:$0x3FAA]  }
0x31: {  	[smem:$0x3FB3] =	sst s10  }
0x32: {  	s10 =	sld [smem:$0x3FB1];
	_ =	sdelay $0x3  }
0x33: {  	p0 =	seq.s32 s10, $0x1;
	s10 =	sld [smem:$0x3FB3];
	_ =	sdelay $0x3  }
0x34: {  	[smem:$0x3FB3] =	sst s10  }
0x35: {  	s10 =	sld [smem:$0x3FB2];
	_ =	sdelay $0x3  }
0x36: {  	p1 =	seq.s32 s10, $0x1;
	s10 =	sld [smem:$0x3FB3];
	_ =	sdelay $0x3  }
0x37: {  	[smem:$0x3FB3] =	sst s10  }
0x38: {  	s10 =	sld [smem:$0x3FB4]  }
0x39: {  	_ = 	snop;
	(pc) =	sbr.ind lr, $3  }
0x3a: {  	_ = 	snop  }
0x3b: {  	_ = 	snop  }
0x3c: {  	p2 =	seq.s32 s10, $0x1;
	s10 =	sld [smem:$0x3FB3]  }
0x3d: {  	_ =	shalt  }
0x3e: {  	_ =	shalt  }
0x3f: {  	_ =	shalt  }
0x40: {  	_ =	shalt  }
0x41: {  	_ =	shalt  }
0x42: {  	_ =	shalt  }
0x43: {  	_ =	shalt  }
0x44: {  	_ =	shalt  }
0x45: {  	_ =	shalt  }
0x46: {  	_ =	shalt  }
0x47: {  	_ =	shalt  }
0x48: {  	_ =	shalt  }
0x49: {  	_ =	shalt  }
0x4a: {  	_ =	shalt  }
0x4b: {  	_ =	shalt  }
0x4c: {  	_ =	shalt  }
0x4d: {  	_ =	shalt  }
0x4e: {  	_ =	shalt  }
0x4f: {  	_ =	shalt  }
0x50: {  	_ =	shalt  }
0x51: {  	_ =	shalt  }
0x52: {  	_ =	shalt  }
0x53: {  	_ =	shalt  }
0x54: {  	_ =	shalt  }
0x55: {  	_ =	shalt  }
0x56: {  	_ =	shalt  }
0x57: {  	_ =	shalt  }
0x58: {  	_ =	shalt  }
0x59: {  	_ =	shalt  }
0x5a: {  	_ =	shalt  }
0x5b: {  	_ =	shalt  }
0x5c: {  	_ =	shalt  }
0x5d: {  	_ =	shalt  }
0x5e: {  	_ =	shalt  }
0x5f: {  	_ =	shalt  }
0x60: {  	_ =	shalt  }
0x61: {  	_ =	shalt  }
0x62: {  	_ =	shalt  }
0x63: {  	_ =	shalt  }
0x64: {  	_ =	shalt  }
0x65: {  	_ =	shalt  }
0x66: {  	_ =	shalt  }
0x67: {  	_ =	shalt  }
0x68: {  	_ =	shalt  }
0x69: {  	_ =	shalt  }
0x6a: {  	_ =	shalt  }
0x6b: {  	_ =	shalt  }
0x6c: {  	_ =	shalt  }
0x6d: {  	_ =	shalt  }
0x6e: {  	_ =	shalt  }
0x6f: {  	_ =	shalt  }
0x70: {  	_ =	shalt  }
0x71: {  	_ =	shalt  }
0x72: {  	_ =	shalt  }
0x73: {  	_ =	shalt  }
0x74: {  	_ =	shalt  }
0x75: {  	_ =	shalt  }
0x76: {  	_ =	shalt  }
0x77: {  	_ =	shalt  }
0x78: {  	_ =	shalt  }
0x79: {  	_ =	shalt  }
0x7a: {  	_ =	shalt  }
0x7b: {  	_ =	shalt  }
0x7c: {  	_ =	shalt  }
0x7d: {  	_ =	shalt  }
0x7e: {  	_ =	shalt  }
0x7f: {  	_ =	shalt  }
0x80: {  	_ =	shalt  }
0x81: {  	_ =	shalt  }
0x82: {  	_ =	shalt  }
0x83: {  	_ =	shalt  }
0x84: {  	_ =	shalt  }
0x85: {  	_ =	shalt  }
0x86: {  	_ =	shalt  }
0x87: {  	_ =	shalt  }
.Lfunc_end0:
.L_simem_size_0:
called_computation.2_lowered:
.L_overlay_start_0:
0x88: {  	s2 =	sld [smem:$0x3FD9]  }
0x89: {  	s3 =	sld [smem:$0x3FFE];
	_ =	sdelay $0x1  }
0x8a: {  	s1 =	srdreg.scid  }
0x8b: {  	s0 =	sand.u32 $0x1, s1  }
0x8c: {  	s17 =	sshll.u32 s0, $0xA;
	s2 =	sadd.s32 s3, s2  }
0x8d: {  	s2 =	sadd.s32 s2, s17  }
0x8e: {  	[smem:$0x3FBF] =	sst s2  }
0x8f: {  	_ = 	snop  }
0x90: {  	s2 =	sld [smem:$0x3FD0];
	(tm) =	ssettm $0x1  }
0x91: {  	s18 =	sld [smem:$0x3FFB];
	_ =	sdelay $0x3  }
0x92: {  	_ =	strace s18  }
0x93: {  	s3 =	sld [smem:$0x3FFC];
	_ =	sdelay $0x3  }
0x94: {  	_ =	strace s3  }
0x95: {  	s3 =	sld [smem:$0x3FFD];
	_ =	sdelay $0x3  }
0x96: {  	_ =	strace s3  }
0x97: {  	_ =	strace $0x8FFFFFFF  }
0x98: {  	s19 =	sld [smem:$0x3FDB];
	_ =	sdelay $0x1  }
0x99: {  	s4 =	simm.s32 $_scs_section_size  }
0x9a: {  	s5 =	simm.s32 $_size__tile_overlayer_lowered;
	s6 =	simm.s32 $_tile_overlayer_lowered  }
0x9b: {  	s22 =	simm.s32 $0x1BFF;
	s21 =	sshll.u32 s6, $0x1;
	s3 =	sadd.s32 s4, s19  }
0x9c: {  	s7 =	simm.s32 $0x0;
	s20 =	sshll.u32 s5, $0x1;
	s5 =	sadd.s32 s21, s3  }
0x9d: {  	[timem:s7], [sflag:s22] =	dma.local [hbm:s5], s20  }
0x9e: {  	_ =	swait.ge [sflag:s22], s20  }
0x9f: {  	s4 =	ssub.s32 $0x0, s20;
	[sflag:s22] =	ssyncset.done $0x0  }
0xa0: {  	[sflag:s22] =	ssyncadd.s32 s4;
	_ =	sdelay $0x1  }
0xa1: {  	s23 =	simm.s32 $0x1B8B  }
0xa2: {  	_ =	swait.ge [sflag:s23], $0x1  }
0xa3: {  	[sflag:s23] =	ssyncset.done $0x0  }
0xa4: {  	s25 =	simm.s32 $0x1B8E;
	s24 =	sld [smem:$0x3FFE];
	[sflag:s23] =	ssyncadd.s32 $0xFFFFFFFF  }
0xa5: {  	s26 =	simm.s32 $execute0_lowered;
	[smem:$0x3FD2] =	sst s25  }
0xa6: {  	s5 =	sshll.u32 s26, $0x1;
	_ =	strace $0x8000004C;
	[dreg:$0x1] =	wrdreg $0xFFFFFFFF  }
0xa7: {  	s28 =	simm.s32 $_size_execute0_lowered;
	s3 =	sadd.s32 s3, s5;
	[dreg:$0x0] =	wrdreg $0x0  }
0xa8: {  	s5 =	sshll.u32 s28, $0x1;
	[dreg:$0x2] =	wrdreg s3  }
0xa9: {  	[dreg:$0x3] =	wrdreg s5  }
0xaa: {  	[dreg:$0x4] =	wrdreg $0xC0  }
0xab: {  	_ =	task [dreg:s7], $0x5FFFF  }
0xac: {  	[dreg:$0x1] =	wrdreg $0xFFFFFFFF  }
0xad: {  	[dreg:$0x0] =	wrdreg $0x60  }
0xae: {  	[dreg:$0x2] =	wrdreg s24  }
0xaf: {  	[dreg:$0x3] =	wrdreg s2  }
0xb0: {  	[dreg:$0x4] =	wrdreg $0x0  }
0xb1: {  	[dreg:$0x5] =	wrdreg $0x9  }
0xb2: {  	_ =	task.clear_ibuf [dreg:s7], $0x6FFFF;
	_ =	strace $0x9000004C  }
0xb3: {  	s29 =	simm.s32 $0x9;
	_ =	strace $0x8000004E  }
0xb4: {  	_ =	swait.ge [sflag:s29], $0x1  }
0xb5: {  	[sflag:s29] =	ssyncadd.s32 $0xFFFFFFFF  }
0xb6: {  	_ =	strace $0x9000004E  }
0xb7: {  	_ =	sfence  }
0xb8: {  	s30 =	sld [smem:$0x0];
	_ =	sdelay $0x2  }
0xb9: {  	s31 =	sshll.u32 s1, $0xD;
	s1 =	sshrl.u32 s1, $0x2  }
0xba: {  	s3 =	sand.u32 $0x4000, s31;
	s1 =	sadd.s32 s1, s30  }
0xbb: {  	s0 =	sor.u32 s3, s0;
	s1 =	sshll.u32 s1, $0x11  }
0xbc: {  	s0 =	sor.u32 s1, s0  }
0xbd: {  	s0 =	sadd.s32 $0x8F2B, s0  }
0xbe: {  	[sflag:s0] =	ssyncadd.remote.s32 $0x1  }
0xbf: {  	_ =	sfence.sel $0xFFFF  }
0xc0: {  	[dreg:$0x0] =	wrdreg $0xFFFFFFFF;
	(pc) =	sbr.abs _section_cstart, $3  }
0xc1: {  	[dreg:$0x1] =	wrdreg $0xFFFFFFFF  }
0xc2: {  	_ =	task.clear_ibuf [dreg:s7], $0x2FFFF;
	_ =	strace $0x9FFFFFFF  }
0xc3: {  	(tm) =	ssettm $0x7FFFFFFF  }
tec
execute0_lowered:
.L_overlay_start_1:
0x0: {  	(tag) =	ssettag $0x1  }
0x1: {  	s0 =	rddreg [dreg:$0x0]  }
0x2: {  	s29 =	rddreg [dreg:$0x1]  }
0x3: {  	s3 =	rddreg [dreg:$0x2];
	s4 =	simm.s32 $0x0  }
0x4: {  	s1 =	srdreg.scid;
	s11 =	stileid.u32;
	s28 =	simm.s32 $0xD  }
0x5: {  	s30 =	simm.s32 $0x13980;
	[smem:$0x7FF] =	sst s4;
	s2 =	smul.u32 $0x4E000, s11  }
0x6: {  	s1 =	sand.u32 $0x1, s1;
	s5 =	sadd.s32 $0x16C00, s0;
	s7 =	smul.u32 $0x270, s11  }
0x7: {  	s31 =	sadd.s32 $0xCE00, s0;
	s0 =	sadd.s32 $0x64E00, s0;
	s13 =	smul.u32 $0x2710, s11  }
0x8: {  	s15 =	sshll.u32 s11, $0x6;
	s17 =	sadd.s32 $0x138000, s3;
	s6 =	smul.u32 $0x2710, s1  }
0x9: {  	p0 =	sne.s32 s11, $0xF;
	s11 =	simm.s32 $0x2;
	s9 =	smul.u32 $0x138800, s1  }
0xa: {  	_ =	strace $0x8000004D;
	s8 =	ssub.s32 $0x2, s1;
	s1 =	smul.u32 $0x27100, s1  }
0xb: {  	s26 =	sor.u32 $0x1C0D, s15;
	[dreg:$0xd] =	wrdreg s17;
	s10 =	sshrl.u32 s8, $0x1  }
0xc: {  	s2 =	sshrl.u32 s2, $0x2;
	[dreg:$0xc] =	wrdreg s26;
	s6 =	sadd.s32 s7, s6  }
0xd: {  	s8 =	ssub.s32 s8, s10;
	s2 =	sadd.s32 s2, s3;
	s9 =	sshrl.u32 s9, $0x3  }
0xe: {  	s1 =	sadd.s32 s13, s1;
	s6 =	sshll.u32 s6, $0x4;
	[dreg:$0xa] =	wrdreg s2  }
0xf: {  	s16 =	sadd.s32 $0x27000, s9;
	s7 =	sshrl.u32 s1, $0x3;
	s14 =	sadd.s32 s5, s6  }
0x10: {  	s24 =	sadd.s32 $0x2A0, s1;
	s18 =	sadd.s32 s5, s16;
	[dreg:$0xb] =	wrdreg s14  }
0x11: {  	s15 =	sadd.s32 $0x1E0, s1;
	s20 =	sadd.s32 s29, s7;
	[dreg:$0xe] =	wrdreg s18  }
0x12: {  	s19 =	sadd.s32 $0xC, s7;
	s21 =	sadd.s32 s31, s7;
	[dreg:$0xf] =	wrdreg s20  }
0x13: {  	s23 =	sadd.s32 $0x18, s7;
	s6 =	sadd.s32 s0, s6;
	[dreg:$0x10] =	wrdreg s21  }
0x14: {  	s25 =	sshrl.u32 s24, $0x3;
	s0 =	sadd.s32 s0, s16;
	[dreg:$0x14] =	wrdreg s6  }
0x15: {  	s17 =	sshrl.u32 s15, $0x3;
	s24 =	smax.u32 s8, $0x1;
	[dreg:$0x15] =	wrdreg s0  }
0x16: {  	s8 =	simm.s32 $0x13A80;
	s22 =	sadd.s32 s29, s19;
	[dreg:$0x1b] =	wrdreg s24  }
0x17: {  	s9 =	sadd.s32 s31, s19;
	s12 =	sadd.s32 s29, s23;
	[dreg:$0x11] =	wrdreg s22  }
0x18: {  	s10 =	sadd.s32 s25, s31;
	s13 =	sadd.s32 s25, s29;
	[dreg:$0x12] =	wrdreg s9  }
0x19: {  	s18 =	sadd.s32 $0x24, s7;
	s19 =	sadd.s32 s17, s31;
	[dreg:$0x13] =	wrdreg s12  }
0x1a: {  	s25 =	sadd.s32 $0x180, s1;
	s24 =	simm.s32 $0x8;
	[dreg:$0x4] =	wrdreg s10  }
0x1b: {  	s12 =	sadd.s32 $0x240, s1;
	[dreg:$0x5] =	wrdreg s13;
	s9 =	sadd.s32 s31, s23  }
0x1c: {  	[dreg:$0x8] =	wrdreg s19;
	s20 =	sadd.s32 s29, s18;
	s21 =	sadd.s32 s31, s18  }
0x1d: {  	s22 =	sadd.s32 $0x4E0, s7;
	[dreg:$0x1c] =	wrdreg s25;
	s7 =	simm.s32 $0x13880  }
0x1e: {  	s10 =	simm.s32 $0x13900;
	s19 =	simm.s32 $0x6;
	[dreg:$0x16] =	wrdreg s9  }
0x1f: {  	s25 =	simm.s32 $0xB;
	s2 =	sshrl.u32 s12, $0x3;
	[dreg:$0x17] =	wrdreg s20  }
0x20: {  	[dreg:$0x18] =	wrdreg s21;
	s23 =	sadd.s32 s31, s22;
	s0 =	sadd.s32 s29, s22  }
0x21: {  	s20 =	simm.s32 $0x4;
	s9 =	simm.s32 $0xC;
	[dreg:$0x19] =	wrdreg s23  }
0x22: {  	s12 =	simm.s32 $0x0;
	s14 =	sadd.s32 s2, s31;
	[dreg:$0x1a] =	wrdreg s0  }
0x23: {  	s16 =	sadd.s32 s2, s29;
	s2 =	sadd.s32 s17, s29;
	[dreg:$0x6] =	wrdreg s14  }
0x24: {  	s0 =	simm.s32 $0x1;
	s23 =	simm.s32 $0xA;
	[dreg:$0x7] =	wrdreg s16  }
0x25: {  	[dreg:$0x9] =	wrdreg s2;
	s2 =	simm.s32 $0x60;
	s16 =	simm.s32 $0x3  }
.LBB2_1:
0x26: {  	[dreg:$0x1d] =	wrdreg s12  }
0x27: {  	s1 =	rddreg [dreg:$0xa]  }
0x28: {  	s14 =	rddreg [dreg:$0xb];
	s6 =	sshrl.u32 s1, $0x3  }
0x29: {  	[dreg:$0x1e] =	wrdreg s6  }
0x2a: {  	[spmem:s6], [sflag:s26] =	dma.local [hbm:s14], $0x2700  }
0x2b: {  	_ =	swait.ge [sflag:s28], $0x2700  }
0x2c: {  	s1 =	rddreg [dreg:$0xd]  }
0x2d: {  	[sflag:s28] =	ssyncset.done $0x0;
	s6 =	sshrl.u32 @!p0 s1, $0x3;
	s1 =	rddreg [dreg:$0xe]  }
0x2e: {  	[sflag:s28] =	ssyncadd.s32 $0xFFFFD900;
	[dreg:$0x1f] =	wrdreg s6  }
0x2f: {  	[spmem:s6], [sflag:s26] =	dma.local @!p0 [hbm:s1], $0x100  }
0x30: {  	s1 =	simm.s32 @!p0 $0xD  }
0x31: {  	_ =	swait.ge @!p0 [sflag:s1], $0x100  }
0x32: {  	[sflag:s1] =	ssyncset.done @!p0 $0x0  }
0x33: {  	[sflag:s1] =	ssyncadd.s32 @!p0 $0xFFFFFF00  }
0x34: {  	[bflag:$0x0] =	sbarrier.arrive $0xFFFF  }
0x35: {  	s15 =	rddreg [dreg:$0xf]  }
0x36: {  	[tilespmem:s7], [sflag:$0x1] =	stream.linear.gather [hbm4b:s15+s4], $0x60, $0x38;
	[tilespmem:$0x1FD80] =	vst v63  }
0x37: {  	s17 =	rddreg [dreg:$0x10]  }
0x38: {  	[tilespmem:s8], [sflag:$0x1] =	stream.linear.gather [hbm4b:s17+s4], $0x60, $0x38;
	[tilespmem:$0x1FD80] =	vst v63  }
0x39: {  	s18 =	rddreg [dreg:$0x11]  }
0x3a: {  	[tilespmem:s10], [sflag:$0x2] =	stream.linear.gather [hbm4b:s18+s4], $0x60, $0x38;
	[tilespmem:$0x1FD80] =	vst v63  }
0x3b: {  	s13 =	simm.s32 $0x13B00;
	s21 =	rddreg [dreg:$0x12]  }
0x3c: {  	[tilespmem:s13], [sflag:$0x2] =	stream.linear.gather [hbm4b:s21+s4], $0x60, $0x38;
	[tilespmem:$0x1FD80] =	vst v63  }
0x3d: {  	_ =	swait.ge [sflag:s0], $0x60  }
0x3e: {  	[sflag:s0] =	ssyncset.done $0x0  }
0x3f: {  	[sflag:s0] =	ssyncadd.s32 $0xFFFFFFA0  }
0x40: {  	_ =	swait.ge [sflag:s0], $0x60  }
0x41: {  	[sflag:s0] =	ssyncset.done $0x0  }
0x42: {  	s14 =	simm.s32 $0x13C80;
	[sflag:s0] =	ssyncadd.s32 $0xFFFFFFA0  }
0x43: {  	[tilespmem:s14], [sflag:$0x5] =	stream.indirect.gather [hbm4b:s5+s2], $0x80, s7, s2, $0xb8;
	[tilespmem:$0x1FD80] =	vst v63  }
0x44: {  	s22 =	rddreg [dreg:$0x13]  }
0x45: {  	[tilespmem:s30], [sflag:$0x3] =	stream.linear.gather [hbm4b:s22+s4], $0x60, $0x38;
	[tilespmem:$0x1FD80] =	vst v63  }
0x46: {  	s15 =	simm.s32 $0x13B80;
	s26 =	rddreg [dreg:$0x16]  }
0x47: {  	[tilespmem:s15], [sflag:$0x3] =	stream.linear.gather [hbm4b:s26+s4], $0x60, $0x38;
	[tilespmem:$0x1FD80] =	vst v63  }
0x48: {  	_ =	swait.ge [sflag:s11], $0x60  }
0x49: {  	[sflag:s11] =	ssyncset.done $0x0  }
0x4a: {  	[sflag:s11] =	ssyncadd.s32 $0xFFFFFFA0  }
0x4b: {  	_ =	swait.ge [sflag:s11], $0x60  }
0x4c: {  	[sflag:s11] =	ssyncset.done $0x0  }
0x4d: {  	s17 =	simm.s32 $0x16C80;
	s21 =	simm.s32 $0x5;
	[sflag:s11] =	ssyncadd.s32 $0xFFFFFFA0  }
0x4e: {  	[tilespmem:s17], [sflag:$0x6] =	stream.indirect.gather [hbm4b:s5+s2], $0x80, s10, s2, $0xb8;
	[tilespmem:$0x1FD80] =	vst v63  }
0x4f: {  	_ =	swait.ge [sflag:s21], $0x3000  }
0x50: {  	[sflag:s21] =	ssyncset.done $0x0  }
0x51: {  	[sflag:s21] =	ssyncadd.s32 $0xFFFFD000  }
0x52: {  	[spmem:s3] =	stream.indirect.scatter.add.f32 [tilespmem:s14], [sflag:$0x9], $0x80, s8, s2, $0xb8;
	[tilespmem:$0x1FD80] =	vst v63  }
0x53: {  	s18 =	simm.s32 $0x13A00;
	s28 =	rddreg [dreg:$0x17]  }
0x54: {  	[tilespmem:s18], [sflag:$0x4] =	stream.linear.gather [hbm4b:s28+s4], $0x60, $0x38;
	[tilespmem:$0x1FD80] =	vst v63  }
0x55: {  	s26 =	simm.s32 $0x13C00;
	s6 =	rddreg [dreg:$0x18]  }
0x56: {  	[tilespmem:s26], [sflag:$0x4] =	stream.linear.gather [hbm4b:s6+s4], $0x60, $0x38;
	[tilespmem:$0x1FD80] =	vst v63  }
0x57: {  	_ =	swait.ge [sflag:s16], $0x60  }
0x58: {  	[sflag:s16] =	ssyncset.done $0x0  }
0x59: {  	[sflag:s16] =	ssyncadd.s32 $0xFFFFFFA0  }
0x5a: {  	_ =	swait.ge [sflag:s16], $0x60  }
0x5b: {  	[sflag:s16] =	ssyncset.done $0x0  }
0x5c: {  	s22 =	simm.s32 $0x19C80;
	[sflag:s16] =	ssyncadd.s32 $0xFFFFFFA0  }
0x5d: {  	[tilespmem:s22], [sflag:$0x7] =	stream.indirect.gather [hbm4b:s5+s2], $0x80, s30, s2, $0xb8;
	[tilespmem:$0x1FD80] =	vst v63  }
0x5e: {  	_ =	swait.ge [sflag:s19], $0x3000  }
0x5f: {  	[sflag:s19] =	ssyncset.done $0x0  }
0x60: {  	s12 =	simm.s32 $0x9;
	[sflag:s19] =	ssyncadd.s32 $0xFFFFD000  }
0x61: {  	[spmem:s3] =	stream.indirect.scatter.add.f32 [tilespmem:s17], [sflag:$0xA], $0x80, s13, s2, $0xb8;
	[tilespmem:$0x1FD80] =	vst v63  }
0x62: {  	_ =	swait.ge [sflag:s12], $0x3000  }
0x63: {  	s28 =	rddreg [dreg:$0x1c]  }
0x64: {  	[sflag:s12] =	ssyncset.done $0x0;
	s1 =	sshrl.u32 s28, $0x3  }
0x65: {  	[sflag:s12] =	ssyncadd.s32 $0xFFFFD000;
	s12 =	sadd.s32 s29, s1  }
0x66: {  	[tilespmem:s7], [sflag:$0x1] =	stream.linear.gather [hbm4b:s12+s4], $0x60, $0x38;
	[tilespmem:$0x1FD80] =	vst v63  }
0x67: {  	s1 =	sadd.s32 s31, s1  }
0x68: {  	[tilespmem:s8], [sflag:$0x1] =	stream.linear.gather [hbm4b:s1+s4], $0x60, $0x38;
	[tilespmem:$0x1FD80] =	vst v63  }
0x69: {  	_ =	swait.ge [sflag:s20], $0x60  }
0x6a: {  	[sflag:s20] =	ssyncset.done $0x0  }
0x6b: {  	[sflag:s20] =	ssyncadd.s32 $0xFFFFFFA0  }
0x6c: {  	_ =	swait.ge [sflag:s20], $0x60  }
0x6d: {  	[sflag:s20] =	ssyncset.done $0x0  }
0x6e: {  	s6 =	simm.s32 $0x7;
	s12 =	simm.s32 $0x1CC80;
	[sflag:s20] =	ssyncadd.s32 $0xFFFFFFA0  }
0x6f: {  	[tilespmem:s12], [sflag:$0x8] =	stream.indirect.gather [hbm4b:s5+s2], $0x80, s18, s2, $0xb8;
	[tilespmem:$0x1FD80] =	vst v63  }
0x70: {  	_ =	swait.ge [sflag:s6], $0x3000  }
0x71: {  	[sflag:s6] =	ssyncset.done $0x0  }
0x72: {  	[sflag:s6] =	ssyncadd.s32 $0xFFFFD000  }
0x73: {  	[spmem:s3] =	stream.indirect.scatter.add.f32 [tilespmem:s22], [sflag:$0xB], $0x80, s15, s2, $0xb8;
	[tilespmem:$0x1FD80] =	vst v63  }
0x74: {  	_ =	swait.ge [sflag:s23], $0x3000  }
0x75: {  	s1 =	rddreg [dreg:$0x9];
	[sflag:s23] =	ssyncset.done $0x0  }
0x76: {  	s6 =	rddreg [dreg:$0x8];
	[sflag:s23] =	ssyncadd.s32 $0xFFFFD000;
	s1 =	sadd.s32 $0x0, s1  }
0x77: {  	[tilespmem:s10], [sflag:$0x2] =	stream.linear.gather [hbm4b:s1+s4], $0x60, $0x38;
	[tilespmem:$0x1FD80] =	vst v63  }
0x78: {  	s6 =	sadd.s32 $0x0, s6  }
0x79: {  	[tilespmem:s13], [sflag:$0x2] =	stream.linear.gather [hbm4b:s6+s4], $0x60, $0x38;
	[tilespmem:$0x1FD80] =	vst v63  }
0x7a: {  	_ =	swait.ge [sflag:s0], $0x60  }
0x7b: {  	[sflag:s0] =	ssyncset.done $0x0  }
0x7c: {  	[sflag:s0] =	ssyncadd.s32 $0xFFFFFFA0  }
0x7d: {  	_ =	swait.ge [sflag:s0], $0x60  }
0x7e: {  	[sflag:s0] =	ssyncset.done $0x0  }
0x7f: {  	[sflag:s0] =	ssyncadd.s32 $0xFFFFFFA0  }
0x80: {  	[tilespmem:s14], [sflag:$0x5] =	stream.indirect.gather [hbm4b:s5+s2], $0x80, s7, s2, $0xb8;
	[tilespmem:$0x1FD80] =	vst v63  }
0x81: {  	_ =	swait.ge [sflag:s24], $0x3000  }
0x82: {  	[sflag:s24] =	ssyncset.done $0x0  }
0x83: {  	[sflag:s24] =	ssyncadd.s32 $0xFFFFD000  }
0x84: {  	[spmem:s3] =	stream.indirect.scatter.add.f32 [tilespmem:s12], [sflag:$0xC], $0x80, s26, s2, $0xb8;
	[tilespmem:$0x1FD80] =	vst v63  }
0x85: {  	_ =	swait.ge [sflag:s25], $0x3000  }
0x86: {  	s7 =	rddreg [dreg:$0x7];
	[sflag:s25] =	ssyncset.done $0x0  }
0x87: {  	s12 =	rddreg [dreg:$0x6];
	[sflag:s25] =	ssyncadd.s32 $0xFFFFD000;
	s1 =	sadd.s32 $0x0, s7  }
0x88: {  	[tilespmem:s30], [sflag:$0x3] =	stream.linear.gather [hbm4b:s1+s4], $0x60, $0x38;
	[tilespmem:$0x1FD80] =	vst v63  }
0x89: {  	s13 =	sadd.s32 $0x0, s12  }
0x8a: {  	[tilespmem:s15], [sflag:$0x3] =	stream.linear.gather [hbm4b:s13+s4], $0x60, $0x38;
	[tilespmem:$0x1FD80] =	vst v63  }
0x8b: {  	_ =	swait.ge [sflag:s11], $0x60  }
0x8c: {  	[sflag:s11] =	ssyncset.done $0x0  }
0x8d: {  	[sflag:s11] =	ssyncadd.s32 $0xFFFFFFA0  }
0x8e: {  	_ =	swait.ge [sflag:s11], $0x60  }
0x8f: {  	[sflag:s11] =	ssyncset.done $0x0  }
0x90: {  	[sflag:s11] =	ssyncadd.s32 $0xFFFFFFA0  }
0x91: {  	[tilespmem:s17], [sflag:$0x6] =	stream.indirect.gather [hbm4b:s5+s2], $0x80, s10, s2, $0xb8;
	[tilespmem:$0x1FD80] =	vst v63  }
0x92: {  	_ =	swait.ge [sflag:s21], $0x3000  }
0x93: {  	[sflag:s21] =	ssyncset.done $0x0  }
0x94: {  	[sflag:s21] =	ssyncadd.s32 $0xFFFFD000  }
0x95: {  	[spmem:s3] =	stream.indirect.scatter.add.f32 [tilespmem:s14], [sflag:$0x9], $0x80, s8, s2, $0xb8;
	[tilespmem:$0x1FD80] =	vst v63  }
0x96: {  	_ =	swait.ge [sflag:s9], $0x3000  }
0x97: {  	s15 =	rddreg [dreg:$0x5];
	[sflag:s9] =	ssyncset.done $0x0  }
0x98: {  	s17 =	rddreg [dreg:$0x4];
	[sflag:s9] =	ssyncadd.s32 $0xFFFFD000;
	s1 =	sadd.s32 $0x0, s15  }
0x99: {  	[tilespmem:s18], [sflag:$0x4] =	stream.linear.gather [hbm4b:s1+s4], $0x60, $0x38;
	[tilespmem:$0x1FD80] =	vst v63  }
0x9a: {  	s21 =	sadd.s32 $0x0, s17  }
0x9b: {  	[tilespmem:s26], [sflag:$0x4] =	stream.linear.gather [hbm4b:s21+s4], $0x60, $0x38;
	[tilespmem:$0x1FD80] =	vst v63  }
0x9c: {  	_ =	swait.ge [sflag:s16], $0x60  }
0x9d: {  	[sflag:s16] =	ssyncset.done $0x0  }
0x9e: {  	[sflag:s16] =	ssyncadd.s32 $0xFFFFFFA0  }
0x9f: {  	_ =	swait.ge [sflag:s16], $0x60  }
0xa0: {  	[sflag:s16] =	ssyncset.done $0x0  }
0xa1: {  	[sflag:s16] =	ssyncadd.s32 $0xFFFFFFA0  }
0xa2: {  	[tilespmem:s22], [sflag:$0x7] =	stream.indirect.gather [hbm4b:s5+s2], $0x80, s30, s2, $0xb8;
	[tilespmem:$0x1FD80] =	vst v63  }
0xa3: {  	s7 =	simm.s32 $0x13880;
	_ =	swait.ge [sflag:s19], $0x3000  }
0xa4: {  	s10 =	simm.s32 $0x13900;
	s8 =	simm.s32 $0x13A80;
	[sflag:s19] =	ssyncset.done $0x0  }
0xa5: {  	s1 =	sadd.s32 $0x180, s28;
	s26 =	simm.s32 $0x30;
	[sflag:s19] =	ssyncadd.s32 $0xFFFFD000  }
.LBB2_2:
0xa6: {  	s14 =	simm.s32 $0x13B00;
	s21 =	simm.s32 $0x16C80;
	s12 =	simm.s32 $0x9  }
0xa7: {  	[spmem:s3] =	stream.indirect.scatter.add.f32 [tilespmem:s21], [sflag:$0xA], $0x80, s14, s2, $0xb8;
	[tilespmem:$0x1FD80] =	vst v63  }
0xa8: {  	_ =	swait.ge [sflag:s12], $0x3000  }
0xa9: {  	s28 =	sshrl.u32 s1, $0x3;
	[sflag:s12] =	ssyncset.done $0x0  }
0xaa: {  	s30 =	smov.u32 s29;
	s29 =	sadd.s32 s29, s28;
	[sflag:s12] =	ssyncadd.s32 $0xFFFFD000  }
0xab: {  	[tilespmem:s7], [sflag:$0x1] =	stream.linear.gather [hbm4b:s29+s4], $0x60, $0x38;
	[tilespmem:$0x1FD80] =	vst v63  }
0xac: {  	s28 =	sadd.s32 s31, s28  }
0xad: {  	[tilespmem:s8], [sflag:$0x1] =	stream.linear.gather [hbm4b:s28+s4], $0x60, $0x38;
	[tilespmem:$0x1FD80] =	vst v63  }
0xae: {  	_ =	swait.ge [sflag:s20], $0x60  }
0xaf: {  	[sflag:s20] =	ssyncset.done $0x0  }
0xb0: {  	[sflag:s20] =	ssyncadd.s32 $0xFFFFFFA0  }
0xb1: {  	_ =	swait.ge [sflag:s20], $0x60  }
0xb2: {  	s13 =	simm.s32 $0x13A00;
	[sflag:s20] =	ssyncset.done $0x0  }
0xb3: {  	s22 =	simm.s32 $0x1CC80;
	s28 =	simm.s32 $0x7;
	[sflag:s20] =	ssyncadd.s32 $0xFFFFFFA0  }
0xb4: {  	[tilespmem:s22], [sflag:$0x8] =	stream.indirect.gather [hbm4b:s5+s2], $0x80, s13, s2, $0xb8;
	[tilespmem:$0x1FD80] =	vst v63  }
0xb5: {  	_ =	swait.ge [sflag:s28], $0x3000  }
0xb6: {  	[sflag:s28] =	ssyncset.done $0x0  }
0xb7: {  	s17 =	simm.s32 $0x13B80;
	s19 =	simm.s32 $0x19C80;
	[sflag:s28] =	ssyncadd.s32 $0xFFFFD000  }
0xb8: {  	[spmem:s3] =	stream.indirect.scatter.add.f32 [tilespmem:s19], [sflag:$0xB], $0x80, s17, s2, $0xb8;
	[tilespmem:$0x1FD80] =	vst v63  }
0xb9: {  	_ =	swait.ge [sflag:s23], $0x3000  }
0xba: {  	s6 =	smov.u32 s26;
	s12 =	rddreg [dreg:$0x9];
	[sflag:s23] =	ssyncset.done $0x0  }
0xbb: {  	s29 =	rddreg [dreg:$0x8];
	[sflag:s23] =	ssyncadd.s32 $0xFFFFD000;
	s28 =	sadd.s32 s6, s12  }
0xbc: {  	[tilespmem:s10], [sflag:$0x2] =	stream.linear.gather [hbm4b:s28+s4], $0x60, $0x38;
	[tilespmem:$0x1FD80] =	vst v63  }
0xbd: {  	s18 =	sadd.s32 s6, s29  }
0xbe: {  	[tilespmem:s14], [sflag:$0x2] =	stream.linear.gather [hbm4b:s18+s4], $0x60, $0x38;
	[tilespmem:$0x1FD80] =	vst v63  }
0xbf: {  	_ =	swait.ge [sflag:s0], $0x60  }
0xc0: {  	[sflag:s0] =	ssyncset.done $0x0  }
0xc1: {  	[sflag:s0] =	ssyncadd.s32 $0xFFFFFFA0  }
0xc2: {  	_ =	swait.ge [sflag:s0], $0x60  }
0xc3: {  	[sflag:s0] =	ssyncset.done $0x0  }
0xc4: {  	s14 =	simm.s32 $0x13C80;
	[sflag:s0] =	ssyncadd.s32 $0xFFFFFFA0  }
0xc5: {  	[tilespmem:s14], [sflag:$0x5] =	stream.indirect.gather [hbm4b:s5+s2], $0x80, s7, s2, $0xb8;
	[tilespmem:$0x1FD80] =	vst v63  }
0xc6: {  	_ =	swait.ge [sflag:s24], $0x3000  }
0xc7: {  	[sflag:s24] =	ssyncset.done $0x0  }
0xc8: {  	s18 =	simm.s32 $0x13C00;
	[sflag:s24] =	ssyncadd.s32 $0xFFFFD000  }
0xc9: {  	[spmem:s3] =	stream.indirect.scatter.add.f32 [tilespmem:s22], [sflag:$0xC], $0x80, s18, s2, $0xb8;
	[tilespmem:$0x1FD80] =	vst v63  }
0xca: {  	_ =	swait.ge [sflag:s25], $0x3000  }
0xcb: {  	s15 =	simm.s32 $0x13980;
	s22 =	rddreg [dreg:$0x7];
	[sflag:s25] =	ssyncset.done $0x0  }
0xcc: {  	s29 =	rddreg [dreg:$0x6];
	[sflag:s25] =	ssyncadd.s32 $0xFFFFD000;
	s28 =	sadd.s32 s6, s22  }
0xcd: {  	[tilespmem:s15], [sflag:$0x3] =	stream.linear.gather [hbm4b:s28+s4], $0x60, $0x38;
	[tilespmem:$0x1FD80] =	vst v63  }
0xce: {  	s22 =	sadd.s32 s6, s29  }
0xcf: {  	[tilespmem:s17], [sflag:$0x3] =	stream.linear.gather [hbm4b:s22+s4], $0x60, $0x38;
	[tilespmem:$0x1FD80] =	vst v63  }
0xd0: {  	_ =	swait.ge [sflag:s11], $0x60  }
0xd1: {  	[sflag:s11] =	ssyncset.done $0x0  }
0xd2: {  	[sflag:s11] =	ssyncadd.s32 $0xFFFFFFA0  }
0xd3: {  	_ =	swait.ge [sflag:s11], $0x60  }
0xd4: {  	[sflag:s11] =	ssyncset.done $0x0  }
0xd5: {  	s28 =	simm.s32 $0x5;
	[sflag:s11] =	ssyncadd.s32 $0xFFFFFFA0  }
0xd6: {  	[tilespmem:s21], [sflag:$0x6] =	stream.indirect.gather [hbm4b:s5+s2], $0x80, s10, s2, $0xb8;
	[tilespmem:$0x1FD80] =	vst v63  }
0xd7: {  	_ =	swait.ge [sflag:s28], $0x3000  }
0xd8: {  	[sflag:s28] =	ssyncset.done $0x0  }
0xd9: {  	[sflag:s28] =	ssyncadd.s32 $0xFFFFD000  }
0xda: {  	[spmem:s3] =	stream.indirect.scatter.add.f32 [tilespmem:s14], [sflag:$0x9], $0x80, s8, s2, $0xb8;
	[tilespmem:$0x1FD80] =	vst v63  }
0xdb: {  	_ =	swait.ge [sflag:s9], $0x3000  }
0xdc: {  	s22 =	rddreg [dreg:$0x5];
	[sflag:s9] =	ssyncset.done $0x0  }
0xdd: {  	s29 =	rddreg [dreg:$0x4];
	[sflag:s9] =	ssyncadd.s32 $0xFFFFD000;
	s28 =	sadd.s32 s6, s22  }
0xde: {  	[tilespmem:s13], [sflag:$0x4] =	stream.linear.gather [hbm4b:s28+s4], $0x60, $0x38;
	[tilespmem:$0x1FD80] =	vst v63  }
0xdf: {  	s6 =	sadd.s32 s6, s29  }
0xe0: {  	[tilespmem:s18], [sflag:$0x4] =	stream.linear.gather [hbm4b:s6+s4], $0x60, $0x38;
	[tilespmem:$0x1FD80] =	vst v63  }
0xe1: {  	_ =	swait.ge [sflag:s16], $0x60  }
0xe2: {  	[sflag:s16] =	ssyncset.done $0x0  }
0xe3: {  	[sflag:s16] =	ssyncadd.s32 $0xFFFFFFA0  }
0xe4: {  	_ =	swait.ge [sflag:s16], $0x60  }
0xe5: {  	p1 =	sne.s32 s26, $0x480;
	[sflag:s16] =	ssyncset.done $0x0  }
0xe6: {  	s29 =	smov.u32 s30;
	s30 =	simm.s32 $0x13980;
	[sflag:s16] =	ssyncadd.s32 $0xFFFFFFA0  }
0xe7: {  	[tilespmem:s19], [sflag:$0x7] =	stream.indirect.gather [hbm4b:s5+s2], $0x80, s30, s2, $0xb8;
	[tilespmem:$0x1FD80] =	vst v63  }
.Ltmp0:
0xe8: {  	_ = 	snop;
	(pc) =	sbr.rel @p1 .LBB2_2-.Ltmp0, $4  }
0xe9: {  	s26 =	sadd.s32 $0x30, s26;
	s1 =	sadd.s32 $0x180, s1;
	s19 =	simm.s32 $0x6  }
0xea: {  	s12 =	simm.s32 $0x13B00;
	s15 =	simm.s32 $0x13B80;
	_ =	swait.ge [sflag:s19], $0x3000  }
0xeb: {  	s17 =	simm.s32 $0x16C80;
	s14 =	simm.s32 $0x13A00;
	[sflag:s19] =	ssyncset.done $0x0  }
0xec: {  	s13 =	simm.s32 $0x13C00;
	s6 =	simm.s32 $0x19C80;
	[sflag:s19] =	ssyncadd.s32 $0xFFFFD000  }
0xed: {  	[spmem:s3] =	stream.indirect.scatter.add.f32 [tilespmem:s17], [sflag:$0xA], $0x80, s12, s2, $0xb8;
	[tilespmem:$0x1FD80] =	vst v63  }
0xee: {  	_ =	swait.ge [sflag:s20], $0x60  }
0xef: {  	[sflag:s20] =	ssyncset.done $0x0  }
0xf0: {  	[sflag:s20] =	ssyncadd.s32 $0xFFFFFFA0  }
0xf1: {  	_ =	swait.ge [sflag:s20], $0x60  }
0xf2: {  	[sflag:s20] =	ssyncset.done $0x0  }
0xf3: {  	s1 =	simm.s32 $0x1CC80;
	s7 =	simm.s32 $0x7;
	[sflag:s20] =	ssyncadd.s32 $0xFFFFFFA0  }
0xf4: {  	[tilespmem:s1], [sflag:$0x8] =	stream.indirect.gather [hbm4b:s5+s2], $0x80, s14, s2, $0xb8;
	[tilespmem:$0x1FD80] =	vst v63  }
0xf5: {  	_ =	swait.ge [sflag:s7], $0x3000  }
0xf6: {  	[sflag:s7] =	ssyncset.done $0x0  }
0xf7: {  	[sflag:s7] =	ssyncadd.s32 $0xFFFFD000  }
0xf8: {  	[spmem:s3] =	stream.indirect.scatter.add.f32 [tilespmem:s6], [sflag:$0xB], $0x80, s15, s2, $0xb8;
	[tilespmem:$0x1FD80] =	vst v63  }
0xf9: {  	_ =	swait.ge [sflag:s24], $0x3000  }
0xfa: {  	[sflag:s24] =	ssyncset.done $0x0  }
0xfb: {  	s7 =	simm.s32 $0x9;
	[sflag:s24] =	ssyncadd.s32 $0xFFFFD000  }
0xfc: {  	[spmem:s3] =	stream.indirect.scatter.add.f32 [tilespmem:s1], [sflag:$0xC], $0x80, s13, s2, $0xb8;
	[tilespmem:$0x1FD80] =	vst v63  }
0xfd: {  	_ =	swait.ge [sflag:s7], $0x3000  }
0xfe: {  	[sflag:s7] =	ssyncset.done $0x0  }
0xff: {  	[sflag:s7] =	ssyncadd.s32 $0xFFFFD000  }
0x100: {  	_ =	swait.ge [sflag:s23], $0x3000  }
0x101: {  	[sflag:s23] =	ssyncset.done $0x0  }
0x102: {  	[sflag:s23] =	ssyncadd.s32 $0xFFFFD000  }
0x103: {  	_ =	swait.ge [sflag:s25], $0x3000  }
0x104: {  	[sflag:s25] =	ssyncset.done $0x0  }
0x105: {  	[sflag:s25] =	ssyncadd.s32 $0xFFFFD000  }
0x106: {  	_ =	swait.ge [sflag:s9], $0x3000  }
0x107: {  	s10 =	simm.s32 $0x1FD00;
	[sflag:s9] =	ssyncset.done $0x0  }
0x108: {  	s28 =	simm.s32 $0xD;
	s8 =	rddreg [dreg:$0x19];
	[sflag:s9] =	ssyncadd.s32 $0xFFFFD000  }
0x109: {  	[tilespmem:s10], [sflag:$0xD] =	stream.linear.gather [hbm4b:s8+s4], $0x10, $0x38;
	[tilespmem:$0x1FD80] =	vst v63  }
0x10a: {  	_ =	swait.ge [sflag:s28], $0x10  }
0x10b: {  	[sflag:s28] =	ssyncset.done $0x0  }
0x10c: {  	s13 =	simm.s32 $0x1FC80;
	s12 =	rddreg [dreg:$0x1a];
	[sflag:s28] =	ssyncadd.s32 $0xFFFFFFF0  }
0x10d: {  	[tilespmem:s13], [sflag:$0xD] =	stream.linear.gather [hbm4b:s12+s4], $0x10, $0x38;
	[tilespmem:$0x1FD80] =	vst v63  }
0x10e: {  	_ =	swait.ge [sflag:s28], $0x10  }
0x10f: {  	s14 =	simm.s32 $0x13C80;
	[sflag:s28] =	ssyncset.done $0x0  }
0x110: {  	s15 =	simm.s32 $0x5;
	s8 =	simm.s32 $0x10;
	[sflag:s28] =	ssyncadd.s32 $0xFFFFFFF0  }
0x111: {  	[tilespmem:s14], [sflag:$0x5] =	stream.indirect.gather [hbm4b:s5+s8], $0x80, s13, s8, $0xb8;
	[tilespmem:$0x1FD80] =	vst v63  }
0x112: {  	_ =	swait.ge [sflag:s15], $0x800  }
0x113: {  	[sflag:s15] =	ssyncset.done $0x0  }
0x114: {  	[sflag:s15] =	ssyncadd.s32 $0xFFFFF800  }
0x115: {  	[spmem:s3] =	stream.indirect.scatter.add.f32 [tilespmem:s14], [sflag:$0xD], $0x80, s10, s8, $0xb8;
	[tilespmem:$0x1FD80] =	vst v63  }
0x116: {  	_ =	swait.ge [sflag:s28], $0x800  }
0x117: {  	[sflag:s28] =	ssyncset.done $0x0  }
0x118: {  	[sflag:s28] =	ssyncadd.s32 $0xFFFFF800  }
0x119: {  	[bflag:$0x0] =	sbarrier.arrive $0xFFFF  }
0x11a: {  	s26 =	rddreg [dreg:$0xc]  }
0x11b: {  	s17 =	rddreg [dreg:$0x14]  }
0x11c: {  	s18 =	rddreg [dreg:$0x1e]  }
0x11d: {  	[hbm:s17], [sflag:s26] =	dma.local [spmem:s18], $0x2700  }
0x11e: {  	_ =	swait.ge [sflag:s28], $0x2700  }
0x11f: {  	[sflag:s28] =	ssyncset.done $0x0;
	s1 =	rddreg [dreg:$0x15]  }
0x120: {  	s6 =	rddreg [dreg:$0x1f];
	[sflag:s28] =	ssyncadd.s32 $0xFFFFD900  }
0x121: {  	[hbm:s1], [sflag:s26] =	dma.local @!p0 [spmem:s6], $0x100  }
0x122: {  	s1 =	simm.s32 @!p0 $0xD  }
0x123: {  	_ =	swait.ge @!p0 [sflag:s1], $0x100  }
0x124: {  	s21 =	rddreg [dreg:$0x1d]  }
0x125: {  	s22 =	rddreg [dreg:$0x1b];
	s12 =	sadd.s32 $0x1, s21  }
0x126: {  	p1 =	sne.s32 s12, s22  }
.Ltmp1:
0x127: {  	_ = 	snop;
	(pc) =	sbr.rel @p1 .LBB2_1-.Ltmp1, $3  }
0x128: {  	_ =	sdelay $0x1  }
0x129: {  	s7 =	simm.s32 $0x13880;
	[sflag:s1] =	ssyncset.done @!p0 $0x0  }
0x12a: {  	s8 =	simm.s32 $0x13A80;
	s10 =	simm.s32 $0x13900;
	[sflag:s1] =	ssyncadd.s32 @!p0 $0xFFFFFF00  }
0x12b: {  	_ =	sfence.sel $0x180000  }
0x12c: {  	[bflag:$0x0] =	sbarrier.arrive $0xFFFF  }
0x12d: {  	_ =	strace $0x9000004D  }
0x12e: {  	s0 =	stileid.u32;
	[bflag:$0x2] =	sbarrier.arrive $0xFFFF  }
0x12f: {  	p0 =	sne.s32 s0, $0x0;
	s0 =	rddreg [dreg:$0x3]  }
0x130: {  	s0 =	sadd.s32 @!p0 $0x100000, s0  }
0x131: {  	[sflag:s0] =	ssyncadd.tile.s32 @!p0 $0x1;
	_ =	shalt  }
.Lfunc_end2:
_tile_overlayer_lowered:
.L_overlay_start_2:
0x132: {  	(tag) =	ssettag $0x2  }
0x133: {  	s0 =	rddreg [dreg:$0x0];
	s2 =	stileid.u32  }
0x134: {  	s1 =	rddreg [dreg:$0x1];
	p0 =	sne.s32 s2, $0x0  }
0x135: {  	s3 =	rddreg [dreg:$0x2];
	[bflag:$0x3] =	sbarrier.arrive $0xFFFF;
	s2 =	simm.s32 @!p0 $0x1C0D  }
0x136: {  	[timem:s3], [sflag:s2] =	dma.local @!p0 [hbm:s0], s1  }
0x137: {  	s0 =	simm.s32 @!p0 $0xD  }
0x138: {  	_ =	swait.ge @!p0 [sflag:s0], s1  }
0x139: {  	s1 =	ssub.s32 @!p0 $0x0, s1;
	[sflag:s0] =	ssyncset.done @!p0 $0x0  }
0x13a: {  	[sflag:s0] =	ssyncadd.s32 @!p0 s1  }
0x13b: {  	[bflag:$0x3] =	sbarrier.arrive $0xFFFF  }
0x13c: {  	_ =	shalt  }

// kernel: _run.19.cloned.1.call-start
scs
__scs_entry_jumppad:
0x0: {  	(pc) =	sbr.rel $0x88, $3  }
0x1: {  	(tag) =	ssettag $0x0;
	lr =	simm.s32 $0x1  }
0x2: {  	[smem:$0x3F98] =	sst lr;
	_ =	strace $0xD0000000  }
0x3: {  	_ = 	snop  }
0x4: {  	_ = 	snop  }
0x5: {  	_ = 	snop  }
0x6: {  	_ = 	snop  }
0x7: {  	_ = 	snop  }
__scs_overlays_trampoline_lowered:
0x8: {  	[smem:$0x3FA7] =	sst s0  }
0x9: {  	[smem:$0x3FA8] =	sst s1  }
0xa: {  	[smem:$0x3FA9] =	sst s2  }
0xb: {  	[smem:$0x3FAA] =	sst s3  }
0xc: {  	[smem:$0x3FAB] =	sst s4  }
0xd: {  	[smem:$0x3FAC] =	sst s5  }
0xe: {  	[smem:$0x3FAD] =	sst s6  }
0xf: {  	[smem:$0x3FAE] =	sst s7  }
0x10: {  	[smem:$0x3FAF] =	sst s8  }
0x11: {  	[smem:$0x3FB0] =	sst s9;
	s0 =	simm.s32 @!p0 $0x0  }
0x12: {  	s1 =	sld [smem:$0x3F96];
	s0 =	simm.s32 @p0 $0x1  }
0x13: {  	[smem:$0x3FB1] =	sst s0;
	s0 =	simm.s32 @!p1 $0x0  }
0x14: {  	s2 =	sld [smem:$0x3F95];
	s0 =	simm.s32 @p1 $0x1  }
0x15: {  	[smem:$0x3FB2] =	sst s0;
	s0 =	simm.s32 @!p2 $0x0  }
0x16: {  	s3 =	sld [smem:$0x3FDB];
	s0 =	simm.s32 @p2 $0x1  }
0x17: {  	s4 =	simm.s32 $0x1BF5;
	[smem:$0x3FB4] =	sst s0  }
0x18: {  	s0 =	sld [smem:$0x3F97];
	_ =	swait.ge [sflag:s4], $0x0  }
0x19: {  	s7 =	sld [smem:$0x3F98]  }
0x1a: {  	s8 =	sadd.s32 $0xFFFFE003, lr  }
0x1b: {  	s9 =	sadd.s32 $0xFFFFFEF7, lr;
	s5 =	simm.s32 $0xFFFFFFFF;
	p2 =	slt.u32 s8, $0xFFFFF086  }
0x1c: {  	p1 =	slt.u32 s9, $0xF7A;
	s5 =	simm.s32 @!p2 $0x0  }
0x1d: {  	s5 =	simm.s32 @p1 $0x1;
	p0 =	seq.s32 s7, s2  }
0x1e: {  	s7 =	smul.u32 @!p0 $0xF7A, s2;
	p2 =	seq.s32 @!p0 s5, $0x0  }
0x1f: {  	s9 =	smul.u32 $0xF7A, s1;
	s8 =	simm.s32 @!p0 $0x1BF5;
	p2 =	por !p2, p0  }
0x20: {  	[sflag:s8] =	ssyncset.s32 @!p0 $0xFFFFF086;
	s6 =	sadd.s32 @!p0 s3, s7;
	s7 =	simm.s32 @!p0 $0x108  }
0x21: {  	s3 =	sadd.s32 s3, s9;
	s6 =	sadd.s32 @!p0 $0x88, s6;
	s7 =	simm.s32 @p2 $0x1082  }
0x22: {  	[simem:s7], [sflag:s8] =	dma.local @!p0 [hbm:s6], $0xF7A  }
0x23: {  	s9 =	sor.u32 $0xD0000000, s2;
	s6 =	simm.s32 $0x108;
	_ =	swait.ge @!p0 [sflag:s8], $0x0  }
0x24: {  	s3 =	sadd.s32 $0x88, s3;
	s6 =	simm.s32 @!p1 $0x1082;
	[sflag:s4] =	ssyncset.s32 $0xFFFFF086  }
0x25: {  	[simem:s6], [sflag:s4] =	dma.local [hbm:s3], $0xF7A  }
0x26: {  	[smem:$0x3F98] =	sst s1;
	(tag) =	ssettag s2;
	_ =	strace s9  }
0x27: {  	s1 =	sld [smem:$0x3FA8]  }
0x28: {  	s2 =	sld [smem:$0x3FA9]  }
0x29: {  	s4 =	sld [smem:$0x3FAB]  }
0x2a: {  	p0 =	seq.s32 s5, $0x0;
	s5 =	sld [smem:$0x3FAC]  }
0x2b: {  	s6 =	sld [smem:$0x3FAD]  }
0x2c: {  	s7 =	sld [smem:$0x3FAE]  }
0x2d: {  	s3 =	simm.s32 $0x108;
	s8 =	sld [smem:$0x3FAF]  }
0x2e: {  	s3 =	simm.s32 @!p0 $0x1082;
	s9 =	sld [smem:$0x3FB0]  }
0x2f: {  	lr =	sadd.s32 s0, s3;
	s0 =	sld [smem:$0x3FA7]  }
0x30: {  	s3 =	sld [smem:$0x3FAA]  }
0x31: {  	[smem:$0x3FB3] =	sst s10  }
0x32: {  	s10 =	sld [smem:$0x3FB1];
	_ =	sdelay $0x3  }
0x33: {  	p0 =	seq.s32 s10, $0x1;
	s10 =	sld [smem:$0x3FB3];
	_ =	sdelay $0x3  }
0x34: {  	[smem:$0x3FB3] =	sst s10  }
0x35: {  	s10 =	sld [smem:$0x3FB2];
	_ =	sdelay $0x3  }
0x36: {  	p1 =	seq.s32 s10, $0x1;
	s10 =	sld [smem:$0x3FB3];
	_ =	sdelay $0x3  }
0x37: {  	[smem:$0x3FB3] =	sst s10  }
0x38: {  	s10 =	sld [smem:$0x3FB4]  }
0x39: {  	_ = 	snop;
	(pc) =	sbr.ind lr, $3  }
0x3a: {  	_ = 	snop  }
0x3b: {  	_ = 	snop  }
0x3c: {  	p2 =	seq.s32 s10, $0x1;
	s10 =	sld [smem:$0x3FB3]  }
0x3d: {  	_ =	shalt  }
0x3e: {  	_ =	shalt  }
0x3f: {  	_ =	shalt  }
0x40: {  	_ =	shalt  }
0x41: {  	_ =	shalt  }
0x42: {  	_ =	shalt  }
0x43: {  	_ =	shalt  }
0x44: {  	_ =	shalt  }
0x45: {  	_ =	shalt  }
0x46: {  	_ =	shalt  }
0x47: {  	_ =	shalt  }
0x48: {  	_ =	shalt  }
0x49: {  	_ =	shalt  }
0x4a: {  	_ =	shalt  }
0x4b: {  	_ =	shalt  }
0x4c: {  	_ =	shalt  }
0x4d: {  	_ =	shalt  }
0x4e: {  	_ =	shalt  }
0x4f: {  	_ =	shalt  }
0x50: {  	_ =	shalt  }
0x51: {  	_ =	shalt  }
0x52: {  	_ =	shalt  }
0x53: {  	_ =	shalt  }
0x54: {  	_ =	shalt  }
0x55: {  	_ =	shalt  }
0x56: {  	_ =	shalt  }
0x57: {  	_ =	shalt  }
0x58: {  	_ =	shalt  }
0x59: {  	_ =	shalt  }
0x5a: {  	_ =	shalt  }
0x5b: {  	_ =	shalt  }
0x5c: {  	_ =	shalt  }
0x5d: {  	_ =	shalt  }
0x5e: {  	_ =	shalt  }
0x5f: {  	_ =	shalt  }
0x60: {  	_ =	shalt  }
0x61: {  	_ =	shalt  }
0x62: {  	_ =	shalt  }
0x63: {  	_ =	shalt  }
0x64: {  	_ =	shalt  }
0x65: {  	_ =	shalt  }
0x66: {  	_ =	shalt  }
0x67: {  	_ =	shalt  }
0x68: {  	_ =	shalt  }
0x69: {  	_ =	shalt  }
0x6a: {  	_ =	shalt  }
0x6b: {  	_ =	shalt  }
0x6c: {  	_ =	shalt  }
0x6d: {  	_ =	shalt  }
0x6e: {  	_ =	shalt  }
0x6f: {  	_ =	shalt  }
0x70: {  	_ =	shalt  }
0x71: {  	_ =	shalt  }
0x72: {  	_ =	shalt  }
0x73: {  	_ =	shalt  }
0x74: {  	_ =	shalt  }
0x75: {  	_ =	shalt  }
0x76: {  	_ =	shalt  }
0x77: {  	_ =	shalt  }
0x78: {  	_ =	shalt  }
0x79: {  	_ =	shalt  }
0x7a: {  	_ =	shalt  }
0x7b: {  	_ =	shalt  }
0x7c: {  	_ =	shalt  }
0x7d: {  	_ =	shalt  }
0x7e: {  	_ =	shalt  }
0x7f: {  	_ =	shalt  }
0x80: {  	_ =	shalt  }
0x81: {  	_ =	shalt  }
0x82: {  	_ =	shalt  }
0x83: {  	_ =	shalt  }
0x84: {  	_ =	shalt  }
0x85: {  	_ =	shalt  }
0x86: {  	_ =	shalt  }
0x87: {  	_ =	shalt  }
.Lfunc_end0:
.L_simem_size_0:
called_computation.3_lowered:
.L_overlay_start_0:
0x88: {  	s2 =	sld [smem:$0x3FD9]  }
0x89: {  	s3 =	sld [smem:$0x3FFE];
	_ =	sdelay $0x1  }
0x8a: {  	s1 =	srdreg.scid  }
0x8b: {  	s0 =	sand.u32 $0x1, s1  }
0x8c: {  	s17 =	sshll.u32 s0, $0xA;
	s2 =	sadd.s32 s3, s2  }
0x8d: {  	s2 =	sadd.s32 s2, s17  }
0x8e: {  	[smem:$0x3FBF] =	sst s2  }
0x8f: {  	_ = 	snop  }
0x90: {  	s2 =	sld [smem:$0x3FC8]  }
0x91: {  	s18 =	sld [smem:$0x3FC7]  }
0x92: {  	s4 =	sld [smem:$0x3FD0];
	(tm) =	ssettm $0x1  }
0x93: {  	s5 =	sld [smem:$0x3FFB];
	_ =	sdelay $0x3  }
0x94: {  	_ =	strace s5  }
0x95: {  	s5 =	sld [smem:$0x3FFC];
	_ =	sdelay $0x3  }
0x96: {  	_ =	strace s5  }
0x97: {  	s5 =	sld [smem:$0x3FFD];
	_ =	sdelay $0x3  }
0x98: {  	_ =	strace s5  }
0x99: {  	_ =	strace $0x8FFFFFFF  }
0x9a: {  	s19 =	sld [smem:$0x3FDB];
	_ =	sdelay $0x1  }
0x9b: {  	s6 =	simm.s32 $_scs_section_size  }
0x9c: {  	s7 =	simm.s32 $_size__tile_overlayer_lowered;
	s8 =	simm.s32 $_tile_overlayer_lowered  }
0x9d: {  	s22 =	simm.s32 $0x1BFF;
	s21 =	sshll.u32 s8, $0x1;
	s5 =	sadd.s32 s6, s19  }
0x9e: {  	s9 =	simm.s32 $0x0;
	s20 =	sshll.u32 s7, $0x1;
	s7 =	sadd.s32 s21, s5  }
0x9f: {  	[timem:s9], [sflag:s22] =	dma.local [hbm:s7], s20  }
0xa0: {  	_ =	swait.ge [sflag:s22], s20  }
0xa1: {  	s6 =	ssub.s32 $0x0, s20;
	[sflag:s22] =	ssyncset.done $0x0  }
0xa2: {  	[sflag:s22] =	ssyncadd.s32 s6;
	_ =	sdelay $0x1  }
0xa3: {  	s23 =	simm.s32 $0x1B8B  }
0xa4: {  	_ =	swait.ge [sflag:s23], $0x1  }
0xa5: {  	[sflag:s23] =	ssyncset.done $0x0  }
0xa6: {  	s25 =	simm.s32 $0x1B8E;
	s24 =	sld [smem:$0x3FFE];
	[sflag:s23] =	ssyncadd.s32 $0xFFFFFFFF  }
0xa7: {  	s26 =	simm.s32 $execute0_lowered;
	[smem:$0x3FD2] =	sst s25  }
0xa8: {  	s7 =	sshll.u32 s26, $0x1;
	_ =	strace $0x8000004F;
	[dreg:$0x1] =	wrdreg $0xFFFFFFFF  }
0xa9: {  	s28 =	simm.s32 $_size_execute0_lowered;
	s5 =	sadd.s32 s5, s7;
	[dreg:$0x0] =	wrdreg $0x0  }
0xaa: {  	s7 =	sshll.u32 s28, $0x1;
	[dreg:$0x2] =	wrdreg s5  }
0xab: {  	[dreg:$0x3] =	wrdreg s7  }
0xac: {  	[dreg:$0x4] =	wrdreg $0xC0  }
0xad: {  	_ =	task [dreg:s9], $0x5FFFF  }
0xae: {  	[dreg:$0x1] =	wrdreg $0xFFFFFFFF  }
0xaf: {  	[dreg:$0x0] =	wrdreg $0x60  }
0xb0: {  	[dreg:$0x2] =	wrdreg s4  }
0xb1: {  	[dreg:$0x3] =	wrdreg s2  }
0xb2: {  	[dreg:$0x4] =	wrdreg s18  }
0xb3: {  	[dreg:$0x5] =	wrdreg s24  }
0xb4: {  	[dreg:$0x6] =	wrdreg $0x0  }
0xb5: {  	[dreg:$0x7] =	wrdreg $0x9  }
0xb6: {  	_ =	task.clear_ibuf [dreg:s9], $0x8FFFF;
	_ =	strace $0x9000004F  }
0xb7: {  	s29 =	simm.s32 $0x9;
	_ =	strace $0x80000051  }
0xb8: {  	_ =	swait.ge [sflag:s29], $0x1  }
0xb9: {  	[sflag:s29] =	ssyncadd.s32 $0xFFFFFFFF  }
0xba: {  	_ =	strace $0x90000051  }
0xbb: {  	_ =	sfence  }
0xbc: {  	s30 =	sld [smem:$0x0];
	_ =	sdelay $0x2  }
0xbd: {  	s31 =	sshll.u32 s1, $0xD;
	s1 =	sshrl.u32 s1, $0x2  }
0xbe: {  	s3 =	sand.u32 $0x4000, s31;
	s1 =	sadd.s32 s1, s30  }
0xbf: {  	s0 =	sor.u32 s3, s0;
	s1 =	sshll.u32 s1, $0x11  }
0xc0: {  	s0 =	sor.u32 s1, s0  }
0xc1: {  	s0 =	sadd.s32 $0x8F2B, s0  }
0xc2: {  	[sflag:s0] =	ssyncadd.remote.s32 $0x1  }
0xc3: {  	_ =	sfence.sel $0xFFFF  }
0xc4: {  	[dreg:$0x0] =	wrdreg $0xFFFFFFFF;
	(pc) =	sbr.abs _section_cstart, $3  }
0xc5: {  	[dreg:$0x1] =	wrdreg $0xFFFFFFFF  }
0xc6: {  	_ =	task.clear_ibuf [dreg:s9], $0x2FFFF;
	_ =	strace $0x9FFFFFFF  }
0xc7: {  	(tm) =	ssettm $0x7FFFFFFF  }
tec
execute0_lowered:
.L_overlay_start_1:
0x0: {  	(tag) =	ssettag $0x1  }
0x1: {  	s1 =	rddreg [dreg:$0x0]  }
0x2: {  	s29 =	rddreg [dreg:$0x1]  }
0x3: {  	s26 =	rddreg [dreg:$0x2]  }
0x4: {  	s0 =	rddreg [dreg:$0x3]  }
0x5: {  	s5 =	rddreg [dreg:$0x4];
	s11 =	stileid.u32  }
0x6: {  	s6 =	simm.s32 $0x0;
	s2 =	srdreg.scid;
	s3 =	smul.u32 $0x2700, s11  }
0x7: {  	s30 =	simm.s32 $0xD;
	[smem:$0x7FF] =	sst s6;
	s4 =	smul.u32 $0x4E000, s11  }
0x8: {  	s2 =	sand.u32 $0x1, s2;
	s10 =	smul.u32 $0x1388, s11;
	s0 =	sadd.s32 $0x3000, s0  }
0x9: {  	s16 =	sshll.u32 s11, $0x6;
	s17 =	sadd.s32 $0x138000, s5;
	s18 =	sadd.s32 $0x27000, s1  }
0xa: {  	p0 =	sne.s32 s11, $0xF;
	s11 =	simm.s32 $0x2;
	_ =	strace $0x80000050  }
0xb: {  	s7 =	ssub.s32 $0x2, s2;
	s8 =	smul.u32 $0x13880, s2;
	[dreg:$0xf] =	wrdreg s17  }
0xc: {  	s28 =	sor.u32 $0x1C0D, s16;
	[dreg:$0x10] =	wrdreg s18;
	s23 =	smul.u32 $0x27100, s2  }
0xd: {  	s2 =	smul.u32 $0x138800, s2;
	s9 =	sshrl.u32 s7, $0x1;
	s4 =	sshrl.u32 s4, $0x2  }
0xe: {  	s15 =	sadd.s32 s1, s3;
	[dreg:$0xe] =	wrdreg s28;
	s7 =	ssub.s32 s7, s9  }
0xf: {  	s4 =	sadd.s32 s4, s5;
	[dreg:$0xd] =	wrdreg s15;
	s8 =	sadd.s32 s10, s8  }
0x10: {  	s3 =	sadd.s32 s3, s23;
	s2 =	sshrl.u32 s2, $0x3;
	[dreg:$0xc] =	wrdreg s4  }
0x11: {  	s4 =	sshrl.u32 s8, $0x3;
	s25 =	sadd.s32 $0x2A0, s8;
	s3 =	sadd.s32 s0, s3  }
0x12: {  	s0 =	sadd.s32 s0, s2;
	s19 =	sadd.s32 s29, s4;
	[dreg:$0x16] =	wrdreg s3  }
0x13: {  	s16 =	sadd.s32 $0x1E0, s8;
	s21 =	sadd.s32 s26, s4;
	[dreg:$0x11] =	wrdreg s19  }
0x14: {  	s20 =	sadd.s32 $0xC, s4;
	s0 =	sadd.s32 $0x27000, s0;
	[dreg:$0x12] =	wrdreg s21  }
0x15: {  	s31 =	sshrl.u32 s25, $0x3;
	s25 =	smax.u32 s7, $0x1;
	[dreg:$0x1c] =	wrdreg s0  }
0x16: {  	s24 =	sadd.s32 $0x18, s4;
	s22 =	sadd.s32 s29, s20;
	[dreg:$0x1d] =	wrdreg s25  }
0x17: {  	s18 =	sshrl.u32 s16, $0x3;
	s9 =	sadd.s32 s26, s20;
	[dreg:$0x13] =	wrdreg s22  }
0x18: {  	s23 =	sadd.s32 $0x270, s4;
	s12 =	sadd.s32 s29, s24;
	[dreg:$0x14] =	wrdreg s9  }
0x19: {  	s7 =	simm.s32 $0x13880;
	s10 =	sadd.s32 s31, s26;
	[dreg:$0x15] =	wrdreg s12  }
0x1a: {  	s16 =	simm.s32 $0x3;
	s13 =	sadd.s32 s31, s29;
	[dreg:$0x6] =	wrdreg s10  }
0x1b: {  	s19 =	sadd.s32 $0x24, s4;
	s20 =	sadd.s32 s18, s26;
	[dreg:$0x7] =	wrdreg s13  }
0x1c: {  	s3 =	sadd.s32 s18, s29;
	s2 =	sadd.s32 s29, s23;
	[dreg:$0xa] =	wrdreg s20  }
0x1d: {  	s31 =	sadd.s32 $0x180, s8;
	s0 =	simm.s32 $0x1;
	[dreg:$0xb] =	wrdreg s3  }
0x1e: {  	s25 =	simm.s32 $0xB;
	s12 =	sadd.s32 $0x240, s8;
	[dreg:$0x1b] =	wrdreg s2  }
0x1f: {  	s9 =	sadd.s32 s26, s24;
	s21 =	sadd.s32 s29, s19;
	[dreg:$0x1e] =	wrdreg s31  }
0x20: {  	s22 =	sadd.s32 s26, s19;
	s24 =	sadd.s32 s26, s23;
	[dreg:$0x17] =	wrdreg s9  }
0x21: {  	s8 =	simm.s32 $0x13A80;
	s10 =	simm.s32 $0x13900;
	[dreg:$0x18] =	wrdreg s21  }
0x22: {  	s3 =	simm.s32 $0x60;
	s20 =	simm.s32 $0x4;
	[dreg:$0x19] =	wrdreg s22  }
0x23: {  	s23 =	simm.s32 $0xA;
	s14 =	sshrl.u32 s12, $0x3;
	[dreg:$0x1a] =	wrdreg s24  }
0x24: {  	s22 =	simm.s32 $0x6;
	s24 =	simm.s32 $0x8;
	s15 =	sadd.s32 s14, s26  }
0x25: {  	s9 =	simm.s32 $0xC;
	s17 =	sadd.s32 s14, s29;
	[dreg:$0x8] =	wrdreg s15  }
0x26: {  	s12 =	simm.s32 $0x0;
	[dreg:$0x9] =	wrdreg s17;
	s15 =	simm.s32 $0x13980  }
.LBB2_1:
0x27: {  	[dreg:$0x1f] =	wrdreg s12  }
0x28: {  	s2 =	rddreg [dreg:$0xc]  }
0x29: {  	s21 =	rddreg [dreg:$0xd];
	s4 =	sshrl.u32 s2, $0x3  }
0x2a: {  	[smem:$0x7FC] =	sst s4  }
0x2b: {  	[spmem:s4], [sflag:s28] =	dma.local [hbm:s21], $0x2700  }
0x2c: {  	_ =	swait.ge [sflag:s30], $0x2700  }
0x2d: {  	s2 =	rddreg [dreg:$0xf]  }
0x2e: {  	[sflag:s30] =	ssyncset.done $0x0;
	s4 =	sshrl.u32 @!p0 s2, $0x3;
	s2 =	rddreg [dreg:$0x10]  }
0x2f: {  	[sflag:s30] =	ssyncadd.s32 $0xFFFFD900;
	[smem:$0x7FD] =	sst s4  }
0x30: {  	[spmem:s4], [sflag:s28] =	dma.local @!p0 [hbm:s2], $0x100  }
0x31: {  	s2 =	simm.s32 @!p0 $0xD  }
0x32: {  	_ =	swait.ge @!p0 [sflag:s2], $0x100  }
0x33: {  	[sflag:s2] =	ssyncset.done @!p0 $0x0  }
0x34: {  	[sflag:s2] =	ssyncadd.s32 @!p0 $0xFFFFFF00  }
0x35: {  	[bflag:$0x0] =	sbarrier.arrive $0xFFFF  }
0x36: {  	s4 =	rddreg [dreg:$0x11]  }
0x37: {  	[tilespmem:s7], [sflag:$0x1] =	stream.linear.gather [hbm4b:s4+s6], $0x60, $0x38;
	[tilespmem:$0x1FD80] =	vst v63  }
0x38: {  	s12 =	rddreg [dreg:$0x12]  }
0x39: {  	[tilespmem:s8], [sflag:$0x1] =	stream.linear.gather [hbm4b:s12+s6], $0x60, $0x38;
	[tilespmem:$0x1FD80] =	vst v63  }
0x3a: {  	s13 =	rddreg [dreg:$0x13]  }
0x3b: {  	[tilespmem:s10], [sflag:$0x2] =	stream.linear.gather [hbm4b:s13+s6], $0x60, $0x38;
	[tilespmem:$0x1FD80] =	vst v63  }
0x3c: {  	s14 =	rddreg [dreg:$0x14];
	s12 =	simm.s32 $0x13B00  }
0x3d: {  	[tilespmem:s12], [sflag:$0x2] =	stream.linear.gather [hbm4b:s14+s6], $0x60, $0x38;
	[tilespmem:$0x1FD80] =	vst v63  }
0x3e: {  	_ =	swait.ge [sflag:s0], $0x60  }
0x3f: {  	[sflag:s0] =	ssyncset.done $0x0  }
0x40: {  	[sflag:s0] =	ssyncadd.s32 $0xFFFFFFA0  }
0x41: {  	_ =	swait.ge [sflag:s0], $0x60  }
0x42: {  	[sflag:s0] =	ssyncset.done $0x0  }
0x43: {  	s14 =	simm.s32 $0x13C80;
	[sflag:s0] =	ssyncadd.s32 $0xFFFFFFA0  }
0x44: {  	[tilespmem:s14], [sflag:$0x5] =	stream.indirect.gather [hbm4b:s1+s3], $0x80, s7, s3, $0xb8;
	[tilespmem:$0x1FD80] =	vst v63  }
0x45: {  	s17 =	rddreg [dreg:$0x15]  }
0x46: {  	[tilespmem:s15], [sflag:$0x3] =	stream.linear.gather [hbm4b:s17+s6], $0x60, $0x38;
	[tilespmem:$0x1FD80] =	vst v63  }
0x47: {  	s18 =	rddreg [dreg:$0x17];
	s17 =	simm.s32 $0x13B80  }
0x48: {  	[tilespmem:s17], [sflag:$0x3] =	stream.linear.gather [hbm4b:s18+s6], $0x60, $0x38;
	[tilespmem:$0x1FD80] =	vst v63  }
0x49: {  	_ =	swait.ge [sflag:s11], $0x60  }
0x4a: {  	[sflag:s11] =	ssyncset.done $0x0  }
0x4b: {  	[sflag:s11] =	ssyncadd.s32 $0xFFFFFFA0  }
0x4c: {  	_ =	swait.ge [sflag:s11], $0x60  }
0x4d: {  	[sflag:s11] =	ssyncset.done $0x0  }
0x4e: {  	s21 =	simm.s32 $0x5;
	s13 =	simm.s32 $0x16C80;
	[sflag:s11] =	ssyncadd.s32 $0xFFFFFFA0  }
0x4f: {  	[tilespmem:s13], [sflag:$0x6] =	stream.indirect.gather [hbm4b:s1+s3], $0x80, s10, s3, $0xb8;
	[tilespmem:$0x1FD80] =	vst v63  }
0x50: {  	_ =	swait.ge [sflag:s21], $0x3000  }
0x51: {  	[sflag:s21] =	ssyncset.done $0x0  }
0x52: {  	[sflag:s21] =	ssyncadd.s32 $0xFFFFD000  }
0x53: {  	[spmem:s5] =	stream.indirect.scatter.add.f32 [tilespmem:s14], [sflag:$0x9], $0x80, s8, s3, $0xb8;
	[tilespmem:$0x1FD80] =	vst v63  }
0x54: {  	s18 =	simm.s32 $0x13A00;
	s19 =	rddreg [dreg:$0x18]  }
0x55: {  	[tilespmem:s18], [sflag:$0x4] =	stream.linear.gather [hbm4b:s19+s6], $0x60, $0x38;
	[tilespmem:$0x1FD80] =	vst v63  }
0x56: {  	s30 =	simm.s32 $0x13C00;
	s28 =	rddreg [dreg:$0x19]  }
0x57: {  	[tilespmem:s30], [sflag:$0x4] =	stream.linear.gather [hbm4b:s28+s6], $0x60, $0x38;
	[tilespmem:$0x1FD80] =	vst v63  }
0x58: {  	_ =	swait.ge [sflag:s16], $0x60  }
0x59: {  	[sflag:s16] =	ssyncset.done $0x0  }
0x5a: {  	[sflag:s16] =	ssyncadd.s32 $0xFFFFFFA0  }
0x5b: {  	_ =	swait.ge [sflag:s16], $0x60  }
0x5c: {  	[sflag:s16] =	ssyncset.done $0x0  }
0x5d: {  	s19 =	simm.s32 $0x19C80;
	[sflag:s16] =	ssyncadd.s32 $0xFFFFFFA0  }
0x5e: {  	[tilespmem:s19], [sflag:$0x7] =	stream.indirect.gather [hbm4b:s1+s3], $0x80, s15, s3, $0xb8;
	[tilespmem:$0x1FD80] =	vst v63  }
0x5f: {  	_ =	swait.ge [sflag:s22], $0x3000  }
0x60: {  	[sflag:s22] =	ssyncset.done $0x0  }
0x61: {  	s4 =	simm.s32 $0x9;
	[sflag:s22] =	ssyncadd.s32 $0xFFFFD000  }
0x62: {  	[spmem:s5] =	stream.indirect.scatter.add.f32 [tilespmem:s13], [sflag:$0xA], $0x80, s12, s3, $0xb8;
	[tilespmem:$0x1FD80] =	vst v63  }
0x63: {  	_ =	swait.ge [sflag:s4], $0x3000  }
0x64: {  	s28 =	rddreg [dreg:$0x1e]  }
0x65: {  	[sflag:s4] =	ssyncset.done $0x0;
	s2 =	sshrl.u32 s28, $0x3  }
0x66: {  	[sflag:s4] =	ssyncadd.s32 $0xFFFFD000;
	s4 =	sadd.s32 s29, s2  }
0x67: {  	[tilespmem:s7], [sflag:$0x1] =	stream.linear.gather [hbm4b:s4+s6], $0x60, $0x38;
	[tilespmem:$0x1FD80] =	vst v63  }
0x68: {  	s2 =	sadd.s32 s26, s2  }
0x69: {  	[tilespmem:s8], [sflag:$0x1] =	stream.linear.gather [hbm4b:s2+s6], $0x60, $0x38;
	[tilespmem:$0x1FD80] =	vst v63  }
0x6a: {  	_ =	swait.ge [sflag:s20], $0x60  }
0x6b: {  	[sflag:s20] =	ssyncset.done $0x0  }
0x6c: {  	[sflag:s20] =	ssyncadd.s32 $0xFFFFFFA0  }
0x6d: {  	_ =	swait.ge [sflag:s20], $0x60  }
0x6e: {  	[sflag:s20] =	ssyncset.done $0x0  }
0x6f: {  	s31 =	simm.s32 $0x1CC80;
	s4 =	simm.s32 $0x7;
	[sflag:s20] =	ssyncadd.s32 $0xFFFFFFA0  }
0x70: {  	[tilespmem:s31], [sflag:$0x8] =	stream.indirect.gather [hbm4b:s1+s3], $0x80, s18, s3, $0xb8;
	[tilespmem:$0x1FD80] =	vst v63  }
0x71: {  	_ =	swait.ge [sflag:s4], $0x3000  }
0x72: {  	[sflag:s4] =	ssyncset.done $0x0  }
0x73: {  	[sflag:s4] =	ssyncadd.s32 $0xFFFFD000  }
0x74: {  	[spmem:s5] =	stream.indirect.scatter.add.f32 [tilespmem:s19], [sflag:$0xB], $0x80, s17, s3, $0xb8;
	[tilespmem:$0x1FD80] =	vst v63  }
0x75: {  	_ =	swait.ge [sflag:s23], $0x3000  }
0x76: {  	s2 =	rddreg [dreg:$0xb];
	[sflag:s23] =	ssyncset.done $0x0  }
0x77: {  	s4 =	rddreg [dreg:$0xa];
	[sflag:s23] =	ssyncadd.s32 $0xFFFFD000;
	s2 =	sadd.s32 $0x0, s2  }
0x78: {  	[tilespmem:s10], [sflag:$0x2] =	stream.linear.gather [hbm4b:s2+s6], $0x60, $0x38;
	[tilespmem:$0x1FD80] =	vst v63  }
0x79: {  	s4 =	sadd.s32 $0x0, s4  }
0x7a: {  	[tilespmem:s12], [sflag:$0x2] =	stream.linear.gather [hbm4b:s4+s6], $0x60, $0x38;
	[tilespmem:$0x1FD80] =	vst v63  }
0x7b: {  	_ =	swait.ge [sflag:s0], $0x60  }
0x7c: {  	[sflag:s0] =	ssyncset.done $0x0  }
0x7d: {  	[sflag:s0] =	ssyncadd.s32 $0xFFFFFFA0  }
0x7e: {  	_ =	swait.ge [sflag:s0], $0x60  }
0x7f: {  	[sflag:s0] =	ssyncset.done $0x0  }
0x80: {  	[sflag:s0] =	ssyncadd.s32 $0xFFFFFFA0  }
0x81: {  	[tilespmem:s14], [sflag:$0x5] =	stream.indirect.gather [hbm4b:s1+s3], $0x80, s7, s3, $0xb8;
	[tilespmem:$0x1FD80] =	vst v63  }
0x82: {  	_ =	swait.ge [sflag:s24], $0x3000  }
0x83: {  	[sflag:s24] =	ssyncset.done $0x0  }
0x84: {  	[sflag:s24] =	ssyncadd.s32 $0xFFFFD000  }
0x85: {  	[spmem:s5] =	stream.indirect.scatter.add.f32 [tilespmem:s31], [sflag:$0xC], $0x80, s30, s3, $0xb8;
	[tilespmem:$0x1FD80] =	vst v63  }
0x86: {  	_ =	swait.ge [sflag:s25], $0x3000  }
0x87: {  	s4 =	rddreg [dreg:$0x9];
	[sflag:s25] =	ssyncset.done $0x0  }
0x88: {  	s7 =	rddreg [dreg:$0x8];
	[sflag:s25] =	ssyncadd.s32 $0xFFFFD000;
	s2 =	sadd.s32 $0x0, s4  }
0x89: {  	[tilespmem:s15], [sflag:$0x3] =	stream.linear.gather [hbm4b:s2+s6], $0x60, $0x38;
	[tilespmem:$0x1FD80] =	vst v63  }
0x8a: {  	s12 =	sadd.s32 $0x0, s7  }
0x8b: {  	[tilespmem:s17], [sflag:$0x3] =	stream.linear.gather [hbm4b:s12+s6], $0x60, $0x38;
	[tilespmem:$0x1FD80] =	vst v63  }
0x8c: {  	_ =	swait.ge [sflag:s11], $0x60  }
0x8d: {  	[sflag:s11] =	ssyncset.done $0x0  }
0x8e: {  	[sflag:s11] =	ssyncadd.s32 $0xFFFFFFA0  }
0x8f: {  	_ =	swait.ge [sflag:s11], $0x60  }
0x90: {  	[sflag:s11] =	ssyncset.done $0x0  }
0x91: {  	[sflag:s11] =	ssyncadd.s32 $0xFFFFFFA0  }
0x92: {  	[tilespmem:s13], [sflag:$0x6] =	stream.indirect.gather [hbm4b:s1+s3], $0x80, s10, s3, $0xb8;
	[tilespmem:$0x1FD80] =	vst v63  }
0x93: {  	_ =	swait.ge [sflag:s21], $0x3000  }
0x94: {  	[sflag:s21] =	ssyncset.done $0x0  }
0x95: {  	[sflag:s21] =	ssyncadd.s32 $0xFFFFD000  }
0x96: {  	[spmem:s5] =	stream.indirect.scatter.add.f32 [tilespmem:s14], [sflag:$0x9], $0x80, s8, s3, $0xb8;
	[tilespmem:$0x1FD80] =	vst v63  }
0x97: {  	_ =	swait.ge [sflag:s9], $0x3000  }
0x98: {  	s14 =	rddreg [dreg:$0x7];
	[sflag:s9] =	ssyncset.done $0x0  }
0x99: {  	s17 =	rddreg [dreg:$0x6];
	[sflag:s9] =	ssyncadd.s32 $0xFFFFD000;
	s2 =	sadd.s32 $0x0, s14  }
0x9a: {  	[tilespmem:s18], [sflag:$0x4] =	stream.linear.gather [hbm4b:s2+s6], $0x60, $0x38;
	[tilespmem:$0x1FD80] =	vst v63  }
0x9b: {  	s21 =	sadd.s32 $0x0, s17  }
0x9c: {  	[tilespmem:s30], [sflag:$0x4] =	stream.linear.gather [hbm4b:s21+s6], $0x60, $0x38;
	[tilespmem:$0x1FD80] =	vst v63  }
0x9d: {  	_ =	swait.ge [sflag:s16], $0x60  }
0x9e: {  	[sflag:s16] =	ssyncset.done $0x0  }
0x9f: {  	[sflag:s16] =	ssyncadd.s32 $0xFFFFFFA0  }
0xa0: {  	_ =	swait.ge [sflag:s16], $0x60  }
0xa1: {  	[sflag:s16] =	ssyncset.done $0x0  }
0xa2: {  	s31 =	smov.u32 s26;
	[sflag:s16] =	ssyncadd.s32 $0xFFFFFFA0  }
0xa3: {  	[tilespmem:s19], [sflag:$0x7] =	stream.indirect.gather [hbm4b:s1+s3], $0x80, s15, s3, $0xb8;
	[tilespmem:$0x1FD80] =	vst v63  }
0xa4: {  	s26 =	simm.s32 $0x30;
	s7 =	simm.s32 $0x13880;
	_ =	swait.ge [sflag:s22], $0x3000  }
0xa5: {  	s10 =	simm.s32 $0x13900;
	s8 =	simm.s32 $0x13A80;
	[sflag:s22] =	ssyncset.done $0x0  }
0xa6: {  	s2 =	sadd.s32 $0x180, s28;
	s15 =	simm.s32 $0x13980;
	[sflag:s22] =	ssyncadd.s32 $0xFFFFD000  }
.LBB2_2:
0xa7: {  	s14 =	simm.s32 $0x13B00;
	s13 =	simm.s32 $0x16C80;
	s12 =	simm.s32 $0x9  }
0xa8: {  	[spmem:s5] =	stream.indirect.scatter.add.f32 [tilespmem:s13], [sflag:$0xA], $0x80, s14, s3, $0xb8;
	[tilespmem:$0x1FD80] =	vst v63  }
0xa9: {  	_ =	swait.ge [sflag:s12], $0x3000  }
0xaa: {  	s28 =	sshrl.u32 s2, $0x3;
	[sflag:s12] =	ssyncset.done $0x0  }
0xab: {  	s30 =	smov.u32 s29;
	s29 =	sadd.s32 s29, s28;
	[sflag:s12] =	ssyncadd.s32 $0xFFFFD000  }
0xac: {  	[tilespmem:s7], [sflag:$0x1] =	stream.linear.gather [hbm4b:s29+s6], $0x60, $0x38;
	[tilespmem:$0x1FD80] =	vst v63  }
0xad: {  	s28 =	sadd.s32 s31, s28  }
0xae: {  	[tilespmem:s8], [sflag:$0x1] =	stream.linear.gather [hbm4b:s28+s6], $0x60, $0x38;
	[tilespmem:$0x1FD80] =	vst v63  }
0xaf: {  	_ =	swait.ge [sflag:s20], $0x60  }
0xb0: {  	[sflag:s20] =	ssyncset.done $0x0  }
0xb1: {  	[sflag:s20] =	ssyncadd.s32 $0xFFFFFFA0  }
0xb2: {  	_ =	swait.ge [sflag:s20], $0x60  }
0xb3: {  	s18 =	simm.s32 $0x13A00;
	[sflag:s20] =	ssyncset.done $0x0  }
0xb4: {  	s17 =	simm.s32 $0x1CC80;
	s28 =	simm.s32 $0x7;
	[sflag:s20] =	ssyncadd.s32 $0xFFFFFFA0  }
0xb5: {  	[tilespmem:s17], [sflag:$0x8] =	stream.indirect.gather [hbm4b:s1+s3], $0x80, s18, s3, $0xb8;
	[tilespmem:$0x1FD80] =	vst v63  }
0xb6: {  	_ =	swait.ge [sflag:s28], $0x3000  }
0xb7: {  	[sflag:s28] =	ssyncset.done $0x0  }
0xb8: {  	s21 =	simm.s32 $0x13B80;
	s22 =	simm.s32 $0x19C80;
	[sflag:s28] =	ssyncadd.s32 $0xFFFFD000  }
0xb9: {  	[spmem:s5] =	stream.indirect.scatter.add.f32 [tilespmem:s22], [sflag:$0xB], $0x80, s21, s3, $0xb8;
	[tilespmem:$0x1FD80] =	vst v63  }
0xba: {  	_ =	swait.ge [sflag:s23], $0x3000  }
0xbb: {  	s4 =	smov.u32 s26;
	s12 =	rddreg [dreg:$0xb];
	[sflag:s23] =	ssyncset.done $0x0  }
0xbc: {  	s29 =	rddreg [dreg:$0xa];
	[sflag:s23] =	ssyncadd.s32 $0xFFFFD000;
	s28 =	sadd.s32 s4, s12  }
0xbd: {  	[tilespmem:s10], [sflag:$0x2] =	stream.linear.gather [hbm4b:s28+s6], $0x60, $0x38;
	[tilespmem:$0x1FD80] =	vst v63  }
0xbe: {  	s19 =	sadd.s32 s4, s29  }
0xbf: {  	[tilespmem:s14], [sflag:$0x2] =	stream.linear.gather [hbm4b:s19+s6], $0x60, $0x38;
	[tilespmem:$0x1FD80] =	vst v63  }
0xc0: {  	_ =	swait.ge [sflag:s0], $0x60  }
0xc1: {  	[sflag:s0] =	ssyncset.done $0x0  }
0xc2: {  	[sflag:s0] =	ssyncadd.s32 $0xFFFFFFA0  }
0xc3: {  	_ =	swait.ge [sflag:s0], $0x60  }
0xc4: {  	[sflag:s0] =	ssyncset.done $0x0  }
0xc5: {  	s14 =	simm.s32 $0x13C80;
	[sflag:s0] =	ssyncadd.s32 $0xFFFFFFA0  }
0xc6: {  	[tilespmem:s14], [sflag:$0x5] =	stream.indirect.gather [hbm4b:s1+s3], $0x80, s7, s3, $0xb8;
	[tilespmem:$0x1FD80] =	vst v63  }
0xc7: {  	_ =	swait.ge [sflag:s24], $0x3000  }
0xc8: {  	[sflag:s24] =	ssyncset.done $0x0  }
0xc9: {  	s19 =	simm.s32 $0x13C00;
	[sflag:s24] =	ssyncadd.s32 $0xFFFFD000  }
0xca: {  	[spmem:s5] =	stream.indirect.scatter.add.f32 [tilespmem:s17], [sflag:$0xC], $0x80, s19, s3, $0xb8;
	[tilespmem:$0x1FD80] =	vst v63  }
0xcb: {  	_ =	swait.ge [sflag:s25], $0x3000  }
0xcc: {  	s17 =	rddreg [dreg:$0x9];
	[sflag:s25] =	ssyncset.done $0x0  }
0xcd: {  	s29 =	rddreg [dreg:$0x8];
	[sflag:s25] =	ssyncadd.s32 $0xFFFFD000;
	s28 =	sadd.s32 s4, s17  }
0xce: {  	[tilespmem:s15], [sflag:$0x3] =	stream.linear.gather [hbm4b:s28+s6], $0x60, $0x38;
	[tilespmem:$0x1FD80] =	vst v63  }
0xcf: {  	s28 =	sadd.s32 s4, s29  }
0xd0: {  	[tilespmem:s21], [sflag:$0x3] =	stream.linear.gather [hbm4b:s28+s6], $0x60, $0x38;
	[tilespmem:$0x1FD80] =	vst v63  }
0xd1: {  	_ =	swait.ge [sflag:s11], $0x60  }
0xd2: {  	[sflag:s11] =	ssyncset.done $0x0  }
0xd3: {  	[sflag:s11] =	ssyncadd.s32 $0xFFFFFFA0  }
0xd4: {  	_ =	swait.ge [sflag:s11], $0x60  }
0xd5: {  	[sflag:s11] =	ssyncset.done $0x0  }
0xd6: {  	s28 =	simm.s32 $0x5;
	[sflag:s11] =	ssyncadd.s32 $0xFFFFFFA0  }
0xd7: {  	[tilespmem:s13], [sflag:$0x6] =	stream.indirect.gather [hbm4b:s1+s3], $0x80, s10, s3, $0xb8;
	[tilespmem:$0x1FD80] =	vst v63  }
0xd8: {  	_ =	swait.ge [sflag:s28], $0x3000  }
0xd9: {  	[sflag:s28] =	ssyncset.done $0x0  }
0xda: {  	[sflag:s28] =	ssyncadd.s32 $0xFFFFD000  }
0xdb: {  	[spmem:s5] =	stream.indirect.scatter.add.f32 [tilespmem:s14], [sflag:$0x9], $0x80, s8, s3, $0xb8;
	[tilespmem:$0x1FD80] =	vst v63  }
0xdc: {  	_ =	swait.ge [sflag:s9], $0x3000  }
0xdd: {  	s14 =	rddreg [dreg:$0x7];
	[sflag:s9] =	ssyncset.done $0x0  }
0xde: {  	s29 =	rddreg [dreg:$0x6];
	[sflag:s9] =	ssyncadd.s32 $0xFFFFD000;
	s28 =	sadd.s32 s4, s14  }
0xdf: {  	[tilespmem:s18], [sflag:$0x4] =	stream.linear.gather [hbm4b:s28+s6], $0x60, $0x38;
	[tilespmem:$0x1FD80] =	vst v63  }
0xe0: {  	s4 =	sadd.s32 s4, s29  }
0xe1: {  	[tilespmem:s19], [sflag:$0x4] =	stream.linear.gather [hbm4b:s4+s6], $0x60, $0x38;
	[tilespmem:$0x1FD80] =	vst v63  }
0xe2: {  	_ =	swait.ge [sflag:s16], $0x60  }
0xe3: {  	[sflag:s16] =	ssyncset.done $0x0  }
0xe4: {  	[sflag:s16] =	ssyncadd.s32 $0xFFFFFFA0  }
0xe5: {  	_ =	swait.ge [sflag:s16], $0x60  }
0xe6: {  	[sflag:s16] =	ssyncset.done $0x0  }
0xe7: {  	p1 =	sne.s32 s26, $0x210;
	[sflag:s16] =	ssyncadd.s32 $0xFFFFFFA0  }
0xe8: {  	[tilespmem:s22], [sflag:$0x7] =	stream.indirect.gather [hbm4b:s1+s3], $0x80, s15, s3, $0xb8;
	[tilespmem:$0x1FD80] =	vst v63  }
.Ltmp0:
0xe9: {  	s26 =	sadd.s32 $0x30, s26;
	(pc) =	sbr.rel @p1 .LBB2_2-.Ltmp0, $4  }
0xea: {  	s2 =	sadd.s32 $0x180, s2;
	s12 =	simm.s32 $0x13B00;
	s22 =	simm.s32 $0x6  }
0xeb: {  	s17 =	simm.s32 $0x13B80;
	s21 =	simm.s32 $0x16C80;
	_ =	swait.ge [sflag:s22], $0x3000  }
0xec: {  	s13 =	simm.s32 $0x13A00;
	s29 =	smov.u32 s30;
	[sflag:s22] =	ssyncset.done $0x0  }
0xed: {  	s14 =	simm.s32 $0x13C00;
	s4 =	simm.s32 $0x19C80;
	[sflag:s22] =	ssyncadd.s32 $0xFFFFD000  }
0xee: {  	[spmem:s5] =	stream.indirect.scatter.add.f32 [tilespmem:s21], [sflag:$0xA], $0x80, s12, s3, $0xb8;
	[tilespmem:$0x1FD80] =	vst v63  }
0xef: {  	_ =	swait.ge [sflag:s20], $0x60  }
0xf0: {  	[sflag:s20] =	ssyncset.done $0x0  }
0xf1: {  	[sflag:s20] =	ssyncadd.s32 $0xFFFFFFA0  }
0xf2: {  	_ =	swait.ge [sflag:s20], $0x60  }
0xf3: {  	[sflag:s20] =	ssyncset.done $0x0  }
0xf4: {  	s2 =	simm.s32 $0x1CC80;
	s7 =	simm.s32 $0x7;
	[sflag:s20] =	ssyncadd.s32 $0xFFFFFFA0  }
0xf5: {  	[tilespmem:s2], [sflag:$0x8] =	stream.indirect.gather [hbm4b:s1+s3], $0x80, s13, s3, $0xb8;
	[tilespmem:$0x1FD80] =	vst v63  }
0xf6: {  	_ =	swait.ge [sflag:s7], $0x3000  }
0xf7: {  	[sflag:s7] =	ssyncset.done $0x0  }
0xf8: {  	[sflag:s7] =	ssyncadd.s32 $0xFFFFD000  }
0xf9: {  	[spmem:s5] =	stream.indirect.scatter.add.f32 [tilespmem:s4], [sflag:$0xB], $0x80, s17, s3, $0xb8;
	[tilespmem:$0x1FD80] =	vst v63  }
0xfa: {  	_ =	swait.ge [sflag:s24], $0x3000  }
0xfb: {  	[sflag:s24] =	ssyncset.done $0x0  }
0xfc: {  	s8 =	simm.s32 $0x9;
	[sflag:s24] =	ssyncadd.s32 $0xFFFFD000  }
0xfd: {  	[spmem:s5] =	stream.indirect.scatter.add.f32 [tilespmem:s2], [sflag:$0xC], $0x80, s14, s3, $0xb8;
	[tilespmem:$0x1FD80] =	vst v63  }
0xfe: {  	_ =	swait.ge [sflag:s8], $0x3000  }
0xff: {  	[sflag:s8] =	ssyncset.done $0x0  }
0x100: {  	[sflag:s8] =	ssyncadd.s32 $0xFFFFD000  }
0x101: {  	_ =	swait.ge [sflag:s23], $0x3000  }
0x102: {  	[sflag:s23] =	ssyncset.done $0x0  }
0x103: {  	[sflag:s23] =	ssyncadd.s32 $0xFFFFD000  }
0x104: {  	_ =	swait.ge [sflag:s25], $0x3000  }
0x105: {  	[sflag:s25] =	ssyncset.done $0x0  }
0x106: {  	[sflag:s25] =	ssyncadd.s32 $0xFFFFD000  }
0x107: {  	_ =	swait.ge [sflag:s9], $0x3000  }
0x108: {  	s12 =	simm.s32 $0x1FD00;
	[sflag:s9] =	ssyncset.done $0x0  }
0x109: {  	s30 =	simm.s32 $0xD;
	s10 =	rddreg [dreg:$0x1a];
	[sflag:s9] =	ssyncadd.s32 $0xFFFFD000  }
0x10a: {  	[tilespmem:s12], [sflag:$0xD] =	stream.linear.gather [hbm4b:s10+s6], $0x8, $0x38;
	[tilespmem:$0x1FD80] =	vst v63  }
0x10b: {  	_ =	swait.ge [sflag:s30], $0x8  }
0x10c: {  	[sflag:s30] =	ssyncset.done $0x0  }
0x10d: {  	s14 =	simm.s32 $0x1FC80;
	s13 =	rddreg [dreg:$0x1b];
	[sflag:s30] =	ssyncadd.s32 $0xFFFFFFF8  }
0x10e: {  	[tilespmem:s14], [sflag:$0xD] =	stream.linear.gather [hbm4b:s13+s6], $0x8, $0x38;
	[tilespmem:$0x1FD80] =	vst v63  }
0x10f: {  	_ =	swait.ge [sflag:s30], $0x8  }
0x110: {  	[sflag:s30] =	ssyncset.done $0x0  }
0x111: {  	s15 =	simm.s32 $0x13C80;
	s17 =	simm.s32 $0x5;
	[sflag:s30] =	ssyncadd.s32 $0xFFFFFFF8  }
0x112: {  	[tilespmem:s15], [sflag:$0x5] =	stream.indirect.gather [hbm4b:s1+s24], $0x80, s14, s24, $0xb8;
	[tilespmem:$0x1FD80] =	vst v63  }
0x113: {  	_ =	swait.ge [sflag:s17], $0x400  }
0x114: {  	[sflag:s17] =	ssyncset.done $0x0  }
0x115: {  	[sflag:s17] =	ssyncadd.s32 $0xFFFFFC00  }
0x116: {  	[spmem:s5] =	stream.indirect.scatter.add.f32 [tilespmem:s15], [sflag:$0xD], $0x80, s12, s24, $0xb8;
	[tilespmem:$0x1FD80] =	vst v63  }
0x117: {  	_ =	swait.ge [sflag:s30], $0x400  }
0x118: {  	[sflag:s30] =	ssyncset.done $0x0  }
0x119: {  	[sflag:s30] =	ssyncadd.s32 $0xFFFFFC00  }
0x11a: {  	[bflag:$0x0] =	sbarrier.arrive $0xFFFF  }
0x11b: {  	s19 =	sld [smem:$0x7FC]  }
0x11c: {  	s28 =	rddreg [dreg:$0xe]  }
0x11d: {  	s18 =	rddreg [dreg:$0x16]  }
0x11e: {  	[hbm:s18], [sflag:s28] =	dma.local [spmem:s19], $0x2700  }
0x11f: {  	_ =	swait.ge [sflag:s30], $0x2700  }
0x120: {  	s4 =	sld [smem:$0x7FD]  }
0x121: {  	[sflag:s30] =	ssyncset.done $0x0  }
0x122: {  	s2 =	rddreg [dreg:$0x1c];
	[sflag:s30] =	ssyncadd.s32 $0xFFFFD900  }
0x123: {  	[hbm:s2], [sflag:s28] =	dma.local @!p0 [spmem:s4], $0x100  }
0x124: {  	s2 =	simm.s32 @!p0 $0xD  }
0x125: {  	_ =	swait.ge @!p0 [sflag:s2], $0x100  }
0x126: {  	s21 =	rddreg [dreg:$0x1f]  }
0x127: {  	s26 =	rddreg [dreg:$0x1d];
	s12 =	sadd.s32 $0x1, s21  }
0x128: {  	p1 =	sne.s32 s12, s26  }
.Ltmp1:
0x129: {  	_ = 	snop;
	(pc) =	sbr.rel @p1 .LBB2_1-.Ltmp1, $4  }
0x12a: {  	_ = 	snop  }
0x12b: {  	s7 =	simm.s32 $0x13880  }
0x12c: {  	s8 =	simm.s32 $0x13A80;
	s10 =	simm.s32 $0x13900;
	[sflag:s2] =	ssyncset.done @!p0 $0x0  }
0x12d: {  	s15 =	simm.s32 $0x13980;
	[sflag:s2] =	ssyncadd.s32 @!p0 $0xFFFFFF00;
	s26 =	smov.u32 s31  }
0x12e: {  	_ =	sfence.sel $0x180000  }
0x12f: {  	[bflag:$0x0] =	sbarrier.arrive $0xFFFF  }
0x130: {  	_ =	strace $0x90000050  }
0x131: {  	s0 =	stileid.u32;
	[bflag:$0x2] =	sbarrier.arrive $0xFFFF  }
0x132: {  	p0 =	sne.s32 s0, $0x0;
	s0 =	rddreg [dreg:$0x5]  }
0x133: {  	s0 =	sadd.s32 @!p0 $0x100000, s0  }
0x134: {  	[sflag:s0] =	ssyncadd.tile.s32 @!p0 $0x1;
	_ =	shalt  }
.Lfunc_end2:
_tile_overlayer_lowered:
.L_overlay_start_2:
0x135: {  	(tag) =	ssettag $0x2  }
0x136: {  	s0 =	rddreg [dreg:$0x0];
	s2 =	stileid.u32  }
0x137: {  	s1 =	rddreg [dreg:$0x1];
	p0 =	sne.s32 s2, $0x0  }
0x138: {  	s3 =	rddreg [dreg:$0x2];
	[bflag:$0x3] =	sbarrier.arrive $0xFFFF;
	s2 =	simm.s32 @!p0 $0x1C0D  }
0x139: {  	[timem:s3], [sflag:s2] =	dma.local @!p0 [hbm:s0], s1  }
0x13a: {  	s0 =	simm.s32 @!p0 $0xD  }
0x13b: {  	_ =	swait.ge @!p0 [sflag:s0], s1  }
0x13c: {  	s1 =	ssub.s32 @!p0 $0x0, s1;
	[sflag:s0] =	ssyncset.done @!p0 $0x0  }
0x13d: {  	[sflag:s0] =	ssyncadd.s32 @!p0 s1  }
0x13e: {  	[bflag:$0x3] =	sbarrier.arrive $0xFFFF  }
0x13f: {  	_ =	shalt  }

</sc_bundles>
